<compile_context>
chip_gen: v7x
topology: tpu7x:2x2x1
jax: 0.10.2.dev20260603
libtpu: 0.0.44.dev20260713+nightly
codegen_flags: <defaults>
</compile_context>

<pallas_src>
import functools

import numpy as np
import jax
import jax.numpy as jnp
from jax import lax
from jax.experimental import pallas as pl
from jax.experimental.pallas import tpu as pltpu
from jax.experimental.pallas import tpu_sc as plsc

_EPS = 1e-5



def _mm_body(x_ref, w_ref, o_ref):
    n = x_ref.shape[0]
    fh = o_ref.shape[2]
    r = jnp.dot(x_ref[...], w_ref[...], preferred_element_type=jnp.float32)
    o_ref[0] = r[:, :fh]
    pad = 2 * fh - w_ref.shape[1]
    o_ref[1] = jnp.concatenate(
        [r[:, fh:], jnp.zeros((n, pad), jnp.float32)], axis=1)


def _matmul_split(x, w, fh):
    return pl.pallas_call(
        _mm_body,
        out_shape=jax.ShapeDtypeStruct((2, x.shape[0], fh), jnp.float32),
    )(x, w)



def _pad_row(v, width, fill=0.0):
    k = v.shape[0]
    return jnp.concatenate(
        [v.reshape(1, k), jnp.full((1, width - k), fill, jnp.float32)],
        axis=1)


def _mid_body(ys_ref, agg_ref, b1_ref, g_ref, beta_ref, w2_ref, b2_ref,
              w1n_ref, o_ref):
    n = ys_ref.shape[1]
    fw = 2 * ys_ref.shape[2]
    dh = w2_ref.shape[0]
    y = jnp.concatenate([ys_ref[0], ys_ref[1]], axis=1)
    agg = jnp.concatenate([agg_ref[:n], agg_ref[n:]], axis=1)
    z = y + agg + _pad_row(b1_ref[...], fw)
    mu = jnp.mean(z, axis=0, keepdims=True)
    d = z - mu
    var = jnp.mean(d * d, axis=0, keepdims=True)
    zn = (_pad_row(g_ref[...], fw, 1.0) * d * lax.rsqrt(var + _EPS)
          + _pad_row(beta_ref[...], fw))
    a = jnp.maximum(zn, 0.0)[:, :dh]
    h = jnp.maximum(
        jnp.dot(a, w2_ref[...], preferred_element_type=jnp.float32)
        + b2_ref[...].reshape(1, dh), 0.0)
    r = jnp.dot(h, w1n_ref[...], preferred_element_type=jnp.float32)
    o_ref[...] = jnp.concatenate(
        [r, jnp.zeros((n, o_ref.shape[1] - r.shape[1]), jnp.float32)],
        axis=1)


def _mid(ys, agg, b1, g, beta, w2, b2, w1n, f2):
    return pl.pallas_call(
        _mid_body,
        out_shape=jax.ShapeDtypeStruct((ys.shape[1], f2), jnp.float32),
    )(ys, agg, b1, g, beta, w2, b2, w1n)



def _final_body(y_ref, agg_ref, b1_ref, g_ref, beta_ref, w2_ref, b2_ref,
                gids_ref, sf_ref, r_ref, s_ref,
                fc1w_ref, fc1b_ref, bn1g_ref, bn1b_ref,
                fc2w_ref, fc2b_ref, bn2g_ref, bn2b_ref,
                fc3w_ref, fc3b_ref, o_ref):
    n = y_ref.shape[0]
    fw = y_ref.shape[1]
    dm = w2_ref.shape[0]
    z = y_ref[...] + _pad_row(b1_ref[...], fw)
    for p in range(agg_ref.shape[0] // n):
        z = z + agg_ref[p * n:(p + 1) * n, :]
    mu = jnp.mean(z, axis=0, keepdims=True)
    d = z - mu
    var = jnp.mean(d * d, axis=0, keepdims=True)
    zn = (_pad_row(g_ref[...], fw, 1.0) * d * lax.rsqrt(var + _EPS)
          + _pad_row(beta_ref[...], fw))
    a = jnp.maximum(zn, 0.0)[:, :dm]
    h = jnp.maximum(
        jnp.dot(a, w2_ref[...], preferred_element_type=jnp.float32)
        + b2_ref[...].reshape(1, dm), 0.0)

    b_graphs = o_ref.shape[0]
    rows = lax.broadcasted_iota(jnp.int32, (b_graphs, n), 0)
    oh = (rows == gids_ref[...].reshape(1, n)).astype(jnp.float32)
    sums = jnp.dot(oh, h, preferred_element_type=jnp.float32)
    counts = jnp.sum(oh, axis=1, keepdims=True)
    hg = sums / jnp.maximum(counts, 1.0)

    gmat = (jnp.dot(hg, r_ref[...], preferred_element_type=jnp.float32)
            * jnp.dot(sf_ref[...], s_ref[...],
                      preferred_element_type=jnp.float32))

    def bn(v, gg, bb):
        m = jnp.mean(v, axis=0, keepdims=True)
        dd = v - m
        vv = jnp.mean(dd * dd, axis=0, keepdims=True)
        k = gg.shape[0]
        return (gg.reshape(1, k) * dd * lax.rsqrt(vv + _EPS)
                + bb.reshape(1, k))

    o1 = jnp.maximum(
        bn(jnp.dot(gmat, fc1w_ref[...], preferred_element_type=jnp.float32)
           + fc1b_ref[...].reshape(1, -1), bn1g_ref[...], bn1b_ref[...]),
        0.0)
    o2 = jnp.maximum(
        bn(jnp.dot(o1, fc2w_ref[...], preferred_element_type=jnp.float32)
           + fc2b_ref[...].reshape(1, -1), bn2g_ref[...], bn2b_ref[...]),
        0.0)
    o_ref[...] = (jnp.dot(o2, fc3w_ref[...],
                          preferred_element_type=jnp.float32)
                  + fc3b_ref[...].reshape(1, -1))


def _final(y, agg, b1, g, beta, w2, b2, gids, sf, r, s,
           fc1w, fc1b, bn1g, bn1b, fc2w, fc2b, bn2g, bn2b, fc3w, fc3b):
    b_graphs = sf.shape[0]
    return pl.pallas_call(
        _final_body,
        out_shape=jax.ShapeDtypeStruct((b_graphs, fc3w.shape[1]),
                                       jnp.float32),
    )(y, agg, b1, g, beta, w2, b2, gids, sf, r, s,
      fc1w, fc1b, bn1g, bn1b, fc2w, fc2b, bn2g, bn2b, fc3w, fc3b)



_NS = 16
_WCH = 80


@functools.lru_cache(maxsize=None)
def _make_segsum(n_nodes, feat, n_edges, mode):
    batch, nb = 100, 10
    if mode == "col":
        bpt = n_edges // _NS // batch
    else:
        bpt = n_edges // (2 * _NS) // batch
    nref = bpt // nb
    assert nref * nb == bpt and nref % 2 == 0
    nwchunk = n_nodes // _WCH
    assert nwchunk * _WCH == n_nodes
    wper = -(-nwchunk // _NS)
    mesh = plsc.VectorSubcoreMesh(core_axis_name="c", subcore_axis_name="s",
                                  num_cores=2)
    scratch = [
        pltpu.VMEM((nb, batch), jnp.int32),
        pltpu.VMEM((nb, batch), jnp.int32),
        pltpu.VMEM((nb, batch), jnp.int32),
        pltpu.VMEM((nb, batch), jnp.int32),
        pltpu.VMEM((batch, feat), jnp.float32),
        pltpu.VMEM((batch, feat), jnp.float32),
        pltpu.VMEM((batch, feat), jnp.float32),
        pltpu.VMEM((batch, feat), jnp.float32),
        pltpu.VMEM_SHARED((n_nodes, feat), jnp.float32),
        pltpu.SemaphoreType.DMA,
        pltpu.SemaphoreType.DMA,
        pltpu.SemaphoreType.DMA,
    ]
    @functools.partial(
        pl.kernel, mesh=mesh,
        compiler_params=pltpu.CompilerParams(use_tc_tiling_on_sc=False),
        out_type=jax.ShapeDtypeStruct((2 * n_nodes, feat), jnp.float32),
        scratch_types=scratch,
    )
    def segsum(y_hbm, src_hbm, dst_hbm, zeros_hbm, out_hbm,
               srcA, dstA, srcB, dstB, r0, r1, r2, r3, acc,
               semg, sems, semi):
        c = lax.axis_index("c")
        s = lax.axis_index("s")
        bufs = (r0, r1, r2, r3)
        if mode == "col":
            ysel = y_hbm.at[c]
            base = s * bpt
        else:
            ysel = y_hbm
            base = (c * _NS + s) * bpt

        pltpu.sync_copy(zeros_hbm, r0.at[pl.ds(0, _WCH)])
        for r in range(wper):
            k = s + _NS * r

            @pl.when(k < nwchunk)
            def _():
                pltpu.sync_copy(r0.at[pl.ds(0, _WCH)],
                                acc.at[pl.ds(k * _WCH, _WCH)])
        plsc.subcore_barrier()

        def idx_start(g, sv, dv):
            blk0 = base + g * nb
            pltpu.async_copy(src_hbm.at[pl.ds(blk0, nb)], sv, semi)
            pltpu.async_copy(dst_hbm.at[pl.ds(blk0, nb)], dv, semi)

        def idx_wait(g, sv, dv):
            blk0 = base + g * nb
            pltpu.make_async_copy(src_hbm.at[pl.ds(blk0, nb)], sv,
                                  semi).wait()
            pltpu.make_async_copy(dst_hbm.at[pl.ds(blk0, nb)], dv,
                                  semi).wait()

        def g_start(sv, j):
            pltpu.async_copy(ysel.at[sv.at[j]], bufs[j % 4], semg)

        def g_wait(sv, j):
            pltpu.make_async_copy(ysel.at[sv.at[j]], bufs[j % 4],
                                  semg).wait()

        def s_start(dv, j):
            pltpu.async_copy(bufs[j % 4], acc.at[dv.at[j]], sems, add=True)

        def s_wait(dv, j):
            pltpu.make_async_copy(bufs[j % 4], acc.at[dv.at[j]],
                                  sems).wait()

        def run_refill(sv, dv):
            nw = nb // 2
            for j in range(4):
                g_start(sv, j)
            for w in range(nw):
                g_wait(sv, 2 * w)
                g_wait(sv, 2 * w + 1)
                s_start(dv, 2 * w)
                s_start(dv, 2 * w + 1)
                if w >= 1:
                    s_wait(dv, 2 * w - 2)
                    s_wait(dv, 2 * w - 1)
                if w + 2 < nw:
                    g_start(sv, 2 * w + 4)
                    g_start(sv, 2 * w + 5)
            s_wait(dv, nb - 2)
            s_wait(dv, nb - 1)

        idx_start(0, srcA, dstA)

        def body(i, carry):
            g0 = 2 * i
            idx_wait(g0, srcA, dstA)
            idx_start(g0 + 1, srcB, dstB)
            run_refill(srcA, dstA)
            idx_wait(g0 + 1, srcB, dstB)

            @pl.when(g0 + 2 < nref)
            def _():
                idx_start(g0 + 2, srcA, dstA)

            run_refill(srcB, dstB)
            return carry

        lax.fori_loop(0, nref // 2, body, 0)
        plsc.subcore_barrier()

        for r in range(wper):
            k = s + _NS * r

            @pl.when(k < nwchunk)
            def _():
                pltpu.sync_copy(acc.at[pl.ds(k * _WCH, _WCH)],
                                r0.at[pl.ds(0, _WCH)])
                pltpu.sync_copy(r0.at[pl.ds(0, _WCH)],
                                out_hbm.at[pl.ds(c * n_nodes + k * _WCH,
                                                 _WCH)])

    return segsum


def _segsum(y, src2d, dst2d, zeros, mode):
    if mode == "col":
        _, n, f = y.shape
    else:
        n, f = y.shape
    e = src2d.shape[0] * src2d.shape[1]
    return _make_segsum(n, f, e, mode)(y, src2d, dst2d, zeros)



def kernel(x, edge_index, graph_ids, self_feat,
           gin1_W1, gin1_b1, gin1_g, gin1_beta, gin1_W2, gin1_b2,
           gin2_W1, gin2_b1, gin2_g, gin2_beta, gin2_W2, gin2_b2,
           fc1_W, fc1_b, bn1_g, bn1_b, fc2_W, fc2_b, bn2_g, bn2_b,
           fc3_W, fc3_b):
    n = x.shape[0]
    f1 = 112
    f2 = 32
    d_self = self_feat.shape[1]
    d_mid = gin2_W2.shape[1]

    rmat = np.zeros((d_mid, d_mid * d_self), np.float32)
    smat = np.zeros((d_self, d_mid * d_self), np.float32)
    for i in range(d_mid):
        for j in range(d_self):
            rmat[i, i * d_self + j] = 1.0
            smat[j, i * d_self + j] = 1.0
    rmat = jnp.asarray(rmat)
    smat = jnp.asarray(smat)

    src2d = edge_index[0].reshape(-1, 100)
    dst2d = edge_index[1].reshape(-1, 100)
    zeros1 = jnp.zeros((_WCH, f1 // 2), jnp.float32)
    zeros2 = jnp.zeros((_WCH, f2), jnp.float32)

    ystack = _matmul_split(x, gin1_W1, f1 // 2)
    acols = _segsum(ystack, src2d, dst2d, zeros1, "col")
    y2 = _mid(ystack, acols, gin1_b1, gin1_g, gin1_beta,
              gin1_W2, gin1_b2, gin2_W1, f2)
    agg2 = _segsum(y2, src2d, dst2d, zeros2, "edge")
    out = _final(y2, agg2, gin2_b1, gin2_g, gin2_beta, gin2_W2, gin2_b2,
                 graph_ids, self_feat, rmat, smat,
                 fc1_W, fc1_b, bn1_g, bn1_b,
                 fc2_W, fc2_b, bn2_g, bn2_b, fc3_W, fc3_b)
    return out

# --- scband reference (transcript-rebuilt; emitter-appended) ---
"""Pipeline reference for scband-kronecker-net-3-6296422056379 (READ-ONLY COPY).

The authoritative reference and input builder live on the scoring server;
editing this copy changes nothing except your own understanding.
"""

import jax, jax.numpy as jnp
import numpy as np

N_NODES = 10000
N_EDGES = 320000
D_IN = 128
N_GRAPHS = 256
D_SELF = 16
D_OUT = 2


def _lin(k, i, o):
    return jax.random.normal(k, (i, o), dtype=jnp.float32) * (1.0 / np.sqrt(i))


def setup_inputs(seed: int = 0) -> dict:
    key = jax.random.key(seed)
    ks = jax.random.split(key, 16)
    inp = {}
    inp['x'] = jax.random.normal(ks[0], (N_NODES, D_IN), dtype=jnp.float32)
    inp['edge_index'] = jax.random.randint(ks[1], (2, N_EDGES), 0, N_NODES, dtype=jnp.int32)
    inp['graph_ids'] = jnp.sort(jax.random.randint(ks[2], (N_NODES,), 0, N_GRAPHS, dtype=jnp.int32))
    inp['self_feat'] = jax.random.normal(ks[3], (N_GRAPHS, D_SELF), dtype=jnp.float32)
    # gin1 MLP: Linear(128->100), BN(100), ReLU, Linear(100->100)
    inp['gin1_W1'] = _lin(ks[4], D_IN, 100); inp['gin1_b1'] = jnp.zeros((100,), jnp.float32)
    inp['gin1_g'] = jnp.ones((100,), jnp.float32); inp['gin1_beta'] = jnp.zeros((100,), jnp.float32)
    inp['gin1_W2'] = _lin(ks[5], 100, 100); inp['gin1_b2'] = jnp.zeros((100,), jnp.float32)
    # gin2 MLP: Linear(100->20), BN(20), ReLU, Linear(20->20)
    inp['gin2_W1'] = _lin(ks[6], 100, 20); inp['gin2_b1'] = jnp.zeros((20,), jnp.float32)
    inp['gin2_g'] = jnp.ones((20,), jnp.float32); inp['gin2_beta'] = jnp.zeros((20,), jnp.float32)
    inp['gin2_W2'] = _lin(ks[7], 20, 20); inp['gin2_b2'] = jnp.zeros((20,), jnp.float32)
    # head
    inp['fc1_W'] = _lin(ks[8], 20 * D_SELF, 32); inp['fc1_b'] = jnp.zeros((32,), jnp.float32)
    inp['bn1_g'] = jnp.ones((32,), jnp.float32); inp['bn1_b'] = jnp.zeros((32,), jnp.float32)
    inp['fc2_W'] = _lin(ks[9], 32, 8); inp['fc2_b'] = jnp.zeros((8,), jnp.float32)
    inp['bn2_g'] = jnp.ones((8,), jnp.float32); inp['bn2_b'] = jnp.zeros((8,), jnp.float32)
    inp['fc3_W'] = _lin(ks[10], 8, D_OUT); inp['fc3_b'] = jnp.zeros((D_OUT,), jnp.float32)
    return inp


def _bn(x, g, b, eps=1e-5):
    mean = jnp.mean(x, axis=0)
    var = jnp.var(x, axis=0)
    return g * (x - mean) / jnp.sqrt(var + eps) + b


def reference(x, edge_index, graph_ids, self_feat,
              gin1_W1, gin1_b1, gin1_g, gin1_beta, gin1_W2, gin1_b2,
              gin2_W1, gin2_b1, gin2_g, gin2_beta, gin2_W2, gin2_b2,
              fc1_W, fc1_b, bn1_g, bn1_b, fc2_W, fc2_b, bn2_g, bn2_b, fc3_W, fc3_b):
    N = x.shape[0]
    B = self_feat.shape[0]
    src = edge_index[0]
    dst = edge_index[1]

    def gin(h, W1, b1, g, beta, W2, b2):
        # GINConv with eps=0: MLP(h + sum_{j in N(i)} h_j)
        agg = jax.ops.segment_sum(h[src], dst, num_segments=N)
        z = h + agg
        z = z @ W1 + b1
        z = _bn(z, g, beta)
        z = jax.nn.relu(z)
        return z @ W2 + b2

    h = jax.nn.relu(gin(x, gin1_W1, gin1_b1, gin1_g, gin1_beta, gin1_W2, gin1_b2))
    h = jax.nn.relu(gin(h, gin2_W1, gin2_b1, gin2_g, gin2_beta, gin2_W2, gin2_b2))
    # dgl.mean_nodes over batched graph
    counts = jax.ops.segment_sum(jnp.ones((N,), h.dtype), graph_ids, num_segments=B)
    hg = jax.ops.segment_sum(h, graph_ids, num_segments=B) / jnp.maximum(counts, 1.0)[:, None]
    # outer product with self_feat: [B,20,1] x [B,1,S] -> [B,20,S]
    hg = jnp.einsum('bi,bj->bij', hg, self_feat).reshape(B, -1)
    out = jax.nn.relu(_bn(hg @ fc1_W + fc1_b, bn1_g, bn1_b))
    # dropout is identity in eval mode
    out = jax.nn.relu(_bn(out @ fc2_W + fc2_b, bn2_g, bn2_b))
    out = out @ fc3_W + fc3_b
    return out

if __name__ == "__main__":
    import jax
    _d = setup_inputs()
    print(jax.jit(kernel)(*tuple(_d.values())))

</pallas_src>

<mosaic_0001>
#map = affine_map<(d0, d1) -> (0, 0, 0)>
#map1 = affine_map<(d0, d1) -> (0, 0)>
module attributes {stable_mosaic.version = 14 : i64} {
  func.func @segsum(%arg0: i32, %arg1: i32, %arg2: memref<2x10000x56xf32, #tpu.memory_space<hbm>>, %arg3: memref<3200x100xi32, #tpu.memory_space<hbm>>, %arg4: memref<3200x100xi32, #tpu.memory_space<hbm>>, %arg5: memref<80x56xf32, #tpu.memory_space<hbm>>, %arg6: memref<20000x56xf32, #tpu.memory_space<hbm>>, %arg7: memref<10x100xi32, #tpu.memory_space<vmem>>, %arg8: memref<10x100xi32, #tpu.memory_space<vmem>>, %arg9: memref<10x100xi32, #tpu.memory_space<vmem>>, %arg10: memref<10x100xi32, #tpu.memory_space<vmem>>, %arg11: memref<100x56xf32, #tpu.memory_space<vmem>>, %arg12: memref<100x56xf32, #tpu.memory_space<vmem>>, %arg13: memref<100x56xf32, #tpu.memory_space<vmem>>, %arg14: memref<100x56xf32, #tpu.memory_space<vmem>>, %arg15: memref<10000x56xf32, #tpu.memory_space<vmem_shared>>, %arg16: memref<!tpu.dma_semaphore, #tpu.memory_space<semaphore_mem>>, %arg17: memref<!tpu.dma_semaphore, #tpu.memory_space<semaphore_mem>>, %arg18: memref<!tpu.dma_semaphore, #tpu.memory_space<semaphore_mem>>) attributes {dimension_semantics = [#tpu.dimension_semantics<core_parallel>, #tpu.dimension_semantics<subcore_parallel>], iteration_bounds = array<i64: 2, 16>, scalar_prefetch = 0 : i64, scratch_operands = 12 : i64, tpu.core_type = #tpu.core_type<sc_vector_subcore>, window_params = [{transform_indices = #map}, {transform_indices = #map1}, {transform_indices = #map1}, {transform_indices = #map1}, {transform_indices = #map1}]} {
    %mul3A = arith.constant 200 : i32
    %mul3A_0 = arith.muli %arg1, %mul3A : i32
    "tpu.region"() ({
      %run_scoped3A = tpu.sem_alloc : memref<!tpu.dma_semaphore, #tpu.memory_space<semaphore_mem>>
      %dma_start3A_124 = arith.constant 0 : i32
      %dma_start3A_125 = arith.constant 0 : i32
      %dma_start3A_126 = tpu.memref_slice %arg11[%dma_start3A_124, %dma_start3A_125] : memref<100x56xf32, #tpu.memory_space<vmem>> -> memref<80x56xf32, #tpu.memory_space<vmem>>
      %dma_start3A_127 = arith.constant 0 : i32
      %dma_start3A_128 = arith.constant 0 : i32
      %dma_start3A_129 = tpu.memref_slice %arg11[%dma_start3A_127, %dma_start3A_128] : memref<100x56xf32, #tpu.memory_space<vmem>> -> memref<80x56xf32, #tpu.memory_space<vmem>>
      tpu.enqueue_dma source(%arg5 : memref<80x56xf32, #tpu.memory_space<hbm>>) target(%dma_start3A_129 : memref<80x56xf32, #tpu.memory_space<vmem>>) target_semaphore(%run_scoped3A : memref<!tpu.dma_semaphore, #tpu.memory_space<semaphore_mem>>)
      %dma_wait3A = arith.constant 0 : i32
      %dma_wait3A_130 = arith.constant 0 : i32
      %dma_wait3A_131 = tpu.memref_slice %arg11[%dma_wait3A, %dma_wait3A_130] : memref<100x56xf32, #tpu.memory_space<vmem>> -> memref<80x56xf32, #tpu.memory_space<vmem>>
      %dma_wait3A_132 = arith.constant 0 : i32
      %dma_wait3A_133 = arith.constant 0 : i32
      %dma_wait3A_134 = tpu.memref_slice %arg11[%dma_wait3A_132, %dma_wait3A_133] : memref<100x56xf32, #tpu.memory_space<vmem>> -> memref<80x56xf32, #tpu.memory_space<vmem>>
      tpu.wait_dma2 semaphore(%run_scoped3A : memref<!tpu.dma_semaphore, #tpu.memory_space<semaphore_mem>>) src(%arg5 : memref<80x56xf32, #tpu.memory_space<hbm>>) dst(%dma_wait3A_134 : memref<80x56xf32, #tpu.memory_space<vmem>>)
      tpu.yield
    }) : () -> ()
    %add3A = arith.constant 0 : i32
    %add3A_1 = arith.addi %arg1, %add3A : i32
    %lt3A = arith.constant 125 : i32
    %lt3A_2 = arith.cmpi slt, %add3A_1, %lt3A : i32
    %convert_element_type3A = arith.extui %lt3A_2 : i1 to i32
    %cond3A = arith.constant 0 : i32
    %cond3A_3 = arith.cmpi ne, %convert_element_type3A, %cond3A : i32
    scf.if %cond3A_3 {
      %mul3A_124 = arith.constant 80 : i32
      %mul3A_125 = arith.muli %add3A_1, %mul3A_124 : i32
      "tpu.region"() ({
        %run_scoped3A = tpu.sem_alloc : memref<!tpu.dma_semaphore, #tpu.memory_space<semaphore_mem>>
        %dma_start3A_126 = arith.constant 0 : i32
        %dma_start3A_127 = arith.constant 0 : i32
        %dma_start3A_128 = tpu.memref_slice %arg11[%dma_start3A_126, %dma_start3A_127] : memref<100x56xf32, #tpu.memory_space<vmem>> -> memref<80x56xf32, #tpu.memory_space<vmem>>
        %dma_start3A_129 = arith.constant 0 : i32
        %dma_start3A_130 = tpu.memref_slice %arg15[%mul3A_125, %dma_start3A_129] : memref<10000x56xf32, #tpu.memory_space<vmem_shared>> -> memref<80x56xf32, #tpu.memory_space<vmem_shared>>
        %dma_start3A_131 = arith.constant 0 : i32
        %dma_start3A_132 = tpu.memref_slice %arg15[%mul3A_125, %dma_start3A_131] : memref<10000x56xf32, #tpu.memory_space<vmem_shared>> -> memref<80x56xf32, #tpu.memory_space<vmem_shared>>
        %dma_start3A_133 = arith.constant 0 : i32
        %dma_start3A_134 = arith.constant 0 : i32
        %dma_start3A_135 = tpu.memref_slice %arg11[%dma_start3A_133, %dma_start3A_134] : memref<100x56xf32, #tpu.memory_space<vmem>> -> memref<80x56xf32, #tpu.memory_space<vmem>>
        tpu.enqueue_dma source(%dma_start3A_135 : memref<80x56xf32, #tpu.memory_space<vmem>>) target(%dma_start3A_132 : memref<80x56xf32, #tpu.memory_space<vmem_shared>>) target_semaphore(%run_scoped3A : memref<!tpu.dma_semaphore, #tpu.memory_space<semaphore_mem>>)
        %dma_wait3A = arith.constant 0 : i32
        %dma_wait3A_136 = arith.constant 0 : i32
        %dma_wait3A_137 = tpu.memref_slice %arg11[%dma_wait3A, %dma_wait3A_136] : memref<100x56xf32, #tpu.memory_space<vmem>> -> memref<80x56xf32, #tpu.memory_space<vmem>>
        %dma_wait3A_138 = arith.constant 0 : i32
        %dma_wait3A_139 = tpu.memref_slice %arg15[%mul3A_125, %dma_wait3A_138] : memref<10000x56xf32, #tpu.memory_space<vmem_shared>> -> memref<80x56xf32, #tpu.memory_space<vmem_shared>>
        %dma_wait3A_140 = arith.constant 0 : i32
        %dma_wait3A_141 = tpu.memref_slice %arg15[%mul3A_125, %dma_wait3A_140] : memref<10000x56xf32, #tpu.memory_space<vmem_shared>> -> memref<80x56xf32, #tpu.memory_space<vmem_shared>>
        %dma_wait3A_142 = arith.constant 0 : i32
        %dma_wait3A_143 = arith.constant 0 : i32
        %dma_wait3A_144 = tpu.memref_slice %arg11[%dma_wait3A_142, %dma_wait3A_143] : memref<100x56xf32, #tpu.memory_space<vmem>> -> memref<80x56xf32, #tpu.memory_space<vmem>>
        tpu.wait_dma2 semaphore(%run_scoped3A : memref<!tpu.dma_semaphore, #tpu.memory_space<semaphore_mem>>) src(%dma_wait3A_144 : memref<80x56xf32, #tpu.memory_space<vmem>>) dst(%dma_wait3A_141 : memref<80x56xf32, #tpu.memory_space<vmem_shared>>)
        tpu.yield
      }) : () -> ()
    } else {
    }
    %add3A_4 = arith.constant 16 : i32
    %add3A_5 = arith.addi %arg1, %add3A_4 : i32
    %lt3A_6 = arith.constant 125 : i32
    %lt3A_7 = arith.cmpi slt, %add3A_5, %lt3A_6 : i32
    %convert_element_type3A_8 = arith.extui %lt3A_7 : i1 to i32
    %cond3A_9 = arith.constant 0 : i32
    %cond3A_10 = arith.cmpi ne, %convert_element_type3A_8, %cond3A_9 : i32
    scf.if %cond3A_10 {
      %mul3A_124 = arith.constant 80 : i32
      %mul3A_125 = arith.muli %add3A_5, %mul3A_124 : i32
      "tpu.region"() ({
        %run_scoped3A = tpu.sem_alloc : memref<!tpu.dma_semaphore, #tpu.memory_space<semaphore_mem>>
        %dma_start3A_126 = arith.constant 0 : i32
        %dma_start3A_127 = arith.constant 0 : i32
        %dma_start3A_128 = tpu.memref_slice %arg11[%dma_start3A_126, %dma_start3A_127] : memref<100x56xf32, #tpu.memory_space<vmem>> -> memref<80x56xf32, #tpu.memory_space<vmem>>
        %dma_start3A_129 = arith.constant 0 : i32
        %dma_start3A_130 = tpu.memref_slice %arg15[%mul3A_125, %dma_start3A_129] : memref<10000x56xf32, #tpu.memory_space<vmem_shared>> -> memref<80x56xf32, #tpu.memory_space<vmem_shared>>
        %dma_start3A_131 = arith.constant 0 : i32
        %dma_start3A_132 = tpu.memref_slice %arg15[%mul3A_125, %dma_start3A_131] : memref<10000x56xf32, #tpu.memory_space<vmem_shared>> -> memref<80x56xf32, #tpu.memory_space<vmem_shared>>
        %dma_start3A_133 = arith.constant 0 : i32
        %dma_start3A_134 = arith.constant 0 : i32
        %dma_start3A_135 = tpu.memref_slice %arg11[%dma_start3A_133, %dma_start3A_134] : memref<100x56xf32, #tpu.memory_space<vmem>> -> memref<80x56xf32, #tpu.memory_space<vmem>>
        tpu.enqueue_dma source(%dma_start3A_135 : memref<80x56xf32, #tpu.memory_space<vmem>>) target(%dma_start3A_132 : memref<80x56xf32, #tpu.memory_space<vmem_shared>>) target_semaphore(%run_scoped3A : memref<!tpu.dma_semaphore, #tpu.memory_space<semaphore_mem>>)
        %dma_wait3A = arith.constant 0 : i32
        %dma_wait3A_136 = arith.constant 0 : i32
        %dma_wait3A_137 = tpu.memref_slice %arg11[%dma_wait3A, %dma_wait3A_136] : memref<100x56xf32, #tpu.memory_space<vmem>> -> memref<80x56xf32, #tpu.memory_space<vmem>>
        %dma_wait3A_138 = arith.constant 0 : i32
        %dma_wait3A_139 = tpu.memref_slice %arg15[%mul3A_125, %dma_wait3A_138] : memref<10000x56xf32, #tpu.memory_space<vmem_shared>> -> memref<80x56xf32, #tpu.memory_space<vmem_shared>>
        %dma_wait3A_140 = arith.constant 0 : i32
        %dma_wait3A_141 = tpu.memref_slice %arg15[%mul3A_125, %dma_wait3A_140] : memref<10000x56xf32, #tpu.memory_space<vmem_shared>> -> memref<80x56xf32, #tpu.memory_space<vmem_shared>>
        %dma_wait3A_142 = arith.constant 0 : i32
        %dma_wait3A_143 = arith.constant 0 : i32
        %dma_wait3A_144 = tpu.memref_slice %arg11[%dma_wait3A_142, %dma_wait3A_143] : memref<100x56xf32, #tpu.memory_space<vmem>> -> memref<80x56xf32, #tpu.memory_space<vmem>>
        tpu.wait_dma2 semaphore(%run_scoped3A : memref<!tpu.dma_semaphore, #tpu.memory_space<semaphore_mem>>) src(%dma_wait3A_144 : memref<80x56xf32, #tpu.memory_space<vmem>>) dst(%dma_wait3A_141 : memref<80x56xf32, #tpu.memory_space<vmem_shared>>)
        tpu.yield
      }) : () -> ()
    } else {
    }
    %add3A_11 = arith.constant 32 : i32
    %add3A_12 = arith.addi %arg1, %add3A_11 : i32
    %lt3A_13 = arith.constant 125 : i32
    %lt3A_14 = arith.cmpi slt, %add3A_12, %lt3A_13 : i32
    %convert_element_type3A_15 = arith.extui %lt3A_14 : i1 to i32
    %cond3A_16 = arith.constant 0 : i32
    %cond3A_17 = arith.cmpi ne, %convert_element_type3A_15, %cond3A_16 : i32
    scf.if %cond3A_17 {
      %mul3A_124 = arith.constant 80 : i32
      %mul3A_125 = arith.muli %add3A_12, %mul3A_124 : i32
      "tpu.region"() ({
        %run_scoped3A = tpu.sem_alloc : memref<!tpu.dma_semaphore, #tpu.memory_space<semaphore_mem>>
        %dma_start3A_126 = arith.constant 0 : i32
        %dma_start3A_127 = arith.constant 0 : i32
        %dma_start3A_128 = tpu.memref_slice %arg11[%dma_start3A_126, %dma_start3A_127] : memref<100x56xf32, #tpu.memory_space<vmem>> -> memref<80x56xf32, #tpu.memory_space<vmem>>
        %dma_start3A_129 = arith.constant 0 : i32
        %dma_start3A_130 = tpu.memref_slice %arg15[%mul3A_125, %dma_start3A_129] : memref<10000x56xf32, #tpu.memory_space<vmem_shared>> -> memref<80x56xf32, #tpu.memory_space<vmem_shared>>
        %dma_start3A_131 = arith.constant 0 : i32
        %dma_start3A_132 = tpu.memref_slice %arg15[%mul3A_125, %dma_start3A_131] : memref<10000x56xf32, #tpu.memory_space<vmem_shared>> -> memref<80x56xf32, #tpu.memory_space<vmem_shared>>
        %dma_start3A_133 = arith.constant 0 : i32
        %dma_start3A_134 = arith.constant 0 : i32
        %dma_start3A_135 = tpu.memref_slice %arg11[%dma_start3A_133, %dma_start3A_134] : memref<100x56xf32, #tpu.memory_space<vmem>> -> memref<80x56xf32, #tpu.memory_space<vmem>>
        tpu.enqueue_dma source(%dma_start3A_135 : memref<80x56xf32, #tpu.memory_space<vmem>>) target(%dma_start3A_132 : memref<80x56xf32, #tpu.memory_space<vmem_shared>>) target_semaphore(%run_scoped3A : memref<!tpu.dma_semaphore, #tpu.memory_space<semaphore_mem>>)
        %dma_wait3A = arith.constant 0 : i32
        %dma_wait3A_136 = arith.constant 0 : i32
        %dma_wait3A_137 = tpu.memref_slice %arg11[%dma_wait3A, %dma_wait3A_136] : memref<100x56xf32, #tpu.memory_space<vmem>> -> memref<80x56xf32, #tpu.memory_space<vmem>>
        %dma_wait3A_138 = arith.constant 0 : i32
        %dma_wait3A_139 = tpu.memref_slice %arg15[%mul3A_125, %dma_wait3A_138] : memref<10000x56xf32, #tpu.memory_space<vmem_shared>> -> memref<80x56xf32, #tpu.memory_space<vmem_shared>>
        %dma_wait3A_140 = arith.constant 0 : i32
        %dma_wait3A_141 = tpu.memref_slice %arg15[%mul3A_125, %dma_wait3A_140] : memref<10000x56xf32, #tpu.memory_space<vmem_shared>> -> memref<80x56xf32, #tpu.memory_space<vmem_shared>>
        %dma_wait3A_142 = arith.constant 0 : i32
        %dma_wait3A_143 = arith.constant 0 : i32
        %dma_wait3A_144 = tpu.memref_slice %arg11[%dma_wait3A_142, %dma_wait3A_143] : memref<100x56xf32, #tpu.memory_space<vmem>> -> memref<80x56xf32, #tpu.memory_space<vmem>>
        tpu.wait_dma2 semaphore(%run_scoped3A : memref<!tpu.dma_semaphore, #tpu.memory_space<semaphore_mem>>) src(%dma_wait3A_144 : memref<80x56xf32, #tpu.memory_space<vmem>>) dst(%dma_wait3A_141 : memref<80x56xf32, #tpu.memory_space<vmem_shared>>)
        tpu.yield
      }) : () -> ()
    } else {
    }
    %add3A_18 = arith.constant 48 : i32
    %add3A_19 = arith.addi %arg1, %add3A_18 : i32
    %lt3A_20 = arith.constant 125 : i32
    %lt3A_21 = arith.cmpi slt, %add3A_19, %lt3A_20 : i32
    %convert_element_type3A_22 = arith.extui %lt3A_21 : i1 to i32
    %cond3A_23 = arith.constant 0 : i32
    %cond3A_24 = arith.cmpi ne, %convert_element_type3A_22, %cond3A_23 : i32
    scf.if %cond3A_24 {
      %mul3A_124 = arith.constant 80 : i32
      %mul3A_125 = arith.muli %add3A_19, %mul3A_124 : i32
      "tpu.region"() ({
        %run_scoped3A = tpu.sem_alloc : memref<!tpu.dma_semaphore, #tpu.memory_space<semaphore_mem>>
        %dma_start3A_126 = arith.constant 0 : i32
        %dma_start3A_127 = arith.constant 0 : i32
        %dma_start3A_128 = tpu.memref_slice %arg11[%dma_start3A_126, %dma_start3A_127] : memref<100x56xf32, #tpu.memory_space<vmem>> -> memref<80x56xf32, #tpu.memory_space<vmem>>
        %dma_start3A_129 = arith.constant 0 : i32
        %dma_start3A_130 = tpu.memref_slice %arg15[%mul3A_125, %dma_start3A_129] : memref<10000x56xf32, #tpu.memory_space<vmem_shared>> -> memref<80x56xf32, #tpu.memory_space<vmem_shared>>
        %dma_start3A_131 = arith.constant 0 : i32
        %dma_start3A_132 = tpu.memref_slice %arg15[%mul3A_125, %dma_start3A_131] : memref<10000x56xf32, #tpu.memory_space<vmem_shared>> -> memref<80x56xf32, #tpu.memory_space<vmem_shared>>
        %dma_start3A_133 = arith.constant 0 : i32
        %dma_start3A_134 = arith.constant 0 : i32
        %dma_start3A_135 = tpu.memref_slice %arg11[%dma_start3A_133, %dma_start3A_134] : memref<100x56xf32, #tpu.memory_space<vmem>> -> memref<80x56xf32, #tpu.memory_space<vmem>>
        tpu.enqueue_dma source(%dma_start3A_135 : memref<80x56xf32, #tpu.memory_space<vmem>>) target(%dma_start3A_132 : memref<80x56xf32, #tpu.memory_space<vmem_shared>>) target_semaphore(%run_scoped3A : memref<!tpu.dma_semaphore, #tpu.memory_space<semaphore_mem>>)
        %dma_wait3A = arith.constant 0 : i32
        %dma_wait3A_136 = arith.constant 0 : i32
        %dma_wait3A_137 = tpu.memref_slice %arg11[%dma_wait3A, %dma_wait3A_136] : memref<100x56xf32, #tpu.memory_space<vmem>> -> memref<80x56xf32, #tpu.memory_space<vmem>>
        %dma_wait3A_138 = arith.constant 0 : i32
        %dma_wait3A_139 = tpu.memref_slice %arg15[%mul3A_125, %dma_wait3A_138] : memref<10000x56xf32, #tpu.memory_space<vmem_shared>> -> memref<80x56xf32, #tpu.memory_space<vmem_shared>>
        %dma_wait3A_140 = arith.constant 0 : i32
        %dma_wait3A_141 = tpu.memref_slice %arg15[%mul3A_125, %dma_wait3A_140] : memref<10000x56xf32, #tpu.memory_space<vmem_shared>> -> memref<80x56xf32, #tpu.memory_space<vmem_shared>>
        %dma_wait3A_142 = arith.constant 0 : i32
        %dma_wait3A_143 = arith.constant 0 : i32
        %dma_wait3A_144 = tpu.memref_slice %arg11[%dma_wait3A_142, %dma_wait3A_143] : memref<100x56xf32, #tpu.memory_space<vmem>> -> memref<80x56xf32, #tpu.memory_space<vmem>>
        tpu.wait_dma2 semaphore(%run_scoped3A : memref<!tpu.dma_semaphore, #tpu.memory_space<semaphore_mem>>) src(%dma_wait3A_144 : memref<80x56xf32, #tpu.memory_space<vmem>>) dst(%dma_wait3A_141 : memref<80x56xf32, #tpu.memory_space<vmem_shared>>)
        tpu.yield
      }) : () -> ()
    } else {
    }
    %add3A_25 = arith.constant 64 : i32
    %add3A_26 = arith.addi %arg1, %add3A_25 : i32
    %lt3A_27 = arith.constant 125 : i32
    %lt3A_28 = arith.cmpi slt, %add3A_26, %lt3A_27 : i32
    %convert_element_type3A_29 = arith.extui %lt3A_28 : i1 to i32
    %cond3A_30 = arith.constant 0 : i32
    %cond3A_31 = arith.cmpi ne, %convert_element_type3A_29, %cond3A_30 : i32
    scf.if %cond3A_31 {
      %mul3A_124 = arith.constant 80 : i32
      %mul3A_125 = arith.muli %add3A_26, %mul3A_124 : i32
      "tpu.region"() ({
        %run_scoped3A = tpu.sem_alloc : memref<!tpu.dma_semaphore, #tpu.memory_space<semaphore_mem>>
        %dma_start3A_126 = arith.constant 0 : i32
        %dma_start3A_127 = arith.constant 0 : i32
        %dma_start3A_128 = tpu.memref_slice %arg11[%dma_start3A_126, %dma_start3A_127] : memref<100x56xf32, #tpu.memory_space<vmem>> -> memref<80x56xf32, #tpu.memory_space<vmem>>
        %dma_start3A_129 = arith.constant 0 : i32
        %dma_start3A_130 = tpu.memref_slice %arg15[%mul3A_125, %dma_start3A_129] : memref<10000x56xf32, #tpu.memory_space<vmem_shared>> -> memref<80x56xf32, #tpu.memory_space<vmem_shared>>
        %dma_start3A_131 = arith.constant 0 : i32
        %dma_start3A_132 = tpu.memref_slice %arg15[%mul3A_125, %dma_start3A_131] : memref<10000x56xf32, #tpu.memory_space<vmem_shared>> -> memref<80x56xf32, #tpu.memory_space<vmem_shared>>
        %dma_start3A_133 = arith.constant 0 : i32
        %dma_start3A_134 = arith.constant 0 : i32
        %dma_start3A_135 = tpu.memref_slice %arg11[%dma_start3A_133, %dma_start3A_134] : memref<100x56xf32, #tpu.memory_space<vmem>> -> memref<80x56xf32, #tpu.memory_space<vmem>>
        tpu.enqueue_dma source(%dma_start3A_135 : memref<80x56xf32, #tpu.memory_space<vmem>>) target(%dma_start3A_132 : memref<80x56xf32, #tpu.memory_space<vmem_shared>>) target_semaphore(%run_scoped3A : memref<!tpu.dma_semaphore, #tpu.memory_space<semaphore_mem>>)
        %dma_wait3A = arith.constant 0 : i32
        %dma_wait3A_136 = arith.constant 0 : i32
        %dma_wait3A_137 = tpu.memref_slice %arg11[%dma_wait3A, %dma_wait3A_136] : memref<100x56xf32, #tpu.memory_space<vmem>> -> memref<80x56xf32, #tpu.memory_space<vmem>>
        %dma_wait3A_138 = arith.constant 0 : i32
        %dma_wait3A_139 = tpu.memref_slice %arg15[%mul3A_125, %dma_wait3A_138] : memref<10000x56xf32, #tpu.memory_space<vmem_shared>> -> memref<80x56xf32, #tpu.memory_space<vmem_shared>>
        %dma_wait3A_140 = arith.constant 0 : i32
        %dma_wait3A_141 = tpu.memref_slice %arg15[%mul3A_125, %dma_wait3A_140] : memref<10000x56xf32, #tpu.memory_space<vmem_shared>> -> memref<80x56xf32, #tpu.memory_space<vmem_shared>>
        %dma_wait3A_142 = arith.constant 0 : i32
        %dma_wait3A_143 = arith.constant 0 : i32
        %dma_wait3A_144 = tpu.memref_slice %arg11[%dma_wait3A_142, %dma_wait3A_143] : memref<100x56xf32, #tpu.memory_space<vmem>> -> memref<80x56xf32, #tpu.memory_space<vmem>>
        tpu.wait_dma2 semaphore(%run_scoped3A : memref<!tpu.dma_semaphore, #tpu.memory_space<semaphore_mem>>) src(%dma_wait3A_144 : memref<80x56xf32, #tpu.memory_space<vmem>>) dst(%dma_wait3A_141 : memref<80x56xf32, #tpu.memory_space<vmem_shared>>)
        tpu.yield
      }) : () -> ()
    } else {
    }
    %add3A_32 = arith.constant 80 : i32
    %add3A_33 = arith.addi %arg1, %add3A_32 : i32
    %lt3A_34 = arith.constant 125 : i32
    %lt3A_35 = arith.cmpi slt, %add3A_33, %lt3A_34 : i32
    %convert_element_type3A_36 = arith.extui %lt3A_35 : i1 to i32
    %cond3A_37 = arith.constant 0 : i32
    %cond3A_38 = arith.cmpi ne, %convert_element_type3A_36, %cond3A_37 : i32
    scf.if %cond3A_38 {
      %mul3A_124 = arith.constant 80 : i32
      %mul3A_125 = arith.muli %add3A_33, %mul3A_124 : i32
      "tpu.region"() ({
        %run_scoped3A = tpu.sem_alloc : memref<!tpu.dma_semaphore, #tpu.memory_space<semaphore_mem>>
        %dma_start3A_126 = arith.constant 0 : i32
        %dma_start3A_127 = arith.constant 0 : i32
        %dma_start3A_128 = tpu.memref_slice %arg11[%dma_start3A_126, %dma_start3A_127] : memref<100x56xf32, #tpu.memory_space<vmem>> -> memref<80x56xf32, #tpu.memory_space<vmem>>
        %dma_start3A_129 = arith.constant 0 : i32
        %dma_start3A_130 = tpu.memref_slice %arg15[%mul3A_125, %dma_start3A_129] : memref<10000x56xf32, #tpu.memory_space<vmem_shared>> -> memref<80x56xf32, #tpu.memory_space<vmem_shared>>
        %dma_start3A_131 = arith.constant 0 : i32
        %dma_start3A_132 = tpu.memref_slice %arg15[%mul3A_125, %dma_start3A_131] : memref<10000x56xf32, #tpu.memory_space<vmem_shared>> -> memref<80x56xf32, #tpu.memory_space<vmem_shared>>
        %dma_start3A_133 = arith.constant 0 : i32
        %dma_start3A_134 = arith.constant 0 : i32
        %dma_start3A_135 = tpu.memref_slice %arg11[%dma_start3A_133, %dma_start3A_134] : memref<100x56xf32, #tpu.memory_space<vmem>> -> memref<80x56xf32, #tpu.memory_space<vmem>>
        tpu.enqueue_dma source(%dma_start3A_135 : memref<80x56xf32, #tpu.memory_space<vmem>>) target(%dma_start3A_132 : memref<80x56xf32, #tpu.memory_space<vmem_shared>>) target_semaphore(%run_scoped3A : memref<!tpu.dma_semaphore, #tpu.memory_space<semaphore_mem>>)
        %dma_wait3A = arith.constant 0 : i32
        %dma_wait3A_136 = arith.constant 0 : i32
        %dma_wait3A_137 = tpu.memref_slice %arg11[%dma_wait3A, %dma_wait3A_136] : memref<100x56xf32, #tpu.memory_space<vmem>> -> memref<80x56xf32, #tpu.memory_space<vmem>>
        %dma_wait3A_138 = arith.constant 0 : i32
        %dma_wait3A_139 = tpu.memref_slice %arg15[%mul3A_125, %dma_wait3A_138] : memref<10000x56xf32, #tpu.memory_space<vmem_shared>> -> memref<80x56xf32, #tpu.memory_space<vmem_shared>>
        %dma_wait3A_140 = arith.constant 0 : i32
        %dma_wait3A_141 = tpu.memref_slice %arg15[%mul3A_125, %dma_wait3A_140] : memref<10000x56xf32, #tpu.memory_space<vmem_shared>> -> memref<80x56xf32, #tpu.memory_space<vmem_shared>>
        %dma_wait3A_142 = arith.constant 0 : i32
        %dma_wait3A_143 = arith.constant 0 : i32
        %dma_wait3A_144 = tpu.memref_slice %arg11[%dma_wait3A_142, %dma_wait3A_143] : memref<100x56xf32, #tpu.memory_space<vmem>> -> memref<80x56xf32, #tpu.memory_space<vmem>>
        tpu.wait_dma2 semaphore(%run_scoped3A : memref<!tpu.dma_semaphore, #tpu.memory_space<semaphore_mem>>) src(%dma_wait3A_144 : memref<80x56xf32, #tpu.memory_space<vmem>>) dst(%dma_wait3A_141 : memref<80x56xf32, #tpu.memory_space<vmem_shared>>)
        tpu.yield
      }) : () -> ()
    } else {
    }
    %add3A_39 = arith.constant 96 : i32
    %add3A_40 = arith.addi %arg1, %add3A_39 : i32
    %lt3A_41 = arith.constant 125 : i32
    %lt3A_42 = arith.cmpi slt, %add3A_40, %lt3A_41 : i32
    %convert_element_type3A_43 = arith.extui %lt3A_42 : i1 to i32
    %cond3A_44 = arith.constant 0 : i32
    %cond3A_45 = arith.cmpi ne, %convert_element_type3A_43, %cond3A_44 : i32
    scf.if %cond3A_45 {
      %mul3A_124 = arith.constant 80 : i32
      %mul3A_125 = arith.muli %add3A_40, %mul3A_124 : i32
      "tpu.region"() ({
        %run_scoped3A = tpu.sem_alloc : memref<!tpu.dma_semaphore, #tpu.memory_space<semaphore_mem>>
        %dma_start3A_126 = arith.constant 0 : i32
        %dma_start3A_127 = arith.constant 0 : i32
        %dma_start3A_128 = tpu.memref_slice %arg11[%dma_start3A_126, %dma_start3A_127] : memref<100x56xf32, #tpu.memory_space<vmem>> -> memref<80x56xf32, #tpu.memory_space<vmem>>
        %dma_start3A_129 = arith.constant 0 : i32
        %dma_start3A_130 = tpu.memref_slice %arg15[%mul3A_125, %dma_start3A_129] : memref<10000x56xf32, #tpu.memory_space<vmem_shared>> -> memref<80x56xf32, #tpu.memory_space<vmem_shared>>
        %dma_start3A_131 = arith.constant 0 : i32
        %dma_start3A_132 = tpu.memref_slice %arg15[%mul3A_125, %dma_start3A_131] : memref<10000x56xf32, #tpu.memory_space<vmem_shared>> -> memref<80x56xf32, #tpu.memory_space<vmem_shared>>
        %dma_start3A_133 = arith.constant 0 : i32
        %dma_start3A_134 = arith.constant 0 : i32
        %dma_start3A_135 = tpu.memref_slice %arg11[%dma_start3A_133, %dma_start3A_134] : memref<100x56xf32, #tpu.memory_space<vmem>> -> memref<80x56xf32, #tpu.memory_space<vmem>>
        tpu.enqueue_dma source(%dma_start3A_135 : memref<80x56xf32, #tpu.memory_space<vmem>>) target(%dma_start3A_132 : memref<80x56xf32, #tpu.memory_space<vmem_shared>>) target_semaphore(%run_scoped3A : memref<!tpu.dma_semaphore, #tpu.memory_space<semaphore_mem>>)
        %dma_wait3A = arith.constant 0 : i32
        %dma_wait3A_136 = arith.constant 0 : i32
        %dma_wait3A_137 = tpu.memref_slice %arg11[%dma_wait3A, %dma_wait3A_136] : memref<100x56xf32, #tpu.memory_space<vmem>> -> memref<80x56xf32, #tpu.memory_space<vmem>>
        %dma_wait3A_138 = arith.constant 0 : i32
        %dma_wait3A_139 = tpu.memref_slice %arg15[%mul3A_125, %dma_wait3A_138] : memref<10000x56xf32, #tpu.memory_space<vmem_shared>> -> memref<80x56xf32, #tpu.memory_space<vmem_shared>>
        %dma_wait3A_140 = arith.constant 0 : i32
        %dma_wait3A_141 = tpu.memref_slice %arg15[%mul3A_125, %dma_wait3A_140] : memref<10000x56xf32, #tpu.memory_space<vmem_shared>> -> memref<80x56xf32, #tpu.memory_space<vmem_shared>>
        %dma_wait3A_142 = arith.constant 0 : i32
        %dma_wait3A_143 = arith.constant 0 : i32
        %dma_wait3A_144 = tpu.memref_slice %arg11[%dma_wait3A_142, %dma_wait3A_143] : memref<100x56xf32, #tpu.memory_space<vmem>> -> memref<80x56xf32, #tpu.memory_space<vmem>>
        tpu.wait_dma2 semaphore(%run_scoped3A : memref<!tpu.dma_semaphore, #tpu.memory_space<semaphore_mem>>) src(%dma_wait3A_144 : memref<80x56xf32, #tpu.memory_space<vmem>>) dst(%dma_wait3A_141 : memref<80x56xf32, #tpu.memory_space<vmem_shared>>)
        tpu.yield
      }) : () -> ()
    } else {
    }
    %add3A_46 = arith.constant 112 : i32
    %add3A_47 = arith.addi %arg1, %add3A_46 : i32
    %lt3A_48 = arith.constant 125 : i32
    %lt3A_49 = arith.cmpi slt, %add3A_47, %lt3A_48 : i32
    %convert_element_type3A_50 = arith.extui %lt3A_49 : i1 to i32
    %cond3A_51 = arith.constant 0 : i32
    %cond3A_52 = arith.cmpi ne, %convert_element_type3A_50, %cond3A_51 : i32
    scf.if %cond3A_52 {
      %mul3A_124 = arith.constant 80 : i32
      %mul3A_125 = arith.muli %add3A_47, %mul3A_124 : i32
      "tpu.region"() ({
        %run_scoped3A = tpu.sem_alloc : memref<!tpu.dma_semaphore, #tpu.memory_space<semaphore_mem>>
        %dma_start3A_126 = arith.constant 0 : i32
        %dma_start3A_127 = arith.constant 0 : i32
        %dma_start3A_128 = tpu.memref_slice %arg11[%dma_start3A_126, %dma_start3A_127] : memref<100x56xf32, #tpu.memory_space<vmem>> -> memref<80x56xf32, #tpu.memory_space<vmem>>
        %dma_start3A_129 = arith.constant 0 : i32
        %dma_start3A_130 = tpu.memref_slice %arg15[%mul3A_125, %dma_start3A_129] : memref<10000x56xf32, #tpu.memory_space<vmem_shared>> -> memref<80x56xf32, #tpu.memory_space<vmem_shared>>
        %dma_start3A_131 = arith.constant 0 : i32
        %dma_start3A_132 = tpu.memref_slice %arg15[%mul3A_125, %dma_start3A_131] : memref<10000x56xf32, #tpu.memory_space<vmem_shared>> -> memref<80x56xf32, #tpu.memory_space<vmem_shared>>
        %dma_start3A_133 = arith.constant 0 : i32
        %dma_start3A_134 = arith.constant 0 : i32
        %dma_start3A_135 = tpu.memref_slice %arg11[%dma_start3A_133, %dma_start3A_134] : memref<100x56xf32, #tpu.memory_space<vmem>> -> memref<80x56xf32, #tpu.memory_space<vmem>>
        tpu.enqueue_dma source(%dma_start3A_135 : memref<80x56xf32, #tpu.memory_space<vmem>>) target(%dma_start3A_132 : memref<80x56xf32, #tpu.memory_space<vmem_shared>>) target_semaphore(%run_scoped3A : memref<!tpu.dma_semaphore, #tpu.memory_space<semaphore_mem>>)
        %dma_wait3A = arith.constant 0 : i32
        %dma_wait3A_136 = arith.constant 0 : i32
        %dma_wait3A_137 = tpu.memref_slice %arg11[%dma_wait3A, %dma_wait3A_136] : memref<100x56xf32, #tpu.memory_space<vmem>> -> memref<80x56xf32, #tpu.memory_space<vmem>>
        %dma_wait3A_138 = arith.constant 0 : i32
        %dma_wait3A_139 = tpu.memref_slice %arg15[%mul3A_125, %dma_wait3A_138] : memref<10000x56xf32, #tpu.memory_space<vmem_shared>> -> memref<80x56xf32, #tpu.memory_space<vmem_shared>>
        %dma_wait3A_140 = arith.constant 0 : i32
        %dma_wait3A_141 = tpu.memref_slice %arg15[%mul3A_125, %dma_wait3A_140] : memref<10000x56xf32, #tpu.memory_space<vmem_shared>> -> memref<80x56xf32, #tpu.memory_space<vmem_shared>>
        %dma_wait3A_142 = arith.constant 0 : i32
        %dma_wait3A_143 = arith.constant 0 : i32
        %dma_wait3A_144 = tpu.memref_slice %arg11[%dma_wait3A_142, %dma_wait3A_143] : memref<100x56xf32, #tpu.memory_space<vmem>> -> memref<80x56xf32, #tpu.memory_space<vmem>>
        tpu.wait_dma2 semaphore(%run_scoped3A : memref<!tpu.dma_semaphore, #tpu.memory_space<semaphore_mem>>) src(%dma_wait3A_144 : memref<80x56xf32, #tpu.memory_space<vmem>>) dst(%dma_wait3A_141 : memref<80x56xf32, #tpu.memory_space<vmem_shared>>)
        tpu.yield
      }) : () -> ()
    } else {
    }
    %barrier3A = arith.constant 0 : index
    tpu.barrier barrier_id(%barrier3A)
    %add3A_53 = arith.constant 0 : i32
    %add3A_54 = arith.addi %mul3A_0, %add3A_53 : i32
    %dma_start3A = arith.constant 0 : i32
    %dma_start3A_55 = tpu.memref_slice %arg3[%add3A_54, %dma_start3A] : memref<3200x100xi32, #tpu.memory_space<hbm>> -> memref<10x100xi32, #tpu.memory_space<hbm>>
    %dma_start3A_56 = arith.constant 0 : i32
    %dma_start3A_57 = tpu.memref_slice %arg3[%add3A_54, %dma_start3A_56] : memref<3200x100xi32, #tpu.memory_space<hbm>> -> memref<10x100xi32, #tpu.memory_space<hbm>>
    tpu.enqueue_dma source(%dma_start3A_57 : memref<10x100xi32, #tpu.memory_space<hbm>>) target(%arg7 : memref<10x100xi32, #tpu.memory_space<vmem>>) target_semaphore(%arg18 : memref<!tpu.dma_semaphore, #tpu.memory_space<semaphore_mem>>)
    %dma_start3A_58 = arith.constant 0 : i32
    %dma_start3A_59 = tpu.memref_slice %arg4[%add3A_54, %dma_start3A_58] : memref<3200x100xi32, #tpu.memory_space<hbm>> -> memref<10x100xi32, #tpu.memory_space<hbm>>
    %dma_start3A_60 = arith.constant 0 : i32
    %dma_start3A_61 = tpu.memref_slice %arg4[%add3A_54, %dma_start3A_60] : memref<3200x100xi32, #tpu.memory_space<hbm>> -> memref<10x100xi32, #tpu.memory_space<hbm>>
    tpu.enqueue_dma source(%dma_start3A_61 : memref<10x100xi32, #tpu.memory_space<hbm>>) target(%arg8 : memref<10x100xi32, #tpu.memory_space<vmem>>) target_semaphore(%arg18 : memref<!tpu.dma_semaphore, #tpu.memory_space<semaphore_mem>>)
    %scan3A = arith.constant 0 : i32
    %scan3A_62 = arith.constant 0 : i32
    %scan3A_63 = arith.constant 10 : i32
    %scan3A_64 = arith.addi %scan3A_62, %scan3A_63 : i32
    %scan3A_65 = arith.constant 1 : i32
    scf.for %scan3A_124 = %scan3A_62 to %scan3A_64 step %scan3A_65  : i32 {
      %mul3A_125 = arith.constant 2 : i32
      %mul3A_126 = arith.muli %mul3A_125, %scan3A_124 : i32
      %mul3A_127 = arith.constant 10 : i32
      %mul3A_128 = arith.muli %mul3A_126, %mul3A_127 : i32
      %add3A_129 = arith.addi %mul3A_0, %mul3A_128 : i32
      %dma_wait3A = arith.constant 0 : i32
      %dma_wait3A_130 = tpu.memref_slice %arg3[%add3A_129, %dma_wait3A] : memref<3200x100xi32, #tpu.memory_space<hbm>> -> memref<10x100xi32, #tpu.memory_space<hbm>>
      %dma_wait3A_131 = arith.constant 0 : i32
      %dma_wait3A_132 = tpu.memref_slice %arg3[%add3A_129, %dma_wait3A_131] : memref<3200x100xi32, #tpu.memory_space<hbm>> -> memref<10x100xi32, #tpu.memory_space<hbm>>
      tpu.wait_dma2 semaphore(%arg18 : memref<!tpu.dma_semaphore, #tpu.memory_space<semaphore_mem>>) src(%dma_wait3A_132 : memref<10x100xi32, #tpu.memory_space<hbm>>) dst(%arg7 : memref<10x100xi32, #tpu.memory_space<vmem>>)
      %dma_wait3A_133 = arith.constant 0 : i32
      %dma_wait3A_134 = tpu.memref_slice %arg4[%add3A_129, %dma_wait3A_133] : memref<3200x100xi32, #tpu.memory_space<hbm>> -> memref<10x100xi32, #tpu.memory_space<hbm>>
      %dma_wait3A_135 = arith.constant 0 : i32
      %dma_wait3A_136 = tpu.memref_slice %arg4[%add3A_129, %dma_wait3A_135] : memref<3200x100xi32, #tpu.memory_space<hbm>> -> memref<10x100xi32, #tpu.memory_space<hbm>>
      tpu.wait_dma2 semaphore(%arg18 : memref<!tpu.dma_semaphore, #tpu.memory_space<semaphore_mem>>) src(%dma_wait3A_136 : memref<10x100xi32, #tpu.memory_space<hbm>>) dst(%arg8 : memref<10x100xi32, #tpu.memory_space<vmem>>)
      %add3A_137 = arith.constant 1 : i32
      %add3A_138 = arith.addi %mul3A_126, %add3A_137 : i32
      %mul3A_139 = arith.constant 10 : i32
      %mul3A_140 = arith.muli %add3A_138, %mul3A_139 : i32
      %add3A_141 = arith.addi %mul3A_0, %mul3A_140 : i32
      %dma_start3A_142 = arith.constant 0 : i32
      %dma_start3A_143 = tpu.memref_slice %arg3[%add3A_141, %dma_start3A_142] : memref<3200x100xi32, #tpu.memory_space<hbm>> -> memref<10x100xi32, #tpu.memory_space<hbm>>
      %dma_start3A_144 = arith.constant 0 : i32
      %dma_start3A_145 = tpu.memref_slice %arg3[%add3A_141, %dma_start3A_144] : memref<3200x100xi32, #tpu.memory_space<hbm>> -> memref<10x100xi32, #tpu.memory_space<hbm>>
      tpu.enqueue_dma source(%dma_start3A_145 : memref<10x100xi32, #tpu.memory_space<hbm>>) target(%arg9 : memref<10x100xi32, #tpu.memory_space<vmem>>) target_semaphore(%arg18 : memref<!tpu.dma_semaphore, #tpu.memory_space<semaphore_mem>>)
      %dma_start3A_146 = arith.constant 0 : i32
      %dma_start3A_147 = tpu.memref_slice %arg4[%add3A_141, %dma_start3A_146] : memref<3200x100xi32, #tpu.memory_space<hbm>> -> memref<10x100xi32, #tpu.memory_space<hbm>>
      %dma_start3A_148 = arith.constant 0 : i32
      %dma_start3A_149 = tpu.memref_slice %arg4[%add3A_141, %dma_start3A_148] : memref<3200x100xi32, #tpu.memory_space<hbm>> -> memref<10x100xi32, #tpu.memory_space<hbm>>
      tpu.enqueue_dma source(%dma_start3A_149 : memref<10x100xi32, #tpu.memory_space<hbm>>) target(%arg10 : memref<10x100xi32, #tpu.memory_space<vmem>>) target_semaphore(%arg18 : memref<!tpu.dma_semaphore, #tpu.memory_space<semaphore_mem>>)
      %dma_start3A_150 = arith.constant 0 : i32
      %dma_start3A_151 = arith.constant 0 : i32
      %dma_start3A_152 = tpu.memref_slice %arg7[%dma_start3A_150, %dma_start3A_151] : memref<10x100xi32, #tpu.memory_space<vmem>> -> memref<1x100xi32, #tpu.memory_space<vmem>>
      %dma_start3A_153 = tpu.memref_squeeze %dma_start3A_152 : memref<1x100xi32, #tpu.memory_space<vmem>> -> memref<100xi32, #tpu.memory_space<vmem>>
      %dma_start3A_154 = arith.constant 0 : i32
      %dma_start3A_155 = arith.constant 0 : i32
      %dma_start3A_156 = tpu.memref_slice %arg2[%arg0, %dma_start3A_154, %dma_start3A_155] : memref<2x10000x56xf32, #tpu.memory_space<hbm>> -> memref<1x10000x56xf32, #tpu.memory_space<hbm>>
      %dma_start3A_157 = tpu.memref_squeeze %dma_start3A_156 : memref<1x10000x56xf32, #tpu.memory_space<hbm>> -> memref<10000x56xf32, #tpu.memory_space<hbm>>
      %dma_start3A_158 = arith.constant 0 : i32
      %dma_start3A_159 = arith.constant 0 : i32
      %dma_start3A_160 = tpu.memref_slice %dma_start3A_157[%dma_start3A_158, %dma_start3A_159] : memref<10000x56xf32, #tpu.memory_space<hbm>> -> memref<10000x56xf32, #tpu.memory_space<hbm>>
      tpu.enqueue_indirect_dma source(%dma_start3A_160 : memref<10000x56xf32, #tpu.memory_space<hbm>>) target(%arg11 : memref<100x56xf32, #tpu.memory_space<vmem>>) offsets(%dma_start3A_153 : memref<100xi32, #tpu.memory_space<vmem>>) semaphore(%arg16 : memref<!tpu.dma_semaphore, #tpu.memory_space<semaphore_mem>>)
      %dma_start3A_161 = arith.constant 1 : i32
      %dma_start3A_162 = arith.constant 0 : i32
      %dma_start3A_163 = tpu.memref_slice %arg7[%dma_start3A_161, %dma_start3A_162] : memref<10x100xi32, #tpu.memory_space<vmem>> -> memref<1x100xi32, #tpu.memory_space<vmem>>
      %dma_start3A_164 = tpu.memref_squeeze %dma_start3A_163 : memref<1x100xi32, #tpu.memory_space<vmem>> -> memref<100xi32, #tpu.memory_space<vmem>>
      %dma_start3A_165 = arith.constant 0 : i32
      %dma_start3A_166 = arith.constant 0 : i32
      %dma_start3A_167 = tpu.memref_slice %arg2[%arg0, %dma_start3A_165, %dma_start3A_166] : memref<2x10000x56xf32, #tpu.memory_space<hbm>> -> memref<1x10000x56xf32, #tpu.memory_space<hbm>>
      %dma_start3A_168 = tpu.memref_squeeze %dma_start3A_167 : memref<1x10000x56xf32, #tpu.memory_space<hbm>> -> memref<10000x56xf32, #tpu.memory_space<hbm>>
      %dma_start3A_169 = arith.constant 0 : i32
      %dma_start3A_170 = arith.constant 0 : i32
      %dma_start3A_171 = tpu.memref_slice %dma_start3A_168[%dma_start3A_169, %dma_start3A_170] : memref<10000x56xf32, #tpu.memory_space<hbm>> -> memref<10000x56xf32, #tpu.memory_space<hbm>>
      tpu.enqueue_indirect_dma source(%dma_start3A_171 : memref<10000x56xf32, #tpu.memory_space<hbm>>) target(%arg12 : memref<100x56xf32, #tpu.memory_space<vmem>>) offsets(%dma_start3A_164 : memref<100xi32, #tpu.memory_space<vmem>>) semaphore(%arg16 : memref<!tpu.dma_semaphore, #tpu.memory_space<semaphore_mem>>)
      %dma_start3A_172 = arith.constant 2 : i32
      %dma_start3A_173 = arith.constant 0 : i32
      %dma_start3A_174 = tpu.memref_slice %arg7[%dma_start3A_172, %dma_start3A_173] : memref<10x100xi32, #tpu.memory_space<vmem>> -> memref<1x100xi32, #tpu.memory_space<vmem>>
      %dma_start3A_175 = tpu.memref_squeeze %dma_start3A_174 : memref<1x100xi32, #tpu.memory_space<vmem>> -> memref<100xi32, #tpu.memory_space<vmem>>
      %dma_start3A_176 = arith.constant 0 : i32
      %dma_start3A_177 = arith.constant 0 : i32
      %dma_start3A_178 = tpu.memref_slice %arg2[%arg0, %dma_start3A_176, %dma_start3A_177] : memref<2x10000x56xf32, #tpu.memory_space<hbm>> -> memref<1x10000x56xf32, #tpu.memory_space<hbm>>
      %dma_start3A_179 = tpu.memref_squeeze %dma_start3A_178 : memref<1x10000x56xf32, #tpu.memory_space<hbm>> -> memref<10000x56xf32, #tpu.memory_space<hbm>>
      %dma_start3A_180 = arith.constant 0 : i32
      %dma_start3A_181 = arith.constant 0 : i32
      %dma_start3A_182 = tpu.memref_slice %dma_start3A_179[%dma_start3A_180, %dma_start3A_181] : memref<10000x56xf32, #tpu.memory_space<hbm>> -> memref<10000x56xf32, #tpu.memory_space<hbm>>
      tpu.enqueue_indirect_dma source(%dma_start3A_182 : memref<10000x56xf32, #tpu.memory_space<hbm>>) target(%arg13 : memref<100x56xf32, #tpu.memory_space<vmem>>) offsets(%dma_start3A_175 : memref<100xi32, #tpu.memory_space<vmem>>) semaphore(%arg16 : memref<!tpu.dma_semaphore, #tpu.memory_space<semaphore_mem>>)
      %dma_start3A_183 = arith.constant 3 : i32
      %dma_start3A_184 = arith.constant 0 : i32
      %dma_start3A_185 = tpu.memref_slice %arg7[%dma_start3A_183, %dma_start3A_184] : memref<10x100xi32, #tpu.memory_space<vmem>> -> memref<1x100xi32, #tpu.memory_space<vmem>>
      %dma_start3A_186 = tpu.memref_squeeze %dma_start3A_185 : memref<1x100xi32, #tpu.memory_space<vmem>> -> memref<100xi32, #tpu.memory_space<vmem>>
      %dma_start3A_187 = arith.constant 0 : i32
      %dma_start3A_188 = arith.constant 0 : i32
      %dma_start3A_189 = tpu.memref_slice %arg2[%arg0, %dma_start3A_187, %dma_start3A_188] : memref<2x10000x56xf32, #tpu.memory_space<hbm>> -> memref<1x10000x56xf32, #tpu.memory_space<hbm>>
      %dma_start3A_190 = tpu.memref_squeeze %dma_start3A_189 : memref<1x10000x56xf32, #tpu.memory_space<hbm>> -> memref<10000x56xf32, #tpu.memory_space<hbm>>
      %dma_start3A_191 = arith.constant 0 : i32
      %dma_start3A_192 = arith.constant 0 : i32
      %dma_start3A_193 = tpu.memref_slice %dma_start3A_190[%dma_start3A_191, %dma_start3A_192] : memref<10000x56xf32, #tpu.memory_space<hbm>> -> memref<10000x56xf32, #tpu.memory_space<hbm>>
      tpu.enqueue_indirect_dma source(%dma_start3A_193 : memref<10000x56xf32, #tpu.memory_space<hbm>>) target(%arg14 : memref<100x56xf32, #tpu.memory_space<vmem>>) offsets(%dma_start3A_186 : memref<100xi32, #tpu.memory_space<vmem>>) semaphore(%arg16 : memref<!tpu.dma_semaphore, #tpu.memory_space<semaphore_mem>>)
      %dma_wait3A_194 = arith.constant 0 : i32
      %dma_wait3A_195 = arith.constant 0 : i32
      %dma_wait3A_196 = tpu.memref_slice %arg7[%dma_wait3A_194, %dma_wait3A_195] : memref<10x100xi32, #tpu.memory_space<vmem>> -> memref<1x100xi32, #tpu.memory_space<vmem>>
      %dma_wait3A_197 = tpu.memref_squeeze %dma_wait3A_196 : memref<1x100xi32, #tpu.memory_space<vmem>> -> memref<100xi32, #tpu.memory_space<vmem>>
      %dma_wait3A_198 = arith.constant 0 : i32
      %dma_wait3A_199 = arith.constant 0 : i32
      %dma_wait3A_200 = tpu.memref_slice %arg2[%arg0, %dma_wait3A_198, %dma_wait3A_199] : memref<2x10000x56xf32, #tpu.memory_space<hbm>> -> memref<1x10000x56xf32, #tpu.memory_space<hbm>>
      %dma_wait3A_201 = tpu.memref_squeeze %dma_wait3A_200 : memref<1x10000x56xf32, #tpu.memory_space<hbm>> -> memref<10000x56xf32, #tpu.memory_space<hbm>>
      %dma_wait3A_202 = arith.constant 0 : i32
      %dma_wait3A_203 = arith.constant 0 : i32
      %dma_wait3A_204 = tpu.memref_slice %dma_wait3A_201[%dma_wait3A_202, %dma_wait3A_203] : memref<10000x56xf32, #tpu.memory_space<hbm>> -> memref<10000x56xf32, #tpu.memory_space<hbm>>
      tpu.wait_indirect_dma semaphore(%arg16 : memref<!tpu.dma_semaphore, #tpu.memory_space<semaphore_mem>>) src(%dma_wait3A_204 : memref<10000x56xf32, #tpu.memory_space<hbm>>) dst(%arg11 : memref<100x56xf32, #tpu.memory_space<vmem>>)
      %dma_wait3A_205 = arith.constant 1 : i32
      %dma_wait3A_206 = arith.constant 0 : i32
      %dma_wait3A_207 = tpu.memref_slice %arg7[%dma_wait3A_205, %dma_wait3A_206] : memref<10x100xi32, #tpu.memory_space<vmem>> -> memref<1x100xi32, #tpu.memory_space<vmem>>
      %dma_wait3A_208 = tpu.memref_squeeze %dma_wait3A_207 : memref<1x100xi32, #tpu.memory_space<vmem>> -> memref<100xi32, #tpu.memory_space<vmem>>
      %dma_wait3A_209 = arith.constant 0 : i32
      %dma_wait3A_210 = arith.constant 0 : i32
      %dma_wait3A_211 = tpu.memref_slice %arg2[%arg0, %dma_wait3A_209, %dma_wait3A_210] : memref<2x10000x56xf32, #tpu.memory_space<hbm>> -> memref<1x10000x56xf32, #tpu.memory_space<hbm>>
      %dma_wait3A_212 = tpu.memref_squeeze %dma_wait3A_211 : memref<1x10000x56xf32, #tpu.memory_space<hbm>> -> memref<10000x56xf32, #tpu.memory_space<hbm>>
      %dma_wait3A_213 = arith.constant 0 : i32
      %dma_wait3A_214 = arith.constant 0 : i32
      %dma_wait3A_215 = tpu.memref_slice %dma_wait3A_212[%dma_wait3A_213, %dma_wait3A_214] : memref<10000x56xf32, #tpu.memory_space<hbm>> -> memref<10000x56xf32, #tpu.memory_space<hbm>>
      tpu.wait_indirect_dma semaphore(%arg16 : memref<!tpu.dma_semaphore, #tpu.memory_space<semaphore_mem>>) src(%dma_wait3A_215 : memref<10000x56xf32, #tpu.memory_space<hbm>>) dst(%arg12 : memref<100x56xf32, #tpu.memory_space<vmem>>)
      %dma_start3A_216 = arith.constant 0 : i32
      %dma_start3A_217 = arith.constant 0 : i32
      %dma_start3A_218 = tpu.memref_slice %arg8[%dma_start3A_216, %dma_start3A_217] : memref<10x100xi32, #tpu.memory_space<vmem>> -> memref<1x100xi32, #tpu.memory_space<vmem>>
      %dma_start3A_219 = tpu.memref_squeeze %dma_start3A_218 : memref<1x100xi32, #tpu.memory_space<vmem>> -> memref<100xi32, #tpu.memory_space<vmem>>
      %dma_start3A_220 = arith.constant 0 : i32
      %dma_start3A_221 = arith.constant 0 : i32
      %dma_start3A_222 = tpu.memref_slice %arg15[%dma_start3A_220, %dma_start3A_221] : memref<10000x56xf32, #tpu.memory_space<vmem_shared>> -> memref<10000x56xf32, #tpu.memory_space<vmem_shared>>
      tpu.enqueue_indirect_dma source(%arg11 : memref<100x56xf32, #tpu.memory_space<vmem>>) target(%dma_start3A_222 : memref<10000x56xf32, #tpu.memory_space<vmem_shared>>) offsets(%dma_start3A_219 : memref<100xi32, #tpu.memory_space<vmem>>) semaphore(%arg17 : memref<!tpu.dma_semaphore, #tpu.memory_space<semaphore_mem>>) {add = true}
      %dma_start3A_223 = arith.constant 1 : i32
      %dma_start3A_224 = arith.constant 0 : i32
      %dma_start3A_225 = tpu.memref_slice %arg8[%dma_start3A_223, %dma_start3A_224] : memref<10x100xi32, #tpu.memory_space<vmem>> -> memref<1x100xi32, #tpu.memory_space<vmem>>
      %dma_start3A_226 = tpu.memref_squeeze %dma_start3A_225 : memref<1x100xi32, #tpu.memory_space<vmem>> -> memref<100xi32, #tpu.memory_space<vmem>>
      %dma_start3A_227 = arith.constant 0 : i32
      %dma_start3A_228 = arith.constant 0 : i32
      %dma_start3A_229 = tpu.memref_slice %arg15[%dma_start3A_227, %dma_start3A_228] : memref<10000x56xf32, #tpu.memory_space<vmem_shared>> -> memref<10000x56xf32, #tpu.memory_space<vmem_shared>>
      tpu.enqueue_indirect_dma source(%arg12 : memref<100x56xf32, #tpu.memory_space<vmem>>) target(%dma_start3A_229 : memref<10000x56xf32, #tpu.memory_space<vmem_shared>>) offsets(%dma_start3A_226 : memref<100xi32, #tpu.memory_space<vmem>>) semaphore(%arg17 : memref<!tpu.dma_semaphore, #tpu.memory_space<semaphore_mem>>) {add = true}
      %dma_start3A_230 = arith.constant 4 : i32
      %dma_start3A_231 = arith.constant 0 : i32
      %dma_start3A_232 = tpu.memref_slice %arg7[%dma_start3A_230, %dma_start3A_231] : memref<10x100xi32, #tpu.memory_space<vmem>> -> memref<1x100xi32, #tpu.memory_space<vmem>>
      %dma_start3A_233 = tpu.memref_squeeze %dma_start3A_232 : memref<1x100xi32, #tpu.memory_space<vmem>> -> memref<100xi32, #tpu.memory_space<vmem>>
      %dma_start3A_234 = arith.constant 0 : i32
      %dma_start3A_235 = arith.constant 0 : i32
      %dma_start3A_236 = tpu.memref_slice %arg2[%arg0, %dma_start3A_234, %dma_start3A_235] : memref<2x10000x56xf32, #tpu.memory_space<hbm>> -> memref<1x10000x56xf32, #tpu.memory_space<hbm>>
      %dma_start3A_237 = tpu.memref_squeeze %dma_start3A_236 : memref<1x10000x56xf32, #tpu.memory_space<hbm>> -> memref<10000x56xf32, #tpu.memory_space<hbm>>
      %dma_start3A_238 = arith.constant 0 : i32
      %dma_start3A_239 = arith.constant 0 : i32
      %dma_start3A_240 = tpu.memref_slice %dma_start3A_237[%dma_start3A_238, %dma_start3A_239] : memref<10000x56xf32, #tpu.memory_space<hbm>> -> memref<10000x56xf32, #tpu.memory_space<hbm>>
      tpu.enqueue_indirect_dma source(%dma_start3A_240 : memref<10000x56xf32, #tpu.memory_space<hbm>>) target(%arg11 : memref<100x56xf32, #tpu.memory_space<vmem>>) offsets(%dma_start3A_233 : memref<100xi32, #tpu.memory_space<vmem>>) semaphore(%arg16 : memref<!tpu.dma_semaphore, #tpu.memory_space<semaphore_mem>>)
      %dma_start3A_241 = arith.constant 5 : i32
      %dma_start3A_242 = arith.constant 0 : i32
      %dma_start3A_243 = tpu.memref_slice %arg7[%dma_start3A_241, %dma_start3A_242] : memref<10x100xi32, #tpu.memory_space<vmem>> -> memref<1x100xi32, #tpu.memory_space<vmem>>
      %dma_start3A_244 = tpu.memref_squeeze %dma_start3A_243 : memref<1x100xi32, #tpu.memory_space<vmem>> -> memref<100xi32, #tpu.memory_space<vmem>>
      %dma_start3A_245 = arith.constant 0 : i32
      %dma_start3A_246 = arith.constant 0 : i32
      %dma_start3A_247 = tpu.memref_slice %arg2[%arg0, %dma_start3A_245, %dma_start3A_246] : memref<2x10000x56xf32, #tpu.memory_space<hbm>> -> memref<1x10000x56xf32, #tpu.memory_space<hbm>>
      %dma_start3A_248 = tpu.memref_squeeze %dma_start3A_247 : memref<1x10000x56xf32, #tpu.memory_space<hbm>> -> memref<10000x56xf32, #tpu.memory_space<hbm>>
      %dma_start3A_249 = arith.constant 0 : i32
      %dma_start3A_250 = arith.constant 0 : i32
      %dma_start3A_251 = tpu.memref_slice %dma_start3A_248[%dma_start3A_249, %dma_start3A_250] : memref<10000x56xf32, #tpu.memory_space<hbm>> -> memref<10000x56xf32, #tpu.memory_space<hbm>>
      tpu.enqueue_indirect_dma source(%dma_start3A_251 : memref<10000x56xf32, #tpu.memory_space<hbm>>) target(%arg12 : memref<100x56xf32, #tpu.memory_space<vmem>>) offsets(%dma_start3A_244 : memref<100xi32, #tpu.memory_space<vmem>>) semaphore(%arg16 : memref<!tpu.dma_semaphore, #tpu.memory_space<semaphore_mem>>)
      %dma_wait3A_252 = arith.constant 2 : i32
      %dma_wait3A_253 = arith.constant 0 : i32
      %dma_wait3A_254 = tpu.memref_slice %arg7[%dma_wait3A_252, %dma_wait3A_253] : memref<10x100xi32, #tpu.memory_space<vmem>> -> memref<1x100xi32, #tpu.memory_space<vmem>>
      %dma_wait3A_255 = tpu.memref_squeeze %dma_wait3A_254 : memref<1x100xi32, #tpu.memory_space<vmem>> -> memref<100xi32, #tpu.memory_space<vmem>>
      %dma_wait3A_256 = arith.constant 0 : i32
      %dma_wait3A_257 = arith.constant 0 : i32
      %dma_wait3A_258 = tpu.memref_slice %arg2[%arg0, %dma_wait3A_256, %dma_wait3A_257] : memref<2x10000x56xf32, #tpu.memory_space<hbm>> -> memref<1x10000x56xf32, #tpu.memory_space<hbm>>
      %dma_wait3A_259 = tpu.memref_squeeze %dma_wait3A_258 : memref<1x10000x56xf32, #tpu.memory_space<hbm>> -> memref<10000x56xf32, #tpu.memory_space<hbm>>
      %dma_wait3A_260 = arith.constant 0 : i32
      %dma_wait3A_261 = arith.constant 0 : i32
      %dma_wait3A_262 = tpu.memref_slice %dma_wait3A_259[%dma_wait3A_260, %dma_wait3A_261] : memref<10000x56xf32, #tpu.memory_space<hbm>> -> memref<10000x56xf32, #tpu.memory_space<hbm>>
      tpu.wait_indirect_dma semaphore(%arg16 : memref<!tpu.dma_semaphore, #tpu.memory_space<semaphore_mem>>) src(%dma_wait3A_262 : memref<10000x56xf32, #tpu.memory_space<hbm>>) dst(%arg13 : memref<100x56xf32, #tpu.memory_space<vmem>>)
      %dma_wait3A_263 = arith.constant 3 : i32
      %dma_wait3A_264 = arith.constant 0 : i32
      %dma_wait3A_265 = tpu.memref_slice %arg7[%dma_wait3A_263, %dma_wait3A_264] : memref<10x100xi32, #tpu.memory_space<vmem>> -> memref<1x100xi32, #tpu.memory_space<vmem>>
      %dma_wait3A_266 = tpu.memref_squeeze %dma_wait3A_265 : memref<1x100xi32, #tpu.memory_space<vmem>> -> memref<100xi32, #tpu.memory_space<vmem>>
      %dma_wait3A_267 = arith.constant 0 : i32
      %dma_wait3A_268 = arith.constant 0 : i32
      %dma_wait3A_269 = tpu.memref_slice %arg2[%arg0, %dma_wait3A_267, %dma_wait3A_268] : memref<2x10000x56xf32, #tpu.memory_space<hbm>> -> memref<1x10000x56xf32, #tpu.memory_space<hbm>>
      %dma_wait3A_270 = tpu.memref_squeeze %dma_wait3A_269 : memref<1x10000x56xf32, #tpu.memory_space<hbm>> -> memref<10000x56xf32, #tpu.memory_space<hbm>>
      %dma_wait3A_271 = arith.constant 0 : i32
      %dma_wait3A_272 = arith.constant 0 : i32
      %dma_wait3A_273 = tpu.memref_slice %dma_wait3A_270[%dma_wait3A_271, %dma_wait3A_272] : memref<10000x56xf32, #tpu.memory_space<hbm>> -> memref<10000x56xf32, #tpu.memory_space<hbm>>
      tpu.wait_indirect_dma semaphore(%arg16 : memref<!tpu.dma_semaphore, #tpu.memory_space<semaphore_mem>>) src(%dma_wait3A_273 : memref<10000x56xf32, #tpu.memory_space<hbm>>) dst(%arg14 : memref<100x56xf32, #tpu.memory_space<vmem>>)
      %dma_start3A_274 = arith.constant 2 : i32
      %dma_start3A_275 = arith.constant 0 : i32
      %dma_start3A_276 = tpu.memref_slice %arg8[%dma_start3A_274, %dma_start3A_275] : memref<10x100xi32, #tpu.memory_space<vmem>> -> memref<1x100xi32, #tpu.memory_space<vmem>>
      %dma_start3A_277 = tpu.memref_squeeze %dma_start3A_276 : memref<1x100xi32, #tpu.memory_space<vmem>> -> memref<100xi32, #tpu.memory_space<vmem>>
      %dma_start3A_278 = arith.constant 0 : i32
      %dma_start3A_279 = arith.constant 0 : i32
      %dma_start3A_280 = tpu.memref_slice %arg15[%dma_start3A_278, %dma_start3A_279] : memref<10000x56xf32, #tpu.memory_space<vmem_shared>> -> memref<10000x56xf32, #tpu.memory_space<vmem_shared>>
      tpu.enqueue_indirect_dma source(%arg13 : memref<100x56xf32, #tpu.memory_space<vmem>>) target(%dma_start3A_280 : memref<10000x56xf32, #tpu.memory_space<vmem_shared>>) offsets(%dma_start3A_277 : memref<100xi32, #tpu.memory_space<vmem>>) semaphore(%arg17 : memref<!tpu.dma_semaphore, #tpu.memory_space<semaphore_mem>>) {add = true}
      %dma_start3A_281 = arith.constant 3 : i32
      %dma_start3A_282 = arith.constant 0 : i32
      %dma_start3A_283 = tpu.memref_slice %arg8[%dma_start3A_281, %dma_start3A_282] : memref<10x100xi32, #tpu.memory_space<vmem>> -> memref<1x100xi32, #tpu.memory_space<vmem>>
      %dma_start3A_284 = tpu.memref_squeeze %dma_start3A_283 : memref<1x100xi32, #tpu.memory_space<vmem>> -> memref<100xi32, #tpu.memory_space<vmem>>
      %dma_start3A_285 = arith.constant 0 : i32
      %dma_start3A_286 = arith.constant 0 : i32
      %dma_start3A_287 = tpu.memref_slice %arg15[%dma_start3A_285, %dma_start3A_286] : memref<10000x56xf32, #tpu.memory_space<vmem_shared>> -> memref<10000x56xf32, #tpu.memory_space<vmem_shared>>
      tpu.enqueue_indirect_dma source(%arg14 : memref<100x56xf32, #tpu.memory_space<vmem>>) target(%dma_start3A_287 : memref<10000x56xf32, #tpu.memory_space<vmem_shared>>) offsets(%dma_start3A_284 : memref<100xi32, #tpu.memory_space<vmem>>) semaphore(%arg17 : memref<!tpu.dma_semaphore, #tpu.memory_space<semaphore_mem>>) {add = true}
      %dma_wait3A_288 = arith.constant 0 : i32
      %dma_wait3A_289 = arith.constant 0 : i32
      %dma_wait3A_290 = tpu.memref_slice %arg8[%dma_wait3A_288, %dma_wait3A_289] : memref<10x100xi32, #tpu.memory_space<vmem>> -> memref<1x100xi32, #tpu.memory_space<vmem>>
      %dma_wait3A_291 = tpu.memref_squeeze %dma_wait3A_290 : memref<1x100xi32, #tpu.memory_space<vmem>> -> memref<100xi32, #tpu.memory_space<vmem>>
      %dma_wait3A_292 = arith.constant 0 : i32
      %dma_wait3A_293 = arith.constant 0 : i32
      %dma_wait3A_294 = tpu.memref_slice %arg15[%dma_wait3A_292, %dma_wait3A_293] : memref<10000x56xf32, #tpu.memory_space<vmem_shared>> -> memref<10000x56xf32, #tpu.memory_space<vmem_shared>>
      tpu.wait_indirect_dma semaphore(%arg17 : memref<!tpu.dma_semaphore, #tpu.memory_space<semaphore_mem>>) src(%arg11 : memref<100x56xf32, #tpu.memory_space<vmem>>) dst(%dma_wait3A_294 : memref<10000x56xf32, #tpu.memory_space<vmem_shared>>)
      %dma_wait3A_295 = arith.constant 1 : i32
      %dma_wait3A_296 = arith.constant 0 : i32
      %dma_wait3A_297 = tpu.memref_slice %arg8[%dma_wait3A_295, %dma_wait3A_296] : memref<10x100xi32, #tpu.memory_space<vmem>> -> memref<1x100xi32, #tpu.memory_space<vmem>>
      %dma_wait3A_298 = tpu.memref_squeeze %dma_wait3A_297 : memref<1x100xi32, #tpu.memory_space<vmem>> -> memref<100xi32, #tpu.memory_space<vmem>>
      %dma_wait3A_299 = arith.constant 0 : i32
      %dma_wait3A_300 = arith.constant 0 : i32
      %dma_wait3A_301 = tpu.memref_slice %arg15[%dma_wait3A_299, %dma_wait3A_300] : memref<10000x56xf32, #tpu.memory_space<vmem_shared>> -> memref<10000x56xf32, #tpu.memory_space<vmem_shared>>
      tpu.wait_indirect_dma semaphore(%arg17 : memref<!tpu.dma_semaphore, #tpu.memory_space<semaphore_mem>>) src(%arg12 : memref<100x56xf32, #tpu.memory_space<vmem>>) dst(%dma_wait3A_301 : memref<10000x56xf32, #tpu.memory_space<vmem_shared>>)
      %dma_start3A_302 = arith.constant 6 : i32
      %dma_start3A_303 = arith.constant 0 : i32
      %dma_start3A_304 = tpu.memref_slice %arg7[%dma_start3A_302, %dma_start3A_303] : memref<10x100xi32, #tpu.memory_space<vmem>> -> memref<1x100xi32, #tpu.memory_space<vmem>>
      %dma_start3A_305 = tpu.memref_squeeze %dma_start3A_304 : memref<1x100xi32, #tpu.memory_space<vmem>> -> memref<100xi32, #tpu.memory_space<vmem>>
      %dma_start3A_306 = arith.constant 0 : i32
      %dma_start3A_307 = arith.constant 0 : i32
      %dma_start3A_308 = tpu.memref_slice %arg2[%arg0, %dma_start3A_306, %dma_start3A_307] : memref<2x10000x56xf32, #tpu.memory_space<hbm>> -> memref<1x10000x56xf32, #tpu.memory_space<hbm>>
      %dma_start3A_309 = tpu.memref_squeeze %dma_start3A_308 : memref<1x10000x56xf32, #tpu.memory_space<hbm>> -> memref<10000x56xf32, #tpu.memory_space<hbm>>
      %dma_start3A_310 = arith.constant 0 : i32
      %dma_start3A_311 = arith.constant 0 : i32
      %dma_start3A_312 = tpu.memref_slice %dma_start3A_309[%dma_start3A_310, %dma_start3A_311] : memref<10000x56xf32, #tpu.memory_space<hbm>> -> memref<10000x56xf32, #tpu.memory_space<hbm>>
      tpu.enqueue_indirect_dma source(%dma_start3A_312 : memref<10000x56xf32, #tpu.memory_space<hbm>>) target(%arg13 : memref<100x56xf32, #tpu.memory_space<vmem>>) offsets(%dma_start3A_305 : memref<100xi32, #tpu.memory_space<vmem>>) semaphore(%arg16 : memref<!tpu.dma_semaphore, #tpu.memory_space<semaphore_mem>>)
      %dma_start3A_313 = arith.constant 7 : i32
      %dma_start3A_314 = arith.constant 0 : i32
      %dma_start3A_315 = tpu.memref_slice %arg7[%dma_start3A_313, %dma_start3A_314] : memref<10x100xi32, #tpu.memory_space<vmem>> -> memref<1x100xi32, #tpu.memory_space<vmem>>
      %dma_start3A_316 = tpu.memref_squeeze %dma_start3A_315 : memref<1x100xi32, #tpu.memory_space<vmem>> -> memref<100xi32, #tpu.memory_space<vmem>>
      %dma_start3A_317 = arith.constant 0 : i32
      %dma_start3A_318 = arith.constant 0 : i32
      %dma_start3A_319 = tpu.memref_slice %arg2[%arg0, %dma_start3A_317, %dma_start3A_318] : memref<2x10000x56xf32, #tpu.memory_space<hbm>> -> memref<1x10000x56xf32, #tpu.memory_space<hbm>>
      %dma_start3A_320 = tpu.memref_squeeze %dma_start3A_319 : memref<1x10000x56xf32, #tpu.memory_space<hbm>> -> memref<10000x56xf32, #tpu.memory_space<hbm>>
      %dma_start3A_321 = arith.constant 0 : i32
      %dma_start3A_322 = arith.constant 0 : i32
      %dma_start3A_323 = tpu.memref_slice %dma_start3A_320[%dma_start3A_321, %dma_start3A_322] : memref<10000x56xf32, #tpu.memory_space<hbm>> -> memref<10000x56xf32, #tpu.memory_space<hbm>>
      tpu.enqueue_indirect_dma source(%dma_start3A_323 : memref<10000x56xf32, #tpu.memory_space<hbm>>) target(%arg14 : memref<100x56xf32, #tpu.memory_space<vmem>>) offsets(%dma_start3A_316 : memref<100xi32, #tpu.memory_space<vmem>>) semaphore(%arg16 : memref<!tpu.dma_semaphore, #tpu.memory_space<semaphore_mem>>)
      %dma_wait3A_324 = arith.constant 4 : i32
      %dma_wait3A_325 = arith.constant 0 : i32
      %dma_wait3A_326 = tpu.memref_slice %arg7[%dma_wait3A_324, %dma_wait3A_325] : memref<10x100xi32, #tpu.memory_space<vmem>> -> memref<1x100xi32, #tpu.memory_space<vmem>>
      %dma_wait3A_327 = tpu.memref_squeeze %dma_wait3A_326 : memref<1x100xi32, #tpu.memory_space<vmem>> -> memref<100xi32, #tpu.memory_space<vmem>>
      %dma_wait3A_328 = arith.constant 0 : i32
      %dma_wait3A_329 = arith.constant 0 : i32
      %dma_wait3A_330 = tpu.memref_slice %arg2[%arg0, %dma_wait3A_328, %dma_wait3A_329] : memref<2x10000x56xf32, #tpu.memory_space<hbm>> -> memref<1x10000x56xf32, #tpu.memory_space<hbm>>
      %dma_wait3A_331 = tpu.memref_squeeze %dma_wait3A_330 : memref<1x10000x56xf32, #tpu.memory_space<hbm>> -> memref<10000x56xf32, #tpu.memory_space<hbm>>
      %dma_wait3A_332 = arith.constant 0 : i32
      %dma_wait3A_333 = arith.constant 0 : i32
      %dma_wait3A_334 = tpu.memref_slice %dma_wait3A_331[%dma_wait3A_332, %dma_wait3A_333] : memref<10000x56xf32, #tpu.memory_space<hbm>> -> memref<10000x56xf32, #tpu.memory_space<hbm>>
      tpu.wait_indirect_dma semaphore(%arg16 : memref<!tpu.dma_semaphore, #tpu.memory_space<semaphore_mem>>) src(%dma_wait3A_334 : memref<10000x56xf32, #tpu.memory_space<hbm>>) dst(%arg11 : memref<100x56xf32, #tpu.memory_space<vmem>>)
      %dma_wait3A_335 = arith.constant 5 : i32
      %dma_wait3A_336 = arith.constant 0 : i32
      %dma_wait3A_337 = tpu.memref_slice %arg7[%dma_wait3A_335, %dma_wait3A_336] : memref<10x100xi32, #tpu.memory_space<vmem>> -> memref<1x100xi32, #tpu.memory_space<vmem>>
      %dma_wait3A_338 = tpu.memref_squeeze %dma_wait3A_337 : memref<1x100xi32, #tpu.memory_space<vmem>> -> memref<100xi32, #tpu.memory_space<vmem>>
      %dma_wait3A_339 = arith.constant 0 : i32
      %dma_wait3A_340 = arith.constant 0 : i32
      %dma_wait3A_341 = tpu.memref_slice %arg2[%arg0, %dma_wait3A_339, %dma_wait3A_340] : memref<2x10000x56xf32, #tpu.memory_space<hbm>> -> memref<1x10000x56xf32, #tpu.memory_space<hbm>>
      %dma_wait3A_342 = tpu.memref_squeeze %dma_wait3A_341 : memref<1x10000x56xf32, #tpu.memory_space<hbm>> -> memref<10000x56xf32, #tpu.memory_space<hbm>>
      %dma_wait3A_343 = arith.constant 0 : i32
      %dma_wait3A_344 = arith.constant 0 : i32
      %dma_wait3A_345 = tpu.memref_slice %dma_wait3A_342[%dma_wait3A_343, %dma_wait3A_344] : memref<10000x56xf32, #tpu.memory_space<hbm>> -> memref<10000x56xf32, #tpu.memory_space<hbm>>
      tpu.wait_indirect_dma semaphore(%arg16 : memref<!tpu.dma_semaphore, #tpu.memory_space<semaphore_mem>>) src(%dma_wait3A_345 : memref<10000x56xf32, #tpu.memory_space<hbm>>) dst(%arg12 : memref<100x56xf32, #tpu.memory_space<vmem>>)
      %dma_start3A_346 = arith.constant 4 : i32
      %dma_start3A_347 = arith.constant 0 : i32
      %dma_start3A_348 = tpu.memref_slice %arg8[%dma_start3A_346, %dma_start3A_347] : memref<10x100xi32, #tpu.memory_space<vmem>> -> memref<1x100xi32, #tpu.memory_space<vmem>>
      %dma_start3A_349 = tpu.memref_squeeze %dma_start3A_348 : memref<1x100xi32, #tpu.memory_space<vmem>> -> memref<100xi32, #tpu.memory_space<vmem>>
      %dma_start3A_350 = arith.constant 0 : i32
      %dma_start3A_351 = arith.constant 0 : i32
      %dma_start3A_352 = tpu.memref_slice %arg15[%dma_start3A_350, %dma_start3A_351] : memref<10000x56xf32, #tpu.memory_space<vmem_shared>> -> memref<10000x56xf32, #tpu.memory_space<vmem_shared>>
      tpu.enqueue_indirect_dma source(%arg11 : memref<100x56xf32, #tpu.memory_space<vmem>>) target(%dma_start3A_352 : memref<10000x56xf32, #tpu.memory_space<vmem_shared>>) offsets(%dma_start3A_349 : memref<100xi32, #tpu.memory_space<vmem>>) semaphore(%arg17 : memref<!tpu.dma_semaphore, #tpu.memory_space<semaphore_mem>>) {add = true}
      %dma_start3A_353 = arith.constant 5 : i32
      %dma_start3A_354 = arith.constant 0 : i32
      %dma_start3A_355 = tpu.memref_slice %arg8[%dma_start3A_353, %dma_start3A_354] : memref<10x100xi32, #tpu.memory_space<vmem>> -> memref<1x100xi32, #tpu.memory_space<vmem>>
      %dma_start3A_356 = tpu.memref_squeeze %dma_start3A_355 : memref<1x100xi32, #tpu.memory_space<vmem>> -> memref<100xi32, #tpu.memory_space<vmem>>
      %dma_start3A_357 = arith.constant 0 : i32
      %dma_start3A_358 = arith.constant 0 : i32
      %dma_start3A_359 = tpu.memref_slice %arg15[%dma_start3A_357, %dma_start3A_358] : memref<10000x56xf32, #tpu.memory_space<vmem_shared>> -> memref<10000x56xf32, #tpu.memory_space<vmem_shared>>
      tpu.enqueue_indirect_dma source(%arg12 : memref<100x56xf32, #tpu.memory_space<vmem>>) target(%dma_start3A_359 : memref<10000x56xf32, #tpu.memory_space<vmem_shared>>) offsets(%dma_start3A_356 : memref<100xi32, #tpu.memory_space<vmem>>) semaphore(%arg17 : memref<!tpu.dma_semaphore, #tpu.memory_space<semaphore_mem>>) {add = true}
      %dma_wait3A_360 = arith.constant 2 : i32
      %dma_wait3A_361 = arith.constant 0 : i32
      %dma_wait3A_362 = tpu.memref_slice %arg8[%dma_wait3A_360, %dma_wait3A_361] : memref<10x100xi32, #tpu.memory_space<vmem>> -> memref<1x100xi32, #tpu.memory_space<vmem>>
      %dma_wait3A_363 = tpu.memref_squeeze %dma_wait3A_362 : memref<1x100xi32, #tpu.memory_space<vmem>> -> memref<100xi32, #tpu.memory_space<vmem>>
      %dma_wait3A_364 = arith.constant 0 : i32
      %dma_wait3A_365 = arith.constant 0 : i32
      %dma_wait3A_366 = tpu.memref_slice %arg15[%dma_wait3A_364, %dma_wait3A_365] : memref<10000x56xf32, #tpu.memory_space<vmem_shared>> -> memref<10000x56xf32, #tpu.memory_space<vmem_shared>>
      tpu.wait_indirect_dma semaphore(%arg17 : memref<!tpu.dma_semaphore, #tpu.memory_space<semaphore_mem>>) src(%arg13 : memref<100x56xf32, #tpu.memory_space<vmem>>) dst(%dma_wait3A_366 : memref<10000x56xf32, #tpu.memory_space<vmem_shared>>)
      %dma_wait3A_367 = arith.constant 3 : i32
      %dma_wait3A_368 = arith.constant 0 : i32
      %dma_wait3A_369 = tpu.memref_slice %arg8[%dma_wait3A_367, %dma_wait3A_368] : memref<10x100xi32, #tpu.memory_space<vmem>> -> memref<1x100xi32, #tpu.memory_space<vmem>>
      %dma_wait3A_370 = tpu.memref_squeeze %dma_wait3A_369 : memref<1x100xi32, #tpu.memory_space<vmem>> -> memref<100xi32, #tpu.memory_space<vmem>>
      %dma_wait3A_371 = arith.constant 0 : i32
      %dma_wait3A_372 = arith.constant 0 : i32
      %dma_wait3A_373 = tpu.memref_slice %arg15[%dma_wait3A_371, %dma_wait3A_372] : memref<10000x56xf32, #tpu.memory_space<vmem_shared>> -> memref<10000x56xf32, #tpu.memory_space<vmem_shared>>
      tpu.wait_indirect_dma semaphore(%arg17 : memref<!tpu.dma_semaphore, #tpu.memory_space<semaphore_mem>>) src(%arg14 : memref<100x56xf32, #tpu.memory_space<vmem>>) dst(%dma_wait3A_373 : memref<10000x56xf32, #tpu.memory_space<vmem_shared>>)
      %dma_start3A_374 = arith.constant 8 : i32
      %dma_start3A_375 = arith.constant 0 : i32
      %dma_start3A_376 = tpu.memref_slice %arg7[%dma_start3A_374, %dma_start3A_375] : memref<10x100xi32, #tpu.memory_space<vmem>> -> memref<1x100xi32, #tpu.memory_space<vmem>>
      %dma_start3A_377 = tpu.memref_squeeze %dma_start3A_376 : memref<1x100xi32, #tpu.memory_space<vmem>> -> memref<100xi32, #tpu.memory_space<vmem>>
      %dma_start3A_378 = arith.constant 0 : i32
      %dma_start3A_379 = arith.constant 0 : i32
      %dma_start3A_380 = tpu.memref_slice %arg2[%arg0, %dma_start3A_378, %dma_start3A_379] : memref<2x10000x56xf32, #tpu.memory_space<hbm>> -> memref<1x10000x56xf32, #tpu.memory_space<hbm>>
      %dma_start3A_381 = tpu.memref_squeeze %dma_start3A_380 : memref<1x10000x56xf32, #tpu.memory_space<hbm>> -> memref<10000x56xf32, #tpu.memory_space<hbm>>
      %dma_start3A_382 = arith.constant 0 : i32
      %dma_start3A_383 = arith.constant 0 : i32
      %dma_start3A_384 = tpu.memref_slice %dma_start3A_381[%dma_start3A_382, %dma_start3A_383] : memref<10000x56xf32, #tpu.memory_space<hbm>> -> memref<10000x56xf32, #tpu.memory_space<hbm>>
      tpu.enqueue_indirect_dma source(%dma_start3A_384 : memref<10000x56xf32, #tpu.memory_space<hbm>>) target(%arg11 : memref<100x56xf32, #tpu.memory_space<vmem>>) offsets(%dma_start3A_377 : memref<100xi32, #tpu.memory_space<vmem>>) semaphore(%arg16 : memref<!tpu.dma_semaphore, #tpu.memory_space<semaphore_mem>>)
      %dma_start3A_385 = arith.constant 9 : i32
      %dma_start3A_386 = arith.constant 0 : i32
      %dma_start3A_387 = tpu.memref_slice %arg7[%dma_start3A_385, %dma_start3A_386] : memref<10x100xi32, #tpu.memory_space<vmem>> -> memref<1x100xi32, #tpu.memory_space<vmem>>
      %dma_start3A_388 = tpu.memref_squeeze %dma_start3A_387 : memref<1x100xi32, #tpu.memory_space<vmem>> -> memref<100xi32, #tpu.memory_space<vmem>>
      %dma_start3A_389 = arith.constant 0 : i32
      %dma_start3A_390 = arith.constant 0 : i32
      %dma_start3A_391 = tpu.memref_slice %arg2[%arg0, %dma_start3A_389, %dma_start3A_390] : memref<2x10000x56xf32, #tpu.memory_space<hbm>> -> memref<1x10000x56xf32, #tpu.memory_space<hbm>>
      %dma_start3A_392 = tpu.memref_squeeze %dma_start3A_391 : memref<1x10000x56xf32, #tpu.memory_space<hbm>> -> memref<10000x56xf32, #tpu.memory_space<hbm>>
      %dma_start3A_393 = arith.constant 0 : i32
      %dma_start3A_394 = arith.constant 0 : i32
      %dma_start3A_395 = tpu.memref_slice %dma_start3A_392[%dma_start3A_393, %dma_start3A_394] : memref<10000x56xf32, #tpu.memory_space<hbm>> -> memref<10000x56xf32, #tpu.memory_space<hbm>>
      tpu.enqueue_indirect_dma source(%dma_start3A_395 : memref<10000x56xf32, #tpu.memory_space<hbm>>) target(%arg12 : memref<100x56xf32, #tpu.memory_space<vmem>>) offsets(%dma_start3A_388 : memref<100xi32, #tpu.memory_space<vmem>>) semaphore(%arg16 : memref<!tpu.dma_semaphore, #tpu.memory_space<semaphore_mem>>)
      %dma_wait3A_396 = arith.constant 6 : i32
      %dma_wait3A_397 = arith.constant 0 : i32
      %dma_wait3A_398 = tpu.memref_slice %arg7[%dma_wait3A_396, %dma_wait3A_397] : memref<10x100xi32, #tpu.memory_space<vmem>> -> memref<1x100xi32, #tpu.memory_space<vmem>>
      %dma_wait3A_399 = tpu.memref_squeeze %dma_wait3A_398 : memref<1x100xi32, #tpu.memory_space<vmem>> -> memref<100xi32, #tpu.memory_space<vmem>>
      %dma_wait3A_400 = arith.constant 0 : i32
      %dma_wait3A_401 = arith.constant 0 : i32
      %dma_wait3A_402 = tpu.memref_slice %arg2[%arg0, %dma_wait3A_400, %dma_wait3A_401] : memref<2x10000x56xf32, #tpu.memory_space<hbm>> -> memref<1x10000x56xf32, #tpu.memory_space<hbm>>
      %dma_wait3A_403 = tpu.memref_squeeze %dma_wait3A_402 : memref<1x10000x56xf32, #tpu.memory_space<hbm>> -> memref<10000x56xf32, #tpu.memory_space<hbm>>
      %dma_wait3A_404 = arith.constant 0 : i32
      %dma_wait3A_405 = arith.constant 0 : i32
      %dma_wait3A_406 = tpu.memref_slice %dma_wait3A_403[%dma_wait3A_404, %dma_wait3A_405] : memref<10000x56xf32, #tpu.memory_space<hbm>> -> memref<10000x56xf32, #tpu.memory_space<hbm>>
      tpu.wait_indirect_dma semaphore(%arg16 : memref<!tpu.dma_semaphore, #tpu.memory_space<semaphore_mem>>) src(%dma_wait3A_406 : memref<10000x56xf32, #tpu.memory_space<hbm>>) dst(%arg13 : memref<100x56xf32, #tpu.memory_space<vmem>>)
      %dma_wait3A_407 = arith.constant 7 : i32
      %dma_wait3A_408 = arith.constant 0 : i32
      %dma_wait3A_409 = tpu.memref_slice %arg7[%dma_wait3A_407, %dma_wait3A_408] : memref<10x100xi32, #tpu.memory_space<vmem>> -> memref<1x100xi32, #tpu.memory_space<vmem>>
      %dma_wait3A_410 = tpu.memref_squeeze %dma_wait3A_409 : memref<1x100xi32, #tpu.memory_space<vmem>> -> memref<100xi32, #tpu.memory_space<vmem>>
      %dma_wait3A_411 = arith.constant 0 : i32
      %dma_wait3A_412 = arith.constant 0 : i32
      %dma_wait3A_413 = tpu.memref_slice %arg2[%arg0, %dma_wait3A_411, %dma_wait3A_412] : memref<2x10000x56xf32, #tpu.memory_space<hbm>> -> memref<1x10000x56xf32, #tpu.memory_space<hbm>>
      %dma_wait3A_414 = tpu.memref_squeeze %dma_wait3A_413 : memref<1x10000x56xf32, #tpu.memory_space<hbm>> -> memref<10000x56xf32, #tpu.memory_space<hbm>>
      %dma_wait3A_415 = arith.constant 0 : i32
      %dma_wait3A_416 = arith.constant 0 : i32
      %dma_wait3A_417 = tpu.memref_slice %dma_wait3A_414[%dma_wait3A_415, %dma_wait3A_416] : memref<10000x56xf32, #tpu.memory_space<hbm>> -> memref<10000x56xf32, #tpu.memory_space<hbm>>
      tpu.wait_indirect_dma semaphore(%arg16 : memref<!tpu.dma_semaphore, #tpu.memory_space<semaphore_mem>>) src(%dma_wait3A_417 : memref<10000x56xf32, #tpu.memory_space<hbm>>) dst(%arg14 : memref<100x56xf32, #tpu.memory_space<vmem>>)
      %dma_start3A_418 = arith.constant 6 : i32
      %dma_start3A_419 = arith.constant 0 : i32
      %dma_start3A_420 = tpu.memref_slice %arg8[%dma_start3A_418, %dma_start3A_419] : memref<10x100xi32, #tpu.memory_space<vmem>> -> memref<1x100xi32, #tpu.memory_space<vmem>>
      %dma_start3A_421 = tpu.memref_squeeze %dma_start3A_420 : memref<1x100xi32, #tpu.memory_space<vmem>> -> memref<100xi32, #tpu.memory_space<vmem>>
      %dma_start3A_422 = arith.constant 0 : i32
      %dma_start3A_423 = arith.constant 0 : i32
      %dma_start3A_424 = tpu.memref_slice %arg15[%dma_start3A_422, %dma_start3A_423] : memref<10000x56xf32, #tpu.memory_space<vmem_shared>> -> memref<10000x56xf32, #tpu.memory_space<vmem_shared>>
      tpu.enqueue_indirect_dma source(%arg13 : memref<100x56xf32, #tpu.memory_space<vmem>>) target(%dma_start3A_424 : memref<10000x56xf32, #tpu.memory_space<vmem_shared>>) offsets(%dma_start3A_421 : memref<100xi32, #tpu.memory_space<vmem>>) semaphore(%arg17 : memref<!tpu.dma_semaphore, #tpu.memory_space<semaphore_mem>>) {add = true}
      %dma_start3A_425 = arith.constant 7 : i32
      %dma_start3A_426 = arith.constant 0 : i32
      %dma_start3A_427 = tpu.memref_slice %arg8[%dma_start3A_425, %dma_start3A_426] : memref<10x100xi32, #tpu.memory_space<vmem>> -> memref<1x100xi32, #tpu.memory_space<vmem>>
      %dma_start3A_428 = tpu.memref_squeeze %dma_start3A_427 : memref<1x100xi32, #tpu.memory_space<vmem>> -> memref<100xi32, #tpu.memory_space<vmem>>
      %dma_start3A_429 = arith.constant 0 : i32
      %dma_start3A_430 = arith.constant 0 : i32
      %dma_start3A_431 = tpu.memref_slice %arg15[%dma_start3A_429, %dma_start3A_430] : memref<10000x56xf32, #tpu.memory_space<vmem_shared>> -> memref<10000x56xf32, #tpu.memory_space<vmem_shared>>
      tpu.enqueue_indirect_dma source(%arg14 : memref<100x56xf32, #tpu.memory_space<vmem>>) target(%dma_start3A_431 : memref<10000x56xf32, #tpu.memory_space<vmem_shared>>) offsets(%dma_start3A_428 : memref<100xi32, #tpu.memory_space<vmem>>) semaphore(%arg17 : memref<!tpu.dma_semaphore, #tpu.memory_space<semaphore_mem>>) {add = true}
      %dma_wait3A_432 = arith.constant 4 : i32
      %dma_wait3A_433 = arith.constant 0 : i32
      %dma_wait3A_434 = tpu.memref_slice %arg8[%dma_wait3A_432, %dma_wait3A_433] : memref<10x100xi32, #tpu.memory_space<vmem>> -> memref<1x100xi32, #tpu.memory_space<vmem>>
      %dma_wait3A_435 = tpu.memref_squeeze %dma_wait3A_434 : memref<1x100xi32, #tpu.memory_space<vmem>> -> memref<100xi32, #tpu.memory_space<vmem>>
      %dma_wait3A_436 = arith.constant 0 : i32
      %dma_wait3A_437 = arith.constant 0 : i32
      %dma_wait3A_438 = tpu.memref_slice %arg15[%dma_wait3A_436, %dma_wait3A_437] : memref<10000x56xf32, #tpu.memory_space<vmem_shared>> -> memref<10000x56xf32, #tpu.memory_space<vmem_shared>>
      tpu.wait_indirect_dma semaphore(%arg17 : memref<!tpu.dma_semaphore, #tpu.memory_space<semaphore_mem>>) src(%arg11 : memref<100x56xf32, #tpu.memory_space<vmem>>) dst(%dma_wait3A_438 : memref<10000x56xf32, #tpu.memory_space<vmem_shared>>)
      %dma_wait3A_439 = arith.constant 5 : i32
      %dma_wait3A_440 = arith.constant 0 : i32
      %dma_wait3A_441 = tpu.memref_slice %arg8[%dma_wait3A_439, %dma_wait3A_440] : memref<10x100xi32, #tpu.memory_space<vmem>> -> memref<1x100xi32, #tpu.memory_space<vmem>>
      %dma_wait3A_442 = tpu.memref_squeeze %dma_wait3A_441 : memref<1x100xi32, #tpu.memory_space<vmem>> -> memref<100xi32, #tpu.memory_space<vmem>>
      %dma_wait3A_443 = arith.constant 0 : i32
      %dma_wait3A_444 = arith.constant 0 : i32
      %dma_wait3A_445 = tpu.memref_slice %arg15[%dma_wait3A_443, %dma_wait3A_444] : memref<10000x56xf32, #tpu.memory_space<vmem_shared>> -> memref<10000x56xf32, #tpu.memory_space<vmem_shared>>
      tpu.wait_indirect_dma semaphore(%arg17 : memref<!tpu.dma_semaphore, #tpu.memory_space<semaphore_mem>>) src(%arg12 : memref<100x56xf32, #tpu.memory_space<vmem>>) dst(%dma_wait3A_445 : memref<10000x56xf32, #tpu.memory_space<vmem_shared>>)
      %dma_wait3A_446 = arith.constant 8 : i32
      %dma_wait3A_447 = arith.constant 0 : i32
      %dma_wait3A_448 = tpu.memref_slice %arg7[%dma_wait3A_446, %dma_wait3A_447] : memref<10x100xi32, #tpu.memory_space<vmem>> -> memref<1x100xi32, #tpu.memory_space<vmem>>
      %dma_wait3A_449 = tpu.memref_squeeze %dma_wait3A_448 : memref<1x100xi32, #tpu.memory_space<vmem>> -> memref<100xi32, #tpu.memory_space<vmem>>
      %dma_wait3A_450 = arith.constant 0 : i32
      %dma_wait3A_451 = arith.constant 0 : i32
      %dma_wait3A_452 = tpu.memref_slice %arg2[%arg0, %dma_wait3A_450, %dma_wait3A_451] : memref<2x10000x56xf32, #tpu.memory_space<hbm>> -> memref<1x10000x56xf32, #tpu.memory_space<hbm>>
      %dma_wait3A_453 = tpu.memref_squeeze %dma_wait3A_452 : memref<1x10000x56xf32, #tpu.memory_space<hbm>> -> memref<10000x56xf32, #tpu.memory_space<hbm>>
      %dma_wait3A_454 = arith.constant 0 : i32
      %dma_wait3A_455 = arith.constant 0 : i32
      %dma_wait3A_456 = tpu.memref_slice %dma_wait3A_453[%dma_wait3A_454, %dma_wait3A_455] : memref<10000x56xf32, #tpu.memory_space<hbm>> -> memref<10000x56xf32, #tpu.memory_space<hbm>>
      tpu.wait_indirect_dma semaphore(%arg16 : memref<!tpu.dma_semaphore, #tpu.memory_space<semaphore_mem>>) src(%dma_wait3A_456 : memref<10000x56xf32, #tpu.memory_space<hbm>>) dst(%arg11 : memref<100x56xf32, #tpu.memory_space<vmem>>)
      %dma_wait3A_457 = arith.constant 9 : i32
      %dma_wait3A_458 = arith.constant 0 : i32
      %dma_wait3A_459 = tpu.memref_slice %arg7[%dma_wait3A_457, %dma_wait3A_458] : memref<10x100xi32, #tpu.memory_space<vmem>> -> memref<1x100xi32, #tpu.memory_space<vmem>>
      %dma_wait3A_460 = tpu.memref_squeeze %dma_wait3A_459 : memref<1x100xi32, #tpu.memory_space<vmem>> -> memref<100xi32, #tpu.memory_space<vmem>>
      %dma_wait3A_461 = arith.constant 0 : i32
      %dma_wait3A_462 = arith.constant 0 : i32
      %dma_wait3A_463 = tpu.memref_slice %arg2[%arg0, %dma_wait3A_461, %dma_wait3A_462] : memref<2x10000x56xf32, #tpu.memory_space<hbm>> -> memref<1x10000x56xf32, #tpu.memory_space<hbm>>
      %dma_wait3A_464 = tpu.memref_squeeze %dma_wait3A_463 : memref<1x10000x56xf32, #tpu.memory_space<hbm>> -> memref<10000x56xf32, #tpu.memory_space<hbm>>
      %dma_wait3A_465 = arith.constant 0 : i32
      %dma_wait3A_466 = arith.constant 0 : i32
      %dma_wait3A_467 = tpu.memref_slice %dma_wait3A_464[%dma_wait3A_465, %dma_wait3A_466] : memref<10000x56xf32, #tpu.memory_space<hbm>> -> memref<10000x56xf32, #tpu.memory_space<hbm>>
      tpu.wait_indirect_dma semaphore(%arg16 : memref<!tpu.dma_semaphore, #tpu.memory_space<semaphore_mem>>) src(%dma_wait3A_467 : memref<10000x56xf32, #tpu.memory_space<hbm>>) dst(%arg12 : memref<100x56xf32, #tpu.memory_space<vmem>>)
      %dma_start3A_468 = arith.constant 8 : i32
      %dma_start3A_469 = arith.constant 0 : i32
      %dma_start3A_470 = tpu.memref_slice %arg8[%dma_start3A_468, %dma_start3A_469] : memref<10x100xi32, #tpu.memory_space<vmem>> -> memref<1x100xi32, #tpu.memory_space<vmem>>
      %dma_start3A_471 = tpu.memref_squeeze %dma_start3A_470 : memref<1x100xi32, #tpu.memory_space<vmem>> -> memref<100xi32, #tpu.memory_space<vmem>>
      %dma_start3A_472 = arith.constant 0 : i32
      %dma_start3A_473 = arith.constant 0 : i32
      %dma_start3A_474 = tpu.memref_slice %arg15[%dma_start3A_472, %dma_start3A_473] : memref<10000x56xf32, #tpu.memory_space<vmem_shared>> -> memref<10000x56xf32, #tpu.memory_space<vmem_shared>>
      tpu.enqueue_indirect_dma source(%arg11 : memref<100x56xf32, #tpu.memory_space<vmem>>) target(%dma_start3A_474 : memref<10000x56xf32, #tpu.memory_space<vmem_shared>>) offsets(%dma_start3A_471 : memref<100xi32, #tpu.memory_space<vmem>>) semaphore(%arg17 : memref<!tpu.dma_semaphore, #tpu.memory_space<semaphore_mem>>) {add = true}
      %dma_start3A_475 = arith.constant 9 : i32
      %dma_start3A_476 = arith.constant 0 : i32
      %dma_start3A_477 = tpu.memref_slice %arg8[%dma_start3A_475, %dma_start3A_476] : memref<10x100xi32, #tpu.memory_space<vmem>> -> memref<1x100xi32, #tpu.memory_space<vmem>>
      %dma_start3A_478 = tpu.memref_squeeze %dma_start3A_477 : memref<1x100xi32, #tpu.memory_space<vmem>> -> memref<100xi32, #tpu.memory_space<vmem>>
      %dma_start3A_479 = arith.constant 0 : i32
      %dma_start3A_480 = arith.constant 0 : i32
      %dma_start3A_481 = tpu.memref_slice %arg15[%dma_start3A_479, %dma_start3A_480] : memref<10000x56xf32, #tpu.memory_space<vmem_shared>> -> memref<10000x56xf32, #tpu.memory_space<vmem_shared>>
      tpu.enqueue_indirect_dma source(%arg12 : memref<100x56xf32, #tpu.memory_space<vmem>>) target(%dma_start3A_481 : memref<10000x56xf32, #tpu.memory_space<vmem_shared>>) offsets(%dma_start3A_478 : memref<100xi32, #tpu.memory_space<vmem>>) semaphore(%arg17 : memref<!tpu.dma_semaphore, #tpu.memory_space<semaphore_mem>>) {add = true}
      %dma_wait3A_482 = arith.constant 6 : i32
      %dma_wait3A_483 = arith.constant 0 : i32
      %dma_wait3A_484 = tpu.memref_slice %arg8[%dma_wait3A_482, %dma_wait3A_483] : memref<10x100xi32, #tpu.memory_space<vmem>> -> memref<1x100xi32, #tpu.memory_space<vmem>>
      %dma_wait3A_485 = tpu.memref_squeeze %dma_wait3A_484 : memref<1x100xi32, #tpu.memory_space<vmem>> -> memref<100xi32, #tpu.memory_space<vmem>>
      %dma_wait3A_486 = arith.constant 0 : i32
      %dma_wait3A_487 = arith.constant 0 : i32
      %dma_wait3A_488 = tpu.memref_slice %arg15[%dma_wait3A_486, %dma_wait3A_487] : memref<10000x56xf32, #tpu.memory_space<vmem_shared>> -> memref<10000x56xf32, #tpu.memory_space<vmem_shared>>
      tpu.wait_indirect_dma semaphore(%arg17 : memref<!tpu.dma_semaphore, #tpu.memory_space<semaphore_mem>>) src(%arg13 : memref<100x56xf32, #tpu.memory_space<vmem>>) dst(%dma_wait3A_488 : memref<10000x56xf32, #tpu.memory_space<vmem_shared>>)
      %dma_wait3A_489 = arith.constant 7 : i32
      %dma_wait3A_490 = arith.constant 0 : i32
      %dma_wait3A_491 = tpu.memref_slice %arg8[%dma_wait3A_489, %dma_wait3A_490] : memref<10x100xi32, #tpu.memory_space<vmem>> -> memref<1x100xi32, #tpu.memory_space<vmem>>
      %dma_wait3A_492 = tpu.memref_squeeze %dma_wait3A_491 : memref<1x100xi32, #tpu.memory_space<vmem>> -> memref<100xi32, #tpu.memory_space<vmem>>
      %dma_wait3A_493 = arith.constant 0 : i32
      %dma_wait3A_494 = arith.constant 0 : i32
      %dma_wait3A_495 = tpu.memref_slice %arg15[%dma_wait3A_493, %dma_wait3A_494] : memref<10000x56xf32, #tpu.memory_space<vmem_shared>> -> memref<10000x56xf32, #tpu.memory_space<vmem_shared>>
      tpu.wait_indirect_dma semaphore(%arg17 : memref<!tpu.dma_semaphore, #tpu.memory_space<semaphore_mem>>) src(%arg14 : memref<100x56xf32, #tpu.memory_space<vmem>>) dst(%dma_wait3A_495 : memref<10000x56xf32, #tpu.memory_space<vmem_shared>>)
      %dma_wait3A_496 = arith.constant 8 : i32
      %dma_wait3A_497 = arith.constant 0 : i32
      %dma_wait3A_498 = tpu.memref_slice %arg8[%dma_wait3A_496, %dma_wait3A_497] : memref<10x100xi32, #tpu.memory_space<vmem>> -> memref<1x100xi32, #tpu.memory_space<vmem>>
      %dma_wait3A_499 = tpu.memref_squeeze %dma_wait3A_498 : memref<1x100xi32, #tpu.memory_space<vmem>> -> memref<100xi32, #tpu.memory_space<vmem>>
      %dma_wait3A_500 = arith.constant 0 : i32
      %dma_wait3A_501 = arith.constant 0 : i32
      %dma_wait3A_502 = tpu.memref_slice %arg15[%dma_wait3A_500, %dma_wait3A_501] : memref<10000x56xf32, #tpu.memory_space<vmem_shared>> -> memref<10000x56xf32, #tpu.memory_space<vmem_shared>>
      tpu.wait_indirect_dma semaphore(%arg17 : memref<!tpu.dma_semaphore, #tpu.memory_space<semaphore_mem>>) src(%arg11 : memref<100x56xf32, #tpu.memory_space<vmem>>) dst(%dma_wait3A_502 : memref<10000x56xf32, #tpu.memory_space<vmem_shared>>)
      %dma_wait3A_503 = arith.constant 9 : i32
      %dma_wait3A_504 = arith.constant 0 : i32
      %dma_wait3A_505 = tpu.memref_slice %arg8[%dma_wait3A_503, %dma_wait3A_504] : memref<10x100xi32, #tpu.memory_space<vmem>> -> memref<1x100xi32, #tpu.memory_space<vmem>>
      %dma_wait3A_506 = tpu.memref_squeeze %dma_wait3A_505 : memref<1x100xi32, #tpu.memory_space<vmem>> -> memref<100xi32, #tpu.memory_space<vmem>>
      %dma_wait3A_507 = arith.constant 0 : i32
      %dma_wait3A_508 = arith.constant 0 : i32
      %dma_wait3A_509 = tpu.memref_slice %arg15[%dma_wait3A_507, %dma_wait3A_508] : memref<10000x56xf32, #tpu.memory_space<vmem_shared>> -> memref<10000x56xf32, #tpu.memory_space<vmem_shared>>
      tpu.wait_indirect_dma semaphore(%arg17 : memref<!tpu.dma_semaphore, #tpu.memory_space<semaphore_mem>>) src(%arg12 : memref<100x56xf32, #tpu.memory_space<vmem>>) dst(%dma_wait3A_509 : memref<10000x56xf32, #tpu.memory_space<vmem_shared>>)
      %add3A_510 = arith.constant 1 : i32
      %add3A_511 = arith.addi %mul3A_126, %add3A_510 : i32
      %mul3A_512 = arith.constant 10 : i32
      %mul3A_513 = arith.muli %add3A_511, %mul3A_512 : i32
      %add3A_514 = arith.addi %mul3A_0, %mul3A_513 : i32
      %dma_wait3A_515 = arith.constant 0 : i32
      %dma_wait3A_516 = tpu.memref_slice %arg3[%add3A_514, %dma_wait3A_515] : memref<3200x100xi32, #tpu.memory_space<hbm>> -> memref<10x100xi32, #tpu.memory_space<hbm>>
      %dma_wait3A_517 = arith.constant 0 : i32
      %dma_wait3A_518 = tpu.memref_slice %arg3[%add3A_514, %dma_wait3A_517] : memref<3200x100xi32, #tpu.memory_space<hbm>> -> memref<10x100xi32, #tpu.memory_space<hbm>>
      tpu.wait_dma2 semaphore(%arg18 : memref<!tpu.dma_semaphore, #tpu.memory_space<semaphore_mem>>) src(%dma_wait3A_518 : memref<10x100xi32, #tpu.memory_space<hbm>>) dst(%arg9 : memref<10x100xi32, #tpu.memory_space<vmem>>)
      %dma_wait3A_519 = arith.constant 0 : i32
      %dma_wait3A_520 = tpu.memref_slice %arg4[%add3A_514, %dma_wait3A_519] : memref<3200x100xi32, #tpu.memory_space<hbm>> -> memref<10x100xi32, #tpu.memory_space<hbm>>
      %dma_wait3A_521 = arith.constant 0 : i32
      %dma_wait3A_522 = tpu.memref_slice %arg4[%add3A_514, %dma_wait3A_521] : memref<3200x100xi32, #tpu.memory_space<hbm>> -> memref<10x100xi32, #tpu.memory_space<hbm>>
      tpu.wait_dma2 semaphore(%arg18 : memref<!tpu.dma_semaphore, #tpu.memory_space<semaphore_mem>>) src(%dma_wait3A_522 : memref<10x100xi32, #tpu.memory_space<hbm>>) dst(%arg10 : memref<10x100xi32, #tpu.memory_space<vmem>>)
      %add3A_523 = arith.constant 2 : i32
      %add3A_524 = arith.addi %mul3A_126, %add3A_523 : i32
      %lt3A_525 = arith.constant 20 : i32
      %lt3A_526 = arith.cmpi slt, %add3A_524, %lt3A_525 : i32
      %convert_element_type3A_527 = arith.extui %lt3A_526 : i1 to i32
      %cond3A_528 = arith.constant 0 : i32
      %cond3A_529 = arith.cmpi ne, %convert_element_type3A_527, %cond3A_528 : i32
      scf.if %cond3A_529 {
        %add3A_890 = arith.constant 2 : i32
        %add3A_891 = arith.addi %mul3A_126, %add3A_890 : i32
        %mul3A_892 = arith.constant 10 : i32
        %mul3A_893 = arith.muli %add3A_891, %mul3A_892 : i32
        %add3A_894 = arith.addi %mul3A_0, %mul3A_893 : i32
        %dma_start3A_895 = arith.constant 0 : i32
        %dma_start3A_896 = tpu.memref_slice %arg3[%add3A_894, %dma_start3A_895] : memref<3200x100xi32, #tpu.memory_space<hbm>> -> memref<10x100xi32, #tpu.memory_space<hbm>>
        %dma_start3A_897 = arith.constant 0 : i32
        %dma_start3A_898 = tpu.memref_slice %arg3[%add3A_894, %dma_start3A_897] : memref<3200x100xi32, #tpu.memory_space<hbm>> -> memref<10x100xi32, #tpu.memory_space<hbm>>
        tpu.enqueue_dma source(%dma_start3A_898 : memref<10x100xi32, #tpu.memory_space<hbm>>) target(%arg7 : memref<10x100xi32, #tpu.memory_space<vmem>>) target_semaphore(%arg18 : memref<!tpu.dma_semaphore, #tpu.memory_space<semaphore_mem>>)
        %dma_start3A_899 = arith.constant 0 : i32
        %dma_start3A_900 = tpu.memref_slice %arg4[%add3A_894, %dma_start3A_899] : memref<3200x100xi32, #tpu.memory_space<hbm>> -> memref<10x100xi32, #tpu.memory_space<hbm>>
        %dma_start3A_901 = arith.constant 0 : i32
        %dma_start3A_902 = tpu.memref_slice %arg4[%add3A_894, %dma_start3A_901] : memref<3200x100xi32, #tpu.memory_space<hbm>> -> memref<10x100xi32, #tpu.memory_space<hbm>>
        tpu.enqueue_dma source(%dma_start3A_902 : memref<10x100xi32, #tpu.memory_space<hbm>>) target(%arg8 : memref<10x100xi32, #tpu.memory_space<vmem>>) target_semaphore(%arg18 : memref<!tpu.dma_semaphore, #tpu.memory_space<semaphore_mem>>)
      } else {
      }
      %dma_start3A_530 = arith.constant 0 : i32
      %dma_start3A_531 = arith.constant 0 : i32
      %dma_start3A_532 = tpu.memref_slice %arg9[%dma_start3A_530, %dma_start3A_531] : memref<10x100xi32, #tpu.memory_space<vmem>> -> memref<1x100xi32, #tpu.memory_space<vmem>>
      %dma_start3A_533 = tpu.memref_squeeze %dma_start3A_532 : memref<1x100xi32, #tpu.memory_space<vmem>> -> memref<100xi32, #tpu.memory_space<vmem>>
      %dma_start3A_534 = arith.constant 0 : i32
      %dma_start3A_535 = arith.constant 0 : i32
      %dma_start3A_536 = tpu.memref_slice %arg2[%arg0, %dma_start3A_534, %dma_start3A_535] : memref<2x10000x56xf32, #tpu.memory_space<hbm>> -> memref<1x10000x56xf32, #tpu.memory_space<hbm>>
      %dma_start3A_537 = tpu.memref_squeeze %dma_start3A_536 : memref<1x10000x56xf32, #tpu.memory_space<hbm>> -> memref<10000x56xf32, #tpu.memory_space<hbm>>
      %dma_start3A_538 = arith.constant 0 : i32
      %dma_start3A_539 = arith.constant 0 : i32
      %dma_start3A_540 = tpu.memref_slice %dma_start3A_537[%dma_start3A_538, %dma_start3A_539] : memref<10000x56xf32, #tpu.memory_space<hbm>> -> memref<10000x56xf32, #tpu.memory_space<hbm>>
      tpu.enqueue_indirect_dma source(%dma_start3A_540 : memref<10000x56xf32, #tpu.memory_space<hbm>>) target(%arg11 : memref<100x56xf32, #tpu.memory_space<vmem>>) offsets(%dma_start3A_533 : memref<100xi32, #tpu.memory_space<vmem>>) semaphore(%arg16 : memref<!tpu.dma_semaphore, #tpu.memory_space<semaphore_mem>>)
      %dma_start3A_541 = arith.constant 1 : i32
      %dma_start3A_542 = arith.constant 0 : i32
      %dma_start3A_543 = tpu.memref_slice %arg9[%dma_start3A_541, %dma_start3A_542] : memref<10x100xi32, #tpu.memory_space<vmem>> -> memref<1x100xi32, #tpu.memory_space<vmem>>
      %dma_start3A_544 = tpu.memref_squeeze %dma_start3A_543 : memref<1x100xi32, #tpu.memory_space<vmem>> -> memref<100xi32, #tpu.memory_space<vmem>>
      %dma_start3A_545 = arith.constant 0 : i32
      %dma_start3A_546 = arith.constant 0 : i32
      %dma_start3A_547 = tpu.memref_slice %arg2[%arg0, %dma_start3A_545, %dma_start3A_546] : memref<2x10000x56xf32, #tpu.memory_space<hbm>> -> memref<1x10000x56xf32, #tpu.memory_space<hbm>>
      %dma_start3A_548 = tpu.memref_squeeze %dma_start3A_547 : memref<1x10000x56xf32, #tpu.memory_space<hbm>> -> memref<10000x56xf32, #tpu.memory_space<hbm>>
      %dma_start3A_549 = arith.constant 0 : i32
      %dma_start3A_550 = arith.constant 0 : i32
      %dma_start3A_551 = tpu.memref_slice %dma_start3A_548[%dma_start3A_549, %dma_start3A_550] : memref<10000x56xf32, #tpu.memory_space<hbm>> -> memref<10000x56xf32, #tpu.memory_space<hbm>>
      tpu.enqueue_indirect_dma source(%dma_start3A_551 : memref<10000x56xf32, #tpu.memory_space<hbm>>) target(%arg12 : memref<100x56xf32, #tpu.memory_space<vmem>>) offsets(%dma_start3A_544 : memref<100xi32, #tpu.memory_space<vmem>>) semaphore(%arg16 : memref<!tpu.dma_semaphore, #tpu.memory_space<semaphore_mem>>)
      %dma_start3A_552 = arith.constant 2 : i32
      %dma_start3A_553 = arith.constant 0 : i32
      %dma_start3A_554 = tpu.memref_slice %arg9[%dma_start3A_552, %dma_start3A_553] : memref<10x100xi32, #tpu.memory_space<vmem>> -> memref<1x100xi32, #tpu.memory_space<vmem>>
      %dma_start3A_555 = tpu.memref_squeeze %dma_start3A_554 : memref<1x100xi32, #tpu.memory_space<vmem>> -> memref<100xi32, #tpu.memory_space<vmem>>
      %dma_start3A_556 = arith.constant 0 : i32
      %dma_start3A_557 = arith.constant 0 : i32
      %dma_start3A_558 = tpu.memref_slice %arg2[%arg0, %dma_start3A_556, %dma_start3A_557] : memref<2x10000x56xf32, #tpu.memory_space<hbm>> -> memref<1x10000x56xf32, #tpu.memory_space<hbm>>
      %dma_start3A_559 = tpu.memref_squeeze %dma_start3A_558 : memref<1x10000x56xf32, #tpu.memory_space<hbm>> -> memref<10000x56xf32, #tpu.memory_space<hbm>>
      %dma_start3A_560 = arith.constant 0 : i32
      %dma_start3A_561 = arith.constant 0 : i32
      %dma_start3A_562 = tpu.memref_slice %dma_start3A_559[%dma_start3A_560, %dma_start3A_561] : memref<10000x56xf32, #tpu.memory_space<hbm>> -> memref<10000x56xf32, #tpu.memory_space<hbm>>
      tpu.enqueue_indirect_dma source(%dma_start3A_562 : memref<10000x56xf32, #tpu.memory_space<hbm>>) target(%arg13 : memref<100x56xf32, #tpu.memory_space<vmem>>) offsets(%dma_start3A_555 : memref<100xi32, #tpu.memory_space<vmem>>) semaphore(%arg16 : memref<!tpu.dma_semaphore, #tpu.memory_space<semaphore_mem>>)
      %dma_start3A_563 = arith.constant 3 : i32
      %dma_start3A_564 = arith.constant 0 : i32
      %dma_start3A_565 = tpu.memref_slice %arg9[%dma_start3A_563, %dma_start3A_564] : memref<10x100xi32, #tpu.memory_space<vmem>> -> memref<1x100xi32, #tpu.memory_space<vmem>>
      %dma_start3A_566 = tpu.memref_squeeze %dma_start3A_565 : memref<1x100xi32, #tpu.memory_space<vmem>> -> memref<100xi32, #tpu.memory_space<vmem>>
      %dma_start3A_567 = arith.constant 0 : i32
      %dma_start3A_568 = arith.constant 0 : i32
      %dma_start3A_569 = tpu.memref_slice %arg2[%arg0, %dma_start3A_567, %dma_start3A_568] : memref<2x10000x56xf32, #tpu.memory_space<hbm>> -> memref<1x10000x56xf32, #tpu.memory_space<hbm>>
      %dma_start3A_570 = tpu.memref_squeeze %dma_start3A_569 : memref<1x10000x56xf32, #tpu.memory_space<hbm>> -> memref<10000x56xf32, #tpu.memory_space<hbm>>
      %dma_start3A_571 = arith.constant 0 : i32
      %dma_start3A_572 = arith.constant 0 : i32
      %dma_start3A_573 = tpu.memref_slice %dma_start3A_570[%dma_start3A_571, %dma_start3A_572] : memref<10000x56xf32, #tpu.memory_space<hbm>> -> memref<10000x56xf32, #tpu.memory_space<hbm>>
      tpu.enqueue_indirect_dma source(%dma_start3A_573 : memref<10000x56xf32, #tpu.memory_space<hbm>>) target(%arg14 : memref<100x56xf32, #tpu.memory_space<vmem>>) offsets(%dma_start3A_566 : memref<100xi32, #tpu.memory_space<vmem>>) semaphore(%arg16 : memref<!tpu.dma_semaphore, #tpu.memory_space<semaphore_mem>>)
      %dma_wait3A_574 = arith.constant 0 : i32
      %dma_wait3A_575 = arith.constant 0 : i32
      %dma_wait3A_576 = tpu.memref_slice %arg9[%dma_wait3A_574, %dma_wait3A_575] : memref<10x100xi32, #tpu.memory_space<vmem>> -> memref<1x100xi32, #tpu.memory_space<vmem>>
      %dma_wait3A_577 = tpu.memref_squeeze %dma_wait3A_576 : memref<1x100xi32, #tpu.memory_space<vmem>> -> memref<100xi32, #tpu.memory_space<vmem>>
      %dma_wait3A_578 = arith.constant 0 : i32
      %dma_wait3A_579 = arith.constant 0 : i32
      %dma_wait3A_580 = tpu.memref_slice %arg2[%arg0, %dma_wait3A_578, %dma_wait3A_579] : memref<2x10000x56xf32, #tpu.memory_space<hbm>> -> memref<1x10000x56xf32, #tpu.memory_space<hbm>>
      %dma_wait3A_581 = tpu.memref_squeeze %dma_wait3A_580 : memref<1x10000x56xf32, #tpu.memory_space<hbm>> -> memref<10000x56xf32, #tpu.memory_space<hbm>>
      %dma_wait3A_582 = arith.constant 0 : i32
      %dma_wait3A_583 = arith.constant 0 : i32
      %dma_wait3A_584 = tpu.memref_slice %dma_wait3A_581[%dma_wait3A_582, %dma_wait3A_583] : memref<10000x56xf32, #tpu.memory_space<hbm>> -> memref<10000x56xf32, #tpu.memory_space<hbm>>
      tpu.wait_indirect_dma semaphore(%arg16 : memref<!tpu.dma_semaphore, #tpu.memory_space<semaphore_mem>>) src(%dma_wait3A_584 : memref<10000x56xf32, #tpu.memory_space<hbm>>) dst(%arg11 : memref<100x56xf32, #tpu.memory_space<vmem>>)
      %dma_wait3A_585 = arith.constant 1 : i32
      %dma_wait3A_586 = arith.constant 0 : i32
      %dma_wait3A_587 = tpu.memref_slice %arg9[%dma_wait3A_585, %dma_wait3A_586] : memref<10x100xi32, #tpu.memory_space<vmem>> -> memref<1x100xi32, #tpu.memory_space<vmem>>
      %dma_wait3A_588 = tpu.memref_squeeze %dma_wait3A_587 : memref<1x100xi32, #tpu.memory_space<vmem>> -> memref<100xi32, #tpu.memory_space<vmem>>
      %dma_wait3A_589 = arith.constant 0 : i32
      %dma_wait3A_590 = arith.constant 0 : i32
      %dma_wait3A_591 = tpu.memref_slice %arg2[%arg0, %dma_wait3A_589, %dma_wait3A_590] : memref<2x10000x56xf32, #tpu.memory_space<hbm>> -> memref<1x10000x56xf32, #tpu.memory_space<hbm>>
      %dma_wait3A_592 = tpu.memref_squeeze %dma_wait3A_591 : memref<1x10000x56xf32, #tpu.memory_space<hbm>> -> memref<10000x56xf32, #tpu.memory_space<hbm>>
      %dma_wait3A_593 = arith.constant 0 : i32
      %dma_wait3A_594 = arith.constant 0 : i32
      %dma_wait3A_595 = tpu.memref_slice %dma_wait3A_592[%dma_wait3A_593, %dma_wait3A_594] : memref<10000x56xf32, #tpu.memory_space<hbm>> -> memref<10000x56xf32, #tpu.memory_space<hbm>>
      tpu.wait_indirect_dma semaphore(%arg16 : memref<!tpu.dma_semaphore, #tpu.memory_space<semaphore_mem>>) src(%dma_wait3A_595 : memref<10000x56xf32, #tpu.memory_space<hbm>>) dst(%arg12 : memref<100x56xf32, #tpu.memory_space<vmem>>)
      %dma_start3A_596 = arith.constant 0 : i32
      %dma_start3A_597 = arith.constant 0 : i32
      %dma_start3A_598 = tpu.memref_slice %arg10[%dma_start3A_596, %dma_start3A_597] : memref<10x100xi32, #tpu.memory_space<vmem>> -> memref<1x100xi32, #tpu.memory_space<vmem>>
      %dma_start3A_599 = tpu.memref_squeeze %dma_start3A_598 : memref<1x100xi32, #tpu.memory_space<vmem>> -> memref<100xi32, #tpu.memory_space<vmem>>
      %dma_start3A_600 = arith.constant 0 : i32
      %dma_start3A_601 = arith.constant 0 : i32
      %dma_start3A_602 = tpu.memref_slice %arg15[%dma_start3A_600, %dma_start3A_601] : memref<10000x56xf32, #tpu.memory_space<vmem_shared>> -> memref<10000x56xf32, #tpu.memory_space<vmem_shared>>
      tpu.enqueue_indirect_dma source(%arg11 : memref<100x56xf32, #tpu.memory_space<vmem>>) target(%dma_start3A_602 : memref<10000x56xf32, #tpu.memory_space<vmem_shared>>) offsets(%dma_start3A_599 : memref<100xi32, #tpu.memory_space<vmem>>) semaphore(%arg17 : memref<!tpu.dma_semaphore, #tpu.memory_space<semaphore_mem>>) {add = true}
      %dma_start3A_603 = arith.constant 1 : i32
      %dma_start3A_604 = arith.constant 0 : i32
      %dma_start3A_605 = tpu.memref_slice %arg10[%dma_start3A_603, %dma_start3A_604] : memref<10x100xi32, #tpu.memory_space<vmem>> -> memref<1x100xi32, #tpu.memory_space<vmem>>
      %dma_start3A_606 = tpu.memref_squeeze %dma_start3A_605 : memref<1x100xi32, #tpu.memory_space<vmem>> -> memref<100xi32, #tpu.memory_space<vmem>>
      %dma_start3A_607 = arith.constant 0 : i32
      %dma_start3A_608 = arith.constant 0 : i32
      %dma_start3A_609 = tpu.memref_slice %arg15[%dma_start3A_607, %dma_start3A_608] : memref<10000x56xf32, #tpu.memory_space<vmem_shared>> -> memref<10000x56xf32, #tpu.memory_space<vmem_shared>>
      tpu.enqueue_indirect_dma source(%arg12 : memref<100x56xf32, #tpu.memory_space<vmem>>) target(%dma_start3A_609 : memref<10000x56xf32, #tpu.memory_space<vmem_shared>>) offsets(%dma_start3A_606 : memref<100xi32, #tpu.memory_space<vmem>>) semaphore(%arg17 : memref<!tpu.dma_semaphore, #tpu.memory_space<semaphore_mem>>) {add = true}
      %dma_start3A_610 = arith.constant 4 : i32
      %dma_start3A_611 = arith.constant 0 : i32
      %dma_start3A_612 = tpu.memref_slice %arg9[%dma_start3A_610, %dma_start3A_611] : memref<10x100xi32, #tpu.memory_space<vmem>> -> memref<1x100xi32, #tpu.memory_space<vmem>>
      %dma_start3A_613 = tpu.memref_squeeze %dma_start3A_612 : memref<1x100xi32, #tpu.memory_space<vmem>> -> memref<100xi32, #tpu.memory_space<vmem>>
      %dma_start3A_614 = arith.constant 0 : i32
      %dma_start3A_615 = arith.constant 0 : i32
      %dma_start3A_616 = tpu.memref_slice %arg2[%arg0, %dma_start3A_614, %dma_start3A_615] : memref<2x10000x56xf32, #tpu.memory_space<hbm>> -> memref<1x10000x56xf32, #tpu.memory_space<hbm>>
      %dma_start3A_617 = tpu.memref_squeeze %dma_start3A_616 : memref<1x10000x56xf32, #tpu.memory_space<hbm>> -> memref<10000x56xf32, #tpu.memory_space<hbm>>
      %dma_start3A_618 = arith.constant 0 : i32
      %dma_start3A_619 = arith.constant 0 : i32
      %dma_start3A_620 = tpu.memref_slice %dma_start3A_617[%dma_start3A_618, %dma_start3A_619] : memref<10000x56xf32, #tpu.memory_space<hbm>> -> memref<10000x56xf32, #tpu.memory_space<hbm>>
      tpu.enqueue_indirect_dma source(%dma_start3A_620 : memref<10000x56xf32, #tpu.memory_space<hbm>>) target(%arg11 : memref<100x56xf32, #tpu.memory_space<vmem>>) offsets(%dma_start3A_613 : memref<100xi32, #tpu.memory_space<vmem>>) semaphore(%arg16 : memref<!tpu.dma_semaphore, #tpu.memory_space<semaphore_mem>>)
      %dma_start3A_621 = arith.constant 5 : i32
      %dma_start3A_622 = arith.constant 0 : i32
      %dma_start3A_623 = tpu.memref_slice %arg9[%dma_start3A_621, %dma_start3A_622] : memref<10x100xi32, #tpu.memory_space<vmem>> -> memref<1x100xi32, #tpu.memory_space<vmem>>
      %dma_start3A_624 = tpu.memref_squeeze %dma_start3A_623 : memref<1x100xi32, #tpu.memory_space<vmem>> -> memref<100xi32, #tpu.memory_space<vmem>>
      %dma_start3A_625 = arith.constant 0 : i32
      %dma_start3A_626 = arith.constant 0 : i32
      %dma_start3A_627 = tpu.memref_slice %arg2[%arg0, %dma_start3A_625, %dma_start3A_626] : memref<2x10000x56xf32, #tpu.memory_space<hbm>> -> memref<1x10000x56xf32, #tpu.memory_space<hbm>>
      %dma_start3A_628 = tpu.memref_squeeze %dma_start3A_627 : memref<1x10000x56xf32, #tpu.memory_space<hbm>> -> memref<10000x56xf32, #tpu.memory_space<hbm>>
      %dma_start3A_629 = arith.constant 0 : i32
      %dma_start3A_630 = arith.constant 0 : i32
      %dma_start3A_631 = tpu.memref_slice %dma_start3A_628[%dma_start3A_629, %dma_start3A_630] : memref<10000x56xf32, #tpu.memory_space<hbm>> -> memref<10000x56xf32, #tpu.memory_space<hbm>>
      tpu.enqueue_indirect_dma source(%dma_start3A_631 : memref<10000x56xf32, #tpu.memory_space<hbm>>) target(%arg12 : memref<100x56xf32, #tpu.memory_space<vmem>>) offsets(%dma_start3A_624 : memref<100xi32, #tpu.memory_space<vmem>>) semaphore(%arg16 : memref<!tpu.dma_semaphore, #tpu.memory_space<semaphore_mem>>)
      %dma_wait3A_632 = arith.constant 2 : i32
      %dma_wait3A_633 = arith.constant 0 : i32
      %dma_wait3A_634 = tpu.memref_slice %arg9[%dma_wait3A_632, %dma_wait3A_633] : memref<10x100xi32, #tpu.memory_space<vmem>> -> memref<1x100xi32, #tpu.memory_space<vmem>>
      %dma_wait3A_635 = tpu.memref_squeeze %dma_wait3A_634 : memref<1x100xi32, #tpu.memory_space<vmem>> -> memref<100xi32, #tpu.memory_space<vmem>>
      %dma_wait3A_636 = arith.constant 0 : i32
      %dma_wait3A_637 = arith.constant 0 : i32
      %dma_wait3A_638 = tpu.memref_slice %arg2[%arg0, %dma_wait3A_636, %dma_wait3A_637] : memref<2x10000x56xf32, #tpu.memory_space<hbm>> -> memref<1x10000x56xf32, #tpu.memory_space<hbm>>
      %dma_wait3A_639 = tpu.memref_squeeze %dma_wait3A_638 : memref<1x10000x56xf32, #tpu.memory_space<hbm>> -> memref<10000x56xf32, #tpu.memory_space<hbm>>
      %dma_wait3A_640 = arith.constant 0 : i32
      %dma_wait3A_641 = arith.constant 0 : i32
      %dma_wait3A_642 = tpu.memref_slice %dma_wait3A_639[%dma_wait3A_640, %dma_wait3A_641] : memref<10000x56xf32, #tpu.memory_space<hbm>> -> memref<10000x56xf32, #tpu.memory_space<hbm>>
      tpu.wait_indirect_dma semaphore(%arg16 : memref<!tpu.dma_semaphore, #tpu.memory_space<semaphore_mem>>) src(%dma_wait3A_642 : memref<10000x56xf32, #tpu.memory_space<hbm>>) dst(%arg13 : memref<100x56xf32, #tpu.memory_space<vmem>>)
      %dma_wait3A_643 = arith.constant 3 : i32
      %dma_wait3A_644 = arith.constant 0 : i32
      %dma_wait3A_645 = tpu.memref_slice %arg9[%dma_wait3A_643, %dma_wait3A_644] : memref<10x100xi32, #tpu.memory_space<vmem>> -> memref<1x100xi32, #tpu.memory_space<vmem>>
      %dma_wait3A_646 = tpu.memref_squeeze %dma_wait3A_645 : memref<1x100xi32, #tpu.memory_space<vmem>> -> memref<100xi32, #tpu.memory_space<vmem>>
      %dma_wait3A_647 = arith.constant 0 : i32
      %dma_wait3A_648 = arith.constant 0 : i32
      %dma_wait3A_649 = tpu.memref_slice %arg2[%arg0, %dma_wait3A_647, %dma_wait3A_648] : memref<2x10000x56xf32, #tpu.memory_space<hbm>> -> memref<1x10000x56xf32, #tpu.memory_space<hbm>>
      %dma_wait3A_650 = tpu.memref_squeeze %dma_wait3A_649 : memref<1x10000x56xf32, #tpu.memory_space<hbm>> -> memref<10000x56xf32, #tpu.memory_space<hbm>>
      %dma_wait3A_651 = arith.constant 0 : i32
      %dma_wait3A_652 = arith.constant 0 : i32
      %dma_wait3A_653 = tpu.memref_slice %dma_wait3A_650[%dma_wait3A_651, %dma_wait3A_652] : memref<10000x56xf32, #tpu.memory_space<hbm>> -> memref<10000x56xf32, #tpu.memory_space<hbm>>
      tpu.wait_indirect_dma semaphore(%arg16 : memref<!tpu.dma_semaphore, #tpu.memory_space<semaphore_mem>>) src(%dma_wait3A_653 : memref<10000x56xf32, #tpu.memory_space<hbm>>) dst(%arg14 : memref<100x56xf32, #tpu.memory_space<vmem>>)
      %dma_start3A_654 = arith.constant 2 : i32
      %dma_start3A_655 = arith.constant 0 : i32
      %dma_start3A_656 = tpu.memref_slice %arg10[%dma_start3A_654, %dma_start3A_655] : memref<10x100xi32, #tpu.memory_space<vmem>> -> memref<1x100xi32, #tpu.memory_space<vmem>>
      %dma_start3A_657 = tpu.memref_squeeze %dma_start3A_656 : memref<1x100xi32, #tpu.memory_space<vmem>> -> memref<100xi32, #tpu.memory_space<vmem>>
      %dma_start3A_658 = arith.constant 0 : i32
      %dma_start3A_659 = arith.constant 0 : i32
      %dma_start3A_660 = tpu.memref_slice %arg15[%dma_start3A_658, %dma_start3A_659] : memref<10000x56xf32, #tpu.memory_space<vmem_shared>> -> memref<10000x56xf32, #tpu.memory_space<vmem_shared>>
      tpu.enqueue_indirect_dma source(%arg13 : memref<100x56xf32, #tpu.memory_space<vmem>>) target(%dma_start3A_660 : memref<10000x56xf32, #tpu.memory_space<vmem_shared>>) offsets(%dma_start3A_657 : memref<100xi32, #tpu.memory_space<vmem>>) semaphore(%arg17 : memref<!tpu.dma_semaphore, #tpu.memory_space<semaphore_mem>>) {add = true}
      %dma_start3A_661 = arith.constant 3 : i32
      %dma_start3A_662 = arith.constant 0 : i32
      %dma_start3A_663 = tpu.memref_slice %arg10[%dma_start3A_661, %dma_start3A_662] : memref<10x100xi32, #tpu.memory_space<vmem>> -> memref<1x100xi32, #tpu.memory_space<vmem>>
      %dma_start3A_664 = tpu.memref_squeeze %dma_start3A_663 : memref<1x100xi32, #tpu.memory_space<vmem>> -> memref<100xi32, #tpu.memory_space<vmem>>
      %dma_start3A_665 = arith.constant 0 : i32
      %dma_start3A_666 = arith.constant 0 : i32
      %dma_start3A_667 = tpu.memref_slice %arg15[%dma_start3A_665, %dma_start3A_666] : memref<10000x56xf32, #tpu.memory_space<vmem_shared>> -> memref<10000x56xf32, #tpu.memory_space<vmem_shared>>
      tpu.enqueue_indirect_dma source(%arg14 : memref<100x56xf32, #tpu.memory_space<vmem>>) target(%dma_start3A_667 : memref<10000x56xf32, #tpu.memory_space<vmem_shared>>) offsets(%dma_start3A_664 : memref<100xi32, #tpu.memory_space<vmem>>) semaphore(%arg17 : memref<!tpu.dma_semaphore, #tpu.memory_space<semaphore_mem>>) {add = true}
      %dma_wait3A_668 = arith.constant 0 : i32
      %dma_wait3A_669 = arith.constant 0 : i32
      %dma_wait3A_670 = tpu.memref_slice %arg10[%dma_wait3A_668, %dma_wait3A_669] : memref<10x100xi32, #tpu.memory_space<vmem>> -> memref<1x100xi32, #tpu.memory_space<vmem>>
      %dma_wait3A_671 = tpu.memref_squeeze %dma_wait3A_670 : memref<1x100xi32, #tpu.memory_space<vmem>> -> memref<100xi32, #tpu.memory_space<vmem>>
      %dma_wait3A_672 = arith.constant 0 : i32
      %dma_wait3A_673 = arith.constant 0 : i32
      %dma_wait3A_674 = tpu.memref_slice %arg15[%dma_wait3A_672, %dma_wait3A_673] : memref<10000x56xf32, #tpu.memory_space<vmem_shared>> -> memref<10000x56xf32, #tpu.memory_space<vmem_shared>>
      tpu.wait_indirect_dma semaphore(%arg17 : memref<!tpu.dma_semaphore, #tpu.memory_space<semaphore_mem>>) src(%arg11 : memref<100x56xf32, #tpu.memory_space<vmem>>) dst(%dma_wait3A_674 : memref<10000x56xf32, #tpu.memory_space<vmem_shared>>)
      %dma_wait3A_675 = arith.constant 1 : i32
      %dma_wait3A_676 = arith.constant 0 : i32
      %dma_wait3A_677 = tpu.memref_slice %arg10[%dma_wait3A_675, %dma_wait3A_676] : memref<10x100xi32, #tpu.memory_space<vmem>> -> memref<1x100xi32, #tpu.memory_space<vmem>>
      %dma_wait3A_678 = tpu.memref_squeeze %dma_wait3A_677 : memref<1x100xi32, #tpu.memory_space<vmem>> -> memref<100xi32, #tpu.memory_space<vmem>>
      %dma_wait3A_679 = arith.constant 0 : i32
      %dma_wait3A_680 = arith.constant 0 : i32
      %dma_wait3A_681 = tpu.memref_slice %arg15[%dma_wait3A_679, %dma_wait3A_680] : memref<10000x56xf32, #tpu.memory_space<vmem_shared>> -> memref<10000x56xf32, #tpu.memory_space<vmem_shared>>
      tpu.wait_indirect_dma semaphore(%arg17 : memref<!tpu.dma_semaphore, #tpu.memory_space<semaphore_mem>>) src(%arg12 : memref<100x56xf32, #tpu.memory_space<vmem>>) dst(%dma_wait3A_681 : memref<10000x56xf32, #tpu.memory_space<vmem_shared>>)
      %dma_start3A_682 = arith.constant 6 : i32
      %dma_start3A_683 = arith.constant 0 : i32
      %dma_start3A_684 = tpu.memref_slice %arg9[%dma_start3A_682, %dma_start3A_683] : memref<10x100xi32, #tpu.memory_space<vmem>> -> memref<1x100xi32, #tpu.memory_space<vmem>>
      %dma_start3A_685 = tpu.memref_squeeze %dma_start3A_684 : memref<1x100xi32, #tpu.memory_space<vmem>> -> memref<100xi32, #tpu.memory_space<vmem>>
      %dma_start3A_686 = arith.constant 0 : i32
      %dma_start3A_687 = arith.constant 0 : i32
      %dma_start3A_688 = tpu.memref_slice %arg2[%arg0, %dma_start3A_686, %dma_start3A_687] : memref<2x10000x56xf32, #tpu.memory_space<hbm>> -> memref<1x10000x56xf32, #tpu.memory_space<hbm>>
      %dma_start3A_689 = tpu.memref_squeeze %dma_start3A_688 : memref<1x10000x56xf32, #tpu.memory_space<hbm>> -> memref<10000x56xf32, #tpu.memory_space<hbm>>
      %dma_start3A_690 = arith.constant 0 : i32
      %dma_start3A_691 = arith.constant 0 : i32
      %dma_start3A_692 = tpu.memref_slice %dma_start3A_689[%dma_start3A_690, %dma_start3A_691] : memref<10000x56xf32, #tpu.memory_space<hbm>> -> memref<10000x56xf32, #tpu.memory_space<hbm>>
      tpu.enqueue_indirect_dma source(%dma_start3A_692 : memref<10000x56xf32, #tpu.memory_space<hbm>>) target(%arg13 : memref<100x56xf32, #tpu.memory_space<vmem>>) offsets(%dma_start3A_685 : memref<100xi32, #tpu.memory_space<vmem>>) semaphore(%arg16 : memref<!tpu.dma_semaphore, #tpu.memory_space<semaphore_mem>>)
      %dma_start3A_693 = arith.constant 7 : i32
      %dma_start3A_694 = arith.constant 0 : i32
      %dma_start3A_695 = tpu.memref_slice %arg9[%dma_start3A_693, %dma_start3A_694] : memref<10x100xi32, #tpu.memory_space<vmem>> -> memref<1x100xi32, #tpu.memory_space<vmem>>
      %dma_start3A_696 = tpu.memref_squeeze %dma_start3A_695 : memref<1x100xi32, #tpu.memory_space<vmem>> -> memref<100xi32, #tpu.memory_space<vmem>>
      %dma_start3A_697 = arith.constant 0 : i32
      %dma_start3A_698 = arith.constant 0 : i32
      %dma_start3A_699 = tpu.memref_slice %arg2[%arg0, %dma_start3A_697, %dma_start3A_698] : memref<2x10000x56xf32, #tpu.memory_space<hbm>> -> memref<1x10000x56xf32, #tpu.memory_space<hbm>>
      %dma_start3A_700 = tpu.memref_squeeze %dma_start3A_699 : memref<1x10000x56xf32, #tpu.memory_space<hbm>> -> memref<10000x56xf32, #tpu.memory_space<hbm>>
      %dma_start3A_701 = arith.constant 0 : i32
      %dma_start3A_702 = arith.constant 0 : i32
      %dma_start3A_703 = tpu.memref_slice %dma_start3A_700[%dma_start3A_701, %dma_start3A_702] : memref<10000x56xf32, #tpu.memory_space<hbm>> -> memref<10000x56xf32, #tpu.memory_space<hbm>>
      tpu.enqueue_indirect_dma source(%dma_start3A_703 : memref<10000x56xf32, #tpu.memory_space<hbm>>) target(%arg14 : memref<100x56xf32, #tpu.memory_space<vmem>>) offsets(%dma_start3A_696 : memref<100xi32, #tpu.memory_space<vmem>>) semaphore(%arg16 : memref<!tpu.dma_semaphore, #tpu.memory_space<semaphore_mem>>)
      %dma_wait3A_704 = arith.constant 4 : i32
      %dma_wait3A_705 = arith.constant 0 : i32
      %dma_wait3A_706 = tpu.memref_slice %arg9[%dma_wait3A_704, %dma_wait3A_705] : memref<10x100xi32, #tpu.memory_space<vmem>> -> memref<1x100xi32, #tpu.memory_space<vmem>>
      %dma_wait3A_707 = tpu.memref_squeeze %dma_wait3A_706 : memref<1x100xi32, #tpu.memory_space<vmem>> -> memref<100xi32, #tpu.memory_space<vmem>>
      %dma_wait3A_708 = arith.constant 0 : i32
      %dma_wait3A_709 = arith.constant 0 : i32
      %dma_wait3A_710 = tpu.memref_slice %arg2[%arg0, %dma_wait3A_708, %dma_wait3A_709] : memref<2x10000x56xf32, #tpu.memory_space<hbm>> -> memref<1x10000x56xf32, #tpu.memory_space<hbm>>
      %dma_wait3A_711 = tpu.memref_squeeze %dma_wait3A_710 : memref<1x10000x56xf32, #tpu.memory_space<hbm>> -> memref<10000x56xf32, #tpu.memory_space<hbm>>
      %dma_wait3A_712 = arith.constant 0 : i32
      %dma_wait3A_713 = arith.constant 0 : i32
      %dma_wait3A_714 = tpu.memref_slice %dma_wait3A_711[%dma_wait3A_712, %dma_wait3A_713] : memref<10000x56xf32, #tpu.memory_space<hbm>> -> memref<10000x56xf32, #tpu.memory_space<hbm>>
      tpu.wait_indirect_dma semaphore(%arg16 : memref<!tpu.dma_semaphore, #tpu.memory_space<semaphore_mem>>) src(%dma_wait3A_714 : memref<10000x56xf32, #tpu.memory_space<hbm>>) dst(%arg11 : memref<100x56xf32, #tpu.memory_space<vmem>>)
      %dma_wait3A_715 = arith.constant 5 : i32
      %dma_wait3A_716 = arith.constant 0 : i32
      %dma_wait3A_717 = tpu.memref_slice %arg9[%dma_wait3A_715, %dma_wait3A_716] : memref<10x100xi32, #tpu.memory_space<vmem>> -> memref<1x100xi32, #tpu.memory_space<vmem>>
      %dma_wait3A_718 = tpu.memref_squeeze %dma_wait3A_717 : memref<1x100xi32, #tpu.memory_space<vmem>> -> memref<100xi32, #tpu.memory_space<vmem>>
      %dma_wait3A_719 = arith.constant 0 : i32
      %dma_wait3A_720 = arith.constant 0 : i32
      %dma_wait3A_721 = tpu.memref_slice %arg2[%arg0, %dma_wait3A_719, %dma_wait3A_720] : memref<2x10000x56xf32, #tpu.memory_space<hbm>> -> memref<1x10000x56xf32, #tpu.memory_space<hbm>>
      %dma_wait3A_722 = tpu.memref_squeeze %dma_wait3A_721 : memref<1x10000x56xf32, #tpu.memory_space<hbm>> -> memref<10000x56xf32, #tpu.memory_space<hbm>>
      %dma_wait3A_723 = arith.constant 0 : i32
      %dma_wait3A_724 = arith.constant 0 : i32
      %dma_wait3A_725 = tpu.memref_slice %dma_wait3A_722[%dma_wait3A_723, %dma_wait3A_724] : memref<10000x56xf32, #tpu.memory_space<hbm>> -> memref<10000x56xf32, #tpu.memory_space<hbm>>
      tpu.wait_indirect_dma semaphore(%arg16 : memref<!tpu.dma_semaphore, #tpu.memory_space<semaphore_mem>>) src(%dma_wait3A_725 : memref<10000x56xf32, #tpu.memory_space<hbm>>) dst(%arg12 : memref<100x56xf32, #tpu.memory_space<vmem>>)
      %dma_start3A_726 = arith.constant 4 : i32
      %dma_start3A_727 = arith.constant 0 : i32
      %dma_start3A_728 = tpu.memref_slice %arg10[%dma_start3A_726, %dma_start3A_727] : memref<10x100xi32, #tpu.memory_space<vmem>> -> memref<1x100xi32, #tpu.memory_space<vmem>>
      %dma_start3A_729 = tpu.memref_squeeze %dma_start3A_728 : memref<1x100xi32, #tpu.memory_space<vmem>> -> memref<100xi32, #tpu.memory_space<vmem>>
      %dma_start3A_730 = arith.constant 0 : i32
      %dma_start3A_731 = arith.constant 0 : i32
      %dma_start3A_732 = tpu.memref_slice %arg15[%dma_start3A_730, %dma_start3A_731] : memref<10000x56xf32, #tpu.memory_space<vmem_shared>> -> memref<10000x56xf32, #tpu.memory_space<vmem_shared>>
      tpu.enqueue_indirect_dma source(%arg11 : memref<100x56xf32, #tpu.memory_space<vmem>>) target(%dma_start3A_732 : memref<10000x56xf32, #tpu.memory_space<vmem_shared>>) offsets(%dma_start3A_729 : memref<100xi32, #tpu.memory_space<vmem>>) semaphore(%arg17 : memref<!tpu.dma_semaphore, #tpu.memory_space<semaphore_mem>>) {add = true}
      %dma_start3A_733 = arith.constant 5 : i32
      %dma_start3A_734 = arith.constant 0 : i32
      %dma_start3A_735 = tpu.memref_slice %arg10[%dma_start3A_733, %dma_start3A_734] : memref<10x100xi32, #tpu.memory_space<vmem>> -> memref<1x100xi32, #tpu.memory_space<vmem>>
      %dma_start3A_736 = tpu.memref_squeeze %dma_start3A_735 : memref<1x100xi32, #tpu.memory_space<vmem>> -> memref<100xi32, #tpu.memory_space<vmem>>
      %dma_start3A_737 = arith.constant 0 : i32
      %dma_start3A_738 = arith.constant 0 : i32
      %dma_start3A_739 = tpu.memref_slice %arg15[%dma_start3A_737, %dma_start3A_738] : memref<10000x56xf32, #tpu.memory_space<vmem_shared>> -> memref<10000x56xf32, #tpu.memory_space<vmem_shared>>
      tpu.enqueue_indirect_dma source(%arg12 : memref<100x56xf32, #tpu.memory_space<vmem>>) target(%dma_start3A_739 : memref<10000x56xf32, #tpu.memory_space<vmem_shared>>) offsets(%dma_start3A_736 : memref<100xi32, #tpu.memory_space<vmem>>) semaphore(%arg17 : memref<!tpu.dma_semaphore, #tpu.memory_space<semaphore_mem>>) {add = true}
      %dma_wait3A_740 = arith.constant 2 : i32
      %dma_wait3A_741 = arith.constant 0 : i32
      %dma_wait3A_742 = tpu.memref_slice %arg10[%dma_wait3A_740, %dma_wait3A_741] : memref<10x100xi32, #tpu.memory_space<vmem>> -> memref<1x100xi32, #tpu.memory_space<vmem>>
      %dma_wait3A_743 = tpu.memref_squeeze %dma_wait3A_742 : memref<1x100xi32, #tpu.memory_space<vmem>> -> memref<100xi32, #tpu.memory_space<vmem>>
      %dma_wait3A_744 = arith.constant 0 : i32
      %dma_wait3A_745 = arith.constant 0 : i32
      %dma_wait3A_746 = tpu.memref_slice %arg15[%dma_wait3A_744, %dma_wait3A_745] : memref<10000x56xf32, #tpu.memory_space<vmem_shared>> -> memref<10000x56xf32, #tpu.memory_space<vmem_shared>>
      tpu.wait_indirect_dma semaphore(%arg17 : memref<!tpu.dma_semaphore, #tpu.memory_space<semaphore_mem>>) src(%arg13 : memref<100x56xf32, #tpu.memory_space<vmem>>) dst(%dma_wait3A_746 : memref<10000x56xf32, #tpu.memory_space<vmem_shared>>)
      %dma_wait3A_747 = arith.constant 3 : i32
      %dma_wait3A_748 = arith.constant 0 : i32
      %dma_wait3A_749 = tpu.memref_slice %arg10[%dma_wait3A_747, %dma_wait3A_748] : memref<10x100xi32, #tpu.memory_space<vmem>> -> memref<1x100xi32, #tpu.memory_space<vmem>>
      %dma_wait3A_750 = tpu.memref_squeeze %dma_wait3A_749 : memref<1x100xi32, #tpu.memory_space<vmem>> -> memref<100xi32, #tpu.memory_space<vmem>>
      %dma_wait3A_751 = arith.constant 0 : i32
      %dma_wait3A_752 = arith.constant 0 : i32
      %dma_wait3A_753 = tpu.memref_slice %arg15[%dma_wait3A_751, %dma_wait3A_752] : memref<10000x56xf32, #tpu.memory_space<vmem_shared>> -> memref<10000x56xf32, #tpu.memory_space<vmem_shared>>
      tpu.wait_indirect_dma semaphore(%arg17 : memref<!tpu.dma_semaphore, #tpu.memory_space<semaphore_mem>>) src(%arg14 : memref<100x56xf32, #tpu.memory_space<vmem>>) dst(%dma_wait3A_753 : memref<10000x56xf32, #tpu.memory_space<vmem_shared>>)
      %dma_start3A_754 = arith.constant 8 : i32
      %dma_start3A_755 = arith.constant 0 : i32
      %dma_start3A_756 = tpu.memref_slice %arg9[%dma_start3A_754, %dma_start3A_755] : memref<10x100xi32, #tpu.memory_space<vmem>> -> memref<1x100xi32, #tpu.memory_space<vmem>>
      %dma_start3A_757 = tpu.memref_squeeze %dma_start3A_756 : memref<1x100xi32, #tpu.memory_space<vmem>> -> memref<100xi32, #tpu.memory_space<vmem>>
      %dma_start3A_758 = arith.constant 0 : i32
      %dma_start3A_759 = arith.constant 0 : i32
      %dma_start3A_760 = tpu.memref_slice %arg2[%arg0, %dma_start3A_758, %dma_start3A_759] : memref<2x10000x56xf32, #tpu.memory_space<hbm>> -> memref<1x10000x56xf32, #tpu.memory_space<hbm>>
      %dma_start3A_761 = tpu.memref_squeeze %dma_start3A_760 : memref<1x10000x56xf32, #tpu.memory_space<hbm>> -> memref<10000x56xf32, #tpu.memory_space<hbm>>
      %dma_start3A_762 = arith.constant 0 : i32
      %dma_start3A_763 = arith.constant 0 : i32
      %dma_start3A_764 = tpu.memref_slice %dma_start3A_761[%dma_start3A_762, %dma_start3A_763] : memref<10000x56xf32, #tpu.memory_space<hbm>> -> memref<10000x56xf32, #tpu.memory_space<hbm>>
      tpu.enqueue_indirect_dma source(%dma_start3A_764 : memref<10000x56xf32, #tpu.memory_space<hbm>>) target(%arg11 : memref<100x56xf32, #tpu.memory_space<vmem>>) offsets(%dma_start3A_757 : memref<100xi32, #tpu.memory_space<vmem>>) semaphore(%arg16 : memref<!tpu.dma_semaphore, #tpu.memory_space<semaphore_mem>>)
      %dma_start3A_765 = arith.constant 9 : i32
      %dma_start3A_766 = arith.constant 0 : i32
      %dma_start3A_767 = tpu.memref_slice %arg9[%dma_start3A_765, %dma_start3A_766] : memref<10x100xi32, #tpu.memory_space<vmem>> -> memref<1x100xi32, #tpu.memory_space<vmem>>
      %dma_start3A_768 = tpu.memref_squeeze %dma_start3A_767 : memref<1x100xi32, #tpu.memory_space<vmem>> -> memref<100xi32, #tpu.memory_space<vmem>>
      %dma_start3A_769 = arith.constant 0 : i32
      %dma_start3A_770 = arith.constant 0 : i32
      %dma_start3A_771 = tpu.memref_slice %arg2[%arg0, %dma_start3A_769, %dma_start3A_770] : memref<2x10000x56xf32, #tpu.memory_space<hbm>> -> memref<1x10000x56xf32, #tpu.memory_space<hbm>>
      %dma_start3A_772 = tpu.memref_squeeze %dma_start3A_771 : memref<1x10000x56xf32, #tpu.memory_space<hbm>> -> memref<10000x56xf32, #tpu.memory_space<hbm>>
      %dma_start3A_773 = arith.constant 0 : i32
      %dma_start3A_774 = arith.constant 0 : i32
      %dma_start3A_775 = tpu.memref_slice %dma_start3A_772[%dma_start3A_773, %dma_start3A_774] : memref<10000x56xf32, #tpu.memory_space<hbm>> -> memref<10000x56xf32, #tpu.memory_space<hbm>>
      tpu.enqueue_indirect_dma source(%dma_start3A_775 : memref<10000x56xf32, #tpu.memory_space<hbm>>) target(%arg12 : memref<100x56xf32, #tpu.memory_space<vmem>>) offsets(%dma_start3A_768 : memref<100xi32, #tpu.memory_space<vmem>>) semaphore(%arg16 : memref<!tpu.dma_semaphore, #tpu.memory_space<semaphore_mem>>)
      %dma_wait3A_776 = arith.constant 6 : i32
      %dma_wait3A_777 = arith.constant 0 : i32
      %dma_wait3A_778 = tpu.memref_slice %arg9[%dma_wait3A_776, %dma_wait3A_777] : memref<10x100xi32, #tpu.memory_space<vmem>> -> memref<1x100xi32, #tpu.memory_space<vmem>>
      %dma_wait3A_779 = tpu.memref_squeeze %dma_wait3A_778 : memref<1x100xi32, #tpu.memory_space<vmem>> -> memref<100xi32, #tpu.memory_space<vmem>>
      %dma_wait3A_780 = arith.constant 0 : i32
      %dma_wait3A_781 = arith.constant 0 : i32
      %dma_wait3A_782 = tpu.memref_slice %arg2[%arg0, %dma_wait3A_780, %dma_wait3A_781] : memref<2x10000x56xf32, #tpu.memory_space<hbm>> -> memref<1x10000x56xf32, #tpu.memory_space<hbm>>
      %dma_wait3A_783 = tpu.memref_squeeze %dma_wait3A_782 : memref<1x10000x56xf32, #tpu.memory_space<hbm>> -> memref<10000x56xf32, #tpu.memory_space<hbm>>
      %dma_wait3A_784 = arith.constant 0 : i32
      %dma_wait3A_785 = arith.constant 0 : i32
      %dma_wait3A_786 = tpu.memref_slice %dma_wait3A_783[%dma_wait3A_784, %dma_wait3A_785] : memref<10000x56xf32, #tpu.memory_space<hbm>> -> memref<10000x56xf32, #tpu.memory_space<hbm>>
      tpu.wait_indirect_dma semaphore(%arg16 : memref<!tpu.dma_semaphore, #tpu.memory_space<semaphore_mem>>) src(%dma_wait3A_786 : memref<10000x56xf32, #tpu.memory_space<hbm>>) dst(%arg13 : memref<100x56xf32, #tpu.memory_space<vmem>>)
      %dma_wait3A_787 = arith.constant 7 : i32
      %dma_wait3A_788 = arith.constant 0 : i32
      %dma_wait3A_789 = tpu.memref_slice %arg9[%dma_wait3A_787, %dma_wait3A_788] : memref<10x100xi32, #tpu.memory_space<vmem>> -> memref<1x100xi32, #tpu.memory_space<vmem>>
      %dma_wait3A_790 = tpu.memref_squeeze %dma_wait3A_789 : memref<1x100xi32, #tpu.memory_space<vmem>> -> memref<100xi32, #tpu.memory_space<vmem>>
      %dma_wait3A_791 = arith.constant 0 : i32
      %dma_wait3A_792 = arith.constant 0 : i32
      %dma_wait3A_793 = tpu.memref_slice %arg2[%arg0, %dma_wait3A_791, %dma_wait3A_792] : memref<2x10000x56xf32, #tpu.memory_space<hbm>> -> memref<1x10000x56xf32, #tpu.memory_space<hbm>>
      %dma_wait3A_794 = tpu.memref_squeeze %dma_wait3A_793 : memref<1x10000x56xf32, #tpu.memory_space<hbm>> -> memref<10000x56xf32, #tpu.memory_space<hbm>>
      %dma_wait3A_795 = arith.constant 0 : i32
      %dma_wait3A_796 = arith.constant 0 : i32
      %dma_wait3A_797 = tpu.memref_slice %dma_wait3A_794[%dma_wait3A_795, %dma_wait3A_796] : memref<10000x56xf32, #tpu.memory_space<hbm>> -> memref<10000x56xf32, #tpu.memory_space<hbm>>
      tpu.wait_indirect_dma semaphore(%arg16 : memref<!tpu.dma_semaphore, #tpu.memory_space<semaphore_mem>>) src(%dma_wait3A_797 : memref<10000x56xf32, #tpu.memory_space<hbm>>) dst(%arg14 : memref<100x56xf32, #tpu.memory_space<vmem>>)
      %dma_start3A_798 = arith.constant 6 : i32
      %dma_start3A_799 = arith.constant 0 : i32
      %dma_start3A_800 = tpu.memref_slice %arg10[%dma_start3A_798, %dma_start3A_799] : memref<10x100xi32, #tpu.memory_space<vmem>> -> memref<1x100xi32, #tpu.memory_space<vmem>>
      %dma_start3A_801 = tpu.memref_squeeze %dma_start3A_800 : memref<1x100xi32, #tpu.memory_space<vmem>> -> memref<100xi32, #tpu.memory_space<vmem>>
      %dma_start3A_802 = arith.constant 0 : i32
      %dma_start3A_803 = arith.constant 0 : i32
      %dma_start3A_804 = tpu.memref_slice %arg15[%dma_start3A_802, %dma_start3A_803] : memref<10000x56xf32, #tpu.memory_space<vmem_shared>> -> memref<10000x56xf32, #tpu.memory_space<vmem_shared>>
      tpu.enqueue_indirect_dma source(%arg13 : memref<100x56xf32, #tpu.memory_space<vmem>>) target(%dma_start3A_804 : memref<10000x56xf32, #tpu.memory_space<vmem_shared>>) offsets(%dma_start3A_801 : memref<100xi32, #tpu.memory_space<vmem>>) semaphore(%arg17 : memref<!tpu.dma_semaphore, #tpu.memory_space<semaphore_mem>>) {add = true}
      %dma_start3A_805 = arith.constant 7 : i32
      %dma_start3A_806 = arith.constant 0 : i32
      %dma_start3A_807 = tpu.memref_slice %arg10[%dma_start3A_805, %dma_start3A_806] : memref<10x100xi32, #tpu.memory_space<vmem>> -> memref<1x100xi32, #tpu.memory_space<vmem>>
      %dma_start3A_808 = tpu.memref_squeeze %dma_start3A_807 : memref<1x100xi32, #tpu.memory_space<vmem>> -> memref<100xi32, #tpu.memory_space<vmem>>
      %dma_start3A_809 = arith.constant 0 : i32
      %dma_start3A_810 = arith.constant 0 : i32
      %dma_start3A_811 = tpu.memref_slice %arg15[%dma_start3A_809, %dma_start3A_810] : memref<10000x56xf32, #tpu.memory_space<vmem_shared>> -> memref<10000x56xf32, #tpu.memory_space<vmem_shared>>
      tpu.enqueue_indirect_dma source(%arg14 : memref<100x56xf32, #tpu.memory_space<vmem>>) target(%dma_start3A_811 : memref<10000x56xf32, #tpu.memory_space<vmem_shared>>) offsets(%dma_start3A_808 : memref<100xi32, #tpu.memory_space<vmem>>) semaphore(%arg17 : memref<!tpu.dma_semaphore, #tpu.memory_space<semaphore_mem>>) {add = true}
      %dma_wait3A_812 = arith.constant 4 : i32
      %dma_wait3A_813 = arith.constant 0 : i32
      %dma_wait3A_814 = tpu.memref_slice %arg10[%dma_wait3A_812, %dma_wait3A_813] : memref<10x100xi32, #tpu.memory_space<vmem>> -> memref<1x100xi32, #tpu.memory_space<vmem>>
      %dma_wait3A_815 = tpu.memref_squeeze %dma_wait3A_814 : memref<1x100xi32, #tpu.memory_space<vmem>> -> memref<100xi32, #tpu.memory_space<vmem>>
      %dma_wait3A_816 = arith.constant 0 : i32
      %dma_wait3A_817 = arith.constant 0 : i32
      %dma_wait3A_818 = tpu.memref_slice %arg15[%dma_wait3A_816, %dma_wait3A_817] : memref<10000x56xf32, #tpu.memory_space<vmem_shared>> -> memref<10000x56xf32, #tpu.memory_space<vmem_shared>>
      tpu.wait_indirect_dma semaphore(%arg17 : memref<!tpu.dma_semaphore, #tpu.memory_space<semaphore_mem>>) src(%arg11 : memref<100x56xf32, #tpu.memory_space<vmem>>) dst(%dma_wait3A_818 : memref<10000x56xf32, #tpu.memory_space<vmem_shared>>)
      %dma_wait3A_819 = arith.constant 5 : i32
      %dma_wait3A_820 = arith.constant 0 : i32
      %dma_wait3A_821 = tpu.memref_slice %arg10[%dma_wait3A_819, %dma_wait3A_820] : memref<10x100xi32, #tpu.memory_space<vmem>> -> memref<1x100xi32, #tpu.memory_space<vmem>>
      %dma_wait3A_822 = tpu.memref_squeeze %dma_wait3A_821 : memref<1x100xi32, #tpu.memory_space<vmem>> -> memref<100xi32, #tpu.memory_space<vmem>>
      %dma_wait3A_823 = arith.constant 0 : i32
      %dma_wait3A_824 = arith.constant 0 : i32
      %dma_wait3A_825 = tpu.memref_slice %arg15[%dma_wait3A_823, %dma_wait3A_824] : memref<10000x56xf32, #tpu.memory_space<vmem_shared>> -> memref<10000x56xf32, #tpu.memory_space<vmem_shared>>
      tpu.wait_indirect_dma semaphore(%arg17 : memref<!tpu.dma_semaphore, #tpu.memory_space<semaphore_mem>>) src(%arg12 : memref<100x56xf32, #tpu.memory_space<vmem>>) dst(%dma_wait3A_825 : memref<10000x56xf32, #tpu.memory_space<vmem_shared>>)
      %dma_wait3A_826 = arith.constant 8 : i32
      %dma_wait3A_827 = arith.constant 0 : i32
      %dma_wait3A_828 = tpu.memref_slice %arg9[%dma_wait3A_826, %dma_wait3A_827] : memref<10x100xi32, #tpu.memory_space<vmem>> -> memref<1x100xi32, #tpu.memory_space<vmem>>
      %dma_wait3A_829 = tpu.memref_squeeze %dma_wait3A_828 : memref<1x100xi32, #tpu.memory_space<vmem>> -> memref<100xi32, #tpu.memory_space<vmem>>
      %dma_wait3A_830 = arith.constant 0 : i32
      %dma_wait3A_831 = arith.constant 0 : i32
      %dma_wait3A_832 = tpu.memref_slice %arg2[%arg0, %dma_wait3A_830, %dma_wait3A_831] : memref<2x10000x56xf32, #tpu.memory_space<hbm>> -> memref<1x10000x56xf32, #tpu.memory_space<hbm>>
      %dma_wait3A_833 = tpu.memref_squeeze %dma_wait3A_832 : memref<1x10000x56xf32, #tpu.memory_space<hbm>> -> memref<10000x56xf32, #tpu.memory_space<hbm>>
      %dma_wait3A_834 = arith.constant 0 : i32
      %dma_wait3A_835 = arith.constant 0 : i32
      %dma_wait3A_836 = tpu.memref_slice %dma_wait3A_833[%dma_wait3A_834, %dma_wait3A_835] : memref<10000x56xf32, #tpu.memory_space<hbm>> -> memref<10000x56xf32, #tpu.memory_space<hbm>>
      tpu.wait_indirect_dma semaphore(%arg16 : memref<!tpu.dma_semaphore, #tpu.memory_space<semaphore_mem>>) src(%dma_wait3A_836 : memref<10000x56xf32, #tpu.memory_space<hbm>>) dst(%arg11 : memref<100x56xf32, #tpu.memory_space<vmem>>)
      %dma_wait3A_837 = arith.constant 9 : i32
      %dma_wait3A_838 = arith.constant 0 : i32
      %dma_wait3A_839 = tpu.memref_slice %arg9[%dma_wait3A_837, %dma_wait3A_838] : memref<10x100xi32, #tpu.memory_space<vmem>> -> memref<1x100xi32, #tpu.memory_space<vmem>>
      %dma_wait3A_840 = tpu.memref_squeeze %dma_wait3A_839 : memref<1x100xi32, #tpu.memory_space<vmem>> -> memref<100xi32, #tpu.memory_space<vmem>>
      %dma_wait3A_841 = arith.constant 0 : i32
      %dma_wait3A_842 = arith.constant 0 : i32
      %dma_wait3A_843 = tpu.memref_slice %arg2[%arg0, %dma_wait3A_841, %dma_wait3A_842] : memref<2x10000x56xf32, #tpu.memory_space<hbm>> -> memref<1x10000x56xf32, #tpu.memory_space<hbm>>
      %dma_wait3A_844 = tpu.memref_squeeze %dma_wait3A_843 : memref<1x10000x56xf32, #tpu.memory_space<hbm>> -> memref<10000x56xf32, #tpu.memory_space<hbm>>
      %dma_wait3A_845 = arith.constant 0 : i32
      %dma_wait3A_846 = arith.constant 0 : i32
      %dma_wait3A_847 = tpu.memref_slice %dma_wait3A_844[%dma_wait3A_845, %dma_wait3A_846] : memref<10000x56xf32, #tpu.memory_space<hbm>> -> memref<10000x56xf32, #tpu.memory_space<hbm>>
      tpu.wait_indirect_dma semaphore(%arg16 : memref<!tpu.dma_semaphore, #tpu.memory_space<semaphore_mem>>) src(%dma_wait3A_847 : memref<10000x56xf32, #tpu.memory_space<hbm>>) dst(%arg12 : memref<100x56xf32, #tpu.memory_space<vmem>>)
      %dma_start3A_848 = arith.constant 8 : i32
      %dma_start3A_849 = arith.constant 0 : i32
      %dma_start3A_850 = tpu.memref_slice %arg10[%dma_start3A_848, %dma_start3A_849] : memref<10x100xi32, #tpu.memory_space<vmem>> -> memref<1x100xi32, #tpu.memory_space<vmem>>
      %dma_start3A_851 = tpu.memref_squeeze %dma_start3A_850 : memref<1x100xi32, #tpu.memory_space<vmem>> -> memref<100xi32, #tpu.memory_space<vmem>>
      %dma_start3A_852 = arith.constant 0 : i32
      %dma_start3A_853 = arith.constant 0 : i32
      %dma_start3A_854 = tpu.memref_slice %arg15[%dma_start3A_852, %dma_start3A_853] : memref<10000x56xf32, #tpu.memory_space<vmem_shared>> -> memref<10000x56xf32, #tpu.memory_space<vmem_shared>>
      tpu.enqueue_indirect_dma source(%arg11 : memref<100x56xf32, #tpu.memory_space<vmem>>) target(%dma_start3A_854 : memref<10000x56xf32, #tpu.memory_space<vmem_shared>>) offsets(%dma_start3A_851 : memref<100xi32, #tpu.memory_space<vmem>>) semaphore(%arg17 : memref<!tpu.dma_semaphore, #tpu.memory_space<semaphore_mem>>) {add = true}
      %dma_start3A_855 = arith.constant 9 : i32
      %dma_start3A_856 = arith.constant 0 : i32
      %dma_start3A_857 = tpu.memref_slice %arg10[%dma_start3A_855, %dma_start3A_856] : memref<10x100xi32, #tpu.memory_space<vmem>> -> memref<1x100xi32, #tpu.memory_space<vmem>>
      %dma_start3A_858 = tpu.memref_squeeze %dma_start3A_857 : memref<1x100xi32, #tpu.memory_space<vmem>> -> memref<100xi32, #tpu.memory_space<vmem>>
      %dma_start3A_859 = arith.constant 0 : i32
      %dma_start3A_860 = arith.constant 0 : i32
      %dma_start3A_861 = tpu.memref_slice %arg15[%dma_start3A_859, %dma_start3A_860] : memref<10000x56xf32, #tpu.memory_space<vmem_shared>> -> memref<10000x56xf32, #tpu.memory_space<vmem_shared>>
      tpu.enqueue_indirect_dma source(%arg12 : memref<100x56xf32, #tpu.memory_space<vmem>>) target(%dma_start3A_861 : memref<10000x56xf32, #tpu.memory_space<vmem_shared>>) offsets(%dma_start3A_858 : memref<100xi32, #tpu.memory_space<vmem>>) semaphore(%arg17 : memref<!tpu.dma_semaphore, #tpu.memory_space<semaphore_mem>>) {add = true}
      %dma_wait3A_862 = arith.constant 6 : i32
      %dma_wait3A_863 = arith.constant 0 : i32
      %dma_wait3A_864 = tpu.memref_slice %arg10[%dma_wait3A_862, %dma_wait3A_863] : memref<10x100xi32, #tpu.memory_space<vmem>> -> memref<1x100xi32, #tpu.memory_space<vmem>>
      %dma_wait3A_865 = tpu.memref_squeeze %dma_wait3A_864 : memref<1x100xi32, #tpu.memory_space<vmem>> -> memref<100xi32, #tpu.memory_space<vmem>>
      %dma_wait3A_866 = arith.constant 0 : i32
      %dma_wait3A_867 = arith.constant 0 : i32
      %dma_wait3A_868 = tpu.memref_slice %arg15[%dma_wait3A_866, %dma_wait3A_867] : memref<10000x56xf32, #tpu.memory_space<vmem_shared>> -> memref<10000x56xf32, #tpu.memory_space<vmem_shared>>
      tpu.wait_indirect_dma semaphore(%arg17 : memref<!tpu.dma_semaphore, #tpu.memory_space<semaphore_mem>>) src(%arg13 : memref<100x56xf32, #tpu.memory_space<vmem>>) dst(%dma_wait3A_868 : memref<10000x56xf32, #tpu.memory_space<vmem_shared>>)
      %dma_wait3A_869 = arith.constant 7 : i32
      %dma_wait3A_870 = arith.constant 0 : i32
      %dma_wait3A_871 = tpu.memref_slice %arg10[%dma_wait3A_869, %dma_wait3A_870] : memref<10x100xi32, #tpu.memory_space<vmem>> -> memref<1x100xi32, #tpu.memory_space<vmem>>
      %dma_wait3A_872 = tpu.memref_squeeze %dma_wait3A_871 : memref<1x100xi32, #tpu.memory_space<vmem>> -> memref<100xi32, #tpu.memory_space<vmem>>
      %dma_wait3A_873 = arith.constant 0 : i32
      %dma_wait3A_874 = arith.constant 0 : i32
      %dma_wait3A_875 = tpu.memref_slice %arg15[%dma_wait3A_873, %dma_wait3A_874] : memref<10000x56xf32, #tpu.memory_space<vmem_shared>> -> memref<10000x56xf32, #tpu.memory_space<vmem_shared>>
      tpu.wait_indirect_dma semaphore(%arg17 : memref<!tpu.dma_semaphore, #tpu.memory_space<semaphore_mem>>) src(%arg14 : memref<100x56xf32, #tpu.memory_space<vmem>>) dst(%dma_wait3A_875 : memref<10000x56xf32, #tpu.memory_space<vmem_shared>>)
      %dma_wait3A_876 = arith.constant 8 : i32
      %dma_wait3A_877 = arith.constant 0 : i32
      %dma_wait3A_878 = tpu.memref_slice %arg10[%dma_wait3A_876, %dma_wait3A_877] : memref<10x100xi32, #tpu.memory_space<vmem>> -> memref<1x100xi32, #tpu.memory_space<vmem>>
      %dma_wait3A_879 = tpu.memref_squeeze %dma_wait3A_878 : memref<1x100xi32, #tpu.memory_space<vmem>> -> memref<100xi32, #tpu.memory_space<vmem>>
      %dma_wait3A_880 = arith.constant 0 : i32
      %dma_wait3A_881 = arith.constant 0 : i32
      %dma_wait3A_882 = tpu.memref_slice %arg15[%dma_wait3A_880, %dma_wait3A_881] : memref<10000x56xf32, #tpu.memory_space<vmem_shared>> -> memref<10000x56xf32, #tpu.memory_space<vmem_shared>>
      tpu.wait_indirect_dma semaphore(%arg17 : memref<!tpu.dma_semaphore, #tpu.memory_space<semaphore_mem>>) src(%arg11 : memref<100x56xf32, #tpu.memory_space<vmem>>) dst(%dma_wait3A_882 : memref<10000x56xf32, #tpu.memory_space<vmem_shared>>)
      %dma_wait3A_883 = arith.constant 9 : i32
      %dma_wait3A_884 = arith.constant 0 : i32
      %dma_wait3A_885 = tpu.memref_slice %arg10[%dma_wait3A_883, %dma_wait3A_884] : memref<10x100xi32, #tpu.memory_space<vmem>> -> memref<1x100xi32, #tpu.memory_space<vmem>>
      %dma_wait3A_886 = tpu.memref_squeeze %dma_wait3A_885 : memref<1x100xi32, #tpu.memory_space<vmem>> -> memref<100xi32, #tpu.memory_space<vmem>>
      %dma_wait3A_887 = arith.constant 0 : i32
      %dma_wait3A_888 = arith.constant 0 : i32
      %dma_wait3A_889 = tpu.memref_slice %arg15[%dma_wait3A_887, %dma_wait3A_888] : memref<10000x56xf32, #tpu.memory_space<vmem_shared>> -> memref<10000x56xf32, #tpu.memory_space<vmem_shared>>
      tpu.wait_indirect_dma semaphore(%arg17 : memref<!tpu.dma_semaphore, #tpu.memory_space<semaphore_mem>>) src(%arg12 : memref<100x56xf32, #tpu.memory_space<vmem>>) dst(%dma_wait3A_889 : memref<10000x56xf32, #tpu.memory_space<vmem_shared>>)
    }
    %scan3A_66 = arith.constant 10 : i32
    %barrier3A_67 = arith.constant 0 : index
    tpu.barrier barrier_id(%barrier3A_67)
    %add3A_68 = arith.constant 0 : i32
    %add3A_69 = arith.addi %arg1, %add3A_68 : i32
    %lt3A_70 = arith.constant 125 : i32
    %lt3A_71 = arith.cmpi slt, %add3A_69, %lt3A_70 : i32
    %convert_element_type3A_72 = arith.extui %lt3A_71 : i1 to i32
    %cond3A_73 = arith.constant 0 : i32
    %cond3A_74 = arith.cmpi ne, %convert_element_type3A_72, %cond3A_73 : i32
    scf.if %cond3A_74 {
      %mul3A_124 = arith.constant 80 : i32
      %mul3A_125 = arith.muli %add3A_69, %mul3A_124 : i32
      "tpu.region"() ({
        %run_scoped3A = tpu.sem_alloc : memref<!tpu.dma_semaphore, #tpu.memory_space<semaphore_mem>>
        %dma_start3A_131 = arith.constant 0 : i32
        %dma_start3A_132 = arith.constant 0 : i32
        %dma_start3A_133 = tpu.memref_slice %arg11[%dma_start3A_131, %dma_start3A_132] : memref<100x56xf32, #tpu.memory_space<vmem>> -> memref<80x56xf32, #tpu.memory_space<vmem>>
        %dma_start3A_134 = arith.constant 0 : i32
        %dma_start3A_135 = tpu.memref_slice %arg15[%mul3A_125, %dma_start3A_134] : memref<10000x56xf32, #tpu.memory_space<vmem_shared>> -> memref<80x56xf32, #tpu.memory_space<vmem_shared>>
        %dma_start3A_136 = arith.constant 0 : i32
        %dma_start3A_137 = arith.constant 0 : i32
        %dma_start3A_138 = tpu.memref_slice %arg11[%dma_start3A_136, %dma_start3A_137] : memref<100x56xf32, #tpu.memory_space<vmem>> -> memref<80x56xf32, #tpu.memory_space<vmem>>
        %dma_start3A_139 = arith.constant 0 : i32
        %dma_start3A_140 = tpu.memref_slice %arg15[%mul3A_125, %dma_start3A_139] : memref<10000x56xf32, #tpu.memory_space<vmem_shared>> -> memref<80x56xf32, #tpu.memory_space<vmem_shared>>
        tpu.enqueue_dma source(%dma_start3A_140 : memref<80x56xf32, #tpu.memory_space<vmem_shared>>) target(%dma_start3A_138 : memref<80x56xf32, #tpu.memory_space<vmem>>) target_semaphore(%run_scoped3A : memref<!tpu.dma_semaphore, #tpu.memory_space<semaphore_mem>>)
        %dma_wait3A = arith.constant 0 : i32
        %dma_wait3A_141 = arith.constant 0 : i32
        %dma_wait3A_142 = tpu.memref_slice %arg11[%dma_wait3A, %dma_wait3A_141] : memref<100x56xf32, #tpu.memory_space<vmem>> -> memref<80x56xf32, #tpu.memory_space<vmem>>
        %dma_wait3A_143 = arith.constant 0 : i32
        %dma_wait3A_144 = tpu.memref_slice %arg15[%mul3A_125, %dma_wait3A_143] : memref<10000x56xf32, #tpu.memory_space<vmem_shared>> -> memref<80x56xf32, #tpu.memory_space<vmem_shared>>
        %dma_wait3A_145 = arith.constant 0 : i32
        %dma_wait3A_146 = arith.constant 0 : i32
        %dma_wait3A_147 = tpu.memref_slice %arg11[%dma_wait3A_145, %dma_wait3A_146] : memref<100x56xf32, #tpu.memory_space<vmem>> -> memref<80x56xf32, #tpu.memory_space<vmem>>
        %dma_wait3A_148 = arith.constant 0 : i32
        %dma_wait3A_149 = tpu.memref_slice %arg15[%mul3A_125, %dma_wait3A_148] : memref<10000x56xf32, #tpu.memory_space<vmem_shared>> -> memref<80x56xf32, #tpu.memory_space<vmem_shared>>
        tpu.wait_dma2 semaphore(%run_scoped3A : memref<!tpu.dma_semaphore, #tpu.memory_space<semaphore_mem>>) src(%dma_wait3A_149 : memref<80x56xf32, #tpu.memory_space<vmem_shared>>) dst(%dma_wait3A_147 : memref<80x56xf32, #tpu.memory_space<vmem>>)
        tpu.yield
      }) : () -> ()
      %mul3A_126 = arith.constant 10000 : i32
      %mul3A_127 = arith.muli %arg0, %mul3A_126 : i32
      %mul3A_128 = arith.constant 80 : i32
      %mul3A_129 = arith.muli %add3A_69, %mul3A_128 : i32
      %add3A_130 = arith.addi %mul3A_127, %mul3A_129 : i32
      "tpu.region"() ({
        %run_scoped3A = tpu.sem_alloc : memref<!tpu.dma_semaphore, #tpu.memory_space<semaphore_mem>>
        %dma_start3A_131 = arith.constant 0 : i32
        %dma_start3A_132 = arith.constant 0 : i32
        %dma_start3A_133 = tpu.memref_slice %arg11[%dma_start3A_131, %dma_start3A_132] : memref<100x56xf32, #tpu.memory_space<vmem>> -> memref<80x56xf32, #tpu.memory_space<vmem>>
        %dma_start3A_134 = arith.constant 0 : i32
        %dma_start3A_135 = tpu.memref_slice %arg6[%add3A_130, %dma_start3A_134] : memref<20000x56xf32, #tpu.memory_space<hbm>> -> memref<80x56xf32, #tpu.memory_space<hbm>>
        %dma_start3A_136 = arith.constant 0 : i32
        %dma_start3A_137 = tpu.memref_slice %arg6[%add3A_130, %dma_start3A_136] : memref<20000x56xf32, #tpu.memory_space<hbm>> -> memref<80x56xf32, #tpu.memory_space<hbm>>
        %dma_start3A_138 = arith.constant 0 : i32
        %dma_start3A_139 = arith.constant 0 : i32
        %dma_start3A_140 = tpu.memref_slice %arg11[%dma_start3A_138, %dma_start3A_139] : memref<100x56xf32, #tpu.memory_space<vmem>> -> memref<80x56xf32, #tpu.memory_space<vmem>>
        tpu.enqueue_dma source(%dma_start3A_140 : memref<80x56xf32, #tpu.memory_space<vmem>>) target(%dma_start3A_137 : memref<80x56xf32, #tpu.memory_space<hbm>>) target_semaphore(%run_scoped3A : memref<!tpu.dma_semaphore, #tpu.memory_space<semaphore_mem>>)
        %dma_wait3A = arith.constant 0 : i32
        %dma_wait3A_141 = arith.constant 0 : i32
        %dma_wait3A_142 = tpu.memref_slice %arg11[%dma_wait3A, %dma_wait3A_141] : memref<100x56xf32, #tpu.memory_space<vmem>> -> memref<80x56xf32, #tpu.memory_space<vmem>>
        %dma_wait3A_143 = arith.constant 0 : i32
        %dma_wait3A_144 = tpu.memref_slice %arg6[%add3A_130, %dma_wait3A_143] : memref<20000x56xf32, #tpu.memory_space<hbm>> -> memref<80x56xf32, #tpu.memory_space<hbm>>
        %dma_wait3A_145 = arith.constant 0 : i32
        %dma_wait3A_146 = tpu.memref_slice %arg6[%add3A_130, %dma_wait3A_145] : memref<20000x56xf32, #tpu.memory_space<hbm>> -> memref<80x56xf32, #tpu.memory_space<hbm>>
        %dma_wait3A_147 = arith.constant 0 : i32
        %dma_wait3A_148 = arith.constant 0 : i32
        %dma_wait3A_149 = tpu.memref_slice %arg11[%dma_wait3A_147, %dma_wait3A_148] : memref<100x56xf32, #tpu.memory_space<vmem>> -> memref<80x56xf32, #tpu.memory_space<vmem>>
        tpu.wait_dma2 semaphore(%run_scoped3A : memref<!tpu.dma_semaphore, #tpu.memory_space<semaphore_mem>>) src(%dma_wait3A_149 : memref<80x56xf32, #tpu.memory_space<vmem>>) dst(%dma_wait3A_146 : memref<80x56xf32, #tpu.memory_space<hbm>>)
        tpu.yield
      }) : () -> ()
    } else {
    }
    %add3A_75 = arith.constant 16 : i32
    %add3A_76 = arith.addi %arg1, %add3A_75 : i32
    %lt3A_77 = arith.constant 125 : i32
    %lt3A_78 = arith.cmpi slt, %add3A_76, %lt3A_77 : i32
    %convert_element_type3A_79 = arith.extui %lt3A_78 : i1 to i32
    %cond3A_80 = arith.constant 0 : i32
    %cond3A_81 = arith.cmpi ne, %convert_element_type3A_79, %cond3A_80 : i32
    scf.if %cond3A_81 {
      %mul3A_124 = arith.constant 80 : i32
      %mul3A_125 = arith.muli %add3A_76, %mul3A_124 : i32
      "tpu.region"() ({
        %run_scoped3A = tpu.sem_alloc : memref<!tpu.dma_semaphore, #tpu.memory_space<semaphore_mem>>
        %dma_start3A_131 = arith.constant 0 : i32
        %dma_start3A_132 = arith.constant 0 : i32
        %dma_start3A_133 = tpu.memref_slice %arg11[%dma_start3A_131, %dma_start3A_132] : memref<100x56xf32, #tpu.memory_space<vmem>> -> memref<80x56xf32, #tpu.memory_space<vmem>>
        %dma_start3A_134 = arith.constant 0 : i32
        %dma_start3A_135 = tpu.memref_slice %arg15[%mul3A_125, %dma_start3A_134] : memref<10000x56xf32, #tpu.memory_space<vmem_shared>> -> memref<80x56xf32, #tpu.memory_space<vmem_shared>>
        %dma_start3A_136 = arith.constant 0 : i32
        %dma_start3A_137 = arith.constant 0 : i32
        %dma_start3A_138 = tpu.memref_slice %arg11[%dma_start3A_136, %dma_start3A_137] : memref<100x56xf32, #tpu.memory_space<vmem>> -> memref<80x56xf32, #tpu.memory_space<vmem>>
        %dma_start3A_139 = arith.constant 0 : i32
        %dma_start3A_140 = tpu.memref_slice %arg15[%mul3A_125, %dma_start3A_139] : memref<10000x56xf32, #tpu.memory_space<vmem_shared>> -> memref<80x56xf32, #tpu.memory_space<vmem_shared>>
        tpu.enqueue_dma source(%dma_start3A_140 : memref<80x56xf32, #tpu.memory_space<vmem_shared>>) target(%dma_start3A_138 : memref<80x56xf32, #tpu.memory_space<vmem>>) target_semaphore(%run_scoped3A : memref<!tpu.dma_semaphore, #tpu.memory_space<semaphore_mem>>)
        %dma_wait3A = arith.constant 0 : i32
        %dma_wait3A_141 = arith.constant 0 : i32
        %dma_wait3A_142 = tpu.memref_slice %arg11[%dma_wait3A, %dma_wait3A_141] : memref<100x56xf32, #tpu.memory_space<vmem>> -> memref<80x56xf32, #tpu.memory_space<vmem>>
        %dma_wait3A_143 = arith.constant 0 : i32
        %dma_wait3A_144 = tpu.memref_slice %arg15[%mul3A_125, %dma_wait3A_143] : memref<10000x56xf32, #tpu.memory_space<vmem_shared>> -> memref<80x56xf32, #tpu.memory_space<vmem_shared>>
        %dma_wait3A_145 = arith.constant 0 : i32
        %dma_wait3A_146 = arith.constant 0 : i32
        %dma_wait3A_147 = tpu.memref_slice %arg11[%dma_wait3A_145, %dma_wait3A_146] : memref<100x56xf32, #tpu.memory_space<vmem>> -> memref<80x56xf32, #tpu.memory_space<vmem>>
        %dma_wait3A_148 = arith.constant 0 : i32
        %dma_wait3A_149 = tpu.memref_slice %arg15[%mul3A_125, %dma_wait3A_148] : memref<10000x56xf32, #tpu.memory_space<vmem_shared>> -> memref<80x56xf32, #tpu.memory_space<vmem_shared>>
        tpu.wait_dma2 semaphore(%run_scoped3A : memref<!tpu.dma_semaphore, #tpu.memory_space<semaphore_mem>>) src(%dma_wait3A_149 : memref<80x56xf32, #tpu.memory_space<vmem_shared>>) dst(%dma_wait3A_147 : memref<80x56xf32, #tpu.memory_space<vmem>>)
        tpu.yield
      }) : () -> ()
      %mul3A_126 = arith.constant 10000 : i32
      %mul3A_127 = arith.muli %arg0, %mul3A_126 : i32
      %mul3A_128 = arith.constant 80 : i32
      %mul3A_129 = arith.muli %add3A_76, %mul3A_128 : i32
      %add3A_130 = arith.addi %mul3A_127, %mul3A_129 : i32
      "tpu.region"() ({
        %run_scoped3A = tpu.sem_alloc : memref<!tpu.dma_semaphore, #tpu.memory_space<semaphore_mem>>
        %dma_start3A_131 = arith.constant 0 : i32
        %dma_start3A_132 = arith.constant 0 : i32
        %dma_start3A_133 = tpu.memref_slice %arg11[%dma_start3A_131, %dma_start3A_132] : memref<100x56xf32, #tpu.memory_space<vmem>> -> memref<80x56xf32, #tpu.memory_space<vmem>>
        %dma_start3A_134 = arith.constant 0 : i32
        %dma_start3A_135 = tpu.memref_slice %arg6[%add3A_130, %dma_start3A_134] : memref<20000x56xf32, #tpu.memory_space<hbm>> -> memref<80x56xf32, #tpu.memory_space<hbm>>
        %dma_start3A_136 = arith.constant 0 : i32
        %dma_start3A_137 = tpu.memref_slice %arg6[%add3A_130, %dma_start3A_136] : memref<20000x56xf32, #tpu.memory_space<hbm>> -> memref<80x56xf32, #tpu.memory_space<hbm>>
        %dma_start3A_138 = arith.constant 0 : i32
        %dma_start3A_139 = arith.constant 0 : i32
        %dma_start3A_140 = tpu.memref_slice %arg11[%dma_start3A_138, %dma_start3A_139] : memref<100x56xf32, #tpu.memory_space<vmem>> -> memref<80x56xf32, #tpu.memory_space<vmem>>
        tpu.enqueue_dma source(%dma_start3A_140 : memref<80x56xf32, #tpu.memory_space<vmem>>) target(%dma_start3A_137 : memref<80x56xf32, #tpu.memory_space<hbm>>) target_semaphore(%run_scoped3A : memref<!tpu.dma_semaphore, #tpu.memory_space<semaphore_mem>>)
        %dma_wait3A = arith.constant 0 : i32
        %dma_wait3A_141 = arith.constant 0 : i32
        %dma_wait3A_142 = tpu.memref_slice %arg11[%dma_wait3A, %dma_wait3A_141] : memref<100x56xf32, #tpu.memory_space<vmem>> -> memref<80x56xf32, #tpu.memory_space<vmem>>
        %dma_wait3A_143 = arith.constant 0 : i32
        %dma_wait3A_144 = tpu.memref_slice %arg6[%add3A_130, %dma_wait3A_143] : memref<20000x56xf32, #tpu.memory_space<hbm>> -> memref<80x56xf32, #tpu.memory_space<hbm>>
        %dma_wait3A_145 = arith.constant 0 : i32
        %dma_wait3A_146 = tpu.memref_slice %arg6[%add3A_130, %dma_wait3A_145] : memref<20000x56xf32, #tpu.memory_space<hbm>> -> memref<80x56xf32, #tpu.memory_space<hbm>>
        %dma_wait3A_147 = arith.constant 0 : i32
        %dma_wait3A_148 = arith.constant 0 : i32
        %dma_wait3A_149 = tpu.memref_slice %arg11[%dma_wait3A_147, %dma_wait3A_148] : memref<100x56xf32, #tpu.memory_space<vmem>> -> memref<80x56xf32, #tpu.memory_space<vmem>>
        tpu.wait_dma2 semaphore(%run_scoped3A : memref<!tpu.dma_semaphore, #tpu.memory_space<semaphore_mem>>) src(%dma_wait3A_149 : memref<80x56xf32, #tpu.memory_space<vmem>>) dst(%dma_wait3A_146 : memref<80x56xf32, #tpu.memory_space<hbm>>)
        tpu.yield
      }) : () -> ()
    } else {
    }
    %add3A_82 = arith.constant 32 : i32
    %add3A_83 = arith.addi %arg1, %add3A_82 : i32
    %lt3A_84 = arith.constant 125 : i32
    %lt3A_85 = arith.cmpi slt, %add3A_83, %lt3A_84 : i32
    %convert_element_type3A_86 = arith.extui %lt3A_85 : i1 to i32
    %cond3A_87 = arith.constant 0 : i32
    %cond3A_88 = arith.cmpi ne, %convert_element_type3A_86, %cond3A_87 : i32
    scf.if %cond3A_88 {
      %mul3A_124 = arith.constant 80 : i32
      %mul3A_125 = arith.muli %add3A_83, %mul3A_124 : i32
      "tpu.region"() ({
        %run_scoped3A = tpu.sem_alloc : memref<!tpu.dma_semaphore, #tpu.memory_space<semaphore_mem>>
        %dma_start3A_131 = arith.constant 0 : i32
        %dma_start3A_132 = arith.constant 0 : i32
        %dma_start3A_133 = tpu.memref_slice %arg11[%dma_start3A_131, %dma_start3A_132] : memref<100x56xf32, #tpu.memory_space<vmem>> -> memref<80x56xf32, #tpu.memory_space<vmem>>
        %dma_start3A_134 = arith.constant 0 : i32
        %dma_start3A_135 = tpu.memref_slice %arg15[%mul3A_125, %dma_start3A_134] : memref<10000x56xf32, #tpu.memory_space<vmem_shared>> -> memref<80x56xf32, #tpu.memory_space<vmem_shared>>
        %dma_start3A_136 = arith.constant 0 : i32
        %dma_start3A_137 = arith.constant 0 : i32
        %dma_start3A_138 = tpu.memref_slice %arg11[%dma_start3A_136, %dma_start3A_137] : memref<100x56xf32, #tpu.memory_space<vmem>> -> memref<80x56xf32, #tpu.memory_space<vmem>>
        %dma_start3A_139 = arith.constant 0 : i32
        %dma_start3A_140 = tpu.memref_slice %arg15[%mul3A_125, %dma_start3A_139] : memref<10000x56xf32, #tpu.memory_space<vmem_shared>> -> memref<80x56xf32, #tpu.memory_space<vmem_shared>>
        tpu.enqueue_dma source(%dma_start3A_140 : memref<80x56xf32, #tpu.memory_space<vmem_shared>>) target(%dma_start3A_138 : memref<80x56xf32, #tpu.memory_space<vmem>>) target_semaphore(%run_scoped3A : memref<!tpu.dma_semaphore, #tpu.memory_space<semaphore_mem>>)
        %dma_wait3A = arith.constant 0 : i32
        %dma_wait3A_141 = arith.constant 0 : i32
        %dma_wait3A_142 = tpu.memref_slice %arg11[%dma_wait3A, %dma_wait3A_141] : memref<100x56xf32, #tpu.memory_space<vmem>> -> memref<80x56xf32, #tpu.memory_space<vmem>>
        %dma_wait3A_143 = arith.constant 0 : i32
        %dma_wait3A_144 = tpu.memref_slice %arg15[%mul3A_125, %dma_wait3A_143] : memref<10000x56xf32, #tpu.memory_space<vmem_shared>> -> memref<80x56xf32, #tpu.memory_space<vmem_shared>>
        %dma_wait3A_145 = arith.constant 0 : i32
        %dma_wait3A_146 = arith.constant 0 : i32
        %dma_wait3A_147 = tpu.memref_slice %arg11[%dma_wait3A_145, %dma_wait3A_146] : memref<100x56xf32, #tpu.memory_space<vmem>> -> memref<80x56xf32, #tpu.memory_space<vmem>>
        %dma_wait3A_148 = arith.constant 0 : i32
        %dma_wait3A_149 = tpu.memref_slice %arg15[%mul3A_125, %dma_wait3A_148] : memref<10000x56xf32, #tpu.memory_space<vmem_shared>> -> memref<80x56xf32, #tpu.memory_space<vmem_shared>>
        tpu.wait_dma2 semaphore(%run_scoped3A : memref<!tpu.dma_semaphore, #tpu.memory_space<semaphore_mem>>) src(%dma_wait3A_149 : memref<80x56xf32, #tpu.memory_space<vmem_shared>>) dst(%dma_wait3A_147 : memref<80x56xf32, #tpu.memory_space<vmem>>)
        tpu.yield
      }) : () -> ()
      %mul3A_126 = arith.constant 10000 : i32
      %mul3A_127 = arith.muli %arg0, %mul3A_126 : i32
      %mul3A_128 = arith.constant 80 : i32
      %mul3A_129 = arith.muli %add3A_83, %mul3A_128 : i32
      %add3A_130 = arith.addi %mul3A_127, %mul3A_129 : i32
      "tpu.region"() ({
        %run_scoped3A = tpu.sem_alloc : memref<!tpu.dma_semaphore, #tpu.memory_space<semaphore_mem>>
        %dma_start3A_131 = arith.constant 0 : i32
        %dma_start3A_132 = arith.constant 0 : i32
        %dma_start3A_133 = tpu.memref_slice %arg11[%dma_start3A_131, %dma_start3A_132] : memref<100x56xf32, #tpu.memory_space<vmem>> -> memref<80x56xf32, #tpu.memory_space<vmem>>
        %dma_start3A_134 = arith.constant 0 : i32
        %dma_start3A_135 = tpu.memref_slice %arg6[%add3A_130, %dma_start3A_134] : memref<20000x56xf32, #tpu.memory_space<hbm>> -> memref<80x56xf32, #tpu.memory_space<hbm>>
        %dma_start3A_136 = arith.constant 0 : i32
        %dma_start3A_137 = tpu.memref_slice %arg6[%add3A_130, %dma_start3A_136] : memref<20000x56xf32, #tpu.memory_space<hbm>> -> memref<80x56xf32, #tpu.memory_space<hbm>>
        %dma_start3A_138 = arith.constant 0 : i32
        %dma_start3A_139 = arith.constant 0 : i32
        %dma_start3A_140 = tpu.memref_slice %arg11[%dma_start3A_138, %dma_start3A_139] : memref<100x56xf32, #tpu.memory_space<vmem>> -> memref<80x56xf32, #tpu.memory_space<vmem>>
        tpu.enqueue_dma source(%dma_start3A_140 : memref<80x56xf32, #tpu.memory_space<vmem>>) target(%dma_start3A_137 : memref<80x56xf32, #tpu.memory_space<hbm>>) target_semaphore(%run_scoped3A : memref<!tpu.dma_semaphore, #tpu.memory_space<semaphore_mem>>)
        %dma_wait3A = arith.constant 0 : i32
        %dma_wait3A_141 = arith.constant 0 : i32
        %dma_wait3A_142 = tpu.memref_slice %arg11[%dma_wait3A, %dma_wait3A_141] : memref<100x56xf32, #tpu.memory_space<vmem>> -> memref<80x56xf32, #tpu.memory_space<vmem>>
        %dma_wait3A_143 = arith.constant 0 : i32
        %dma_wait3A_144 = tpu.memref_slice %arg6[%add3A_130, %dma_wait3A_143] : memref<20000x56xf32, #tpu.memory_space<hbm>> -> memref<80x56xf32, #tpu.memory_space<hbm>>
        %dma_wait3A_145 = arith.constant 0 : i32
        %dma_wait3A_146 = tpu.memref_slice %arg6[%add3A_130, %dma_wait3A_145] : memref<20000x56xf32, #tpu.memory_space<hbm>> -> memref<80x56xf32, #tpu.memory_space<hbm>>
        %dma_wait3A_147 = arith.constant 0 : i32
        %dma_wait3A_148 = arith.constant 0 : i32
        %dma_wait3A_149 = tpu.memref_slice %arg11[%dma_wait3A_147, %dma_wait3A_148] : memref<100x56xf32, #tpu.memory_space<vmem>> -> memref<80x56xf32, #tpu.memory_space<vmem>>
        tpu.wait_dma2 semaphore(%run_scoped3A : memref<!tpu.dma_semaphore, #tpu.memory_space<semaphore_mem>>) src(%dma_wait3A_149 : memref<80x56xf32, #tpu.memory_space<vmem>>) dst(%dma_wait3A_146 : memref<80x56xf32, #tpu.memory_space<hbm>>)
        tpu.yield
      }) : () -> ()
    } else {
    }
    %add3A_89 = arith.constant 48 : i32
    %add3A_90 = arith.addi %arg1, %add3A_89 : i32
    %lt3A_91 = arith.constant 125 : i32
    %lt3A_92 = arith.cmpi slt, %add3A_90, %lt3A_91 : i32
    %convert_element_type3A_93 = arith.extui %lt3A_92 : i1 to i32
    %cond3A_94 = arith.constant 0 : i32
    %cond3A_95 = arith.cmpi ne, %convert_element_type3A_93, %cond3A_94 : i32
    scf.if %cond3A_95 {
      %mul3A_124 = arith.constant 80 : i32
      %mul3A_125 = arith.muli %add3A_90, %mul3A_124 : i32
      "tpu.region"() ({
        %run_scoped3A = tpu.sem_alloc : memref<!tpu.dma_semaphore, #tpu.memory_space<semaphore_mem>>
        %dma_start3A_131 = arith.constant 0 : i32
        %dma_start3A_132 = arith.constant 0 : i32
        %dma_start3A_133 = tpu.memref_slice %arg11[%dma_start3A_131, %dma_start3A_132] : memref<100x56xf32, #tpu.memory_space<vmem>> -> memref<80x56xf32, #tpu.memory_space<vmem>>
        %dma_start3A_134 = arith.constant 0 : i32
        %dma_start3A_135 = tpu.memref_slice %arg15[%mul3A_125, %dma_start3A_134] : memref<10000x56xf32, #tpu.memory_space<vmem_shared>> -> memref<80x56xf32, #tpu.memory_space<vmem_shared>>
        %dma_start3A_136 = arith.constant 0 : i32
        %dma_start3A_137 = arith.constant 0 : i32
        %dma_start3A_138 = tpu.memref_slice %arg11[%dma_start3A_136, %dma_start3A_137] : memref<100x56xf32, #tpu.memory_space<vmem>> -> memref<80x56xf32, #tpu.memory_space<vmem>>
        %dma_start3A_139 = arith.constant 0 : i32
        %dma_start3A_140 = tpu.memref_slice %arg15[%mul3A_125, %dma_start3A_139] : memref<10000x56xf32, #tpu.memory_space<vmem_shared>> -> memref<80x56xf32, #tpu.memory_space<vmem_shared>>
        tpu.enqueue_dma source(%dma_start3A_140 : memref<80x56xf32, #tpu.memory_space<vmem_shared>>) target(%dma_start3A_138 : memref<80x56xf32, #tpu.memory_space<vmem>>) target_semaphore(%run_scoped3A : memref<!tpu.dma_semaphore, #tpu.memory_space<semaphore_mem>>)
        %dma_wait3A = arith.constant 0 : i32
        %dma_wait3A_141 = arith.constant 0 : i32
        %dma_wait3A_142 = tpu.memref_slice %arg11[%dma_wait3A, %dma_wait3A_141] : memref<100x56xf32, #tpu.memory_space<vmem>> -> memref<80x56xf32, #tpu.memory_space<vmem>>
        %dma_wait3A_143 = arith.constant 0 : i32
        %dma_wait3A_144 = tpu.memref_slice %arg15[%mul3A_125, %dma_wait3A_143] : memref<10000x56xf32, #tpu.memory_space<vmem_shared>> -> memref<80x56xf32, #tpu.memory_space<vmem_shared>>
        %dma_wait3A_145 = arith.constant 0 : i32
        %dma_wait3A_146 = arith.constant 0 : i32
        %dma_wait3A_147 = tpu.memref_slice %arg11[%dma_wait3A_145, %dma_wait3A_146] : memref<100x56xf32, #tpu.memory_space<vmem>> -> memref<80x56xf32, #tpu.memory_space<vmem>>
        %dma_wait3A_148 = arith.constant 0 : i32
        %dma_wait3A_149 = tpu.memref_slice %arg15[%mul3A_125, %dma_wait3A_148] : memref<10000x56xf32, #tpu.memory_space<vmem_shared>> -> memref<80x56xf32, #tpu.memory_space<vmem_shared>>
        tpu.wait_dma2 semaphore(%run_scoped3A : memref<!tpu.dma_semaphore, #tpu.memory_space<semaphore_mem>>) src(%dma_wait3A_149 : memref<80x56xf32, #tpu.memory_space<vmem_shared>>) dst(%dma_wait3A_147 : memref<80x56xf32, #tpu.memory_space<vmem>>)
        tpu.yield
      }) : () -> ()
      %mul3A_126 = arith.constant 10000 : i32
      %mul3A_127 = arith.muli %arg0, %mul3A_126 : i32
      %mul3A_128 = arith.constant 80 : i32
      %mul3A_129 = arith.muli %add3A_90, %mul3A_128 : i32
      %add3A_130 = arith.addi %mul3A_127, %mul3A_129 : i32
      "tpu.region"() ({
        %run_scoped3A = tpu.sem_alloc : memref<!tpu.dma_semaphore, #tpu.memory_space<semaphore_mem>>
        %dma_start3A_131 = arith.constant 0 : i32
        %dma_start3A_132 = arith.constant 0 : i32
        %dma_start3A_133 = tpu.memref_slice %arg11[%dma_start3A_131, %dma_start3A_132] : memref<100x56xf32, #tpu.memory_space<vmem>> -> memref<80x56xf32, #tpu.memory_space<vmem>>
        %dma_start3A_134 = arith.constant 0 : i32
        %dma_start3A_135 = tpu.memref_slice %arg6[%add3A_130, %dma_start3A_134] : memref<20000x56xf32, #tpu.memory_space<hbm>> -> memref<80x56xf32, #tpu.memory_space<hbm>>
        %dma_start3A_136 = arith.constant 0 : i32
        %dma_start3A_137 = tpu.memref_slice %arg6[%add3A_130, %dma_start3A_136] : memref<20000x56xf32, #tpu.memory_space<hbm>> -> memref<80x56xf32, #tpu.memory_space<hbm>>
        %dma_start3A_138 = arith.constant 0 : i32
        %dma_start3A_139 = arith.constant 0 : i32
        %dma_start3A_140 = tpu.memref_slice %arg11[%dma_start3A_138, %dma_start3A_139] : memref<100x56xf32, #tpu.memory_space<vmem>> -> memref<80x56xf32, #tpu.memory_space<vmem>>
        tpu.enqueue_dma source(%dma_start3A_140 : memref<80x56xf32, #tpu.memory_space<vmem>>) target(%dma_start3A_137 : memref<80x56xf32, #tpu.memory_space<hbm>>) target_semaphore(%run_scoped3A : memref<!tpu.dma_semaphore, #tpu.memory_space<semaphore_mem>>)
        %dma_wait3A = arith.constant 0 : i32
        %dma_wait3A_141 = arith.constant 0 : i32
        %dma_wait3A_142 = tpu.memref_slice %arg11[%dma_wait3A, %dma_wait3A_141] : memref<100x56xf32, #tpu.memory_space<vmem>> -> memref<80x56xf32, #tpu.memory_space<vmem>>
        %dma_wait3A_143 = arith.constant 0 : i32
        %dma_wait3A_144 = tpu.memref_slice %arg6[%add3A_130, %dma_wait3A_143] : memref<20000x56xf32, #tpu.memory_space<hbm>> -> memref<80x56xf32, #tpu.memory_space<hbm>>
        %dma_wait3A_145 = arith.constant 0 : i32
        %dma_wait3A_146 = tpu.memref_slice %arg6[%add3A_130, %dma_wait3A_145] : memref<20000x56xf32, #tpu.memory_space<hbm>> -> memref<80x56xf32, #tpu.memory_space<hbm>>
        %dma_wait3A_147 = arith.constant 0 : i32
        %dma_wait3A_148 = arith.constant 0 : i32
        %dma_wait3A_149 = tpu.memref_slice %arg11[%dma_wait3A_147, %dma_wait3A_148] : memref<100x56xf32, #tpu.memory_space<vmem>> -> memref<80x56xf32, #tpu.memory_space<vmem>>
        tpu.wait_dma2 semaphore(%run_scoped3A : memref<!tpu.dma_semaphore, #tpu.memory_space<semaphore_mem>>) src(%dma_wait3A_149 : memref<80x56xf32, #tpu.memory_space<vmem>>) dst(%dma_wait3A_146 : memref<80x56xf32, #tpu.memory_space<hbm>>)
        tpu.yield
      }) : () -> ()
    } else {
    }
    %add3A_96 = arith.constant 64 : i32
    %add3A_97 = arith.addi %arg1, %add3A_96 : i32
    %lt3A_98 = arith.constant 125 : i32
    %lt3A_99 = arith.cmpi slt, %add3A_97, %lt3A_98 : i32
    %convert_element_type3A_100 = arith.extui %lt3A_99 : i1 to i32
    %cond3A_101 = arith.constant 0 : i32
    %cond3A_102 = arith.cmpi ne, %convert_element_type3A_100, %cond3A_101 : i32
    scf.if %cond3A_102 {
      %mul3A_124 = arith.constant 80 : i32
      %mul3A_125 = arith.muli %add3A_97, %mul3A_124 : i32
      "tpu.region"() ({
        %run_scoped3A = tpu.sem_alloc : memref<!tpu.dma_semaphore, #tpu.memory_space<semaphore_mem>>
        %dma_start3A_131 = arith.constant 0 : i32
        %dma_start3A_132 = arith.constant 0 : i32
        %dma_start3A_133 = tpu.memref_slice %arg11[%dma_start3A_131, %dma_start3A_132] : memref<100x56xf32, #tpu.memory_space<vmem>> -> memref<80x56xf32, #tpu.memory_space<vmem>>
        %dma_start3A_134 = arith.constant 0 : i32
        %dma_start3A_135 = tpu.memref_slice %arg15[%mul3A_125, %dma_start3A_134] : memref<10000x56xf32, #tpu.memory_space<vmem_shared>> -> memref<80x56xf32, #tpu.memory_space<vmem_shared>>
        %dma_start3A_136 = arith.constant 0 : i32
        %dma_start3A_137 = arith.constant 0 : i32
        %dma_start3A_138 = tpu.memref_slice %arg11[%dma_start3A_136, %dma_start3A_137] : memref<100x56xf32, #tpu.memory_space<vmem>> -> memref<80x56xf32, #tpu.memory_space<vmem>>
        %dma_start3A_139 = arith.constant 0 : i32
        %dma_start3A_140 = tpu.memref_slice %arg15[%mul3A_125, %dma_start3A_139] : memref<10000x56xf32, #tpu.memory_space<vmem_shared>> -> memref<80x56xf32, #tpu.memory_space<vmem_shared>>
        tpu.enqueue_dma source(%dma_start3A_140 : memref<80x56xf32, #tpu.memory_space<vmem_shared>>) target(%dma_start3A_138 : memref<80x56xf32, #tpu.memory_space<vmem>>) target_semaphore(%run_scoped3A : memref<!tpu.dma_semaphore, #tpu.memory_space<semaphore_mem>>)
        %dma_wait3A = arith.constant 0 : i32
        %dma_wait3A_141 = arith.constant 0 : i32
        %dma_wait3A_142 = tpu.memref_slice %arg11[%dma_wait3A, %dma_wait3A_141] : memref<100x56xf32, #tpu.memory_space<vmem>> -> memref<80x56xf32, #tpu.memory_space<vmem>>
        %dma_wait3A_143 = arith.constant 0 : i32
        %dma_wait3A_144 = tpu.memref_slice %arg15[%mul3A_125, %dma_wait3A_143] : memref<10000x56xf32, #tpu.memory_space<vmem_shared>> -> memref<80x56xf32, #tpu.memory_space<vmem_shared>>
        %dma_wait3A_145 = arith.constant 0 : i32
        %dma_wait3A_146 = arith.constant 0 : i32
        %dma_wait3A_147 = tpu.memref_slice %arg11[%dma_wait3A_145, %dma_wait3A_146] : memref<100x56xf32, #tpu.memory_space<vmem>> -> memref<80x56xf32, #tpu.memory_space<vmem>>
        %dma_wait3A_148 = arith.constant 0 : i32
        %dma_wait3A_149 = tpu.memref_slice %arg15[%mul3A_125, %dma_wait3A_148] : memref<10000x56xf32, #tpu.memory_space<vmem_shared>> -> memref<80x56xf32, #tpu.memory_space<vmem_shared>>
        tpu.wait_dma2 semaphore(%run_scoped3A : memref<!tpu.dma_semaphore, #tpu.memory_space<semaphore_mem>>) src(%dma_wait3A_149 : memref<80x56xf32, #tpu.memory_space<vmem_shared>>) dst(%dma_wait3A_147 : memref<80x56xf32, #tpu.memory_space<vmem>>)
        tpu.yield
      }) : () -> ()
      %mul3A_126 = arith.constant 10000 : i32
      %mul3A_127 = arith.muli %arg0, %mul3A_126 : i32
      %mul3A_128 = arith.constant 80 : i32
      %mul3A_129 = arith.muli %add3A_97, %mul3A_128 : i32
      %add3A_130 = arith.addi %mul3A_127, %mul3A_129 : i32
      "tpu.region"() ({
        %run_scoped3A = tpu.sem_alloc : memref<!tpu.dma_semaphore, #tpu.memory_space<semaphore_mem>>
        %dma_start3A_131 = arith.constant 0 : i32
        %dma_start3A_132 = arith.constant 0 : i32
        %dma_start3A_133 = tpu.memref_slice %arg11[%dma_start3A_131, %dma_start3A_132] : memref<100x56xf32, #tpu.memory_space<vmem>> -> memref<80x56xf32, #tpu.memory_space<vmem>>
        %dma_start3A_134 = arith.constant 0 : i32
        %dma_start3A_135 = tpu.memref_slice %arg6[%add3A_130, %dma_start3A_134] : memref<20000x56xf32, #tpu.memory_space<hbm>> -> memref<80x56xf32, #tpu.memory_space<hbm>>
        %dma_start3A_136 = arith.constant 0 : i32
        %dma_start3A_137 = tpu.memref_slice %arg6[%add3A_130, %dma_start3A_136] : memref<20000x56xf32, #tpu.memory_space<hbm>> -> memref<80x56xf32, #tpu.memory_space<hbm>>
        %dma_start3A_138 = arith.constant 0 : i32
        %dma_start3A_139 = arith.constant 0 : i32
        %dma_start3A_140 = tpu.memref_slice %arg11[%dma_start3A_138, %dma_start3A_139] : memref<100x56xf32, #tpu.memory_space<vmem>> -> memref<80x56xf32, #tpu.memory_space<vmem>>
        tpu.enqueue_dma source(%dma_start3A_140 : memref<80x56xf32, #tpu.memory_space<vmem>>) target(%dma_start3A_137 : memref<80x56xf32, #tpu.memory_space<hbm>>) target_semaphore(%run_scoped3A : memref<!tpu.dma_semaphore, #tpu.memory_space<semaphore_mem>>)
        %dma_wait3A = arith.constant 0 : i32
        %dma_wait3A_141 = arith.constant 0 : i32
        %dma_wait3A_142 = tpu.memref_slice %arg11[%dma_wait3A, %dma_wait3A_141] : memref<100x56xf32, #tpu.memory_space<vmem>> -> memref<80x56xf32, #tpu.memory_space<vmem>>
        %dma_wait3A_143 = arith.constant 0 : i32
        %dma_wait3A_144 = tpu.memref_slice %arg6[%add3A_130, %dma_wait3A_143] : memref<20000x56xf32, #tpu.memory_space<hbm>> -> memref<80x56xf32, #tpu.memory_space<hbm>>
        %dma_wait3A_145 = arith.constant 0 : i32
        %dma_wait3A_146 = tpu.memref_slice %arg6[%add3A_130, %dma_wait3A_145] : memref<20000x56xf32, #tpu.memory_space<hbm>> -> memref<80x56xf32, #tpu.memory_space<hbm>>
        %dma_wait3A_147 = arith.constant 0 : i32
        %dma_wait3A_148 = arith.constant 0 : i32
        %dma_wait3A_149 = tpu.memref_slice %arg11[%dma_wait3A_147, %dma_wait3A_148] : memref<100x56xf32, #tpu.memory_space<vmem>> -> memref<80x56xf32, #tpu.memory_space<vmem>>
        tpu.wait_dma2 semaphore(%run_scoped3A : memref<!tpu.dma_semaphore, #tpu.memory_space<semaphore_mem>>) src(%dma_wait3A_149 : memref<80x56xf32, #tpu.memory_space<vmem>>) dst(%dma_wait3A_146 : memref<80x56xf32, #tpu.memory_space<hbm>>)
        tpu.yield
      }) : () -> ()
    } else {
    }
    %add3A_103 = arith.constant 80 : i32
    %add3A_104 = arith.addi %arg1, %add3A_103 : i32
    %lt3A_105 = arith.constant 125 : i32
    %lt3A_106 = arith.cmpi slt, %add3A_104, %lt3A_105 : i32
    %convert_element_type3A_107 = arith.extui %lt3A_106 : i1 to i32
    %cond3A_108 = arith.constant 0 : i32
    %cond3A_109 = arith.cmpi ne, %convert_element_type3A_107, %cond3A_108 : i32
    scf.if %cond3A_109 {
      %mul3A_124 = arith.constant 80 : i32
      %mul3A_125 = arith.muli %add3A_104, %mul3A_124 : i32
      "tpu.region"() ({
        %run_scoped3A = tpu.sem_alloc : memref<!tpu.dma_semaphore, #tpu.memory_space<semaphore_mem>>
        %dma_start3A_131 = arith.constant 0 : i32
        %dma_start3A_132 = arith.constant 0 : i32
        %dma_start3A_133 = tpu.memref_slice %arg11[%dma_start3A_131, %dma_start3A_132] : memref<100x56xf32, #tpu.memory_space<vmem>> -> memref<80x56xf32, #tpu.memory_space<vmem>>
        %dma_start3A_134 = arith.constant 0 : i32
        %dma_start3A_135 = tpu.memref_slice %arg15[%mul3A_125, %dma_start3A_134] : memref<10000x56xf32, #tpu.memory_space<vmem_shared>> -> memref<80x56xf32, #tpu.memory_space<vmem_shared>>
        %dma_start3A_136 = arith.constant 0 : i32
        %dma_start3A_137 = arith.constant 0 : i32
        %dma_start3A_138 = tpu.memref_slice %arg11[%dma_start3A_136, %dma_start3A_137] : memref<100x56xf32, #tpu.memory_space<vmem>> -> memref<80x56xf32, #tpu.memory_space<vmem>>
        %dma_start3A_139 = arith.constant 0 : i32
        %dma_start3A_140 = tpu.memref_slice %arg15[%mul3A_125, %dma_start3A_139] : memref<10000x56xf32, #tpu.memory_space<vmem_shared>> -> memref<80x56xf32, #tpu.memory_space<vmem_shared>>
        tpu.enqueue_dma source(%dma_start3A_140 : memref<80x56xf32, #tpu.memory_space<vmem_shared>>) target(%dma_start3A_138 : memref<80x56xf32, #tpu.memory_space<vmem>>) target_semaphore(%run_scoped3A : memref<!tpu.dma_semaphore, #tpu.memory_space<semaphore_mem>>)
        %dma_wait3A = arith.constant 0 : i32
        %dma_wait3A_141 = arith.constant 0 : i32
        %dma_wait3A_142 = tpu.memref_slice %arg11[%dma_wait3A, %dma_wait3A_141] : memref<100x56xf32, #tpu.memory_space<vmem>> -> memref<80x56xf32, #tpu.memory_space<vmem>>
        %dma_wait3A_143 = arith.constant 0 : i32
        %dma_wait3A_144 = tpu.memref_slice %arg15[%mul3A_125, %dma_wait3A_143] : memref<10000x56xf32, #tpu.memory_space<vmem_shared>> -> memref<80x56xf32, #tpu.memory_space<vmem_shared>>
        %dma_wait3A_145 = arith.constant 0 : i32
        %dma_wait3A_146 = arith.constant 0 : i32
        %dma_wait3A_147 = tpu.memref_slice %arg11[%dma_wait3A_145, %dma_wait3A_146] : memref<100x56xf32, #tpu.memory_space<vmem>> -> memref<80x56xf32, #tpu.memory_space<vmem>>
        %dma_wait3A_148 = arith.constant 0 : i32
        %dma_wait3A_149 = tpu.memref_slice %arg15[%mul3A_125, %dma_wait3A_148] : memref<10000x56xf32, #tpu.memory_space<vmem_shared>> -> memref<80x56xf32, #tpu.memory_space<vmem_shared>>
        tpu.wait_dma2 semaphore(%run_scoped3A : memref<!tpu.dma_semaphore, #tpu.memory_space<semaphore_mem>>) src(%dma_wait3A_149 : memref<80x56xf32, #tpu.memory_space<vmem_shared>>) dst(%dma_wait3A_147 : memref<80x56xf32, #tpu.memory_space<vmem>>)
        tpu.yield
      }) : () -> ()
      %mul3A_126 = arith.constant 10000 : i32
      %mul3A_127 = arith.muli %arg0, %mul3A_126 : i32
      %mul3A_128 = arith.constant 80 : i32
      %mul3A_129 = arith.muli %add3A_104, %mul3A_128 : i32
      %add3A_130 = arith.addi %mul3A_127, %mul3A_129 : i32
      "tpu.region"() ({
        %run_scoped3A = tpu.sem_alloc : memref<!tpu.dma_semaphore, #tpu.memory_space<semaphore_mem>>
        %dma_start3A_131 = arith.constant 0 : i32
        %dma_start3A_132 = arith.constant 0 : i32
        %dma_start3A_133 = tpu.memref_slice %arg11[%dma_start3A_131, %dma_start3A_132] : memref<100x56xf32, #tpu.memory_space<vmem>> -> memref<80x56xf32, #tpu.memory_space<vmem>>
        %dma_start3A_134 = arith.constant 0 : i32
        %dma_start3A_135 = tpu.memref_slice %arg6[%add3A_130, %dma_start3A_134] : memref<20000x56xf32, #tpu.memory_space<hbm>> -> memref<80x56xf32, #tpu.memory_space<hbm>>
        %dma_start3A_136 = arith.constant 0 : i32
        %dma_start3A_137 = tpu.memref_slice %arg6[%add3A_130, %dma_start3A_136] : memref<20000x56xf32, #tpu.memory_space<hbm>> -> memref<80x56xf32, #tpu.memory_space<hbm>>
        %dma_start3A_138 = arith.constant 0 : i32
        %dma_start3A_139 = arith.constant 0 : i32
        %dma_start3A_140 = tpu.memref_slice %arg11[%dma_start3A_138, %dma_start3A_139] : memref<100x56xf32, #tpu.memory_space<vmem>> -> memref<80x56xf32, #tpu.memory_space<vmem>>
        tpu.enqueue_dma source(%dma_start3A_140 : memref<80x56xf32, #tpu.memory_space<vmem>>) target(%dma_start3A_137 : memref<80x56xf32, #tpu.memory_space<hbm>>) target_semaphore(%run_scoped3A : memref<!tpu.dma_semaphore, #tpu.memory_space<semaphore_mem>>)
        %dma_wait3A = arith.constant 0 : i32
        %dma_wait3A_141 = arith.constant 0 : i32
        %dma_wait3A_142 = tpu.memref_slice %arg11[%dma_wait3A, %dma_wait3A_141] : memref<100x56xf32, #tpu.memory_space<vmem>> -> memref<80x56xf32, #tpu.memory_space<vmem>>
        %dma_wait3A_143 = arith.constant 0 : i32
        %dma_wait3A_144 = tpu.memref_slice %arg6[%add3A_130, %dma_wait3A_143] : memref<20000x56xf32, #tpu.memory_space<hbm>> -> memref<80x56xf32, #tpu.memory_space<hbm>>
        %dma_wait3A_145 = arith.constant 0 : i32
        %dma_wait3A_146 = tpu.memref_slice %arg6[%add3A_130, %dma_wait3A_145] : memref<20000x56xf32, #tpu.memory_space<hbm>> -> memref<80x56xf32, #tpu.memory_space<hbm>>
        %dma_wait3A_147 = arith.constant 0 : i32
        %dma_wait3A_148 = arith.constant 0 : i32
        %dma_wait3A_149 = tpu.memref_slice %arg11[%dma_wait3A_147, %dma_wait3A_148] : memref<100x56xf32, #tpu.memory_space<vmem>> -> memref<80x56xf32, #tpu.memory_space<vmem>>
        tpu.wait_dma2 semaphore(%run_scoped3A : memref<!tpu.dma_semaphore, #tpu.memory_space<semaphore_mem>>) src(%dma_wait3A_149 : memref<80x56xf32, #tpu.memory_space<vmem>>) dst(%dma_wait3A_146 : memref<80x56xf32, #tpu.memory_space<hbm>>)
        tpu.yield
      }) : () -> ()
    } else {
    }
    %add3A_110 = arith.constant 96 : i32
    %add3A_111 = arith.addi %arg1, %add3A_110 : i32
    %lt3A_112 = arith.constant 125 : i32
    %lt3A_113 = arith.cmpi slt, %add3A_111, %lt3A_112 : i32
    %convert_element_type3A_114 = arith.extui %lt3A_113 : i1 to i32
    %cond3A_115 = arith.constant 0 : i32
    %cond3A_116 = arith.cmpi ne, %convert_element_type3A_114, %cond3A_115 : i32
    scf.if %cond3A_116 {
      %mul3A_124 = arith.constant 80 : i32
      %mul3A_125 = arith.muli %add3A_111, %mul3A_124 : i32
      "tpu.region"() ({
        %run_scoped3A = tpu.sem_alloc : memref<!tpu.dma_semaphore, #tpu.memory_space<semaphore_mem>>
        %dma_start3A_131 = arith.constant 0 : i32
        %dma_start3A_132 = arith.constant 0 : i32
        %dma_start3A_133 = tpu.memref_slice %arg11[%dma_start3A_131, %dma_start3A_132] : memref<100x56xf32, #tpu.memory_space<vmem>> -> memref<80x56xf32, #tpu.memory_space<vmem>>
        %dma_start3A_134 = arith.constant 0 : i32
        %dma_start3A_135 = tpu.memref_slice %arg15[%mul3A_125, %dma_start3A_134] : memref<10000x56xf32, #tpu.memory_space<vmem_shared>> -> memref<80x56xf32, #tpu.memory_space<vmem_shared>>
        %dma_start3A_136 = arith.constant 0 : i32
        %dma_start3A_137 = arith.constant 0 : i32
        %dma_start3A_138 = tpu.memref_slice %arg11[%dma_start3A_136, %dma_start3A_137] : memref<100x56xf32, #tpu.memory_space<vmem>> -> memref<80x56xf32, #tpu.memory_space<vmem>>
        %dma_start3A_139 = arith.constant 0 : i32
        %dma_start3A_140 = tpu.memref_slice %arg15[%mul3A_125, %dma_start3A_139] : memref<10000x56xf32, #tpu.memory_space<vmem_shared>> -> memref<80x56xf32, #tpu.memory_space<vmem_shared>>
        tpu.enqueue_dma source(%dma_start3A_140 : memref<80x56xf32, #tpu.memory_space<vmem_shared>>) target(%dma_start3A_138 : memref<80x56xf32, #tpu.memory_space<vmem>>) target_semaphore(%run_scoped3A : memref<!tpu.dma_semaphore, #tpu.memory_space<semaphore_mem>>)
        %dma_wait3A = arith.constant 0 : i32
        %dma_wait3A_141 = arith.constant 0 : i32
        %dma_wait3A_142 = tpu.memref_slice %arg11[%dma_wait3A, %dma_wait3A_141] : memref<100x56xf32, #tpu.memory_space<vmem>> -> memref<80x56xf32, #tpu.memory_space<vmem>>
        %dma_wait3A_143 = arith.constant 0 : i32
        %dma_wait3A_144 = tpu.memref_slice %arg15[%mul3A_125, %dma_wait3A_143] : memref<10000x56xf32, #tpu.memory_space<vmem_shared>> -> memref<80x56xf32, #tpu.memory_space<vmem_shared>>
        %dma_wait3A_145 = arith.constant 0 : i32
        %dma_wait3A_146 = arith.constant 0 : i32
        %dma_wait3A_147 = tpu.memref_slice %arg11[%dma_wait3A_145, %dma_wait3A_146] : memref<100x56xf32, #tpu.memory_space<vmem>> -> memref<80x56xf32, #tpu.memory_space<vmem>>
        %dma_wait3A_148 = arith.constant 0 : i32
        %dma_wait3A_149 = tpu.memref_slice %arg15[%mul3A_125, %dma_wait3A_148] : memref<10000x56xf32, #tpu.memory_space<vmem_shared>> -> memref<80x56xf32, #tpu.memory_space<vmem_shared>>
        tpu.wait_dma2 semaphore(%run_scoped3A : memref<!tpu.dma_semaphore, #tpu.memory_space<semaphore_mem>>) src(%dma_wait3A_149 : memref<80x56xf32, #tpu.memory_space<vmem_shared>>) dst(%dma_wait3A_147 : memref<80x56xf32, #tpu.memory_space<vmem>>)
        tpu.yield
      }) : () -> ()
      %mul3A_126 = arith.constant 10000 : i32
      %mul3A_127 = arith.muli %arg0, %mul3A_126 : i32
      %mul3A_128 = arith.constant 80 : i32
      %mul3A_129 = arith.muli %add3A_111, %mul3A_128 : i32
      %add3A_130 = arith.addi %mul3A_127, %mul3A_129 : i32
      "tpu.region"() ({
        %run_scoped3A = tpu.sem_alloc : memref<!tpu.dma_semaphore, #tpu.memory_space<semaphore_mem>>
        %dma_start3A_131 = arith.constant 0 : i32
        %dma_start3A_132 = arith.constant 0 : i32
        %dma_start3A_133 = tpu.memref_slice %arg11[%dma_start3A_131, %dma_start3A_132] : memref<100x56xf32, #tpu.memory_space<vmem>> -> memref<80x56xf32, #tpu.memory_space<vmem>>
        %dma_start3A_134 = arith.constant 0 : i32
        %dma_start3A_135 = tpu.memref_slice %arg6[%add3A_130, %dma_start3A_134] : memref<20000x56xf32, #tpu.memory_space<hbm>> -> memref<80x56xf32, #tpu.memory_space<hbm>>
        %dma_start3A_136 = arith.constant 0 : i32
        %dma_start3A_137 = tpu.memref_slice %arg6[%add3A_130, %dma_start3A_136] : memref<20000x56xf32, #tpu.memory_space<hbm>> -> memref<80x56xf32, #tpu.memory_space<hbm>>
        %dma_start3A_138 = arith.constant 0 : i32
        %dma_start3A_139 = arith.constant 0 : i32
        %dma_start3A_140 = tpu.memref_slice %arg11[%dma_start3A_138, %dma_start3A_139] : memref<100x56xf32, #tpu.memory_space<vmem>> -> memref<80x56xf32, #tpu.memory_space<vmem>>
        tpu.enqueue_dma source(%dma_start3A_140 : memref<80x56xf32, #tpu.memory_space<vmem>>) target(%dma_start3A_137 : memref<80x56xf32, #tpu.memory_space<hbm>>) target_semaphore(%run_scoped3A : memref<!tpu.dma_semaphore, #tpu.memory_space<semaphore_mem>>)
        %dma_wait3A = arith.constant 0 : i32
        %dma_wait3A_141 = arith.constant 0 : i32
        %dma_wait3A_142 = tpu.memref_slice %arg11[%dma_wait3A, %dma_wait3A_141] : memref<100x56xf32, #tpu.memory_space<vmem>> -> memref<80x56xf32, #tpu.memory_space<vmem>>
        %dma_wait3A_143 = arith.constant 0 : i32
        %dma_wait3A_144 = tpu.memref_slice %arg6[%add3A_130, %dma_wait3A_143] : memref<20000x56xf32, #tpu.memory_space<hbm>> -> memref<80x56xf32, #tpu.memory_space<hbm>>
        %dma_wait3A_145 = arith.constant 0 : i32
        %dma_wait3A_146 = tpu.memref_slice %arg6[%add3A_130, %dma_wait3A_145] : memref<20000x56xf32, #tpu.memory_space<hbm>> -> memref<80x56xf32, #tpu.memory_space<hbm>>
        %dma_wait3A_147 = arith.constant 0 : i32
        %dma_wait3A_148 = arith.constant 0 : i32
        %dma_wait3A_149 = tpu.memref_slice %arg11[%dma_wait3A_147, %dma_wait3A_148] : memref<100x56xf32, #tpu.memory_space<vmem>> -> memref<80x56xf32, #tpu.memory_space<vmem>>
        tpu.wait_dma2 semaphore(%run_scoped3A : memref<!tpu.dma_semaphore, #tpu.memory_space<semaphore_mem>>) src(%dma_wait3A_149 : memref<80x56xf32, #tpu.memory_space<vmem>>) dst(%dma_wait3A_146 : memref<80x56xf32, #tpu.memory_space<hbm>>)
        tpu.yield
      }) : () -> ()
    } else {
    }
    %add3A_117 = arith.constant 112 : i32
    %add3A_118 = arith.addi %arg1, %add3A_117 : i32
    %lt3A_119 = arith.constant 125 : i32
    %lt3A_120 = arith.cmpi slt, %add3A_118, %lt3A_119 : i32
    %convert_element_type3A_121 = arith.extui %lt3A_120 : i1 to i32
    %cond3A_122 = arith.constant 0 : i32
    %cond3A_123 = arith.cmpi ne, %convert_element_type3A_121, %cond3A_122 : i32
    scf.if %cond3A_123 {
      %mul3A_124 = arith.constant 80 : i32
      %mul3A_125 = arith.muli %add3A_118, %mul3A_124 : i32
      "tpu.region"() ({
        %run_scoped3A = tpu.sem_alloc : memref<!tpu.dma_semaphore, #tpu.memory_space<semaphore_mem>>
        %dma_start3A_131 = arith.constant 0 : i32
        %dma_start3A_132 = arith.constant 0 : i32
        %dma_start3A_133 = tpu.memref_slice %arg11[%dma_start3A_131, %dma_start3A_132] : memref<100x56xf32, #tpu.memory_space<vmem>> -> memref<80x56xf32, #tpu.memory_space<vmem>>
        %dma_start3A_134 = arith.constant 0 : i32
        %dma_start3A_135 = tpu.memref_slice %arg15[%mul3A_125, %dma_start3A_134] : memref<10000x56xf32, #tpu.memory_space<vmem_shared>> -> memref<80x56xf32, #tpu.memory_space<vmem_shared>>
        %dma_start3A_136 = arith.constant 0 : i32
        %dma_start3A_137 = arith.constant 0 : i32
        %dma_start3A_138 = tpu.memref_slice %arg11[%dma_start3A_136, %dma_start3A_137] : memref<100x56xf32, #tpu.memory_space<vmem>> -> memref<80x56xf32, #tpu.memory_space<vmem>>
        %dma_start3A_139 = arith.constant 0 : i32
        %dma_start3A_140 = tpu.memref_slice %arg15[%mul3A_125, %dma_start3A_139] : memref<10000x56xf32, #tpu.memory_space<vmem_shared>> -> memref<80x56xf32, #tpu.memory_space<vmem_shared>>
        tpu.enqueue_dma source(%dma_start3A_140 : memref<80x56xf32, #tpu.memory_space<vmem_shared>>) target(%dma_start3A_138 : memref<80x56xf32, #tpu.memory_space<vmem>>) target_semaphore(%run_scoped3A : memref<!tpu.dma_semaphore, #tpu.memory_space<semaphore_mem>>)
        %dma_wait3A = arith.constant 0 : i32
        %dma_wait3A_141 = arith.constant 0 : i32
        %dma_wait3A_142 = tpu.memref_slice %arg11[%dma_wait3A, %dma_wait3A_141] : memref<100x56xf32, #tpu.memory_space<vmem>> -> memref<80x56xf32, #tpu.memory_space<vmem>>
        %dma_wait3A_143 = arith.constant 0 : i32
        %dma_wait3A_144 = tpu.memref_slice %arg15[%mul3A_125, %dma_wait3A_143] : memref<10000x56xf32, #tpu.memory_space<vmem_shared>> -> memref<80x56xf32, #tpu.memory_space<vmem_shared>>
        %dma_wait3A_145 = arith.constant 0 : i32
        %dma_wait3A_146 = arith.constant 0 : i32
        %dma_wait3A_147 = tpu.memref_slice %arg11[%dma_wait3A_145, %dma_wait3A_146] : memref<100x56xf32, #tpu.memory_space<vmem>> -> memref<80x56xf32, #tpu.memory_space<vmem>>
        %dma_wait3A_148 = arith.constant 0 : i32
        %dma_wait3A_149 = tpu.memref_slice %arg15[%mul3A_125, %dma_wait3A_148] : memref<10000x56xf32, #tpu.memory_space<vmem_shared>> -> memref<80x56xf32, #tpu.memory_space<vmem_shared>>
        tpu.wait_dma2 semaphore(%run_scoped3A : memref<!tpu.dma_semaphore, #tpu.memory_space<semaphore_mem>>) src(%dma_wait3A_149 : memref<80x56xf32, #tpu.memory_space<vmem_shared>>) dst(%dma_wait3A_147 : memref<80x56xf32, #tpu.memory_space<vmem>>)
        tpu.yield
      }) : () -> ()
      %mul3A_126 = arith.constant 10000 : i32
      %mul3A_127 = arith.muli %arg0, %mul3A_126 : i32
      %mul3A_128 = arith.constant 80 : i32
      %mul3A_129 = arith.muli %add3A_118, %mul3A_128 : i32
      %add3A_130 = arith.addi %mul3A_127, %mul3A_129 : i32
      "tpu.region"() ({
        %run_scoped3A = tpu.sem_alloc : memref<!tpu.dma_semaphore, #tpu.memory_space<semaphore_mem>>
        %dma_start3A_131 = arith.constant 0 : i32
        %dma_start3A_132 = arith.constant 0 : i32
        %dma_start3A_133 = tpu.memref_slice %arg11[%dma_start3A_131, %dma_start3A_132] : memref<100x56xf32, #tpu.memory_space<vmem>> -> memref<80x56xf32, #tpu.memory_space<vmem>>
        %dma_start3A_134 = arith.constant 0 : i32
        %dma_start3A_135 = tpu.memref_slice %arg6[%add3A_130, %dma_start3A_134] : memref<20000x56xf32, #tpu.memory_space<hbm>> -> memref<80x56xf32, #tpu.memory_space<hbm>>
        %dma_start3A_136 = arith.constant 0 : i32
        %dma_start3A_137 = tpu.memref_slice %arg6[%add3A_130, %dma_start3A_136] : memref<20000x56xf32, #tpu.memory_space<hbm>> -> memref<80x56xf32, #tpu.memory_space<hbm>>
        %dma_start3A_138 = arith.constant 0 : i32
        %dma_start3A_139 = arith.constant 0 : i32
        %dma_start3A_140 = tpu.memref_slice %arg11[%dma_start3A_138, %dma_start3A_139] : memref<100x56xf32, #tpu.memory_space<vmem>> -> memref<80x56xf32, #tpu.memory_space<vmem>>
        tpu.enqueue_dma source(%dma_start3A_140 : memref<80x56xf32, #tpu.memory_space<vmem>>) target(%dma_start3A_137 : memref<80x56xf32, #tpu.memory_space<hbm>>) target_semaphore(%run_scoped3A : memref<!tpu.dma_semaphore, #tpu.memory_space<semaphore_mem>>)
        %dma_wait3A = arith.constant 0 : i32
        %dma_wait3A_141 = arith.constant 0 : i32
        %dma_wait3A_142 = tpu.memref_slice %arg11[%dma_wait3A, %dma_wait3A_141] : memref<100x56xf32, #tpu.memory_space<vmem>> -> memref<80x56xf32, #tpu.memory_space<vmem>>
        %dma_wait3A_143 = arith.constant 0 : i32
        %dma_wait3A_144 = tpu.memref_slice %arg6[%add3A_130, %dma_wait3A_143] : memref<20000x56xf32, #tpu.memory_space<hbm>> -> memref<80x56xf32, #tpu.memory_space<hbm>>
        %dma_wait3A_145 = arith.constant 0 : i32
        %dma_wait3A_146 = tpu.memref_slice %arg6[%add3A_130, %dma_wait3A_145] : memref<20000x56xf32, #tpu.memory_space<hbm>> -> memref<80x56xf32, #tpu.memory_space<hbm>>
        %dma_wait3A_147 = arith.constant 0 : i32
        %dma_wait3A_148 = arith.constant 0 : i32
        %dma_wait3A_149 = tpu.memref_slice %arg11[%dma_wait3A_147, %dma_wait3A_148] : memref<100x56xf32, #tpu.memory_space<vmem>> -> memref<80x56xf32, #tpu.memory_space<vmem>>
        tpu.wait_dma2 semaphore(%run_scoped3A : memref<!tpu.dma_semaphore, #tpu.memory_space<semaphore_mem>>) src(%dma_wait3A_149 : memref<80x56xf32, #tpu.memory_space<vmem>>) dst(%dma_wait3A_146 : memref<80x56xf32, #tpu.memory_space<hbm>>)
        tpu.yield
      }) : () -> ()
    } else {
    }
    return
  }
}

#map = affine_map<(d0, d1) -> (0, 0)>
module attributes {stable_mosaic.version = 14 : i64} {
  func.func @segsum(%arg0: i32, %arg1: i32, %arg2: memref<10000x32xf32, #tpu.memory_space<hbm>>, %arg3: memref<3200x100xi32, #tpu.memory_space<hbm>>, %arg4: memref<3200x100xi32, #tpu.memory_space<hbm>>, %arg5: memref<80x32xf32, #tpu.memory_space<hbm>>, %arg6: memref<20000x32xf32, #tpu.memory_space<hbm>>, %arg7: memref<10x100xi32, #tpu.memory_space<vmem>>, %arg8: memref<10x100xi32, #tpu.memory_space<vmem>>, %arg9: memref<10x100xi32, #tpu.memory_space<vmem>>, %arg10: memref<10x100xi32, #tpu.memory_space<vmem>>, %arg11: memref<100x32xf32, #tpu.memory_space<vmem>>, %arg12: memref<100x32xf32, #tpu.memory_space<vmem>>, %arg13: memref<100x32xf32, #tpu.memory_space<vmem>>, %arg14: memref<100x32xf32, #tpu.memory_space<vmem>>, %arg15: memref<10000x32xf32, #tpu.memory_space<vmem_shared>>, %arg16: memref<!tpu.dma_semaphore, #tpu.memory_space<semaphore_mem>>, %arg17: memref<!tpu.dma_semaphore, #tpu.memory_space<semaphore_mem>>, %arg18: memref<!tpu.dma_semaphore, #tpu.memory_space<semaphore_mem>>) attributes {dimension_semantics = [#tpu.dimension_semantics<core_parallel>, #tpu.dimension_semantics<subcore_parallel>], iteration_bounds = array<i64: 2, 16>, scalar_prefetch = 0 : i64, scratch_operands = 12 : i64, tpu.core_type = #tpu.core_type<sc_vector_subcore>, window_params = [{transform_indices = #map}, {transform_indices = #map}, {transform_indices = #map}, {transform_indices = #map}, {transform_indices = #map}]} {
    %mul3A = arith.constant 16 : i32
    %mul3A_0 = arith.muli %arg0, %mul3A : i32
    %add3A = arith.addi %mul3A_0, %arg1 : i32
    %mul3A_1 = arith.constant 100 : i32
    %mul3A_2 = arith.muli %add3A, %mul3A_1 : i32
    "tpu.region"() ({
      %run_scoped3A = tpu.sem_alloc : memref<!tpu.dma_semaphore, #tpu.memory_space<semaphore_mem>>
      %dma_start3A_127 = arith.constant 0 : i32
      %dma_start3A_128 = arith.constant 0 : i32
      %dma_start3A_129 = tpu.memref_slice %arg11[%dma_start3A_127, %dma_start3A_128] : memref<100x32xf32, #tpu.memory_space<vmem>> -> memref<80x32xf32, #tpu.memory_space<vmem>>
      %dma_start3A_130 = arith.constant 0 : i32
      %dma_start3A_131 = arith.constant 0 : i32
      %dma_start3A_132 = tpu.memref_slice %arg11[%dma_start3A_130, %dma_start3A_131] : memref<100x32xf32, #tpu.memory_space<vmem>> -> memref<80x32xf32, #tpu.memory_space<vmem>>
      tpu.enqueue_dma source(%arg5 : memref<80x32xf32, #tpu.memory_space<hbm>>) target(%dma_start3A_132 : memref<80x32xf32, #tpu.memory_space<vmem>>) target_semaphore(%run_scoped3A : memref<!tpu.dma_semaphore, #tpu.memory_space<semaphore_mem>>)
      %dma_wait3A = arith.constant 0 : i32
      %dma_wait3A_133 = arith.constant 0 : i32
      %dma_wait3A_134 = tpu.memref_slice %arg11[%dma_wait3A, %dma_wait3A_133] : memref<100x32xf32, #tpu.memory_space<vmem>> -> memref<80x32xf32, #tpu.memory_space<vmem>>
      %dma_wait3A_135 = arith.constant 0 : i32
      %dma_wait3A_136 = arith.constant 0 : i32
      %dma_wait3A_137 = tpu.memref_slice %arg11[%dma_wait3A_135, %dma_wait3A_136] : memref<100x32xf32, #tpu.memory_space<vmem>> -> memref<80x32xf32, #tpu.memory_space<vmem>>
      tpu.wait_dma2 semaphore(%run_scoped3A : memref<!tpu.dma_semaphore, #tpu.memory_space<semaphore_mem>>) src(%arg5 : memref<80x32xf32, #tpu.memory_space<hbm>>) dst(%dma_wait3A_137 : memref<80x32xf32, #tpu.memory_space<vmem>>)
      tpu.yield
    }) : () -> ()
    %add3A_3 = arith.constant 0 : i32
    %add3A_4 = arith.addi %arg1, %add3A_3 : i32
    %lt3A = arith.constant 125 : i32
    %lt3A_5 = arith.cmpi slt, %add3A_4, %lt3A : i32
    %convert_element_type3A = arith.extui %lt3A_5 : i1 to i32
    %cond3A = arith.constant 0 : i32
    %cond3A_6 = arith.cmpi ne, %convert_element_type3A, %cond3A : i32
    scf.if %cond3A_6 {
      %mul3A_127 = arith.constant 80 : i32
      %mul3A_128 = arith.muli %add3A_4, %mul3A_127 : i32
      "tpu.region"() ({
        %run_scoped3A = tpu.sem_alloc : memref<!tpu.dma_semaphore, #tpu.memory_space<semaphore_mem>>
        %dma_start3A_129 = arith.constant 0 : i32
        %dma_start3A_130 = arith.constant 0 : i32
        %dma_start3A_131 = tpu.memref_slice %arg11[%dma_start3A_129, %dma_start3A_130] : memref<100x32xf32, #tpu.memory_space<vmem>> -> memref<80x32xf32, #tpu.memory_space<vmem>>
        %dma_start3A_132 = arith.constant 0 : i32
        %dma_start3A_133 = tpu.memref_slice %arg15[%mul3A_128, %dma_start3A_132] : memref<10000x32xf32, #tpu.memory_space<vmem_shared>> -> memref<80x32xf32, #tpu.memory_space<vmem_shared>>
        %dma_start3A_134 = arith.constant 0 : i32
        %dma_start3A_135 = tpu.memref_slice %arg15[%mul3A_128, %dma_start3A_134] : memref<10000x32xf32, #tpu.memory_space<vmem_shared>> -> memref<80x32xf32, #tpu.memory_space<vmem_shared>>
        %dma_start3A_136 = arith.constant 0 : i32
        %dma_start3A_137 = arith.constant 0 : i32
        %dma_start3A_138 = tpu.memref_slice %arg11[%dma_start3A_136, %dma_start3A_137] : memref<100x32xf32, #tpu.memory_space<vmem>> -> memref<80x32xf32, #tpu.memory_space<vmem>>
        tpu.enqueue_dma source(%dma_start3A_138 : memref<80x32xf32, #tpu.memory_space<vmem>>) target(%dma_start3A_135 : memref<80x32xf32, #tpu.memory_space<vmem_shared>>) target_semaphore(%run_scoped3A : memref<!tpu.dma_semaphore, #tpu.memory_space<semaphore_mem>>)
        %dma_wait3A = arith.constant 0 : i32
        %dma_wait3A_139 = arith.constant 0 : i32
        %dma_wait3A_140 = tpu.memref_slice %arg11[%dma_wait3A, %dma_wait3A_139] : memref<100x32xf32, #tpu.memory_space<vmem>> -> memref<80x32xf32, #tpu.memory_space<vmem>>
        %dma_wait3A_141 = arith.constant 0 : i32
        %dma_wait3A_142 = tpu.memref_slice %arg15[%mul3A_128, %dma_wait3A_141] : memref<10000x32xf32, #tpu.memory_space<vmem_shared>> -> memref<80x32xf32, #tpu.memory_space<vmem_shared>>
        %dma_wait3A_143 = arith.constant 0 : i32
        %dma_wait3A_144 = tpu.memref_slice %arg15[%mul3A_128, %dma_wait3A_143] : memref<10000x32xf32, #tpu.memory_space<vmem_shared>> -> memref<80x32xf32, #tpu.memory_space<vmem_shared>>
        %dma_wait3A_145 = arith.constant 0 : i32
        %dma_wait3A_146 = arith.constant 0 : i32
        %dma_wait3A_147 = tpu.memref_slice %arg11[%dma_wait3A_145, %dma_wait3A_146] : memref<100x32xf32, #tpu.memory_space<vmem>> -> memref<80x32xf32, #tpu.memory_space<vmem>>
        tpu.wait_dma2 semaphore(%run_scoped3A : memref<!tpu.dma_semaphore, #tpu.memory_space<semaphore_mem>>) src(%dma_wait3A_147 : memref<80x32xf32, #tpu.memory_space<vmem>>) dst(%dma_wait3A_144 : memref<80x32xf32, #tpu.memory_space<vmem_shared>>)
        tpu.yield
      }) : () -> ()
    } else {
    }
    %add3A_7 = arith.constant 16 : i32
    %add3A_8 = arith.addi %arg1, %add3A_7 : i32
    %lt3A_9 = arith.constant 125 : i32
    %lt3A_10 = arith.cmpi slt, %add3A_8, %lt3A_9 : i32
    %convert_element_type3A_11 = arith.extui %lt3A_10 : i1 to i32
    %cond3A_12 = arith.constant 0 : i32
    %cond3A_13 = arith.cmpi ne, %convert_element_type3A_11, %cond3A_12 : i32
    scf.if %cond3A_13 {
      %mul3A_127 = arith.constant 80 : i32
      %mul3A_128 = arith.muli %add3A_8, %mul3A_127 : i32
      "tpu.region"() ({
        %run_scoped3A = tpu.sem_alloc : memref<!tpu.dma_semaphore, #tpu.memory_space<semaphore_mem>>
        %dma_start3A_129 = arith.constant 0 : i32
        %dma_start3A_130 = arith.constant 0 : i32
        %dma_start3A_131 = tpu.memref_slice %arg11[%dma_start3A_129, %dma_start3A_130] : memref<100x32xf32, #tpu.memory_space<vmem>> -> memref<80x32xf32, #tpu.memory_space<vmem>>
        %dma_start3A_132 = arith.constant 0 : i32
        %dma_start3A_133 = tpu.memref_slice %arg15[%mul3A_128, %dma_start3A_132] : memref<10000x32xf32, #tpu.memory_space<vmem_shared>> -> memref<80x32xf32, #tpu.memory_space<vmem_shared>>
        %dma_start3A_134 = arith.constant 0 : i32
        %dma_start3A_135 = tpu.memref_slice %arg15[%mul3A_128, %dma_start3A_134] : memref<10000x32xf32, #tpu.memory_space<vmem_shared>> -> memref<80x32xf32, #tpu.memory_space<vmem_shared>>
        %dma_start3A_136 = arith.constant 0 : i32
        %dma_start3A_137 = arith.constant 0 : i32
        %dma_start3A_138 = tpu.memref_slice %arg11[%dma_start3A_136, %dma_start3A_137] : memref<100x32xf32, #tpu.memory_space<vmem>> -> memref<80x32xf32, #tpu.memory_space<vmem>>
        tpu.enqueue_dma source(%dma_start3A_138 : memref<80x32xf32, #tpu.memory_space<vmem>>) target(%dma_start3A_135 : memref<80x32xf32, #tpu.memory_space<vmem_shared>>) target_semaphore(%run_scoped3A : memref<!tpu.dma_semaphore, #tpu.memory_space<semaphore_mem>>)
        %dma_wait3A = arith.constant 0 : i32
        %dma_wait3A_139 = arith.constant 0 : i32
        %dma_wait3A_140 = tpu.memref_slice %arg11[%dma_wait3A, %dma_wait3A_139] : memref<100x32xf32, #tpu.memory_space<vmem>> -> memref<80x32xf32, #tpu.memory_space<vmem>>
        %dma_wait3A_141 = arith.constant 0 : i32
        %dma_wait3A_142 = tpu.memref_slice %arg15[%mul3A_128, %dma_wait3A_141] : memref<10000x32xf32, #tpu.memory_space<vmem_shared>> -> memref<80x32xf32, #tpu.memory_space<vmem_shared>>
        %dma_wait3A_143 = arith.constant 0 : i32
        %dma_wait3A_144 = tpu.memref_slice %arg15[%mul3A_128, %dma_wait3A_143] : memref<10000x32xf32, #tpu.memory_space<vmem_shared>> -> memref<80x32xf32, #tpu.memory_space<vmem_shared>>
        %dma_wait3A_145 = arith.constant 0 : i32
        %dma_wait3A_146 = arith.constant 0 : i32
        %dma_wait3A_147 = tpu.memref_slice %arg11[%dma_wait3A_145, %dma_wait3A_146] : memref<100x32xf32, #tpu.memory_space<vmem>> -> memref<80x32xf32, #tpu.memory_space<vmem>>
        tpu.wait_dma2 semaphore(%run_scoped3A : memref<!tpu.dma_semaphore, #tpu.memory_space<semaphore_mem>>) src(%dma_wait3A_147 : memref<80x32xf32, #tpu.memory_space<vmem>>) dst(%dma_wait3A_144 : memref<80x32xf32, #tpu.memory_space<vmem_shared>>)
        tpu.yield
      }) : () -> ()
    } else {
    }
    %add3A_14 = arith.constant 32 : i32
    %add3A_15 = arith.addi %arg1, %add3A_14 : i32
    %lt3A_16 = arith.constant 125 : i32
    %lt3A_17 = arith.cmpi slt, %add3A_15, %lt3A_16 : i32
    %convert_element_type3A_18 = arith.extui %lt3A_17 : i1 to i32
    %cond3A_19 = arith.constant 0 : i32
    %cond3A_20 = arith.cmpi ne, %convert_element_type3A_18, %cond3A_19 : i32
    scf.if %cond3A_20 {
      %mul3A_127 = arith.constant 80 : i32
      %mul3A_128 = arith.muli %add3A_15, %mul3A_127 : i32
      "tpu.region"() ({
        %run_scoped3A = tpu.sem_alloc : memref<!tpu.dma_semaphore, #tpu.memory_space<semaphore_mem>>
        %dma_start3A_129 = arith.constant 0 : i32
        %dma_start3A_130 = arith.constant 0 : i32
        %dma_start3A_131 = tpu.memref_slice %arg11[%dma_start3A_129, %dma_start3A_130] : memref<100x32xf32, #tpu.memory_space<vmem>> -> memref<80x32xf32, #tpu.memory_space<vmem>>
        %dma_start3A_132 = arith.constant 0 : i32
        %dma_start3A_133 = tpu.memref_slice %arg15[%mul3A_128, %dma_start3A_132] : memref<10000x32xf32, #tpu.memory_space<vmem_shared>> -> memref<80x32xf32, #tpu.memory_space<vmem_shared>>
        %dma_start3A_134 = arith.constant 0 : i32
        %dma_start3A_135 = tpu.memref_slice %arg15[%mul3A_128, %dma_start3A_134] : memref<10000x32xf32, #tpu.memory_space<vmem_shared>> -> memref<80x32xf32, #tpu.memory_space<vmem_shared>>
        %dma_start3A_136 = arith.constant 0 : i32
        %dma_start3A_137 = arith.constant 0 : i32
        %dma_start3A_138 = tpu.memref_slice %arg11[%dma_start3A_136, %dma_start3A_137] : memref<100x32xf32, #tpu.memory_space<vmem>> -> memref<80x32xf32, #tpu.memory_space<vmem>>
        tpu.enqueue_dma source(%dma_start3A_138 : memref<80x32xf32, #tpu.memory_space<vmem>>) target(%dma_start3A_135 : memref<80x32xf32, #tpu.memory_space<vmem_shared>>) target_semaphore(%run_scoped3A : memref<!tpu.dma_semaphore, #tpu.memory_space<semaphore_mem>>)
        %dma_wait3A = arith.constant 0 : i32
        %dma_wait3A_139 = arith.constant 0 : i32
        %dma_wait3A_140 = tpu.memref_slice %arg11[%dma_wait3A, %dma_wait3A_139] : memref<100x32xf32, #tpu.memory_space<vmem>> -> memref<80x32xf32, #tpu.memory_space<vmem>>
        %dma_wait3A_141 = arith.constant 0 : i32
        %dma_wait3A_142 = tpu.memref_slice %arg15[%mul3A_128, %dma_wait3A_141] : memref<10000x32xf32, #tpu.memory_space<vmem_shared>> -> memref<80x32xf32, #tpu.memory_space<vmem_shared>>
        %dma_wait3A_143 = arith.constant 0 : i32
        %dma_wait3A_144 = tpu.memref_slice %arg15[%mul3A_128, %dma_wait3A_143] : memref<10000x32xf32, #tpu.memory_space<vmem_shared>> -> memref<80x32xf32, #tpu.memory_space<vmem_shared>>
        %dma_wait3A_145 = arith.constant 0 : i32
        %dma_wait3A_146 = arith.constant 0 : i32
        %dma_wait3A_147 = tpu.memref_slice %arg11[%dma_wait3A_145, %dma_wait3A_146] : memref<100x32xf32, #tpu.memory_space<vmem>> -> memref<80x32xf32, #tpu.memory_space<vmem>>
        tpu.wait_dma2 semaphore(%run_scoped3A : memref<!tpu.dma_semaphore, #tpu.memory_space<semaphore_mem>>) src(%dma_wait3A_147 : memref<80x32xf32, #tpu.memory_space<vmem>>) dst(%dma_wait3A_144 : memref<80x32xf32, #tpu.memory_space<vmem_shared>>)
        tpu.yield
      }) : () -> ()
    } else {
    }
    %add3A_21 = arith.constant 48 : i32
    %add3A_22 = arith.addi %arg1, %add3A_21 : i32
    %lt3A_23 = arith.constant 125 : i32
    %lt3A_24 = arith.cmpi slt, %add3A_22, %lt3A_23 : i32
    %convert_element_type3A_25 = arith.extui %lt3A_24 : i1 to i32
    %cond3A_26 = arith.constant 0 : i32
    %cond3A_27 = arith.cmpi ne, %convert_element_type3A_25, %cond3A_26 : i32
    scf.if %cond3A_27 {
      %mul3A_127 = arith.constant 80 : i32
      %mul3A_128 = arith.muli %add3A_22, %mul3A_127 : i32
      "tpu.region"() ({
        %run_scoped3A = tpu.sem_alloc : memref<!tpu.dma_semaphore, #tpu.memory_space<semaphore_mem>>
        %dma_start3A_129 = arith.constant 0 : i32
        %dma_start3A_130 = arith.constant 0 : i32
        %dma_start3A_131 = tpu.memref_slice %arg11[%dma_start3A_129, %dma_start3A_130] : memref<100x32xf32, #tpu.memory_space<vmem>> -> memref<80x32xf32, #tpu.memory_space<vmem>>
        %dma_start3A_132 = arith.constant 0 : i32
        %dma_start3A_133 = tpu.memref_slice %arg15[%mul3A_128, %dma_start3A_132] : memref<10000x32xf32, #tpu.memory_space<vmem_shared>> -> memref<80x32xf32, #tpu.memory_space<vmem_shared>>
        %dma_start3A_134 = arith.constant 0 : i32
        %dma_start3A_135 = tpu.memref_slice %arg15[%mul3A_128, %dma_start3A_134] : memref<10000x32xf32, #tpu.memory_space<vmem_shared>> -> memref<80x32xf32, #tpu.memory_space<vmem_shared>>
        %dma_start3A_136 = arith.constant 0 : i32
        %dma_start3A_137 = arith.constant 0 : i32
        %dma_start3A_138 = tpu.memref_slice %arg11[%dma_start3A_136, %dma_start3A_137] : memref<100x32xf32, #tpu.memory_space<vmem>> -> memref<80x32xf32, #tpu.memory_space<vmem>>
        tpu.enqueue_dma source(%dma_start3A_138 : memref<80x32xf32, #tpu.memory_space<vmem>>) target(%dma_start3A_135 : memref<80x32xf32, #tpu.memory_space<vmem_shared>>) target_semaphore(%run_scoped3A : memref<!tpu.dma_semaphore, #tpu.memory_space<semaphore_mem>>)
        %dma_wait3A = arith.constant 0 : i32
        %dma_wait3A_139 = arith.constant 0 : i32
        %dma_wait3A_140 = tpu.memref_slice %arg11[%dma_wait3A, %dma_wait3A_139] : memref<100x32xf32, #tpu.memory_space<vmem>> -> memref<80x32xf32, #tpu.memory_space<vmem>>
        %dma_wait3A_141 = arith.constant 0 : i32
        %dma_wait3A_142 = tpu.memref_slice %arg15[%mul3A_128, %dma_wait3A_141] : memref<10000x32xf32, #tpu.memory_space<vmem_shared>> -> memref<80x32xf32, #tpu.memory_space<vmem_shared>>
        %dma_wait3A_143 = arith.constant 0 : i32
        %dma_wait3A_144 = tpu.memref_slice %arg15[%mul3A_128, %dma_wait3A_143] : memref<10000x32xf32, #tpu.memory_space<vmem_shared>> -> memref<80x32xf32, #tpu.memory_space<vmem_shared>>
        %dma_wait3A_145 = arith.constant 0 : i32
        %dma_wait3A_146 = arith.constant 0 : i32
        %dma_wait3A_147 = tpu.memref_slice %arg11[%dma_wait3A_145, %dma_wait3A_146] : memref<100x32xf32, #tpu.memory_space<vmem>> -> memref<80x32xf32, #tpu.memory_space<vmem>>
        tpu.wait_dma2 semaphore(%run_scoped3A : memref<!tpu.dma_semaphore, #tpu.memory_space<semaphore_mem>>) src(%dma_wait3A_147 : memref<80x32xf32, #tpu.memory_space<vmem>>) dst(%dma_wait3A_144 : memref<80x32xf32, #tpu.memory_space<vmem_shared>>)
        tpu.yield
      }) : () -> ()
    } else {
    }
    %add3A_28 = arith.constant 64 : i32
    %add3A_29 = arith.addi %arg1, %add3A_28 : i32
    %lt3A_30 = arith.constant 125 : i32
    %lt3A_31 = arith.cmpi slt, %add3A_29, %lt3A_30 : i32
    %convert_element_type3A_32 = arith.extui %lt3A_31 : i1 to i32
    %cond3A_33 = arith.constant 0 : i32
    %cond3A_34 = arith.cmpi ne, %convert_element_type3A_32, %cond3A_33 : i32
    scf.if %cond3A_34 {
      %mul3A_127 = arith.constant 80 : i32
      %mul3A_128 = arith.muli %add3A_29, %mul3A_127 : i32
      "tpu.region"() ({
        %run_scoped3A = tpu.sem_alloc : memref<!tpu.dma_semaphore, #tpu.memory_space<semaphore_mem>>
        %dma_start3A_129 = arith.constant 0 : i32
        %dma_start3A_130 = arith.constant 0 : i32
        %dma_start3A_131 = tpu.memref_slice %arg11[%dma_start3A_129, %dma_start3A_130] : memref<100x32xf32, #tpu.memory_space<vmem>> -> memref<80x32xf32, #tpu.memory_space<vmem>>
        %dma_start3A_132 = arith.constant 0 : i32
        %dma_start3A_133 = tpu.memref_slice %arg15[%mul3A_128, %dma_start3A_132] : memref<10000x32xf32, #tpu.memory_space<vmem_shared>> -> memref<80x32xf32, #tpu.memory_space<vmem_shared>>
        %dma_start3A_134 = arith.constant 0 : i32
        %dma_start3A_135 = tpu.memref_slice %arg15[%mul3A_128, %dma_start3A_134] : memref<10000x32xf32, #tpu.memory_space<vmem_shared>> -> memref<80x32xf32, #tpu.memory_space<vmem_shared>>
        %dma_start3A_136 = arith.constant 0 : i32
        %dma_start3A_137 = arith.constant 0 : i32
        %dma_start3A_138 = tpu.memref_slice %arg11[%dma_start3A_136, %dma_start3A_137] : memref<100x32xf32, #tpu.memory_space<vmem>> -> memref<80x32xf32, #tpu.memory_space<vmem>>
        tpu.enqueue_dma source(%dma_start3A_138 : memref<80x32xf32, #tpu.memory_space<vmem>>) target(%dma_start3A_135 : memref<80x32xf32, #tpu.memory_space<vmem_shared>>) target_semaphore(%run_scoped3A : memref<!tpu.dma_semaphore, #tpu.memory_space<semaphore_mem>>)
        %dma_wait3A = arith.constant 0 : i32
        %dma_wait3A_139 = arith.constant 0 : i32
        %dma_wait3A_140 = tpu.memref_slice %arg11[%dma_wait3A, %dma_wait3A_139] : memref<100x32xf32, #tpu.memory_space<vmem>> -> memref<80x32xf32, #tpu.memory_space<vmem>>
        %dma_wait3A_141 = arith.constant 0 : i32
        %dma_wait3A_142 = tpu.memref_slice %arg15[%mul3A_128, %dma_wait3A_141] : memref<10000x32xf32, #tpu.memory_space<vmem_shared>> -> memref<80x32xf32, #tpu.memory_space<vmem_shared>>
        %dma_wait3A_143 = arith.constant 0 : i32
        %dma_wait3A_144 = tpu.memref_slice %arg15[%mul3A_128, %dma_wait3A_143] : memref<10000x32xf32, #tpu.memory_space<vmem_shared>> -> memref<80x32xf32, #tpu.memory_space<vmem_shared>>
        %dma_wait3A_145 = arith.constant 0 : i32
        %dma_wait3A_146 = arith.constant 0 : i32
        %dma_wait3A_147 = tpu.memref_slice %arg11[%dma_wait3A_145, %dma_wait3A_146] : memref<100x32xf32, #tpu.memory_space<vmem>> -> memref<80x32xf32, #tpu.memory_space<vmem>>
        tpu.wait_dma2 semaphore(%run_scoped3A : memref<!tpu.dma_semaphore, #tpu.memory_space<semaphore_mem>>) src(%dma_wait3A_147 : memref<80x32xf32, #tpu.memory_space<vmem>>) dst(%dma_wait3A_144 : memref<80x32xf32, #tpu.memory_space<vmem_shared>>)
        tpu.yield
      }) : () -> ()
    } else {
    }
    %add3A_35 = arith.constant 80 : i32
    %add3A_36 = arith.addi %arg1, %add3A_35 : i32
    %lt3A_37 = arith.constant 125 : i32
    %lt3A_38 = arith.cmpi slt, %add3A_36, %lt3A_37 : i32
    %convert_element_type3A_39 = arith.extui %lt3A_38 : i1 to i32
    %cond3A_40 = arith.constant 0 : i32
    %cond3A_41 = arith.cmpi ne, %convert_element_type3A_39, %cond3A_40 : i32
    scf.if %cond3A_41 {
      %mul3A_127 = arith.constant 80 : i32
      %mul3A_128 = arith.muli %add3A_36, %mul3A_127 : i32
      "tpu.region"() ({
        %run_scoped3A = tpu.sem_alloc : memref<!tpu.dma_semaphore, #tpu.memory_space<semaphore_mem>>
        %dma_start3A_129 = arith.constant 0 : i32
        %dma_start3A_130 = arith.constant 0 : i32
        %dma_start3A_131 = tpu.memref_slice %arg11[%dma_start3A_129, %dma_start3A_130] : memref<100x32xf32, #tpu.memory_space<vmem>> -> memref<80x32xf32, #tpu.memory_space<vmem>>
        %dma_start3A_132 = arith.constant 0 : i32
        %dma_start3A_133 = tpu.memref_slice %arg15[%mul3A_128, %dma_start3A_132] : memref<10000x32xf32, #tpu.memory_space<vmem_shared>> -> memref<80x32xf32, #tpu.memory_space<vmem_shared>>
        %dma_start3A_134 = arith.constant 0 : i32
        %dma_start3A_135 = tpu.memref_slice %arg15[%mul3A_128, %dma_start3A_134] : memref<10000x32xf32, #tpu.memory_space<vmem_shared>> -> memref<80x32xf32, #tpu.memory_space<vmem_shared>>
        %dma_start3A_136 = arith.constant 0 : i32
        %dma_start3A_137 = arith.constant 0 : i32
        %dma_start3A_138 = tpu.memref_slice %arg11[%dma_start3A_136, %dma_start3A_137] : memref<100x32xf32, #tpu.memory_space<vmem>> -> memref<80x32xf32, #tpu.memory_space<vmem>>
        tpu.enqueue_dma source(%dma_start3A_138 : memref<80x32xf32, #tpu.memory_space<vmem>>) target(%dma_start3A_135 : memref<80x32xf32, #tpu.memory_space<vmem_shared>>) target_semaphore(%run_scoped3A : memref<!tpu.dma_semaphore, #tpu.memory_space<semaphore_mem>>)
        %dma_wait3A = arith.constant 0 : i32
        %dma_wait3A_139 = arith.constant 0 : i32
        %dma_wait3A_140 = tpu.memref_slice %arg11[%dma_wait3A, %dma_wait3A_139] : memref<100x32xf32, #tpu.memory_space<vmem>> -> memref<80x32xf32, #tpu.memory_space<vmem>>
        %dma_wait3A_141 = arith.constant 0 : i32
        %dma_wait3A_142 = tpu.memref_slice %arg15[%mul3A_128, %dma_wait3A_141] : memref<10000x32xf32, #tpu.memory_space<vmem_shared>> -> memref<80x32xf32, #tpu.memory_space<vmem_shared>>
        %dma_wait3A_143 = arith.constant 0 : i32
        %dma_wait3A_144 = tpu.memref_slice %arg15[%mul3A_128, %dma_wait3A_143] : memref<10000x32xf32, #tpu.memory_space<vmem_shared>> -> memref<80x32xf32, #tpu.memory_space<vmem_shared>>
        %dma_wait3A_145 = arith.constant 0 : i32
        %dma_wait3A_146 = arith.constant 0 : i32
        %dma_wait3A_147 = tpu.memref_slice %arg11[%dma_wait3A_145, %dma_wait3A_146] : memref<100x32xf32, #tpu.memory_space<vmem>> -> memref<80x32xf32, #tpu.memory_space<vmem>>
        tpu.wait_dma2 semaphore(%run_scoped3A : memref<!tpu.dma_semaphore, #tpu.memory_space<semaphore_mem>>) src(%dma_wait3A_147 : memref<80x32xf32, #tpu.memory_space<vmem>>) dst(%dma_wait3A_144 : memref<80x32xf32, #tpu.memory_space<vmem_shared>>)
        tpu.yield
      }) : () -> ()
    } else {
    }
    %add3A_42 = arith.constant 96 : i32
    %add3A_43 = arith.addi %arg1, %add3A_42 : i32
    %lt3A_44 = arith.constant 125 : i32
    %lt3A_45 = arith.cmpi slt, %add3A_43, %lt3A_44 : i32
    %convert_element_type3A_46 = arith.extui %lt3A_45 : i1 to i32
    %cond3A_47 = arith.constant 0 : i32
    %cond3A_48 = arith.cmpi ne, %convert_element_type3A_46, %cond3A_47 : i32
    scf.if %cond3A_48 {
      %mul3A_127 = arith.constant 80 : i32
      %mul3A_128 = arith.muli %add3A_43, %mul3A_127 : i32
      "tpu.region"() ({
        %run_scoped3A = tpu.sem_alloc : memref<!tpu.dma_semaphore, #tpu.memory_space<semaphore_mem>>
        %dma_start3A_129 = arith.constant 0 : i32
        %dma_start3A_130 = arith.constant 0 : i32
        %dma_start3A_131 = tpu.memref_slice %arg11[%dma_start3A_129, %dma_start3A_130] : memref<100x32xf32, #tpu.memory_space<vmem>> -> memref<80x32xf32, #tpu.memory_space<vmem>>
        %dma_start3A_132 = arith.constant 0 : i32
        %dma_start3A_133 = tpu.memref_slice %arg15[%mul3A_128, %dma_start3A_132] : memref<10000x32xf32, #tpu.memory_space<vmem_shared>> -> memref<80x32xf32, #tpu.memory_space<vmem_shared>>
        %dma_start3A_134 = arith.constant 0 : i32
        %dma_start3A_135 = tpu.memref_slice %arg15[%mul3A_128, %dma_start3A_134] : memref<10000x32xf32, #tpu.memory_space<vmem_shared>> -> memref<80x32xf32, #tpu.memory_space<vmem_shared>>
        %dma_start3A_136 = arith.constant 0 : i32
        %dma_start3A_137 = arith.constant 0 : i32
        %dma_start3A_138 = tpu.memref_slice %arg11[%dma_start3A_136, %dma_start3A_137] : memref<100x32xf32, #tpu.memory_space<vmem>> -> memref<80x32xf32, #tpu.memory_space<vmem>>
        tpu.enqueue_dma source(%dma_start3A_138 : memref<80x32xf32, #tpu.memory_space<vmem>>) target(%dma_start3A_135 : memref<80x32xf32, #tpu.memory_space<vmem_shared>>) target_semaphore(%run_scoped3A : memref<!tpu.dma_semaphore, #tpu.memory_space<semaphore_mem>>)
        %dma_wait3A = arith.constant 0 : i32
        %dma_wait3A_139 = arith.constant 0 : i32
        %dma_wait3A_140 = tpu.memref_slice %arg11[%dma_wait3A, %dma_wait3A_139] : memref<100x32xf32, #tpu.memory_space<vmem>> -> memref<80x32xf32, #tpu.memory_space<vmem>>
        %dma_wait3A_141 = arith.constant 0 : i32
        %dma_wait3A_142 = tpu.memref_slice %arg15[%mul3A_128, %dma_wait3A_141] : memref<10000x32xf32, #tpu.memory_space<vmem_shared>> -> memref<80x32xf32, #tpu.memory_space<vmem_shared>>
        %dma_wait3A_143 = arith.constant 0 : i32
        %dma_wait3A_144 = tpu.memref_slice %arg15[%mul3A_128, %dma_wait3A_143] : memref<10000x32xf32, #tpu.memory_space<vmem_shared>> -> memref<80x32xf32, #tpu.memory_space<vmem_shared>>
        %dma_wait3A_145 = arith.constant 0 : i32
        %dma_wait3A_146 = arith.constant 0 : i32
        %dma_wait3A_147 = tpu.memref_slice %arg11[%dma_wait3A_145, %dma_wait3A_146] : memref<100x32xf32, #tpu.memory_space<vmem>> -> memref<80x32xf32, #tpu.memory_space<vmem>>
        tpu.wait_dma2 semaphore(%run_scoped3A : memref<!tpu.dma_semaphore, #tpu.memory_space<semaphore_mem>>) src(%dma_wait3A_147 : memref<80x32xf32, #tpu.memory_space<vmem>>) dst(%dma_wait3A_144 : memref<80x32xf32, #tpu.memory_space<vmem_shared>>)
        tpu.yield
      }) : () -> ()
    } else {
    }
    %add3A_49 = arith.constant 112 : i32
    %add3A_50 = arith.addi %arg1, %add3A_49 : i32
    %lt3A_51 = arith.constant 125 : i32
    %lt3A_52 = arith.cmpi slt, %add3A_50, %lt3A_51 : i32
    %convert_element_type3A_53 = arith.extui %lt3A_52 : i1 to i32
    %cond3A_54 = arith.constant 0 : i32
    %cond3A_55 = arith.cmpi ne, %convert_element_type3A_53, %cond3A_54 : i32
    scf.if %cond3A_55 {
      %mul3A_127 = arith.constant 80 : i32
      %mul3A_128 = arith.muli %add3A_50, %mul3A_127 : i32
      "tpu.region"() ({
        %run_scoped3A = tpu.sem_alloc : memref<!tpu.dma_semaphore, #tpu.memory_space<semaphore_mem>>
        %dma_start3A_129 = arith.constant 0 : i32
        %dma_start3A_130 = arith.constant 0 : i32
        %dma_start3A_131 = tpu.memref_slice %arg11[%dma_start3A_129, %dma_start3A_130] : memref<100x32xf32, #tpu.memory_space<vmem>> -> memref<80x32xf32, #tpu.memory_space<vmem>>
        %dma_start3A_132 = arith.constant 0 : i32
        %dma_start3A_133 = tpu.memref_slice %arg15[%mul3A_128, %dma_start3A_132] : memref<10000x32xf32, #tpu.memory_space<vmem_shared>> -> memref<80x32xf32, #tpu.memory_space<vmem_shared>>
        %dma_start3A_134 = arith.constant 0 : i32
        %dma_start3A_135 = tpu.memref_slice %arg15[%mul3A_128, %dma_start3A_134] : memref<10000x32xf32, #tpu.memory_space<vmem_shared>> -> memref<80x32xf32, #tpu.memory_space<vmem_shared>>
        %dma_start3A_136 = arith.constant 0 : i32
        %dma_start3A_137 = arith.constant 0 : i32
        %dma_start3A_138 = tpu.memref_slice %arg11[%dma_start3A_136, %dma_start3A_137] : memref<100x32xf32, #tpu.memory_space<vmem>> -> memref<80x32xf32, #tpu.memory_space<vmem>>
        tpu.enqueue_dma source(%dma_start3A_138 : memref<80x32xf32, #tpu.memory_space<vmem>>) target(%dma_start3A_135 : memref<80x32xf32, #tpu.memory_space<vmem_shared>>) target_semaphore(%run_scoped3A : memref<!tpu.dma_semaphore, #tpu.memory_space<semaphore_mem>>)
        %dma_wait3A = arith.constant 0 : i32
        %dma_wait3A_139 = arith.constant 0 : i32
        %dma_wait3A_140 = tpu.memref_slice %arg11[%dma_wait3A, %dma_wait3A_139] : memref<100x32xf32, #tpu.memory_space<vmem>> -> memref<80x32xf32, #tpu.memory_space<vmem>>
        %dma_wait3A_141 = arith.constant 0 : i32
        %dma_wait3A_142 = tpu.memref_slice %arg15[%mul3A_128, %dma_wait3A_141] : memref<10000x32xf32, #tpu.memory_space<vmem_shared>> -> memref<80x32xf32, #tpu.memory_space<vmem_shared>>
        %dma_wait3A_143 = arith.constant 0 : i32
        %dma_wait3A_144 = tpu.memref_slice %arg15[%mul3A_128, %dma_wait3A_143] : memref<10000x32xf32, #tpu.memory_space<vmem_shared>> -> memref<80x32xf32, #tpu.memory_space<vmem_shared>>
        %dma_wait3A_145 = arith.constant 0 : i32
        %dma_wait3A_146 = arith.constant 0 : i32
        %dma_wait3A_147 = tpu.memref_slice %arg11[%dma_wait3A_145, %dma_wait3A_146] : memref<100x32xf32, #tpu.memory_space<vmem>> -> memref<80x32xf32, #tpu.memory_space<vmem>>
        tpu.wait_dma2 semaphore(%run_scoped3A : memref<!tpu.dma_semaphore, #tpu.memory_space<semaphore_mem>>) src(%dma_wait3A_147 : memref<80x32xf32, #tpu.memory_space<vmem>>) dst(%dma_wait3A_144 : memref<80x32xf32, #tpu.memory_space<vmem_shared>>)
        tpu.yield
      }) : () -> ()
    } else {
    }
    %barrier3A = arith.constant 0 : index
    tpu.barrier barrier_id(%barrier3A)
    %add3A_56 = arith.constant 0 : i32
    %add3A_57 = arith.addi %mul3A_2, %add3A_56 : i32
    %dma_start3A = arith.constant 0 : i32
    %dma_start3A_58 = tpu.memref_slice %arg3[%add3A_57, %dma_start3A] : memref<3200x100xi32, #tpu.memory_space<hbm>> -> memref<10x100xi32, #tpu.memory_space<hbm>>
    %dma_start3A_59 = arith.constant 0 : i32
    %dma_start3A_60 = tpu.memref_slice %arg3[%add3A_57, %dma_start3A_59] : memref<3200x100xi32, #tpu.memory_space<hbm>> -> memref<10x100xi32, #tpu.memory_space<hbm>>
    tpu.enqueue_dma source(%dma_start3A_60 : memref<10x100xi32, #tpu.memory_space<hbm>>) target(%arg7 : memref<10x100xi32, #tpu.memory_space<vmem>>) target_semaphore(%arg18 : memref<!tpu.dma_semaphore, #tpu.memory_space<semaphore_mem>>)
    %dma_start3A_61 = arith.constant 0 : i32
    %dma_start3A_62 = tpu.memref_slice %arg4[%add3A_57, %dma_start3A_61] : memref<3200x100xi32, #tpu.memory_space<hbm>> -> memref<10x100xi32, #tpu.memory_space<hbm>>
    %dma_start3A_63 = arith.constant 0 : i32
    %dma_start3A_64 = tpu.memref_slice %arg4[%add3A_57, %dma_start3A_63] : memref<3200x100xi32, #tpu.memory_space<hbm>> -> memref<10x100xi32, #tpu.memory_space<hbm>>
    tpu.enqueue_dma source(%dma_start3A_64 : memref<10x100xi32, #tpu.memory_space<hbm>>) target(%arg8 : memref<10x100xi32, #tpu.memory_space<vmem>>) target_semaphore(%arg18 : memref<!tpu.dma_semaphore, #tpu.memory_space<semaphore_mem>>)
    %scan3A = arith.constant 0 : i32
    %scan3A_65 = arith.constant 0 : i32
    %scan3A_66 = arith.constant 5 : i32
    %scan3A_67 = arith.addi %scan3A_65, %scan3A_66 : i32
    %scan3A_68 = arith.constant 1 : i32
    scf.for %scan3A_127 = %scan3A_65 to %scan3A_67 step %scan3A_68  : i32 {
      %mul3A_128 = arith.constant 2 : i32
      %mul3A_129 = arith.muli %mul3A_128, %scan3A_127 : i32
      %mul3A_130 = arith.constant 10 : i32
      %mul3A_131 = arith.muli %mul3A_129, %mul3A_130 : i32
      %add3A_132 = arith.addi %mul3A_2, %mul3A_131 : i32
      %dma_wait3A = arith.constant 0 : i32
      %dma_wait3A_133 = tpu.memref_slice %arg3[%add3A_132, %dma_wait3A] : memref<3200x100xi32, #tpu.memory_space<hbm>> -> memref<10x100xi32, #tpu.memory_space<hbm>>
      %dma_wait3A_134 = arith.constant 0 : i32
      %dma_wait3A_135 = tpu.memref_slice %arg3[%add3A_132, %dma_wait3A_134] : memref<3200x100xi32, #tpu.memory_space<hbm>> -> memref<10x100xi32, #tpu.memory_space<hbm>>
      tpu.wait_dma2 semaphore(%arg18 : memref<!tpu.dma_semaphore, #tpu.memory_space<semaphore_mem>>) src(%dma_wait3A_135 : memref<10x100xi32, #tpu.memory_space<hbm>>) dst(%arg7 : memref<10x100xi32, #tpu.memory_space<vmem>>)
      %dma_wait3A_136 = arith.constant 0 : i32
      %dma_wait3A_137 = tpu.memref_slice %arg4[%add3A_132, %dma_wait3A_136] : memref<3200x100xi32, #tpu.memory_space<hbm>> -> memref<10x100xi32, #tpu.memory_space<hbm>>
      %dma_wait3A_138 = arith.constant 0 : i32
      %dma_wait3A_139 = tpu.memref_slice %arg4[%add3A_132, %dma_wait3A_138] : memref<3200x100xi32, #tpu.memory_space<hbm>> -> memref<10x100xi32, #tpu.memory_space<hbm>>
      tpu.wait_dma2 semaphore(%arg18 : memref<!tpu.dma_semaphore, #tpu.memory_space<semaphore_mem>>) src(%dma_wait3A_139 : memref<10x100xi32, #tpu.memory_space<hbm>>) dst(%arg8 : memref<10x100xi32, #tpu.memory_space<vmem>>)
      %add3A_140 = arith.constant 1 : i32
      %add3A_141 = arith.addi %mul3A_129, %add3A_140 : i32
      %mul3A_142 = arith.constant 10 : i32
      %mul3A_143 = arith.muli %add3A_141, %mul3A_142 : i32
      %add3A_144 = arith.addi %mul3A_2, %mul3A_143 : i32
      %dma_start3A_145 = arith.constant 0 : i32
      %dma_start3A_146 = tpu.memref_slice %arg3[%add3A_144, %dma_start3A_145] : memref<3200x100xi32, #tpu.memory_space<hbm>> -> memref<10x100xi32, #tpu.memory_space<hbm>>
      %dma_start3A_147 = arith.constant 0 : i32
      %dma_start3A_148 = tpu.memref_slice %arg3[%add3A_144, %dma_start3A_147] : memref<3200x100xi32, #tpu.memory_space<hbm>> -> memref<10x100xi32, #tpu.memory_space<hbm>>
      tpu.enqueue_dma source(%dma_start3A_148 : memref<10x100xi32, #tpu.memory_space<hbm>>) target(%arg9 : memref<10x100xi32, #tpu.memory_space<vmem>>) target_semaphore(%arg18 : memref<!tpu.dma_semaphore, #tpu.memory_space<semaphore_mem>>)
      %dma_start3A_149 = arith.constant 0 : i32
      %dma_start3A_150 = tpu.memref_slice %arg4[%add3A_144, %dma_start3A_149] : memref<3200x100xi32, #tpu.memory_space<hbm>> -> memref<10x100xi32, #tpu.memory_space<hbm>>
      %dma_start3A_151 = arith.constant 0 : i32
      %dma_start3A_152 = tpu.memref_slice %arg4[%add3A_144, %dma_start3A_151] : memref<3200x100xi32, #tpu.memory_space<hbm>> -> memref<10x100xi32, #tpu.memory_space<hbm>>
      tpu.enqueue_dma source(%dma_start3A_152 : memref<10x100xi32, #tpu.memory_space<hbm>>) target(%arg10 : memref<10x100xi32, #tpu.memory_space<vmem>>) target_semaphore(%arg18 : memref<!tpu.dma_semaphore, #tpu.memory_space<semaphore_mem>>)
      %dma_start3A_153 = arith.constant 0 : i32
      %dma_start3A_154 = arith.constant 0 : i32
      %dma_start3A_155 = tpu.memref_slice %arg7[%dma_start3A_153, %dma_start3A_154] : memref<10x100xi32, #tpu.memory_space<vmem>> -> memref<1x100xi32, #tpu.memory_space<vmem>>
      %dma_start3A_156 = tpu.memref_squeeze %dma_start3A_155 : memref<1x100xi32, #tpu.memory_space<vmem>> -> memref<100xi32, #tpu.memory_space<vmem>>
      %dma_start3A_157 = arith.constant 0 : i32
      %dma_start3A_158 = arith.constant 0 : i32
      %dma_start3A_159 = tpu.memref_slice %arg2[%dma_start3A_157, %dma_start3A_158] : memref<10000x32xf32, #tpu.memory_space<hbm>> -> memref<10000x32xf32, #tpu.memory_space<hbm>>
      tpu.enqueue_indirect_dma source(%dma_start3A_159 : memref<10000x32xf32, #tpu.memory_space<hbm>>) target(%arg11 : memref<100x32xf32, #tpu.memory_space<vmem>>) offsets(%dma_start3A_156 : memref<100xi32, #tpu.memory_space<vmem>>) semaphore(%arg16 : memref<!tpu.dma_semaphore, #tpu.memory_space<semaphore_mem>>)
      %dma_start3A_160 = arith.constant 1 : i32
      %dma_start3A_161 = arith.constant 0 : i32
      %dma_start3A_162 = tpu.memref_slice %arg7[%dma_start3A_160, %dma_start3A_161] : memref<10x100xi32, #tpu.memory_space<vmem>> -> memref<1x100xi32, #tpu.memory_space<vmem>>
      %dma_start3A_163 = tpu.memref_squeeze %dma_start3A_162 : memref<1x100xi32, #tpu.memory_space<vmem>> -> memref<100xi32, #tpu.memory_space<vmem>>
      %dma_start3A_164 = arith.constant 0 : i32
      %dma_start3A_165 = arith.constant 0 : i32
      %dma_start3A_166 = tpu.memref_slice %arg2[%dma_start3A_164, %dma_start3A_165] : memref<10000x32xf32, #tpu.memory_space<hbm>> -> memref<10000x32xf32, #tpu.memory_space<hbm>>
      tpu.enqueue_indirect_dma source(%dma_start3A_166 : memref<10000x32xf32, #tpu.memory_space<hbm>>) target(%arg12 : memref<100x32xf32, #tpu.memory_space<vmem>>) offsets(%dma_start3A_163 : memref<100xi32, #tpu.memory_space<vmem>>) semaphore(%arg16 : memref<!tpu.dma_semaphore, #tpu.memory_space<semaphore_mem>>)
      %dma_start3A_167 = arith.constant 2 : i32
      %dma_start3A_168 = arith.constant 0 : i32
      %dma_start3A_169 = tpu.memref_slice %arg7[%dma_start3A_167, %dma_start3A_168] : memref<10x100xi32, #tpu.memory_space<vmem>> -> memref<1x100xi32, #tpu.memory_space<vmem>>
      %dma_start3A_170 = tpu.memref_squeeze %dma_start3A_169 : memref<1x100xi32, #tpu.memory_space<vmem>> -> memref<100xi32, #tpu.memory_space<vmem>>
      %dma_start3A_171 = arith.constant 0 : i32
      %dma_start3A_172 = arith.constant 0 : i32
      %dma_start3A_173 = tpu.memref_slice %arg2[%dma_start3A_171, %dma_start3A_172] : memref<10000x32xf32, #tpu.memory_space<hbm>> -> memref<10000x32xf32, #tpu.memory_space<hbm>>
      tpu.enqueue_indirect_dma source(%dma_start3A_173 : memref<10000x32xf32, #tpu.memory_space<hbm>>) target(%arg13 : memref<100x32xf32, #tpu.memory_space<vmem>>) offsets(%dma_start3A_170 : memref<100xi32, #tpu.memory_space<vmem>>) semaphore(%arg16 : memref<!tpu.dma_semaphore, #tpu.memory_space<semaphore_mem>>)
      %dma_start3A_174 = arith.constant 3 : i32
      %dma_start3A_175 = arith.constant 0 : i32
      %dma_start3A_176 = tpu.memref_slice %arg7[%dma_start3A_174, %dma_start3A_175] : memref<10x100xi32, #tpu.memory_space<vmem>> -> memref<1x100xi32, #tpu.memory_space<vmem>>
      %dma_start3A_177 = tpu.memref_squeeze %dma_start3A_176 : memref<1x100xi32, #tpu.memory_space<vmem>> -> memref<100xi32, #tpu.memory_space<vmem>>
      %dma_start3A_178 = arith.constant 0 : i32
      %dma_start3A_179 = arith.constant 0 : i32
      %dma_start3A_180 = tpu.memref_slice %arg2[%dma_start3A_178, %dma_start3A_179] : memref<10000x32xf32, #tpu.memory_space<hbm>> -> memref<10000x32xf32, #tpu.memory_space<hbm>>
      tpu.enqueue_indirect_dma source(%dma_start3A_180 : memref<10000x32xf32, #tpu.memory_space<hbm>>) target(%arg14 : memref<100x32xf32, #tpu.memory_space<vmem>>) offsets(%dma_start3A_177 : memref<100xi32, #tpu.memory_space<vmem>>) semaphore(%arg16 : memref<!tpu.dma_semaphore, #tpu.memory_space<semaphore_mem>>)
      %dma_wait3A_181 = arith.constant 0 : i32
      %dma_wait3A_182 = arith.constant 0 : i32
      %dma_wait3A_183 = tpu.memref_slice %arg7[%dma_wait3A_181, %dma_wait3A_182] : memref<10x100xi32, #tpu.memory_space<vmem>> -> memref<1x100xi32, #tpu.memory_space<vmem>>
      %dma_wait3A_184 = tpu.memref_squeeze %dma_wait3A_183 : memref<1x100xi32, #tpu.memory_space<vmem>> -> memref<100xi32, #tpu.memory_space<vmem>>
      %dma_wait3A_185 = arith.constant 0 : i32
      %dma_wait3A_186 = arith.constant 0 : i32
      %dma_wait3A_187 = tpu.memref_slice %arg2[%dma_wait3A_185, %dma_wait3A_186] : memref<10000x32xf32, #tpu.memory_space<hbm>> -> memref<10000x32xf32, #tpu.memory_space<hbm>>
      tpu.wait_indirect_dma semaphore(%arg16 : memref<!tpu.dma_semaphore, #tpu.memory_space<semaphore_mem>>) src(%dma_wait3A_187 : memref<10000x32xf32, #tpu.memory_space<hbm>>) dst(%arg11 : memref<100x32xf32, #tpu.memory_space<vmem>>)
      %dma_wait3A_188 = arith.constant 1 : i32
      %dma_wait3A_189 = arith.constant 0 : i32
      %dma_wait3A_190 = tpu.memref_slice %arg7[%dma_wait3A_188, %dma_wait3A_189] : memref<10x100xi32, #tpu.memory_space<vmem>> -> memref<1x100xi32, #tpu.memory_space<vmem>>
      %dma_wait3A_191 = tpu.memref_squeeze %dma_wait3A_190 : memref<1x100xi32, #tpu.memory_space<vmem>> -> memref<100xi32, #tpu.memory_space<vmem>>
      %dma_wait3A_192 = arith.constant 0 : i32
      %dma_wait3A_193 = arith.constant 0 : i32
      %dma_wait3A_194 = tpu.memref_slice %arg2[%dma_wait3A_192, %dma_wait3A_193] : memref<10000x32xf32, #tpu.memory_space<hbm>> -> memref<10000x32xf32, #tpu.memory_space<hbm>>
      tpu.wait_indirect_dma semaphore(%arg16 : memref<!tpu.dma_semaphore, #tpu.memory_space<semaphore_mem>>) src(%dma_wait3A_194 : memref<10000x32xf32, #tpu.memory_space<hbm>>) dst(%arg12 : memref<100x32xf32, #tpu.memory_space<vmem>>)
      %dma_start3A_195 = arith.constant 0 : i32
      %dma_start3A_196 = arith.constant 0 : i32
      %dma_start3A_197 = tpu.memref_slice %arg8[%dma_start3A_195, %dma_start3A_196] : memref<10x100xi32, #tpu.memory_space<vmem>> -> memref<1x100xi32, #tpu.memory_space<vmem>>
      %dma_start3A_198 = tpu.memref_squeeze %dma_start3A_197 : memref<1x100xi32, #tpu.memory_space<vmem>> -> memref<100xi32, #tpu.memory_space<vmem>>
      %dma_start3A_199 = arith.constant 0 : i32
      %dma_start3A_200 = arith.constant 0 : i32
      %dma_start3A_201 = tpu.memref_slice %arg15[%dma_start3A_199, %dma_start3A_200] : memref<10000x32xf32, #tpu.memory_space<vmem_shared>> -> memref<10000x32xf32, #tpu.memory_space<vmem_shared>>
      tpu.enqueue_indirect_dma source(%arg11 : memref<100x32xf32, #tpu.memory_space<vmem>>) target(%dma_start3A_201 : memref<10000x32xf32, #tpu.memory_space<vmem_shared>>) offsets(%dma_start3A_198 : memref<100xi32, #tpu.memory_space<vmem>>) semaphore(%arg17 : memref<!tpu.dma_semaphore, #tpu.memory_space<semaphore_mem>>) {add = true}
      %dma_start3A_202 = arith.constant 1 : i32
      %dma_start3A_203 = arith.constant 0 : i32
      %dma_start3A_204 = tpu.memref_slice %arg8[%dma_start3A_202, %dma_start3A_203] : memref<10x100xi32, #tpu.memory_space<vmem>> -> memref<1x100xi32, #tpu.memory_space<vmem>>
      %dma_start3A_205 = tpu.memref_squeeze %dma_start3A_204 : memref<1x100xi32, #tpu.memory_space<vmem>> -> memref<100xi32, #tpu.memory_space<vmem>>
      %dma_start3A_206 = arith.constant 0 : i32
      %dma_start3A_207 = arith.constant 0 : i32
      %dma_start3A_208 = tpu.memref_slice %arg15[%dma_start3A_206, %dma_start3A_207] : memref<10000x32xf32, #tpu.memory_space<vmem_shared>> -> memref<10000x32xf32, #tpu.memory_space<vmem_shared>>
      tpu.enqueue_indirect_dma source(%arg12 : memref<100x32xf32, #tpu.memory_space<vmem>>) target(%dma_start3A_208 : memref<10000x32xf32, #tpu.memory_space<vmem_shared>>) offsets(%dma_start3A_205 : memref<100xi32, #tpu.memory_space<vmem>>) semaphore(%arg17 : memref<!tpu.dma_semaphore, #tpu.memory_space<semaphore_mem>>) {add = true}
      %dma_start3A_209 = arith.constant 4 : i32
      %dma_start3A_210 = arith.constant 0 : i32
      %dma_start3A_211 = tpu.memref_slice %arg7[%dma_start3A_209, %dma_start3A_210] : memref<10x100xi32, #tpu.memory_space<vmem>> -> memref<1x100xi32, #tpu.memory_space<vmem>>
      %dma_start3A_212 = tpu.memref_squeeze %dma_start3A_211 : memref<1x100xi32, #tpu.memory_space<vmem>> -> memref<100xi32, #tpu.memory_space<vmem>>
      %dma_start3A_213 = arith.constant 0 : i32
      %dma_start3A_214 = arith.constant 0 : i32
      %dma_start3A_215 = tpu.memref_slice %arg2[%dma_start3A_213, %dma_start3A_214] : memref<10000x32xf32, #tpu.memory_space<hbm>> -> memref<10000x32xf32, #tpu.memory_space<hbm>>
      tpu.enqueue_indirect_dma source(%dma_start3A_215 : memref<10000x32xf32, #tpu.memory_space<hbm>>) target(%arg11 : memref<100x32xf32, #tpu.memory_space<vmem>>) offsets(%dma_start3A_212 : memref<100xi32, #tpu.memory_space<vmem>>) semaphore(%arg16 : memref<!tpu.dma_semaphore, #tpu.memory_space<semaphore_mem>>)
      %dma_start3A_216 = arith.constant 5 : i32
      %dma_start3A_217 = arith.constant 0 : i32
      %dma_start3A_218 = tpu.memref_slice %arg7[%dma_start3A_216, %dma_start3A_217] : memref<10x100xi32, #tpu.memory_space<vmem>> -> memref<1x100xi32, #tpu.memory_space<vmem>>
      %dma_start3A_219 = tpu.memref_squeeze %dma_start3A_218 : memref<1x100xi32, #tpu.memory_space<vmem>> -> memref<100xi32, #tpu.memory_space<vmem>>
      %dma_start3A_220 = arith.constant 0 : i32
      %dma_start3A_221 = arith.constant 0 : i32
      %dma_start3A_222 = tpu.memref_slice %arg2[%dma_start3A_220, %dma_start3A_221] : memref<10000x32xf32, #tpu.memory_space<hbm>> -> memref<10000x32xf32, #tpu.memory_space<hbm>>
      tpu.enqueue_indirect_dma source(%dma_start3A_222 : memref<10000x32xf32, #tpu.memory_space<hbm>>) target(%arg12 : memref<100x32xf32, #tpu.memory_space<vmem>>) offsets(%dma_start3A_219 : memref<100xi32, #tpu.memory_space<vmem>>) semaphore(%arg16 : memref<!tpu.dma_semaphore, #tpu.memory_space<semaphore_mem>>)
      %dma_wait3A_223 = arith.constant 2 : i32
      %dma_wait3A_224 = arith.constant 0 : i32
      %dma_wait3A_225 = tpu.memref_slice %arg7[%dma_wait3A_223, %dma_wait3A_224] : memref<10x100xi32, #tpu.memory_space<vmem>> -> memref<1x100xi32, #tpu.memory_space<vmem>>
      %dma_wait3A_226 = tpu.memref_squeeze %dma_wait3A_225 : memref<1x100xi32, #tpu.memory_space<vmem>> -> memref<100xi32, #tpu.memory_space<vmem>>
      %dma_wait3A_227 = arith.constant 0 : i32
      %dma_wait3A_228 = arith.constant 0 : i32
      %dma_wait3A_229 = tpu.memref_slice %arg2[%dma_wait3A_227, %dma_wait3A_228] : memref<10000x32xf32, #tpu.memory_space<hbm>> -> memref<10000x32xf32, #tpu.memory_space<hbm>>
      tpu.wait_indirect_dma semaphore(%arg16 : memref<!tpu.dma_semaphore, #tpu.memory_space<semaphore_mem>>) src(%dma_wait3A_229 : memref<10000x32xf32, #tpu.memory_space<hbm>>) dst(%arg13 : memref<100x32xf32, #tpu.memory_space<vmem>>)
      %dma_wait3A_230 = arith.constant 3 : i32
      %dma_wait3A_231 = arith.constant 0 : i32
      %dma_wait3A_232 = tpu.memref_slice %arg7[%dma_wait3A_230, %dma_wait3A_231] : memref<10x100xi32, #tpu.memory_space<vmem>> -> memref<1x100xi32, #tpu.memory_space<vmem>>
      %dma_wait3A_233 = tpu.memref_squeeze %dma_wait3A_232 : memref<1x100xi32, #tpu.memory_space<vmem>> -> memref<100xi32, #tpu.memory_space<vmem>>
      %dma_wait3A_234 = arith.constant 0 : i32
      %dma_wait3A_235 = arith.constant 0 : i32
      %dma_wait3A_236 = tpu.memref_slice %arg2[%dma_wait3A_234, %dma_wait3A_235] : memref<10000x32xf32, #tpu.memory_space<hbm>> -> memref<10000x32xf32, #tpu.memory_space<hbm>>
      tpu.wait_indirect_dma semaphore(%arg16 : memref<!tpu.dma_semaphore, #tpu.memory_space<semaphore_mem>>) src(%dma_wait3A_236 : memref<10000x32xf32, #tpu.memory_space<hbm>>) dst(%arg14 : memref<100x32xf32, #tpu.memory_space<vmem>>)
      %dma_start3A_237 = arith.constant 2 : i32
      %dma_start3A_238 = arith.constant 0 : i32
      %dma_start3A_239 = tpu.memref_slice %arg8[%dma_start3A_237, %dma_start3A_238] : memref<10x100xi32, #tpu.memory_space<vmem>> -> memref<1x100xi32, #tpu.memory_space<vmem>>
      %dma_start3A_240 = tpu.memref_squeeze %dma_start3A_239 : memref<1x100xi32, #tpu.memory_space<vmem>> -> memref<100xi32, #tpu.memory_space<vmem>>
      %dma_start3A_241 = arith.constant 0 : i32
      %dma_start3A_242 = arith.constant 0 : i32
      %dma_start3A_243 = tpu.memref_slice %arg15[%dma_start3A_241, %dma_start3A_242] : memref<10000x32xf32, #tpu.memory_space<vmem_shared>> -> memref<10000x32xf32, #tpu.memory_space<vmem_shared>>
      tpu.enqueue_indirect_dma source(%arg13 : memref<100x32xf32, #tpu.memory_space<vmem>>) target(%dma_start3A_243 : memref<10000x32xf32, #tpu.memory_space<vmem_shared>>) offsets(%dma_start3A_240 : memref<100xi32, #tpu.memory_space<vmem>>) semaphore(%arg17 : memref<!tpu.dma_semaphore, #tpu.memory_space<semaphore_mem>>) {add = true}
      %dma_start3A_244 = arith.constant 3 : i32
      %dma_start3A_245 = arith.constant 0 : i32
      %dma_start3A_246 = tpu.memref_slice %arg8[%dma_start3A_244, %dma_start3A_245] : memref<10x100xi32, #tpu.memory_space<vmem>> -> memref<1x100xi32, #tpu.memory_space<vmem>>
      %dma_start3A_247 = tpu.memref_squeeze %dma_start3A_246 : memref<1x100xi32, #tpu.memory_space<vmem>> -> memref<100xi32, #tpu.memory_space<vmem>>
      %dma_start3A_248 = arith.constant 0 : i32
      %dma_start3A_249 = arith.constant 0 : i32
      %dma_start3A_250 = tpu.memref_slice %arg15[%dma_start3A_248, %dma_start3A_249] : memref<10000x32xf32, #tpu.memory_space<vmem_shared>> -> memref<10000x32xf32, #tpu.memory_space<vmem_shared>>
      tpu.enqueue_indirect_dma source(%arg14 : memref<100x32xf32, #tpu.memory_space<vmem>>) target(%dma_start3A_250 : memref<10000x32xf32, #tpu.memory_space<vmem_shared>>) offsets(%dma_start3A_247 : memref<100xi32, #tpu.memory_space<vmem>>) semaphore(%arg17 : memref<!tpu.dma_semaphore, #tpu.memory_space<semaphore_mem>>) {add = true}
      %dma_wait3A_251 = arith.constant 0 : i32
      %dma_wait3A_252 = arith.constant 0 : i32
      %dma_wait3A_253 = tpu.memref_slice %arg8[%dma_wait3A_251, %dma_wait3A_252] : memref<10x100xi32, #tpu.memory_space<vmem>> -> memref<1x100xi32, #tpu.memory_space<vmem>>
      %dma_wait3A_254 = tpu.memref_squeeze %dma_wait3A_253 : memref<1x100xi32, #tpu.memory_space<vmem>> -> memref<100xi32, #tpu.memory_space<vmem>>
      %dma_wait3A_255 = arith.constant 0 : i32
      %dma_wait3A_256 = arith.constant 0 : i32
      %dma_wait3A_257 = tpu.memref_slice %arg15[%dma_wait3A_255, %dma_wait3A_256] : memref<10000x32xf32, #tpu.memory_space<vmem_shared>> -> memref<10000x32xf32, #tpu.memory_space<vmem_shared>>
      tpu.wait_indirect_dma semaphore(%arg17 : memref<!tpu.dma_semaphore, #tpu.memory_space<semaphore_mem>>) src(%arg11 : memref<100x32xf32, #tpu.memory_space<vmem>>) dst(%dma_wait3A_257 : memref<10000x32xf32, #tpu.memory_space<vmem_shared>>)
      %dma_wait3A_258 = arith.constant 1 : i32
      %dma_wait3A_259 = arith.constant 0 : i32
      %dma_wait3A_260 = tpu.memref_slice %arg8[%dma_wait3A_258, %dma_wait3A_259] : memref<10x100xi32, #tpu.memory_space<vmem>> -> memref<1x100xi32, #tpu.memory_space<vmem>>
      %dma_wait3A_261 = tpu.memref_squeeze %dma_wait3A_260 : memref<1x100xi32, #tpu.memory_space<vmem>> -> memref<100xi32, #tpu.memory_space<vmem>>
      %dma_wait3A_262 = arith.constant 0 : i32
      %dma_wait3A_263 = arith.constant 0 : i32
      %dma_wait3A_264 = tpu.memref_slice %arg15[%dma_wait3A_262, %dma_wait3A_263] : memref<10000x32xf32, #tpu.memory_space<vmem_shared>> -> memref<10000x32xf32, #tpu.memory_space<vmem_shared>>
      tpu.wait_indirect_dma semaphore(%arg17 : memref<!tpu.dma_semaphore, #tpu.memory_space<semaphore_mem>>) src(%arg12 : memref<100x32xf32, #tpu.memory_space<vmem>>) dst(%dma_wait3A_264 : memref<10000x32xf32, #tpu.memory_space<vmem_shared>>)
      %dma_start3A_265 = arith.constant 6 : i32
      %dma_start3A_266 = arith.constant 0 : i32
      %dma_start3A_267 = tpu.memref_slice %arg7[%dma_start3A_265, %dma_start3A_266] : memref<10x100xi32, #tpu.memory_space<vmem>> -> memref<1x100xi32, #tpu.memory_space<vmem>>
      %dma_start3A_268 = tpu.memref_squeeze %dma_start3A_267 : memref<1x100xi32, #tpu.memory_space<vmem>> -> memref<100xi32, #tpu.memory_space<vmem>>
      %dma_start3A_269 = arith.constant 0 : i32
      %dma_start3A_270 = arith.constant 0 : i32
      %dma_start3A_271 = tpu.memref_slice %arg2[%dma_start3A_269, %dma_start3A_270] : memref<10000x32xf32, #tpu.memory_space<hbm>> -> memref<10000x32xf32, #tpu.memory_space<hbm>>
      tpu.enqueue_indirect_dma source(%dma_start3A_271 : memref<10000x32xf32, #tpu.memory_space<hbm>>) target(%arg13 : memref<100x32xf32, #tpu.memory_space<vmem>>) offsets(%dma_start3A_268 : memref<100xi32, #tpu.memory_space<vmem>>) semaphore(%arg16 : memref<!tpu.dma_semaphore, #tpu.memory_space<semaphore_mem>>)
      %dma_start3A_272 = arith.constant 7 : i32
      %dma_start3A_273 = arith.constant 0 : i32
      %dma_start3A_274 = tpu.memref_slice %arg7[%dma_start3A_272, %dma_start3A_273] : memref<10x100xi32, #tpu.memory_space<vmem>> -> memref<1x100xi32, #tpu.memory_space<vmem>>
      %dma_start3A_275 = tpu.memref_squeeze %dma_start3A_274 : memref<1x100xi32, #tpu.memory_space<vmem>> -> memref<100xi32, #tpu.memory_space<vmem>>
      %dma_start3A_276 = arith.constant 0 : i32
      %dma_start3A_277 = arith.constant 0 : i32
      %dma_start3A_278 = tpu.memref_slice %arg2[%dma_start3A_276, %dma_start3A_277] : memref<10000x32xf32, #tpu.memory_space<hbm>> -> memref<10000x32xf32, #tpu.memory_space<hbm>>
      tpu.enqueue_indirect_dma source(%dma_start3A_278 : memref<10000x32xf32, #tpu.memory_space<hbm>>) target(%arg14 : memref<100x32xf32, #tpu.memory_space<vmem>>) offsets(%dma_start3A_275 : memref<100xi32, #tpu.memory_space<vmem>>) semaphore(%arg16 : memref<!tpu.dma_semaphore, #tpu.memory_space<semaphore_mem>>)
      %dma_wait3A_279 = arith.constant 4 : i32
      %dma_wait3A_280 = arith.constant 0 : i32
      %dma_wait3A_281 = tpu.memref_slice %arg7[%dma_wait3A_279, %dma_wait3A_280] : memref<10x100xi32, #tpu.memory_space<vmem>> -> memref<1x100xi32, #tpu.memory_space<vmem>>
      %dma_wait3A_282 = tpu.memref_squeeze %dma_wait3A_281 : memref<1x100xi32, #tpu.memory_space<vmem>> -> memref<100xi32, #tpu.memory_space<vmem>>
      %dma_wait3A_283 = arith.constant 0 : i32
      %dma_wait3A_284 = arith.constant 0 : i32
      %dma_wait3A_285 = tpu.memref_slice %arg2[%dma_wait3A_283, %dma_wait3A_284] : memref<10000x32xf32, #tpu.memory_space<hbm>> -> memref<10000x32xf32, #tpu.memory_space<hbm>>
      tpu.wait_indirect_dma semaphore(%arg16 : memref<!tpu.dma_semaphore, #tpu.memory_space<semaphore_mem>>) src(%dma_wait3A_285 : memref<10000x32xf32, #tpu.memory_space<hbm>>) dst(%arg11 : memref<100x32xf32, #tpu.memory_space<vmem>>)
      %dma_wait3A_286 = arith.constant 5 : i32
      %dma_wait3A_287 = arith.constant 0 : i32
      %dma_wait3A_288 = tpu.memref_slice %arg7[%dma_wait3A_286, %dma_wait3A_287] : memref<10x100xi32, #tpu.memory_space<vmem>> -> memref<1x100xi32, #tpu.memory_space<vmem>>
      %dma_wait3A_289 = tpu.memref_squeeze %dma_wait3A_288 : memref<1x100xi32, #tpu.memory_space<vmem>> -> memref<100xi32, #tpu.memory_space<vmem>>
      %dma_wait3A_290 = arith.constant 0 : i32
      %dma_wait3A_291 = arith.constant 0 : i32
      %dma_wait3A_292 = tpu.memref_slice %arg2[%dma_wait3A_290, %dma_wait3A_291] : memref<10000x32xf32, #tpu.memory_space<hbm>> -> memref<10000x32xf32, #tpu.memory_space<hbm>>
      tpu.wait_indirect_dma semaphore(%arg16 : memref<!tpu.dma_semaphore, #tpu.memory_space<semaphore_mem>>) src(%dma_wait3A_292 : memref<10000x32xf32, #tpu.memory_space<hbm>>) dst(%arg12 : memref<100x32xf32, #tpu.memory_space<vmem>>)
      %dma_start3A_293 = arith.constant 4 : i32
      %dma_start3A_294 = arith.constant 0 : i32
      %dma_start3A_295 = tpu.memref_slice %arg8[%dma_start3A_293, %dma_start3A_294] : memref<10x100xi32, #tpu.memory_space<vmem>> -> memref<1x100xi32, #tpu.memory_space<vmem>>
      %dma_start3A_296 = tpu.memref_squeeze %dma_start3A_295 : memref<1x100xi32, #tpu.memory_space<vmem>> -> memref<100xi32, #tpu.memory_space<vmem>>
      %dma_start3A_297 = arith.constant 0 : i32
      %dma_start3A_298 = arith.constant 0 : i32
      %dma_start3A_299 = tpu.memref_slice %arg15[%dma_start3A_297, %dma_start3A_298] : memref<10000x32xf32, #tpu.memory_space<vmem_shared>> -> memref<10000x32xf32, #tpu.memory_space<vmem_shared>>
      tpu.enqueue_indirect_dma source(%arg11 : memref<100x32xf32, #tpu.memory_space<vmem>>) target(%dma_start3A_299 : memref<10000x32xf32, #tpu.memory_space<vmem_shared>>) offsets(%dma_start3A_296 : memref<100xi32, #tpu.memory_space<vmem>>) semaphore(%arg17 : memref<!tpu.dma_semaphore, #tpu.memory_space<semaphore_mem>>) {add = true}
      %dma_start3A_300 = arith.constant 5 : i32
      %dma_start3A_301 = arith.constant 0 : i32
      %dma_start3A_302 = tpu.memref_slice %arg8[%dma_start3A_300, %dma_start3A_301] : memref<10x100xi32, #tpu.memory_space<vmem>> -> memref<1x100xi32, #tpu.memory_space<vmem>>
      %dma_start3A_303 = tpu.memref_squeeze %dma_start3A_302 : memref<1x100xi32, #tpu.memory_space<vmem>> -> memref<100xi32, #tpu.memory_space<vmem>>
      %dma_start3A_304 = arith.constant 0 : i32
      %dma_start3A_305 = arith.constant 0 : i32
      %dma_start3A_306 = tpu.memref_slice %arg15[%dma_start3A_304, %dma_start3A_305] : memref<10000x32xf32, #tpu.memory_space<vmem_shared>> -> memref<10000x32xf32, #tpu.memory_space<vmem_shared>>
      tpu.enqueue_indirect_dma source(%arg12 : memref<100x32xf32, #tpu.memory_space<vmem>>) target(%dma_start3A_306 : memref<10000x32xf32, #tpu.memory_space<vmem_shared>>) offsets(%dma_start3A_303 : memref<100xi32, #tpu.memory_space<vmem>>) semaphore(%arg17 : memref<!tpu.dma_semaphore, #tpu.memory_space<semaphore_mem>>) {add = true}
      %dma_wait3A_307 = arith.constant 2 : i32
      %dma_wait3A_308 = arith.constant 0 : i32
      %dma_wait3A_309 = tpu.memref_slice %arg8[%dma_wait3A_307, %dma_wait3A_308] : memref<10x100xi32, #tpu.memory_space<vmem>> -> memref<1x100xi32, #tpu.memory_space<vmem>>
      %dma_wait3A_310 = tpu.memref_squeeze %dma_wait3A_309 : memref<1x100xi32, #tpu.memory_space<vmem>> -> memref<100xi32, #tpu.memory_space<vmem>>
      %dma_wait3A_311 = arith.constant 0 : i32
      %dma_wait3A_312 = arith.constant 0 : i32
      %dma_wait3A_313 = tpu.memref_slice %arg15[%dma_wait3A_311, %dma_wait3A_312] : memref<10000x32xf32, #tpu.memory_space<vmem_shared>> -> memref<10000x32xf32, #tpu.memory_space<vmem_shared>>
      tpu.wait_indirect_dma semaphore(%arg17 : memref<!tpu.dma_semaphore, #tpu.memory_space<semaphore_mem>>) src(%arg13 : memref<100x32xf32, #tpu.memory_space<vmem>>) dst(%dma_wait3A_313 : memref<10000x32xf32, #tpu.memory_space<vmem_shared>>)
      %dma_wait3A_314 = arith.constant 3 : i32
      %dma_wait3A_315 = arith.constant 0 : i32
      %dma_wait3A_316 = tpu.memref_slice %arg8[%dma_wait3A_314, %dma_wait3A_315] : memref<10x100xi32, #tpu.memory_space<vmem>> -> memref<1x100xi32, #tpu.memory_space<vmem>>
      %dma_wait3A_317 = tpu.memref_squeeze %dma_wait3A_316 : memref<1x100xi32, #tpu.memory_space<vmem>> -> memref<100xi32, #tpu.memory_space<vmem>>
      %dma_wait3A_318 = arith.constant 0 : i32
      %dma_wait3A_319 = arith.constant 0 : i32
      %dma_wait3A_320 = tpu.memref_slice %arg15[%dma_wait3A_318, %dma_wait3A_319] : memref<10000x32xf32, #tpu.memory_space<vmem_shared>> -> memref<10000x32xf32, #tpu.memory_space<vmem_shared>>
      tpu.wait_indirect_dma semaphore(%arg17 : memref<!tpu.dma_semaphore, #tpu.memory_space<semaphore_mem>>) src(%arg14 : memref<100x32xf32, #tpu.memory_space<vmem>>) dst(%dma_wait3A_320 : memref<10000x32xf32, #tpu.memory_space<vmem_shared>>)
      %dma_start3A_321 = arith.constant 8 : i32
      %dma_start3A_322 = arith.constant 0 : i32
      %dma_start3A_323 = tpu.memref_slice %arg7[%dma_start3A_321, %dma_start3A_322] : memref<10x100xi32, #tpu.memory_space<vmem>> -> memref<1x100xi32, #tpu.memory_space<vmem>>
      %dma_start3A_324 = tpu.memref_squeeze %dma_start3A_323 : memref<1x100xi32, #tpu.memory_space<vmem>> -> memref<100xi32, #tpu.memory_space<vmem>>
      %dma_start3A_325 = arith.constant 0 : i32
      %dma_start3A_326 = arith.constant 0 : i32
      %dma_start3A_327 = tpu.memref_slice %arg2[%dma_start3A_325, %dma_start3A_326] : memref<10000x32xf32, #tpu.memory_space<hbm>> -> memref<10000x32xf32, #tpu.memory_space<hbm>>
      tpu.enqueue_indirect_dma source(%dma_start3A_327 : memref<10000x32xf32, #tpu.memory_space<hbm>>) target(%arg11 : memref<100x32xf32, #tpu.memory_space<vmem>>) offsets(%dma_start3A_324 : memref<100xi32, #tpu.memory_space<vmem>>) semaphore(%arg16 : memref<!tpu.dma_semaphore, #tpu.memory_space<semaphore_mem>>)
      %dma_start3A_328 = arith.constant 9 : i32
      %dma_start3A_329 = arith.constant 0 : i32
      %dma_start3A_330 = tpu.memref_slice %arg7[%dma_start3A_328, %dma_start3A_329] : memref<10x100xi32, #tpu.memory_space<vmem>> -> memref<1x100xi32, #tpu.memory_space<vmem>>
      %dma_start3A_331 = tpu.memref_squeeze %dma_start3A_330 : memref<1x100xi32, #tpu.memory_space<vmem>> -> memref<100xi32, #tpu.memory_space<vmem>>
      %dma_start3A_332 = arith.constant 0 : i32
      %dma_start3A_333 = arith.constant 0 : i32
      %dma_start3A_334 = tpu.memref_slice %arg2[%dma_start3A_332, %dma_start3A_333] : memref<10000x32xf32, #tpu.memory_space<hbm>> -> memref<10000x32xf32, #tpu.memory_space<hbm>>
      tpu.enqueue_indirect_dma source(%dma_start3A_334 : memref<10000x32xf32, #tpu.memory_space<hbm>>) target(%arg12 : memref<100x32xf32, #tpu.memory_space<vmem>>) offsets(%dma_start3A_331 : memref<100xi32, #tpu.memory_space<vmem>>) semaphore(%arg16 : memref<!tpu.dma_semaphore, #tpu.memory_space<semaphore_mem>>)
      %dma_wait3A_335 = arith.constant 6 : i32
      %dma_wait3A_336 = arith.constant 0 : i32
      %dma_wait3A_337 = tpu.memref_slice %arg7[%dma_wait3A_335, %dma_wait3A_336] : memref<10x100xi32, #tpu.memory_space<vmem>> -> memref<1x100xi32, #tpu.memory_space<vmem>>
      %dma_wait3A_338 = tpu.memref_squeeze %dma_wait3A_337 : memref<1x100xi32, #tpu.memory_space<vmem>> -> memref<100xi32, #tpu.memory_space<vmem>>
      %dma_wait3A_339 = arith.constant 0 : i32
      %dma_wait3A_340 = arith.constant 0 : i32
      %dma_wait3A_341 = tpu.memref_slice %arg2[%dma_wait3A_339, %dma_wait3A_340] : memref<10000x32xf32, #tpu.memory_space<hbm>> -> memref<10000x32xf32, #tpu.memory_space<hbm>>
      tpu.wait_indirect_dma semaphore(%arg16 : memref<!tpu.dma_semaphore, #tpu.memory_space<semaphore_mem>>) src(%dma_wait3A_341 : memref<10000x32xf32, #tpu.memory_space<hbm>>) dst(%arg13 : memref<100x32xf32, #tpu.memory_space<vmem>>)
      %dma_wait3A_342 = arith.constant 7 : i32
      %dma_wait3A_343 = arith.constant 0 : i32
      %dma_wait3A_344 = tpu.memref_slice %arg7[%dma_wait3A_342, %dma_wait3A_343] : memref<10x100xi32, #tpu.memory_space<vmem>> -> memref<1x100xi32, #tpu.memory_space<vmem>>
      %dma_wait3A_345 = tpu.memref_squeeze %dma_wait3A_344 : memref<1x100xi32, #tpu.memory_space<vmem>> -> memref<100xi32, #tpu.memory_space<vmem>>
      %dma_wait3A_346 = arith.constant 0 : i32
      %dma_wait3A_347 = arith.constant 0 : i32
      %dma_wait3A_348 = tpu.memref_slice %arg2[%dma_wait3A_346, %dma_wait3A_347] : memref<10000x32xf32, #tpu.memory_space<hbm>> -> memref<10000x32xf32, #tpu.memory_space<hbm>>
      tpu.wait_indirect_dma semaphore(%arg16 : memref<!tpu.dma_semaphore, #tpu.memory_space<semaphore_mem>>) src(%dma_wait3A_348 : memref<10000x32xf32, #tpu.memory_space<hbm>>) dst(%arg14 : memref<100x32xf32, #tpu.memory_space<vmem>>)
      %dma_start3A_349 = arith.constant 6 : i32
      %dma_start3A_350 = arith.constant 0 : i32
      %dma_start3A_351 = tpu.memref_slice %arg8[%dma_start3A_349, %dma_start3A_350] : memref<10x100xi32, #tpu.memory_space<vmem>> -> memref<1x100xi32, #tpu.memory_space<vmem>>
      %dma_start3A_352 = tpu.memref_squeeze %dma_start3A_351 : memref<1x100xi32, #tpu.memory_space<vmem>> -> memref<100xi32, #tpu.memory_space<vmem>>
      %dma_start3A_353 = arith.constant 0 : i32
      %dma_start3A_354 = arith.constant 0 : i32
      %dma_start3A_355 = tpu.memref_slice %arg15[%dma_start3A_353, %dma_start3A_354] : memref<10000x32xf32, #tpu.memory_space<vmem_shared>> -> memref<10000x32xf32, #tpu.memory_space<vmem_shared>>
      tpu.enqueue_indirect_dma source(%arg13 : memref<100x32xf32, #tpu.memory_space<vmem>>) target(%dma_start3A_355 : memref<10000x32xf32, #tpu.memory_space<vmem_shared>>) offsets(%dma_start3A_352 : memref<100xi32, #tpu.memory_space<vmem>>) semaphore(%arg17 : memref<!tpu.dma_semaphore, #tpu.memory_space<semaphore_mem>>) {add = true}
      %dma_start3A_356 = arith.constant 7 : i32
      %dma_start3A_357 = arith.constant 0 : i32
      %dma_start3A_358 = tpu.memref_slice %arg8[%dma_start3A_356, %dma_start3A_357] : memref<10x100xi32, #tpu.memory_space<vmem>> -> memref<1x100xi32, #tpu.memory_space<vmem>>
      %dma_start3A_359 = tpu.memref_squeeze %dma_start3A_358 : memref<1x100xi32, #tpu.memory_space<vmem>> -> memref<100xi32, #tpu.memory_space<vmem>>
      %dma_start3A_360 = arith.constant 0 : i32
      %dma_start3A_361 = arith.constant 0 : i32
      %dma_start3A_362 = tpu.memref_slice %arg15[%dma_start3A_360, %dma_start3A_361] : memref<10000x32xf32, #tpu.memory_space<vmem_shared>> -> memref<10000x32xf32, #tpu.memory_space<vmem_shared>>
      tpu.enqueue_indirect_dma source(%arg14 : memref<100x32xf32, #tpu.memory_space<vmem>>) target(%dma_start3A_362 : memref<10000x32xf32, #tpu.memory_space<vmem_shared>>) offsets(%dma_start3A_359 : memref<100xi32, #tpu.memory_space<vmem>>) semaphore(%arg17 : memref<!tpu.dma_semaphore, #tpu.memory_space<semaphore_mem>>) {add = true}
      %dma_wait3A_363 = arith.constant 4 : i32
      %dma_wait3A_364 = arith.constant 0 : i32
      %dma_wait3A_365 = tpu.memref_slice %arg8[%dma_wait3A_363, %dma_wait3A_364] : memref<10x100xi32, #tpu.memory_space<vmem>> -> memref<1x100xi32, #tpu.memory_space<vmem>>
      %dma_wait3A_366 = tpu.memref_squeeze %dma_wait3A_365 : memref<1x100xi32, #tpu.memory_space<vmem>> -> memref<100xi32, #tpu.memory_space<vmem>>
      %dma_wait3A_367 = arith.constant 0 : i32
      %dma_wait3A_368 = arith.constant 0 : i32
      %dma_wait3A_369 = tpu.memref_slice %arg15[%dma_wait3A_367, %dma_wait3A_368] : memref<10000x32xf32, #tpu.memory_space<vmem_shared>> -> memref<10000x32xf32, #tpu.memory_space<vmem_shared>>
      tpu.wait_indirect_dma semaphore(%arg17 : memref<!tpu.dma_semaphore, #tpu.memory_space<semaphore_mem>>) src(%arg11 : memref<100x32xf32, #tpu.memory_space<vmem>>) dst(%dma_wait3A_369 : memref<10000x32xf32, #tpu.memory_space<vmem_shared>>)
      %dma_wait3A_370 = arith.constant 5 : i32
      %dma_wait3A_371 = arith.constant 0 : i32
      %dma_wait3A_372 = tpu.memref_slice %arg8[%dma_wait3A_370, %dma_wait3A_371] : memref<10x100xi32, #tpu.memory_space<vmem>> -> memref<1x100xi32, #tpu.memory_space<vmem>>
      %dma_wait3A_373 = tpu.memref_squeeze %dma_wait3A_372 : memref<1x100xi32, #tpu.memory_space<vmem>> -> memref<100xi32, #tpu.memory_space<vmem>>
      %dma_wait3A_374 = arith.constant 0 : i32
      %dma_wait3A_375 = arith.constant 0 : i32
      %dma_wait3A_376 = tpu.memref_slice %arg15[%dma_wait3A_374, %dma_wait3A_375] : memref<10000x32xf32, #tpu.memory_space<vmem_shared>> -> memref<10000x32xf32, #tpu.memory_space<vmem_shared>>
      tpu.wait_indirect_dma semaphore(%arg17 : memref<!tpu.dma_semaphore, #tpu.memory_space<semaphore_mem>>) src(%arg12 : memref<100x32xf32, #tpu.memory_space<vmem>>) dst(%dma_wait3A_376 : memref<10000x32xf32, #tpu.memory_space<vmem_shared>>)
      %dma_wait3A_377 = arith.constant 8 : i32
      %dma_wait3A_378 = arith.constant 0 : i32
      %dma_wait3A_379 = tpu.memref_slice %arg7[%dma_wait3A_377, %dma_wait3A_378] : memref<10x100xi32, #tpu.memory_space<vmem>> -> memref<1x100xi32, #tpu.memory_space<vmem>>
      %dma_wait3A_380 = tpu.memref_squeeze %dma_wait3A_379 : memref<1x100xi32, #tpu.memory_space<vmem>> -> memref<100xi32, #tpu.memory_space<vmem>>
      %dma_wait3A_381 = arith.constant 0 : i32
      %dma_wait3A_382 = arith.constant 0 : i32
      %dma_wait3A_383 = tpu.memref_slice %arg2[%dma_wait3A_381, %dma_wait3A_382] : memref<10000x32xf32, #tpu.memory_space<hbm>> -> memref<10000x32xf32, #tpu.memory_space<hbm>>
      tpu.wait_indirect_dma semaphore(%arg16 : memref<!tpu.dma_semaphore, #tpu.memory_space<semaphore_mem>>) src(%dma_wait3A_383 : memref<10000x32xf32, #tpu.memory_space<hbm>>) dst(%arg11 : memref<100x32xf32, #tpu.memory_space<vmem>>)
      %dma_wait3A_384 = arith.constant 9 : i32
      %dma_wait3A_385 = arith.constant 0 : i32
      %dma_wait3A_386 = tpu.memref_slice %arg7[%dma_wait3A_384, %dma_wait3A_385] : memref<10x100xi32, #tpu.memory_space<vmem>> -> memref<1x100xi32, #tpu.memory_space<vmem>>
      %dma_wait3A_387 = tpu.memref_squeeze %dma_wait3A_386 : memref<1x100xi32, #tpu.memory_space<vmem>> -> memref<100xi32, #tpu.memory_space<vmem>>
      %dma_wait3A_388 = arith.constant 0 : i32
      %dma_wait3A_389 = arith.constant 0 : i32
      %dma_wait3A_390 = tpu.memref_slice %arg2[%dma_wait3A_388, %dma_wait3A_389] : memref<10000x32xf32, #tpu.memory_space<hbm>> -> memref<10000x32xf32, #tpu.memory_space<hbm>>
      tpu.wait_indirect_dma semaphore(%arg16 : memref<!tpu.dma_semaphore, #tpu.memory_space<semaphore_mem>>) src(%dma_wait3A_390 : memref<10000x32xf32, #tpu.memory_space<hbm>>) dst(%arg12 : memref<100x32xf32, #tpu.memory_space<vmem>>)
      %dma_start3A_391 = arith.constant 8 : i32
      %dma_start3A_392 = arith.constant 0 : i32
      %dma_start3A_393 = tpu.memref_slice %arg8[%dma_start3A_391, %dma_start3A_392] : memref<10x100xi32, #tpu.memory_space<vmem>> -> memref<1x100xi32, #tpu.memory_space<vmem>>
      %dma_start3A_394 = tpu.memref_squeeze %dma_start3A_393 : memref<1x100xi32, #tpu.memory_space<vmem>> -> memref<100xi32, #tpu.memory_space<vmem>>
      %dma_start3A_395 = arith.constant 0 : i32
      %dma_start3A_396 = arith.constant 0 : i32
      %dma_start3A_397 = tpu.memref_slice %arg15[%dma_start3A_395, %dma_start3A_396] : memref<10000x32xf32, #tpu.memory_space<vmem_shared>> -> memref<10000x32xf32, #tpu.memory_space<vmem_shared>>
      tpu.enqueue_indirect_dma source(%arg11 : memref<100x32xf32, #tpu.memory_space<vmem>>) target(%dma_start3A_397 : memref<10000x32xf32, #tpu.memory_space<vmem_shared>>) offsets(%dma_start3A_394 : memref<100xi32, #tpu.memory_space<vmem>>) semaphore(%arg17 : memref<!tpu.dma_semaphore, #tpu.memory_space<semaphore_mem>>) {add = true}
      %dma_start3A_398 = arith.constant 9 : i32
      %dma_start3A_399 = arith.constant 0 : i32
      %dma_start3A_400 = tpu.memref_slice %arg8[%dma_start3A_398, %dma_start3A_399] : memref<10x100xi32, #tpu.memory_space<vmem>> -> memref<1x100xi32, #tpu.memory_space<vmem>>
      %dma_start3A_401 = tpu.memref_squeeze %dma_start3A_400 : memref<1x100xi32, #tpu.memory_space<vmem>> -> memref<100xi32, #tpu.memory_space<vmem>>
      %dma_start3A_402 = arith.constant 0 : i32
      %dma_start3A_403 = arith.constant 0 : i32
      %dma_start3A_404 = tpu.memref_slice %arg15[%dma_start3A_402, %dma_start3A_403] : memref<10000x32xf32, #tpu.memory_space<vmem_shared>> -> memref<10000x32xf32, #tpu.memory_space<vmem_shared>>
      tpu.enqueue_indirect_dma source(%arg12 : memref<100x32xf32, #tpu.memory_space<vmem>>) target(%dma_start3A_404 : memref<10000x32xf32, #tpu.memory_space<vmem_shared>>) offsets(%dma_start3A_401 : memref<100xi32, #tpu.memory_space<vmem>>) semaphore(%arg17 : memref<!tpu.dma_semaphore, #tpu.memory_space<semaphore_mem>>) {add = true}
      %dma_wait3A_405 = arith.constant 6 : i32
      %dma_wait3A_406 = arith.constant 0 : i32
      %dma_wait3A_407 = tpu.memref_slice %arg8[%dma_wait3A_405, %dma_wait3A_406] : memref<10x100xi32, #tpu.memory_space<vmem>> -> memref<1x100xi32, #tpu.memory_space<vmem>>
      %dma_wait3A_408 = tpu.memref_squeeze %dma_wait3A_407 : memref<1x100xi32, #tpu.memory_space<vmem>> -> memref<100xi32, #tpu.memory_space<vmem>>
      %dma_wait3A_409 = arith.constant 0 : i32
      %dma_wait3A_410 = arith.constant 0 : i32
      %dma_wait3A_411 = tpu.memref_slice %arg15[%dma_wait3A_409, %dma_wait3A_410] : memref<10000x32xf32, #tpu.memory_space<vmem_shared>> -> memref<10000x32xf32, #tpu.memory_space<vmem_shared>>
      tpu.wait_indirect_dma semaphore(%arg17 : memref<!tpu.dma_semaphore, #tpu.memory_space<semaphore_mem>>) src(%arg13 : memref<100x32xf32, #tpu.memory_space<vmem>>) dst(%dma_wait3A_411 : memref<10000x32xf32, #tpu.memory_space<vmem_shared>>)
      %dma_wait3A_412 = arith.constant 7 : i32
      %dma_wait3A_413 = arith.constant 0 : i32
      %dma_wait3A_414 = tpu.memref_slice %arg8[%dma_wait3A_412, %dma_wait3A_413] : memref<10x100xi32, #tpu.memory_space<vmem>> -> memref<1x100xi32, #tpu.memory_space<vmem>>
      %dma_wait3A_415 = tpu.memref_squeeze %dma_wait3A_414 : memref<1x100xi32, #tpu.memory_space<vmem>> -> memref<100xi32, #tpu.memory_space<vmem>>
      %dma_wait3A_416 = arith.constant 0 : i32
      %dma_wait3A_417 = arith.constant 0 : i32
      %dma_wait3A_418 = tpu.memref_slice %arg15[%dma_wait3A_416, %dma_wait3A_417] : memref<10000x32xf32, #tpu.memory_space<vmem_shared>> -> memref<10000x32xf32, #tpu.memory_space<vmem_shared>>
      tpu.wait_indirect_dma semaphore(%arg17 : memref<!tpu.dma_semaphore, #tpu.memory_space<semaphore_mem>>) src(%arg14 : memref<100x32xf32, #tpu.memory_space<vmem>>) dst(%dma_wait3A_418 : memref<10000x32xf32, #tpu.memory_space<vmem_shared>>)
      %dma_wait3A_419 = arith.constant 8 : i32
      %dma_wait3A_420 = arith.constant 0 : i32
      %dma_wait3A_421 = tpu.memref_slice %arg8[%dma_wait3A_419, %dma_wait3A_420] : memref<10x100xi32, #tpu.memory_space<vmem>> -> memref<1x100xi32, #tpu.memory_space<vmem>>
      %dma_wait3A_422 = tpu.memref_squeeze %dma_wait3A_421 : memref<1x100xi32, #tpu.memory_space<vmem>> -> memref<100xi32, #tpu.memory_space<vmem>>
      %dma_wait3A_423 = arith.constant 0 : i32
      %dma_wait3A_424 = arith.constant 0 : i32
      %dma_wait3A_425 = tpu.memref_slice %arg15[%dma_wait3A_423, %dma_wait3A_424] : memref<10000x32xf32, #tpu.memory_space<vmem_shared>> -> memref<10000x32xf32, #tpu.memory_space<vmem_shared>>
      tpu.wait_indirect_dma semaphore(%arg17 : memref<!tpu.dma_semaphore, #tpu.memory_space<semaphore_mem>>) src(%arg11 : memref<100x32xf32, #tpu.memory_space<vmem>>) dst(%dma_wait3A_425 : memref<10000x32xf32, #tpu.memory_space<vmem_shared>>)
      %dma_wait3A_426 = arith.constant 9 : i32
      %dma_wait3A_427 = arith.constant 0 : i32
      %dma_wait3A_428 = tpu.memref_slice %arg8[%dma_wait3A_426, %dma_wait3A_427] : memref<10x100xi32, #tpu.memory_space<vmem>> -> memref<1x100xi32, #tpu.memory_space<vmem>>
      %dma_wait3A_429 = tpu.memref_squeeze %dma_wait3A_428 : memref<1x100xi32, #tpu.memory_space<vmem>> -> memref<100xi32, #tpu.memory_space<vmem>>
      %dma_wait3A_430 = arith.constant 0 : i32
      %dma_wait3A_431 = arith.constant 0 : i32
      %dma_wait3A_432 = tpu.memref_slice %arg15[%dma_wait3A_430, %dma_wait3A_431] : memref<10000x32xf32, #tpu.memory_space<vmem_shared>> -> memref<10000x32xf32, #tpu.memory_space<vmem_shared>>
      tpu.wait_indirect_dma semaphore(%arg17 : memref<!tpu.dma_semaphore, #tpu.memory_space<semaphore_mem>>) src(%arg12 : memref<100x32xf32, #tpu.memory_space<vmem>>) dst(%dma_wait3A_432 : memref<10000x32xf32, #tpu.memory_space<vmem_shared>>)
      %add3A_433 = arith.constant 1 : i32
      %add3A_434 = arith.addi %mul3A_129, %add3A_433 : i32
      %mul3A_435 = arith.constant 10 : i32
      %mul3A_436 = arith.muli %add3A_434, %mul3A_435 : i32
      %add3A_437 = arith.addi %mul3A_2, %mul3A_436 : i32
      %dma_wait3A_438 = arith.constant 0 : i32
      %dma_wait3A_439 = tpu.memref_slice %arg3[%add3A_437, %dma_wait3A_438] : memref<3200x100xi32, #tpu.memory_space<hbm>> -> memref<10x100xi32, #tpu.memory_space<hbm>>
      %dma_wait3A_440 = arith.constant 0 : i32
      %dma_wait3A_441 = tpu.memref_slice %arg3[%add3A_437, %dma_wait3A_440] : memref<3200x100xi32, #tpu.memory_space<hbm>> -> memref<10x100xi32, #tpu.memory_space<hbm>>
      tpu.wait_dma2 semaphore(%arg18 : memref<!tpu.dma_semaphore, #tpu.memory_space<semaphore_mem>>) src(%dma_wait3A_441 : memref<10x100xi32, #tpu.memory_space<hbm>>) dst(%arg9 : memref<10x100xi32, #tpu.memory_space<vmem>>)
      %dma_wait3A_442 = arith.constant 0 : i32
      %dma_wait3A_443 = tpu.memref_slice %arg4[%add3A_437, %dma_wait3A_442] : memref<3200x100xi32, #tpu.memory_space<hbm>> -> memref<10x100xi32, #tpu.memory_space<hbm>>
      %dma_wait3A_444 = arith.constant 0 : i32
      %dma_wait3A_445 = tpu.memref_slice %arg4[%add3A_437, %dma_wait3A_444] : memref<3200x100xi32, #tpu.memory_space<hbm>> -> memref<10x100xi32, #tpu.memory_space<hbm>>
      tpu.wait_dma2 semaphore(%arg18 : memref<!tpu.dma_semaphore, #tpu.memory_space<semaphore_mem>>) src(%dma_wait3A_445 : memref<10x100xi32, #tpu.memory_space<hbm>>) dst(%arg10 : memref<10x100xi32, #tpu.memory_space<vmem>>)
      %add3A_446 = arith.constant 2 : i32
      %add3A_447 = arith.addi %mul3A_129, %add3A_446 : i32
      %lt3A_448 = arith.constant 10 : i32
      %lt3A_449 = arith.cmpi slt, %add3A_447, %lt3A_448 : i32
      %convert_element_type3A_450 = arith.extui %lt3A_449 : i1 to i32
      %cond3A_451 = arith.constant 0 : i32
      %cond3A_452 = arith.cmpi ne, %convert_element_type3A_450, %cond3A_451 : i32
      scf.if %cond3A_452 {
        %add3A_733 = arith.constant 2 : i32
        %add3A_734 = arith.addi %mul3A_129, %add3A_733 : i32
        %mul3A_735 = arith.constant 10 : i32
        %mul3A_736 = arith.muli %add3A_734, %mul3A_735 : i32
        %add3A_737 = arith.addi %mul3A_2, %mul3A_736 : i32
        %dma_start3A_738 = arith.constant 0 : i32
        %dma_start3A_739 = tpu.memref_slice %arg3[%add3A_737, %dma_start3A_738] : memref<3200x100xi32, #tpu.memory_space<hbm>> -> memref<10x100xi32, #tpu.memory_space<hbm>>
        %dma_start3A_740 = arith.constant 0 : i32
        %dma_start3A_741 = tpu.memref_slice %arg3[%add3A_737, %dma_start3A_740] : memref<3200x100xi32, #tpu.memory_space<hbm>> -> memref<10x100xi32, #tpu.memory_space<hbm>>
        tpu.enqueue_dma source(%dma_start3A_741 : memref<10x100xi32, #tpu.memory_space<hbm>>) target(%arg7 : memref<10x100xi32, #tpu.memory_space<vmem>>) target_semaphore(%arg18 : memref<!tpu.dma_semaphore, #tpu.memory_space<semaphore_mem>>)
        %dma_start3A_742 = arith.constant 0 : i32
        %dma_start3A_743 = tpu.memref_slice %arg4[%add3A_737, %dma_start3A_742] : memref<3200x100xi32, #tpu.memory_space<hbm>> -> memref<10x100xi32, #tpu.memory_space<hbm>>
        %dma_start3A_744 = arith.constant 0 : i32
        %dma_start3A_745 = tpu.memref_slice %arg4[%add3A_737, %dma_start3A_744] : memref<3200x100xi32, #tpu.memory_space<hbm>> -> memref<10x100xi32, #tpu.memory_space<hbm>>
        tpu.enqueue_dma source(%dma_start3A_745 : memref<10x100xi32, #tpu.memory_space<hbm>>) target(%arg8 : memref<10x100xi32, #tpu.memory_space<vmem>>) target_semaphore(%arg18 : memref<!tpu.dma_semaphore, #tpu.memory_space<semaphore_mem>>)
      } else {
      }
      %dma_start3A_453 = arith.constant 0 : i32
      %dma_start3A_454 = arith.constant 0 : i32
      %dma_start3A_455 = tpu.memref_slice %arg9[%dma_start3A_453, %dma_start3A_454] : memref<10x100xi32, #tpu.memory_space<vmem>> -> memref<1x100xi32, #tpu.memory_space<vmem>>
      %dma_start3A_456 = tpu.memref_squeeze %dma_start3A_455 : memref<1x100xi32, #tpu.memory_space<vmem>> -> memref<100xi32, #tpu.memory_space<vmem>>
      %dma_start3A_457 = arith.constant 0 : i32
      %dma_start3A_458 = arith.constant 0 : i32
      %dma_start3A_459 = tpu.memref_slice %arg2[%dma_start3A_457, %dma_start3A_458] : memref<10000x32xf32, #tpu.memory_space<hbm>> -> memref<10000x32xf32, #tpu.memory_space<hbm>>
      tpu.enqueue_indirect_dma source(%dma_start3A_459 : memref<10000x32xf32, #tpu.memory_space<hbm>>) target(%arg11 : memref<100x32xf32, #tpu.memory_space<vmem>>) offsets(%dma_start3A_456 : memref<100xi32, #tpu.memory_space<vmem>>) semaphore(%arg16 : memref<!tpu.dma_semaphore, #tpu.memory_space<semaphore_mem>>)
      %dma_start3A_460 = arith.constant 1 : i32
      %dma_start3A_461 = arith.constant 0 : i32
      %dma_start3A_462 = tpu.memref_slice %arg9[%dma_start3A_460, %dma_start3A_461] : memref<10x100xi32, #tpu.memory_space<vmem>> -> memref<1x100xi32, #tpu.memory_space<vmem>>
      %dma_start3A_463 = tpu.memref_squeeze %dma_start3A_462 : memref<1x100xi32, #tpu.memory_space<vmem>> -> memref<100xi32, #tpu.memory_space<vmem>>
      %dma_start3A_464 = arith.constant 0 : i32
      %dma_start3A_465 = arith.constant 0 : i32
      %dma_start3A_466 = tpu.memref_slice %arg2[%dma_start3A_464, %dma_start3A_465] : memref<10000x32xf32, #tpu.memory_space<hbm>> -> memref<10000x32xf32, #tpu.memory_space<hbm>>
      tpu.enqueue_indirect_dma source(%dma_start3A_466 : memref<10000x32xf32, #tpu.memory_space<hbm>>) target(%arg12 : memref<100x32xf32, #tpu.memory_space<vmem>>) offsets(%dma_start3A_463 : memref<100xi32, #tpu.memory_space<vmem>>) semaphore(%arg16 : memref<!tpu.dma_semaphore, #tpu.memory_space<semaphore_mem>>)
      %dma_start3A_467 = arith.constant 2 : i32
      %dma_start3A_468 = arith.constant 0 : i32
      %dma_start3A_469 = tpu.memref_slice %arg9[%dma_start3A_467, %dma_start3A_468] : memref<10x100xi32, #tpu.memory_space<vmem>> -> memref<1x100xi32, #tpu.memory_space<vmem>>
      %dma_start3A_470 = tpu.memref_squeeze %dma_start3A_469 : memref<1x100xi32, #tpu.memory_space<vmem>> -> memref<100xi32, #tpu.memory_space<vmem>>
      %dma_start3A_471 = arith.constant 0 : i32
      %dma_start3A_472 = arith.constant 0 : i32
      %dma_start3A_473 = tpu.memref_slice %arg2[%dma_start3A_471, %dma_start3A_472] : memref<10000x32xf32, #tpu.memory_space<hbm>> -> memref<10000x32xf32, #tpu.memory_space<hbm>>
      tpu.enqueue_indirect_dma source(%dma_start3A_473 : memref<10000x32xf32, #tpu.memory_space<hbm>>) target(%arg13 : memref<100x32xf32, #tpu.memory_space<vmem>>) offsets(%dma_start3A_470 : memref<100xi32, #tpu.memory_space<vmem>>) semaphore(%arg16 : memref<!tpu.dma_semaphore, #tpu.memory_space<semaphore_mem>>)
      %dma_start3A_474 = arith.constant 3 : i32
      %dma_start3A_475 = arith.constant 0 : i32
      %dma_start3A_476 = tpu.memref_slice %arg9[%dma_start3A_474, %dma_start3A_475] : memref<10x100xi32, #tpu.memory_space<vmem>> -> memref<1x100xi32, #tpu.memory_space<vmem>>
      %dma_start3A_477 = tpu.memref_squeeze %dma_start3A_476 : memref<1x100xi32, #tpu.memory_space<vmem>> -> memref<100xi32, #tpu.memory_space<vmem>>
      %dma_start3A_478 = arith.constant 0 : i32
      %dma_start3A_479 = arith.constant 0 : i32
      %dma_start3A_480 = tpu.memref_slice %arg2[%dma_start3A_478, %dma_start3A_479] : memref<10000x32xf32, #tpu.memory_space<hbm>> -> memref<10000x32xf32, #tpu.memory_space<hbm>>
      tpu.enqueue_indirect_dma source(%dma_start3A_480 : memref<10000x32xf32, #tpu.memory_space<hbm>>) target(%arg14 : memref<100x32xf32, #tpu.memory_space<vmem>>) offsets(%dma_start3A_477 : memref<100xi32, #tpu.memory_space<vmem>>) semaphore(%arg16 : memref<!tpu.dma_semaphore, #tpu.memory_space<semaphore_mem>>)
      %dma_wait3A_481 = arith.constant 0 : i32
      %dma_wait3A_482 = arith.constant 0 : i32
      %dma_wait3A_483 = tpu.memref_slice %arg9[%dma_wait3A_481, %dma_wait3A_482] : memref<10x100xi32, #tpu.memory_space<vmem>> -> memref<1x100xi32, #tpu.memory_space<vmem>>
      %dma_wait3A_484 = tpu.memref_squeeze %dma_wait3A_483 : memref<1x100xi32, #tpu.memory_space<vmem>> -> memref<100xi32, #tpu.memory_space<vmem>>
      %dma_wait3A_485 = arith.constant 0 : i32
      %dma_wait3A_486 = arith.constant 0 : i32
      %dma_wait3A_487 = tpu.memref_slice %arg2[%dma_wait3A_485, %dma_wait3A_486] : memref<10000x32xf32, #tpu.memory_space<hbm>> -> memref<10000x32xf32, #tpu.memory_space<hbm>>
      tpu.wait_indirect_dma semaphore(%arg16 : memref<!tpu.dma_semaphore, #tpu.memory_space<semaphore_mem>>) src(%dma_wait3A_487 : memref<10000x32xf32, #tpu.memory_space<hbm>>) dst(%arg11 : memref<100x32xf32, #tpu.memory_space<vmem>>)
      %dma_wait3A_488 = arith.constant 1 : i32
      %dma_wait3A_489 = arith.constant 0 : i32
      %dma_wait3A_490 = tpu.memref_slice %arg9[%dma_wait3A_488, %dma_wait3A_489] : memref<10x100xi32, #tpu.memory_space<vmem>> -> memref<1x100xi32, #tpu.memory_space<vmem>>
      %dma_wait3A_491 = tpu.memref_squeeze %dma_wait3A_490 : memref<1x100xi32, #tpu.memory_space<vmem>> -> memref<100xi32, #tpu.memory_space<vmem>>
      %dma_wait3A_492 = arith.constant 0 : i32
      %dma_wait3A_493 = arith.constant 0 : i32
      %dma_wait3A_494 = tpu.memref_slice %arg2[%dma_wait3A_492, %dma_wait3A_493] : memref<10000x32xf32, #tpu.memory_space<hbm>> -> memref<10000x32xf32, #tpu.memory_space<hbm>>
      tpu.wait_indirect_dma semaphore(%arg16 : memref<!tpu.dma_semaphore, #tpu.memory_space<semaphore_mem>>) src(%dma_wait3A_494 : memref<10000x32xf32, #tpu.memory_space<hbm>>) dst(%arg12 : memref<100x32xf32, #tpu.memory_space<vmem>>)
      %dma_start3A_495 = arith.constant 0 : i32
      %dma_start3A_496 = arith.constant 0 : i32
      %dma_start3A_497 = tpu.memref_slice %arg10[%dma_start3A_495, %dma_start3A_496] : memref<10x100xi32, #tpu.memory_space<vmem>> -> memref<1x100xi32, #tpu.memory_space<vmem>>
      %dma_start3A_498 = tpu.memref_squeeze %dma_start3A_497 : memref<1x100xi32, #tpu.memory_space<vmem>> -> memref<100xi32, #tpu.memory_space<vmem>>
      %dma_start3A_499 = arith.constant 0 : i32
      %dma_start3A_500 = arith.constant 0 : i32
      %dma_start3A_501 = tpu.memref_slice %arg15[%dma_start3A_499, %dma_start3A_500] : memref<10000x32xf32, #tpu.memory_space<vmem_shared>> -> memref<10000x32xf32, #tpu.memory_space<vmem_shared>>
      tpu.enqueue_indirect_dma source(%arg11 : memref<100x32xf32, #tpu.memory_space<vmem>>) target(%dma_start3A_501 : memref<10000x32xf32, #tpu.memory_space<vmem_shared>>) offsets(%dma_start3A_498 : memref<100xi32, #tpu.memory_space<vmem>>) semaphore(%arg17 : memref<!tpu.dma_semaphore, #tpu.memory_space<semaphore_mem>>) {add = true}
      %dma_start3A_502 = arith.constant 1 : i32
      %dma_start3A_503 = arith.constant 0 : i32
      %dma_start3A_504 = tpu.memref_slice %arg10[%dma_start3A_502, %dma_start3A_503] : memref<10x100xi32, #tpu.memory_space<vmem>> -> memref<1x100xi32, #tpu.memory_space<vmem>>
      %dma_start3A_505 = tpu.memref_squeeze %dma_start3A_504 : memref<1x100xi32, #tpu.memory_space<vmem>> -> memref<100xi32, #tpu.memory_space<vmem>>
      %dma_start3A_506 = arith.constant 0 : i32
      %dma_start3A_507 = arith.constant 0 : i32
      %dma_start3A_508 = tpu.memref_slice %arg15[%dma_start3A_506, %dma_start3A_507] : memref<10000x32xf32, #tpu.memory_space<vmem_shared>> -> memref<10000x32xf32, #tpu.memory_space<vmem_shared>>
      tpu.enqueue_indirect_dma source(%arg12 : memref<100x32xf32, #tpu.memory_space<vmem>>) target(%dma_start3A_508 : memref<10000x32xf32, #tpu.memory_space<vmem_shared>>) offsets(%dma_start3A_505 : memref<100xi32, #tpu.memory_space<vmem>>) semaphore(%arg17 : memref<!tpu.dma_semaphore, #tpu.memory_space<semaphore_mem>>) {add = true}
      %dma_start3A_509 = arith.constant 4 : i32
      %dma_start3A_510 = arith.constant 0 : i32
      %dma_start3A_511 = tpu.memref_slice %arg9[%dma_start3A_509, %dma_start3A_510] : memref<10x100xi32, #tpu.memory_space<vmem>> -> memref<1x100xi32, #tpu.memory_space<vmem>>
      %dma_start3A_512 = tpu.memref_squeeze %dma_start3A_511 : memref<1x100xi32, #tpu.memory_space<vmem>> -> memref<100xi32, #tpu.memory_space<vmem>>
      %dma_start3A_513 = arith.constant 0 : i32
      %dma_start3A_514 = arith.constant 0 : i32
      %dma_start3A_515 = tpu.memref_slice %arg2[%dma_start3A_513, %dma_start3A_514] : memref<10000x32xf32, #tpu.memory_space<hbm>> -> memref<10000x32xf32, #tpu.memory_space<hbm>>
      tpu.enqueue_indirect_dma source(%dma_start3A_515 : memref<10000x32xf32, #tpu.memory_space<hbm>>) target(%arg11 : memref<100x32xf32, #tpu.memory_space<vmem>>) offsets(%dma_start3A_512 : memref<100xi32, #tpu.memory_space<vmem>>) semaphore(%arg16 : memref<!tpu.dma_semaphore, #tpu.memory_space<semaphore_mem>>)
      %dma_start3A_516 = arith.constant 5 : i32
      %dma_start3A_517 = arith.constant 0 : i32
      %dma_start3A_518 = tpu.memref_slice %arg9[%dma_start3A_516, %dma_start3A_517] : memref<10x100xi32, #tpu.memory_space<vmem>> -> memref<1x100xi32, #tpu.memory_space<vmem>>
      %dma_start3A_519 = tpu.memref_squeeze %dma_start3A_518 : memref<1x100xi32, #tpu.memory_space<vmem>> -> memref<100xi32, #tpu.memory_space<vmem>>
      %dma_start3A_520 = arith.constant 0 : i32
      %dma_start3A_521 = arith.constant 0 : i32
      %dma_start3A_522 = tpu.memref_slice %arg2[%dma_start3A_520, %dma_start3A_521] : memref<10000x32xf32, #tpu.memory_space<hbm>> -> memref<10000x32xf32, #tpu.memory_space<hbm>>
      tpu.enqueue_indirect_dma source(%dma_start3A_522 : memref<10000x32xf32, #tpu.memory_space<hbm>>) target(%arg12 : memref<100x32xf32, #tpu.memory_space<vmem>>) offsets(%dma_start3A_519 : memref<100xi32, #tpu.memory_space<vmem>>) semaphore(%arg16 : memref<!tpu.dma_semaphore, #tpu.memory_space<semaphore_mem>>)
      %dma_wait3A_523 = arith.constant 2 : i32
      %dma_wait3A_524 = arith.constant 0 : i32
      %dma_wait3A_525 = tpu.memref_slice %arg9[%dma_wait3A_523, %dma_wait3A_524] : memref<10x100xi32, #tpu.memory_space<vmem>> -> memref<1x100xi32, #tpu.memory_space<vmem>>
      %dma_wait3A_526 = tpu.memref_squeeze %dma_wait3A_525 : memref<1x100xi32, #tpu.memory_space<vmem>> -> memref<100xi32, #tpu.memory_space<vmem>>
      %dma_wait3A_527 = arith.constant 0 : i32
      %dma_wait3A_528 = arith.constant 0 : i32
      %dma_wait3A_529 = tpu.memref_slice %arg2[%dma_wait3A_527, %dma_wait3A_528] : memref<10000x32xf32, #tpu.memory_space<hbm>> -> memref<10000x32xf32, #tpu.memory_space<hbm>>
      tpu.wait_indirect_dma semaphore(%arg16 : memref<!tpu.dma_semaphore, #tpu.memory_space<semaphore_mem>>) src(%dma_wait3A_529 : memref<10000x32xf32, #tpu.memory_space<hbm>>) dst(%arg13 : memref<100x32xf32, #tpu.memory_space<vmem>>)
      %dma_wait3A_530 = arith.constant 3 : i32
      %dma_wait3A_531 = arith.constant 0 : i32
      %dma_wait3A_532 = tpu.memref_slice %arg9[%dma_wait3A_530, %dma_wait3A_531] : memref<10x100xi32, #tpu.memory_space<vmem>> -> memref<1x100xi32, #tpu.memory_space<vmem>>
      %dma_wait3A_533 = tpu.memref_squeeze %dma_wait3A_532 : memref<1x100xi32, #tpu.memory_space<vmem>> -> memref<100xi32, #tpu.memory_space<vmem>>
      %dma_wait3A_534 = arith.constant 0 : i32
      %dma_wait3A_535 = arith.constant 0 : i32
      %dma_wait3A_536 = tpu.memref_slice %arg2[%dma_wait3A_534, %dma_wait3A_535] : memref<10000x32xf32, #tpu.memory_space<hbm>> -> memref<10000x32xf32, #tpu.memory_space<hbm>>
      tpu.wait_indirect_dma semaphore(%arg16 : memref<!tpu.dma_semaphore, #tpu.memory_space<semaphore_mem>>) src(%dma_wait3A_536 : memref<10000x32xf32, #tpu.memory_space<hbm>>) dst(%arg14 : memref<100x32xf32, #tpu.memory_space<vmem>>)
      %dma_start3A_537 = arith.constant 2 : i32
      %dma_start3A_538 = arith.constant 0 : i32
      %dma_start3A_539 = tpu.memref_slice %arg10[%dma_start3A_537, %dma_start3A_538] : memref<10x100xi32, #tpu.memory_space<vmem>> -> memref<1x100xi32, #tpu.memory_space<vmem>>
      %dma_start3A_540 = tpu.memref_squeeze %dma_start3A_539 : memref<1x100xi32, #tpu.memory_space<vmem>> -> memref<100xi32, #tpu.memory_space<vmem>>
      %dma_start3A_541 = arith.constant 0 : i32
      %dma_start3A_542 = arith.constant 0 : i32
      %dma_start3A_543 = tpu.memref_slice %arg15[%dma_start3A_541, %dma_start3A_542] : memref<10000x32xf32, #tpu.memory_space<vmem_shared>> -> memref<10000x32xf32, #tpu.memory_space<vmem_shared>>
      tpu.enqueue_indirect_dma source(%arg13 : memref<100x32xf32, #tpu.memory_space<vmem>>) target(%dma_start3A_543 : memref<10000x32xf32, #tpu.memory_space<vmem_shared>>) offsets(%dma_start3A_540 : memref<100xi32, #tpu.memory_space<vmem>>) semaphore(%arg17 : memref<!tpu.dma_semaphore, #tpu.memory_space<semaphore_mem>>) {add = true}
      %dma_start3A_544 = arith.constant 3 : i32
      %dma_start3A_545 = arith.constant 0 : i32
      %dma_start3A_546 = tpu.memref_slice %arg10[%dma_start3A_544, %dma_start3A_545] : memref<10x100xi32, #tpu.memory_space<vmem>> -> memref<1x100xi32, #tpu.memory_space<vmem>>
      %dma_start3A_547 = tpu.memref_squeeze %dma_start3A_546 : memref<1x100xi32, #tpu.memory_space<vmem>> -> memref<100xi32, #tpu.memory_space<vmem>>
      %dma_start3A_548 = arith.constant 0 : i32
      %dma_start3A_549 = arith.constant 0 : i32
      %dma_start3A_550 = tpu.memref_slice %arg15[%dma_start3A_548, %dma_start3A_549] : memref<10000x32xf32, #tpu.memory_space<vmem_shared>> -> memref<10000x32xf32, #tpu.memory_space<vmem_shared>>
      tpu.enqueue_indirect_dma source(%arg14 : memref<100x32xf32, #tpu.memory_space<vmem>>) target(%dma_start3A_550 : memref<10000x32xf32, #tpu.memory_space<vmem_shared>>) offsets(%dma_start3A_547 : memref<100xi32, #tpu.memory_space<vmem>>) semaphore(%arg17 : memref<!tpu.dma_semaphore, #tpu.memory_space<semaphore_mem>>) {add = true}
      %dma_wait3A_551 = arith.constant 0 : i32
      %dma_wait3A_552 = arith.constant 0 : i32
      %dma_wait3A_553 = tpu.memref_slice %arg10[%dma_wait3A_551, %dma_wait3A_552] : memref<10x100xi32, #tpu.memory_space<vmem>> -> memref<1x100xi32, #tpu.memory_space<vmem>>
      %dma_wait3A_554 = tpu.memref_squeeze %dma_wait3A_553 : memref<1x100xi32, #tpu.memory_space<vmem>> -> memref<100xi32, #tpu.memory_space<vmem>>
      %dma_wait3A_555 = arith.constant 0 : i32
      %dma_wait3A_556 = arith.constant 0 : i32
      %dma_wait3A_557 = tpu.memref_slice %arg15[%dma_wait3A_555, %dma_wait3A_556] : memref<10000x32xf32, #tpu.memory_space<vmem_shared>> -> memref<10000x32xf32, #tpu.memory_space<vmem_shared>>
      tpu.wait_indirect_dma semaphore(%arg17 : memref<!tpu.dma_semaphore, #tpu.memory_space<semaphore_mem>>) src(%arg11 : memref<100x32xf32, #tpu.memory_space<vmem>>) dst(%dma_wait3A_557 : memref<10000x32xf32, #tpu.memory_space<vmem_shared>>)
      %dma_wait3A_558 = arith.constant 1 : i32
      %dma_wait3A_559 = arith.constant 0 : i32
      %dma_wait3A_560 = tpu.memref_slice %arg10[%dma_wait3A_558, %dma_wait3A_559] : memref<10x100xi32, #tpu.memory_space<vmem>> -> memref<1x100xi32, #tpu.memory_space<vmem>>
      %dma_wait3A_561 = tpu.memref_squeeze %dma_wait3A_560 : memref<1x100xi32, #tpu.memory_space<vmem>> -> memref<100xi32, #tpu.memory_space<vmem>>
      %dma_wait3A_562 = arith.constant 0 : i32
      %dma_wait3A_563 = arith.constant 0 : i32
      %dma_wait3A_564 = tpu.memref_slice %arg15[%dma_wait3A_562, %dma_wait3A_563] : memref<10000x32xf32, #tpu.memory_space<vmem_shared>> -> memref<10000x32xf32, #tpu.memory_space<vmem_shared>>
      tpu.wait_indirect_dma semaphore(%arg17 : memref<!tpu.dma_semaphore, #tpu.memory_space<semaphore_mem>>) src(%arg12 : memref<100x32xf32, #tpu.memory_space<vmem>>) dst(%dma_wait3A_564 : memref<10000x32xf32, #tpu.memory_space<vmem_shared>>)
      %dma_start3A_565 = arith.constant 6 : i32
      %dma_start3A_566 = arith.constant 0 : i32
      %dma_start3A_567 = tpu.memref_slice %arg9[%dma_start3A_565, %dma_start3A_566] : memref<10x100xi32, #tpu.memory_space<vmem>> -> memref<1x100xi32, #tpu.memory_space<vmem>>
      %dma_start3A_568 = tpu.memref_squeeze %dma_start3A_567 : memref<1x100xi32, #tpu.memory_space<vmem>> -> memref<100xi32, #tpu.memory_space<vmem>>
      %dma_start3A_569 = arith.constant 0 : i32
      %dma_start3A_570 = arith.constant 0 : i32
      %dma_start3A_571 = tpu.memref_slice %arg2[%dma_start3A_569, %dma_start3A_570] : memref<10000x32xf32, #tpu.memory_space<hbm>> -> memref<10000x32xf32, #tpu.memory_space<hbm>>
      tpu.enqueue_indirect_dma source(%dma_start3A_571 : memref<10000x32xf32, #tpu.memory_space<hbm>>) target(%arg13 : memref<100x32xf32, #tpu.memory_space<vmem>>) offsets(%dma_start3A_568 : memref<100xi32, #tpu.memory_space<vmem>>) semaphore(%arg16 : memref<!tpu.dma_semaphore, #tpu.memory_space<semaphore_mem>>)
      %dma_start3A_572 = arith.constant 7 : i32
      %dma_start3A_573 = arith.constant 0 : i32
      %dma_start3A_574 = tpu.memref_slice %arg9[%dma_start3A_572, %dma_start3A_573] : memref<10x100xi32, #tpu.memory_space<vmem>> -> memref<1x100xi32, #tpu.memory_space<vmem>>
      %dma_start3A_575 = tpu.memref_squeeze %dma_start3A_574 : memref<1x100xi32, #tpu.memory_space<vmem>> -> memref<100xi32, #tpu.memory_space<vmem>>
      %dma_start3A_576 = arith.constant 0 : i32
      %dma_start3A_577 = arith.constant 0 : i32
      %dma_start3A_578 = tpu.memref_slice %arg2[%dma_start3A_576, %dma_start3A_577] : memref<10000x32xf32, #tpu.memory_space<hbm>> -> memref<10000x32xf32, #tpu.memory_space<hbm>>
      tpu.enqueue_indirect_dma source(%dma_start3A_578 : memref<10000x32xf32, #tpu.memory_space<hbm>>) target(%arg14 : memref<100x32xf32, #tpu.memory_space<vmem>>) offsets(%dma_start3A_575 : memref<100xi32, #tpu.memory_space<vmem>>) semaphore(%arg16 : memref<!tpu.dma_semaphore, #tpu.memory_space<semaphore_mem>>)
      %dma_wait3A_579 = arith.constant 4 : i32
      %dma_wait3A_580 = arith.constant 0 : i32
      %dma_wait3A_581 = tpu.memref_slice %arg9[%dma_wait3A_579, %dma_wait3A_580] : memref<10x100xi32, #tpu.memory_space<vmem>> -> memref<1x100xi32, #tpu.memory_space<vmem>>
      %dma_wait3A_582 = tpu.memref_squeeze %dma_wait3A_581 : memref<1x100xi32, #tpu.memory_space<vmem>> -> memref<100xi32, #tpu.memory_space<vmem>>
      %dma_wait3A_583 = arith.constant 0 : i32
      %dma_wait3A_584 = arith.constant 0 : i32
      %dma_wait3A_585 = tpu.memref_slice %arg2[%dma_wait3A_583, %dma_wait3A_584] : memref<10000x32xf32, #tpu.memory_space<hbm>> -> memref<10000x32xf32, #tpu.memory_space<hbm>>
      tpu.wait_indirect_dma semaphore(%arg16 : memref<!tpu.dma_semaphore, #tpu.memory_space<semaphore_mem>>) src(%dma_wait3A_585 : memref<10000x32xf32, #tpu.memory_space<hbm>>) dst(%arg11 : memref<100x32xf32, #tpu.memory_space<vmem>>)
      %dma_wait3A_586 = arith.constant 5 : i32
      %dma_wait3A_587 = arith.constant 0 : i32
      %dma_wait3A_588 = tpu.memref_slice %arg9[%dma_wait3A_586, %dma_wait3A_587] : memref<10x100xi32, #tpu.memory_space<vmem>> -> memref<1x100xi32, #tpu.memory_space<vmem>>
      %dma_wait3A_589 = tpu.memref_squeeze %dma_wait3A_588 : memref<1x100xi32, #tpu.memory_space<vmem>> -> memref<100xi32, #tpu.memory_space<vmem>>
      %dma_wait3A_590 = arith.constant 0 : i32
      %dma_wait3A_591 = arith.constant 0 : i32
      %dma_wait3A_592 = tpu.memref_slice %arg2[%dma_wait3A_590, %dma_wait3A_591] : memref<10000x32xf32, #tpu.memory_space<hbm>> -> memref<10000x32xf32, #tpu.memory_space<hbm>>
      tpu.wait_indirect_dma semaphore(%arg16 : memref<!tpu.dma_semaphore, #tpu.memory_space<semaphore_mem>>) src(%dma_wait3A_592 : memref<10000x32xf32, #tpu.memory_space<hbm>>) dst(%arg12 : memref<100x32xf32, #tpu.memory_space<vmem>>)
      %dma_start3A_593 = arith.constant 4 : i32
      %dma_start3A_594 = arith.constant 0 : i32
      %dma_start3A_595 = tpu.memref_slice %arg10[%dma_start3A_593, %dma_start3A_594] : memref<10x100xi32, #tpu.memory_space<vmem>> -> memref<1x100xi32, #tpu.memory_space<vmem>>
      %dma_start3A_596 = tpu.memref_squeeze %dma_start3A_595 : memref<1x100xi32, #tpu.memory_space<vmem>> -> memref<100xi32, #tpu.memory_space<vmem>>
      %dma_start3A_597 = arith.constant 0 : i32
      %dma_start3A_598 = arith.constant 0 : i32
      %dma_start3A_599 = tpu.memref_slice %arg15[%dma_start3A_597, %dma_start3A_598] : memref<10000x32xf32, #tpu.memory_space<vmem_shared>> -> memref<10000x32xf32, #tpu.memory_space<vmem_shared>>
      tpu.enqueue_indirect_dma source(%arg11 : memref<100x32xf32, #tpu.memory_space<vmem>>) target(%dma_start3A_599 : memref<10000x32xf32, #tpu.memory_space<vmem_shared>>) offsets(%dma_start3A_596 : memref<100xi32, #tpu.memory_space<vmem>>) semaphore(%arg17 : memref<!tpu.dma_semaphore, #tpu.memory_space<semaphore_mem>>) {add = true}
      %dma_start3A_600 = arith.constant 5 : i32
      %dma_start3A_601 = arith.constant 0 : i32
      %dma_start3A_602 = tpu.memref_slice %arg10[%dma_start3A_600, %dma_start3A_601] : memref<10x100xi32, #tpu.memory_space<vmem>> -> memref<1x100xi32, #tpu.memory_space<vmem>>
      %dma_start3A_603 = tpu.memref_squeeze %dma_start3A_602 : memref<1x100xi32, #tpu.memory_space<vmem>> -> memref<100xi32, #tpu.memory_space<vmem>>
      %dma_start3A_604 = arith.constant 0 : i32
      %dma_start3A_605 = arith.constant 0 : i32
      %dma_start3A_606 = tpu.memref_slice %arg15[%dma_start3A_604, %dma_start3A_605] : memref<10000x32xf32, #tpu.memory_space<vmem_shared>> -> memref<10000x32xf32, #tpu.memory_space<vmem_shared>>
      tpu.enqueue_indirect_dma source(%arg12 : memref<100x32xf32, #tpu.memory_space<vmem>>) target(%dma_start3A_606 : memref<10000x32xf32, #tpu.memory_space<vmem_shared>>) offsets(%dma_start3A_603 : memref<100xi32, #tpu.memory_space<vmem>>) semaphore(%arg17 : memref<!tpu.dma_semaphore, #tpu.memory_space<semaphore_mem>>) {add = true}
      %dma_wait3A_607 = arith.constant 2 : i32
      %dma_wait3A_608 = arith.constant 0 : i32
      %dma_wait3A_609 = tpu.memref_slice %arg10[%dma_wait3A_607, %dma_wait3A_608] : memref<10x100xi32, #tpu.memory_space<vmem>> -> memref<1x100xi32, #tpu.memory_space<vmem>>
      %dma_wait3A_610 = tpu.memref_squeeze %dma_wait3A_609 : memref<1x100xi32, #tpu.memory_space<vmem>> -> memref<100xi32, #tpu.memory_space<vmem>>
      %dma_wait3A_611 = arith.constant 0 : i32
      %dma_wait3A_612 = arith.constant 0 : i32
      %dma_wait3A_613 = tpu.memref_slice %arg15[%dma_wait3A_611, %dma_wait3A_612] : memref<10000x32xf32, #tpu.memory_space<vmem_shared>> -> memref<10000x32xf32, #tpu.memory_space<vmem_shared>>
      tpu.wait_indirect_dma semaphore(%arg17 : memref<!tpu.dma_semaphore, #tpu.memory_space<semaphore_mem>>) src(%arg13 : memref<100x32xf32, #tpu.memory_space<vmem>>) dst(%dma_wait3A_613 : memref<10000x32xf32, #tpu.memory_space<vmem_shared>>)
      %dma_wait3A_614 = arith.constant 3 : i32
      %dma_wait3A_615 = arith.constant 0 : i32
      %dma_wait3A_616 = tpu.memref_slice %arg10[%dma_wait3A_614, %dma_wait3A_615] : memref<10x100xi32, #tpu.memory_space<vmem>> -> memref<1x100xi32, #tpu.memory_space<vmem>>
      %dma_wait3A_617 = tpu.memref_squeeze %dma_wait3A_616 : memref<1x100xi32, #tpu.memory_space<vmem>> -> memref<100xi32, #tpu.memory_space<vmem>>
      %dma_wait3A_618 = arith.constant 0 : i32
      %dma_wait3A_619 = arith.constant 0 : i32
      %dma_wait3A_620 = tpu.memref_slice %arg15[%dma_wait3A_618, %dma_wait3A_619] : memref<10000x32xf32, #tpu.memory_space<vmem_shared>> -> memref<10000x32xf32, #tpu.memory_space<vmem_shared>>
      tpu.wait_indirect_dma semaphore(%arg17 : memref<!tpu.dma_semaphore, #tpu.memory_space<semaphore_mem>>) src(%arg14 : memref<100x32xf32, #tpu.memory_space<vmem>>) dst(%dma_wait3A_620 : memref<10000x32xf32, #tpu.memory_space<vmem_shared>>)
      %dma_start3A_621 = arith.constant 8 : i32
      %dma_start3A_622 = arith.constant 0 : i32
      %dma_start3A_623 = tpu.memref_slice %arg9[%dma_start3A_621, %dma_start3A_622] : memref<10x100xi32, #tpu.memory_space<vmem>> -> memref<1x100xi32, #tpu.memory_space<vmem>>
      %dma_start3A_624 = tpu.memref_squeeze %dma_start3A_623 : memref<1x100xi32, #tpu.memory_space<vmem>> -> memref<100xi32, #tpu.memory_space<vmem>>
      %dma_start3A_625 = arith.constant 0 : i32
      %dma_start3A_626 = arith.constant 0 : i32
      %dma_start3A_627 = tpu.memref_slice %arg2[%dma_start3A_625, %dma_start3A_626] : memref<10000x32xf32, #tpu.memory_space<hbm>> -> memref<10000x32xf32, #tpu.memory_space<hbm>>
      tpu.enqueue_indirect_dma source(%dma_start3A_627 : memref<10000x32xf32, #tpu.memory_space<hbm>>) target(%arg11 : memref<100x32xf32, #tpu.memory_space<vmem>>) offsets(%dma_start3A_624 : memref<100xi32, #tpu.memory_space<vmem>>) semaphore(%arg16 : memref<!tpu.dma_semaphore, #tpu.memory_space<semaphore_mem>>)
      %dma_start3A_628 = arith.constant 9 : i32
      %dma_start3A_629 = arith.constant 0 : i32
      %dma_start3A_630 = tpu.memref_slice %arg9[%dma_start3A_628, %dma_start3A_629] : memref<10x100xi32, #tpu.memory_space<vmem>> -> memref<1x100xi32, #tpu.memory_space<vmem>>
      %dma_start3A_631 = tpu.memref_squeeze %dma_start3A_630 : memref<1x100xi32, #tpu.memory_space<vmem>> -> memref<100xi32, #tpu.memory_space<vmem>>
      %dma_start3A_632 = arith.constant 0 : i32
      %dma_start3A_633 = arith.constant 0 : i32
      %dma_start3A_634 = tpu.memref_slice %arg2[%dma_start3A_632, %dma_start3A_633] : memref<10000x32xf32, #tpu.memory_space<hbm>> -> memref<10000x32xf32, #tpu.memory_space<hbm>>
      tpu.enqueue_indirect_dma source(%dma_start3A_634 : memref<10000x32xf32, #tpu.memory_space<hbm>>) target(%arg12 : memref<100x32xf32, #tpu.memory_space<vmem>>) offsets(%dma_start3A_631 : memref<100xi32, #tpu.memory_space<vmem>>) semaphore(%arg16 : memref<!tpu.dma_semaphore, #tpu.memory_space<semaphore_mem>>)
      %dma_wait3A_635 = arith.constant 6 : i32
      %dma_wait3A_636 = arith.constant 0 : i32
      %dma_wait3A_637 = tpu.memref_slice %arg9[%dma_wait3A_635, %dma_wait3A_636] : memref<10x100xi32, #tpu.memory_space<vmem>> -> memref<1x100xi32, #tpu.memory_space<vmem>>
      %dma_wait3A_638 = tpu.memref_squeeze %dma_wait3A_637 : memref<1x100xi32, #tpu.memory_space<vmem>> -> memref<100xi32, #tpu.memory_space<vmem>>
      %dma_wait3A_639 = arith.constant 0 : i32
      %dma_wait3A_640 = arith.constant 0 : i32
      %dma_wait3A_641 = tpu.memref_slice %arg2[%dma_wait3A_639, %dma_wait3A_640] : memref<10000x32xf32, #tpu.memory_space<hbm>> -> memref<10000x32xf32, #tpu.memory_space<hbm>>
      tpu.wait_indirect_dma semaphore(%arg16 : memref<!tpu.dma_semaphore, #tpu.memory_space<semaphore_mem>>) src(%dma_wait3A_641 : memref<10000x32xf32, #tpu.memory_space<hbm>>) dst(%arg13 : memref<100x32xf32, #tpu.memory_space<vmem>>)
      %dma_wait3A_642 = arith.constant 7 : i32
      %dma_wait3A_643 = arith.constant 0 : i32
      %dma_wait3A_644 = tpu.memref_slice %arg9[%dma_wait3A_642, %dma_wait3A_643] : memref<10x100xi32, #tpu.memory_space<vmem>> -> memref<1x100xi32, #tpu.memory_space<vmem>>
      %dma_wait3A_645 = tpu.memref_squeeze %dma_wait3A_644 : memref<1x100xi32, #tpu.memory_space<vmem>> -> memref<100xi32, #tpu.memory_space<vmem>>
      %dma_wait3A_646 = arith.constant 0 : i32
      %dma_wait3A_647 = arith.constant 0 : i32
      %dma_wait3A_648 = tpu.memref_slice %arg2[%dma_wait3A_646, %dma_wait3A_647] : memref<10000x32xf32, #tpu.memory_space<hbm>> -> memref<10000x32xf32, #tpu.memory_space<hbm>>
      tpu.wait_indirect_dma semaphore(%arg16 : memref<!tpu.dma_semaphore, #tpu.memory_space<semaphore_mem>>) src(%dma_wait3A_648 : memref<10000x32xf32, #tpu.memory_space<hbm>>) dst(%arg14 : memref<100x32xf32, #tpu.memory_space<vmem>>)
      %dma_start3A_649 = arith.constant 6 : i32
      %dma_start3A_650 = arith.constant 0 : i32
      %dma_start3A_651 = tpu.memref_slice %arg10[%dma_start3A_649, %dma_start3A_650] : memref<10x100xi32, #tpu.memory_space<vmem>> -> memref<1x100xi32, #tpu.memory_space<vmem>>
      %dma_start3A_652 = tpu.memref_squeeze %dma_start3A_651 : memref<1x100xi32, #tpu.memory_space<vmem>> -> memref<100xi32, #tpu.memory_space<vmem>>
      %dma_start3A_653 = arith.constant 0 : i32
      %dma_start3A_654 = arith.constant 0 : i32
      %dma_start3A_655 = tpu.memref_slice %arg15[%dma_start3A_653, %dma_start3A_654] : memref<10000x32xf32, #tpu.memory_space<vmem_shared>> -> memref<10000x32xf32, #tpu.memory_space<vmem_shared>>
      tpu.enqueue_indirect_dma source(%arg13 : memref<100x32xf32, #tpu.memory_space<vmem>>) target(%dma_start3A_655 : memref<10000x32xf32, #tpu.memory_space<vmem_shared>>) offsets(%dma_start3A_652 : memref<100xi32, #tpu.memory_space<vmem>>) semaphore(%arg17 : memref<!tpu.dma_semaphore, #tpu.memory_space<semaphore_mem>>) {add = true}
      %dma_start3A_656 = arith.constant 7 : i32
      %dma_start3A_657 = arith.constant 0 : i32
      %dma_start3A_658 = tpu.memref_slice %arg10[%dma_start3A_656, %dma_start3A_657] : memref<10x100xi32, #tpu.memory_space<vmem>> -> memref<1x100xi32, #tpu.memory_space<vmem>>
      %dma_start3A_659 = tpu.memref_squeeze %dma_start3A_658 : memref<1x100xi32, #tpu.memory_space<vmem>> -> memref<100xi32, #tpu.memory_space<vmem>>
      %dma_start3A_660 = arith.constant 0 : i32
      %dma_start3A_661 = arith.constant 0 : i32
      %dma_start3A_662 = tpu.memref_slice %arg15[%dma_start3A_660, %dma_start3A_661] : memref<10000x32xf32, #tpu.memory_space<vmem_shared>> -> memref<10000x32xf32, #tpu.memory_space<vmem_shared>>
      tpu.enqueue_indirect_dma source(%arg14 : memref<100x32xf32, #tpu.memory_space<vmem>>) target(%dma_start3A_662 : memref<10000x32xf32, #tpu.memory_space<vmem_shared>>) offsets(%dma_start3A_659 : memref<100xi32, #tpu.memory_space<vmem>>) semaphore(%arg17 : memref<!tpu.dma_semaphore, #tpu.memory_space<semaphore_mem>>) {add = true}
      %dma_wait3A_663 = arith.constant 4 : i32
      %dma_wait3A_664 = arith.constant 0 : i32
      %dma_wait3A_665 = tpu.memref_slice %arg10[%dma_wait3A_663, %dma_wait3A_664] : memref<10x100xi32, #tpu.memory_space<vmem>> -> memref<1x100xi32, #tpu.memory_space<vmem>>
      %dma_wait3A_666 = tpu.memref_squeeze %dma_wait3A_665 : memref<1x100xi32, #tpu.memory_space<vmem>> -> memref<100xi32, #tpu.memory_space<vmem>>
      %dma_wait3A_667 = arith.constant 0 : i32
      %dma_wait3A_668 = arith.constant 0 : i32
      %dma_wait3A_669 = tpu.memref_slice %arg15[%dma_wait3A_667, %dma_wait3A_668] : memref<10000x32xf32, #tpu.memory_space<vmem_shared>> -> memref<10000x32xf32, #tpu.memory_space<vmem_shared>>
      tpu.wait_indirect_dma semaphore(%arg17 : memref<!tpu.dma_semaphore, #tpu.memory_space<semaphore_mem>>) src(%arg11 : memref<100x32xf32, #tpu.memory_space<vmem>>) dst(%dma_wait3A_669 : memref<10000x32xf32, #tpu.memory_space<vmem_shared>>)
      %dma_wait3A_670 = arith.constant 5 : i32
      %dma_wait3A_671 = arith.constant 0 : i32
      %dma_wait3A_672 = tpu.memref_slice %arg10[%dma_wait3A_670, %dma_wait3A_671] : memref<10x100xi32, #tpu.memory_space<vmem>> -> memref<1x100xi32, #tpu.memory_space<vmem>>
      %dma_wait3A_673 = tpu.memref_squeeze %dma_wait3A_672 : memref<1x100xi32, #tpu.memory_space<vmem>> -> memref<100xi32, #tpu.memory_space<vmem>>
      %dma_wait3A_674 = arith.constant 0 : i32
      %dma_wait3A_675 = arith.constant 0 : i32
      %dma_wait3A_676 = tpu.memref_slice %arg15[%dma_wait3A_674, %dma_wait3A_675] : memref<10000x32xf32, #tpu.memory_space<vmem_shared>> -> memref<10000x32xf32, #tpu.memory_space<vmem_shared>>
      tpu.wait_indirect_dma semaphore(%arg17 : memref<!tpu.dma_semaphore, #tpu.memory_space<semaphore_mem>>) src(%arg12 : memref<100x32xf32, #tpu.memory_space<vmem>>) dst(%dma_wait3A_676 : memref<10000x32xf32, #tpu.memory_space<vmem_shared>>)
      %dma_wait3A_677 = arith.constant 8 : i32
      %dma_wait3A_678 = arith.constant 0 : i32
      %dma_wait3A_679 = tpu.memref_slice %arg9[%dma_wait3A_677, %dma_wait3A_678] : memref<10x100xi32, #tpu.memory_space<vmem>> -> memref<1x100xi32, #tpu.memory_space<vmem>>
      %dma_wait3A_680 = tpu.memref_squeeze %dma_wait3A_679 : memref<1x100xi32, #tpu.memory_space<vmem>> -> memref<100xi32, #tpu.memory_space<vmem>>
      %dma_wait3A_681 = arith.constant 0 : i32
      %dma_wait3A_682 = arith.constant 0 : i32
      %dma_wait3A_683 = tpu.memref_slice %arg2[%dma_wait3A_681, %dma_wait3A_682] : memref<10000x32xf32, #tpu.memory_space<hbm>> -> memref<10000x32xf32, #tpu.memory_space<hbm>>
      tpu.wait_indirect_dma semaphore(%arg16 : memref<!tpu.dma_semaphore, #tpu.memory_space<semaphore_mem>>) src(%dma_wait3A_683 : memref<10000x32xf32, #tpu.memory_space<hbm>>) dst(%arg11 : memref<100x32xf32, #tpu.memory_space<vmem>>)
      %dma_wait3A_684 = arith.constant 9 : i32
      %dma_wait3A_685 = arith.constant 0 : i32
      %dma_wait3A_686 = tpu.memref_slice %arg9[%dma_wait3A_684, %dma_wait3A_685] : memref<10x100xi32, #tpu.memory_space<vmem>> -> memref<1x100xi32, #tpu.memory_space<vmem>>
      %dma_wait3A_687 = tpu.memref_squeeze %dma_wait3A_686 : memref<1x100xi32, #tpu.memory_space<vmem>> -> memref<100xi32, #tpu.memory_space<vmem>>
      %dma_wait3A_688 = arith.constant 0 : i32
      %dma_wait3A_689 = arith.constant 0 : i32
      %dma_wait3A_690 = tpu.memref_slice %arg2[%dma_wait3A_688, %dma_wait3A_689] : memref<10000x32xf32, #tpu.memory_space<hbm>> -> memref<10000x32xf32, #tpu.memory_space<hbm>>
      tpu.wait_indirect_dma semaphore(%arg16 : memref<!tpu.dma_semaphore, #tpu.memory_space<semaphore_mem>>) src(%dma_wait3A_690 : memref<10000x32xf32, #tpu.memory_space<hbm>>) dst(%arg12 : memref<100x32xf32, #tpu.memory_space<vmem>>)
      %dma_start3A_691 = arith.constant 8 : i32
      %dma_start3A_692 = arith.constant 0 : i32
      %dma_start3A_693 = tpu.memref_slice %arg10[%dma_start3A_691, %dma_start3A_692] : memref<10x100xi32, #tpu.memory_space<vmem>> -> memref<1x100xi32, #tpu.memory_space<vmem>>
      %dma_start3A_694 = tpu.memref_squeeze %dma_start3A_693 : memref<1x100xi32, #tpu.memory_space<vmem>> -> memref<100xi32, #tpu.memory_space<vmem>>
      %dma_start3A_695 = arith.constant 0 : i32
      %dma_start3A_696 = arith.constant 0 : i32
      %dma_start3A_697 = tpu.memref_slice %arg15[%dma_start3A_695, %dma_start3A_696] : memref<10000x32xf32, #tpu.memory_space<vmem_shared>> -> memref<10000x32xf32, #tpu.memory_space<vmem_shared>>
      tpu.enqueue_indirect_dma source(%arg11 : memref<100x32xf32, #tpu.memory_space<vmem>>) target(%dma_start3A_697 : memref<10000x32xf32, #tpu.memory_space<vmem_shared>>) offsets(%dma_start3A_694 : memref<100xi32, #tpu.memory_space<vmem>>) semaphore(%arg17 : memref<!tpu.dma_semaphore, #tpu.memory_space<semaphore_mem>>) {add = true}
      %dma_start3A_698 = arith.constant 9 : i32
      %dma_start3A_699 = arith.constant 0 : i32
      %dma_start3A_700 = tpu.memref_slice %arg10[%dma_start3A_698, %dma_start3A_699] : memref<10x100xi32, #tpu.memory_space<vmem>> -> memref<1x100xi32, #tpu.memory_space<vmem>>
      %dma_start3A_701 = tpu.memref_squeeze %dma_start3A_700 : memref<1x100xi32, #tpu.memory_space<vmem>> -> memref<100xi32, #tpu.memory_space<vmem>>
      %dma_start3A_702 = arith.constant 0 : i32
      %dma_start3A_703 = arith.constant 0 : i32
      %dma_start3A_704 = tpu.memref_slice %arg15[%dma_start3A_702, %dma_start3A_703] : memref<10000x32xf32, #tpu.memory_space<vmem_shared>> -> memref<10000x32xf32, #tpu.memory_space<vmem_shared>>
      tpu.enqueue_indirect_dma source(%arg12 : memref<100x32xf32, #tpu.memory_space<vmem>>) target(%dma_start3A_704 : memref<10000x32xf32, #tpu.memory_space<vmem_shared>>) offsets(%dma_start3A_701 : memref<100xi32, #tpu.memory_space<vmem>>) semaphore(%arg17 : memref<!tpu.dma_semaphore, #tpu.memory_space<semaphore_mem>>) {add = true}
      %dma_wait3A_705 = arith.constant 6 : i32
      %dma_wait3A_706 = arith.constant 0 : i32
      %dma_wait3A_707 = tpu.memref_slice %arg10[%dma_wait3A_705, %dma_wait3A_706] : memref<10x100xi32, #tpu.memory_space<vmem>> -> memref<1x100xi32, #tpu.memory_space<vmem>>
      %dma_wait3A_708 = tpu.memref_squeeze %dma_wait3A_707 : memref<1x100xi32, #tpu.memory_space<vmem>> -> memref<100xi32, #tpu.memory_space<vmem>>
      %dma_wait3A_709 = arith.constant 0 : i32
      %dma_wait3A_710 = arith.constant 0 : i32
      %dma_wait3A_711 = tpu.memref_slice %arg15[%dma_wait3A_709, %dma_wait3A_710] : memref<10000x32xf32, #tpu.memory_space<vmem_shared>> -> memref<10000x32xf32, #tpu.memory_space<vmem_shared>>
      tpu.wait_indirect_dma semaphore(%arg17 : memref<!tpu.dma_semaphore, #tpu.memory_space<semaphore_mem>>) src(%arg13 : memref<100x32xf32, #tpu.memory_space<vmem>>) dst(%dma_wait3A_711 : memref<10000x32xf32, #tpu.memory_space<vmem_shared>>)
      %dma_wait3A_712 = arith.constant 7 : i32
      %dma_wait3A_713 = arith.constant 0 : i32
      %dma_wait3A_714 = tpu.memref_slice %arg10[%dma_wait3A_712, %dma_wait3A_713] : memref<10x100xi32, #tpu.memory_space<vmem>> -> memref<1x100xi32, #tpu.memory_space<vmem>>
      %dma_wait3A_715 = tpu.memref_squeeze %dma_wait3A_714 : memref<1x100xi32, #tpu.memory_space<vmem>> -> memref<100xi32, #tpu.memory_space<vmem>>
      %dma_wait3A_716 = arith.constant 0 : i32
      %dma_wait3A_717 = arith.constant 0 : i32
      %dma_wait3A_718 = tpu.memref_slice %arg15[%dma_wait3A_716, %dma_wait3A_717] : memref<10000x32xf32, #tpu.memory_space<vmem_shared>> -> memref<10000x32xf32, #tpu.memory_space<vmem_shared>>
      tpu.wait_indirect_dma semaphore(%arg17 : memref<!tpu.dma_semaphore, #tpu.memory_space<semaphore_mem>>) src(%arg14 : memref<100x32xf32, #tpu.memory_space<vmem>>) dst(%dma_wait3A_718 : memref<10000x32xf32, #tpu.memory_space<vmem_shared>>)
      %dma_wait3A_719 = arith.constant 8 : i32
      %dma_wait3A_720 = arith.constant 0 : i32
      %dma_wait3A_721 = tpu.memref_slice %arg10[%dma_wait3A_719, %dma_wait3A_720] : memref<10x100xi32, #tpu.memory_space<vmem>> -> memref<1x100xi32, #tpu.memory_space<vmem>>
      %dma_wait3A_722 = tpu.memref_squeeze %dma_wait3A_721 : memref<1x100xi32, #tpu.memory_space<vmem>> -> memref<100xi32, #tpu.memory_space<vmem>>
      %dma_wait3A_723 = arith.constant 0 : i32
      %dma_wait3A_724 = arith.constant 0 : i32
      %dma_wait3A_725 = tpu.memref_slice %arg15[%dma_wait3A_723, %dma_wait3A_724] : memref<10000x32xf32, #tpu.memory_space<vmem_shared>> -> memref<10000x32xf32, #tpu.memory_space<vmem_shared>>
      tpu.wait_indirect_dma semaphore(%arg17 : memref<!tpu.dma_semaphore, #tpu.memory_space<semaphore_mem>>) src(%arg11 : memref<100x32xf32, #tpu.memory_space<vmem>>) dst(%dma_wait3A_725 : memref<10000x32xf32, #tpu.memory_space<vmem_shared>>)
      %dma_wait3A_726 = arith.constant 9 : i32
      %dma_wait3A_727 = arith.constant 0 : i32
      %dma_wait3A_728 = tpu.memref_slice %arg10[%dma_wait3A_726, %dma_wait3A_727] : memref<10x100xi32, #tpu.memory_space<vmem>> -> memref<1x100xi32, #tpu.memory_space<vmem>>
      %dma_wait3A_729 = tpu.memref_squeeze %dma_wait3A_728 : memref<1x100xi32, #tpu.memory_space<vmem>> -> memref<100xi32, #tpu.memory_space<vmem>>
      %dma_wait3A_730 = arith.constant 0 : i32
      %dma_wait3A_731 = arith.constant 0 : i32
      %dma_wait3A_732 = tpu.memref_slice %arg15[%dma_wait3A_730, %dma_wait3A_731] : memref<10000x32xf32, #tpu.memory_space<vmem_shared>> -> memref<10000x32xf32, #tpu.memory_space<vmem_shared>>
      tpu.wait_indirect_dma semaphore(%arg17 : memref<!tpu.dma_semaphore, #tpu.memory_space<semaphore_mem>>) src(%arg12 : memref<100x32xf32, #tpu.memory_space<vmem>>) dst(%dma_wait3A_732 : memref<10000x32xf32, #tpu.memory_space<vmem_shared>>)
    }
    %scan3A_69 = arith.constant 5 : i32
    %barrier3A_70 = arith.constant 0 : index
    tpu.barrier barrier_id(%barrier3A_70)
    %add3A_71 = arith.constant 0 : i32
    %add3A_72 = arith.addi %arg1, %add3A_71 : i32
    %lt3A_73 = arith.constant 125 : i32
    %lt3A_74 = arith.cmpi slt, %add3A_72, %lt3A_73 : i32
    %convert_element_type3A_75 = arith.extui %lt3A_74 : i1 to i32
    %cond3A_76 = arith.constant 0 : i32
    %cond3A_77 = arith.cmpi ne, %convert_element_type3A_75, %cond3A_76 : i32
    scf.if %cond3A_77 {
      %mul3A_127 = arith.constant 80 : i32
      %mul3A_128 = arith.muli %add3A_72, %mul3A_127 : i32
      "tpu.region"() ({
        %run_scoped3A = tpu.sem_alloc : memref<!tpu.dma_semaphore, #tpu.memory_space<semaphore_mem>>
        %dma_start3A_134 = arith.constant 0 : i32
        %dma_start3A_135 = arith.constant 0 : i32
        %dma_start3A_136 = tpu.memref_slice %arg11[%dma_start3A_134, %dma_start3A_135] : memref<100x32xf32, #tpu.memory_space<vmem>> -> memref<80x32xf32, #tpu.memory_space<vmem>>
        %dma_start3A_137 = arith.constant 0 : i32
        %dma_start3A_138 = tpu.memref_slice %arg15[%mul3A_128, %dma_start3A_137] : memref<10000x32xf32, #tpu.memory_space<vmem_shared>> -> memref<80x32xf32, #tpu.memory_space<vmem_shared>>
        %dma_start3A_139 = arith.constant 0 : i32
        %dma_start3A_140 = arith.constant 0 : i32
        %dma_start3A_141 = tpu.memref_slice %arg11[%dma_start3A_139, %dma_start3A_140] : memref<100x32xf32, #tpu.memory_space<vmem>> -> memref<80x32xf32, #tpu.memory_space<vmem>>
        %dma_start3A_142 = arith.constant 0 : i32
        %dma_start3A_143 = tpu.memref_slice %arg15[%mul3A_128, %dma_start3A_142] : memref<10000x32xf32, #tpu.memory_space<vmem_shared>> -> memref<80x32xf32, #tpu.memory_space<vmem_shared>>
        tpu.enqueue_dma source(%dma_start3A_143 : memref<80x32xf32, #tpu.memory_space<vmem_shared>>) target(%dma_start3A_141 : memref<80x32xf32, #tpu.memory_space<vmem>>) target_semaphore(%run_scoped3A : memref<!tpu.dma_semaphore, #tpu.memory_space<semaphore_mem>>)
        %dma_wait3A = arith.constant 0 : i32
        %dma_wait3A_144 = arith.constant 0 : i32
        %dma_wait3A_145 = tpu.memref_slice %arg11[%dma_wait3A, %dma_wait3A_144] : memref<100x32xf32, #tpu.memory_space<vmem>> -> memref<80x32xf32, #tpu.memory_space<vmem>>
        %dma_wait3A_146 = arith.constant 0 : i32
        %dma_wait3A_147 = tpu.memref_slice %arg15[%mul3A_128, %dma_wait3A_146] : memref<10000x32xf32, #tpu.memory_space<vmem_shared>> -> memref<80x32xf32, #tpu.memory_space<vmem_shared>>
        %dma_wait3A_148 = arith.constant 0 : i32
        %dma_wait3A_149 = arith.constant 0 : i32
        %dma_wait3A_150 = tpu.memref_slice %arg11[%dma_wait3A_148, %dma_wait3A_149] : memref<100x32xf32, #tpu.memory_space<vmem>> -> memref<80x32xf32, #tpu.memory_space<vmem>>
        %dma_wait3A_151 = arith.constant 0 : i32
        %dma_wait3A_152 = tpu.memref_slice %arg15[%mul3A_128, %dma_wait3A_151] : memref<10000x32xf32, #tpu.memory_space<vmem_shared>> -> memref<80x32xf32, #tpu.memory_space<vmem_shared>>
        tpu.wait_dma2 semaphore(%run_scoped3A : memref<!tpu.dma_semaphore, #tpu.memory_space<semaphore_mem>>) src(%dma_wait3A_152 : memref<80x32xf32, #tpu.memory_space<vmem_shared>>) dst(%dma_wait3A_150 : memref<80x32xf32, #tpu.memory_space<vmem>>)
        tpu.yield
      }) : () -> ()
      %mul3A_129 = arith.constant 10000 : i32
      %mul3A_130 = arith.muli %arg0, %mul3A_129 : i32
      %mul3A_131 = arith.constant 80 : i32
      %mul3A_132 = arith.muli %add3A_72, %mul3A_131 : i32
      %add3A_133 = arith.addi %mul3A_130, %mul3A_132 : i32
      "tpu.region"() ({
        %run_scoped3A = tpu.sem_alloc : memref<!tpu.dma_semaphore, #tpu.memory_space<semaphore_mem>>
        %dma_start3A_134 = arith.constant 0 : i32
        %dma_start3A_135 = arith.constant 0 : i32
        %dma_start3A_136 = tpu.memref_slice %arg11[%dma_start3A_134, %dma_start3A_135] : memref<100x32xf32, #tpu.memory_space<vmem>> -> memref<80x32xf32, #tpu.memory_space<vmem>>
        %dma_start3A_137 = arith.constant 0 : i32
        %dma_start3A_138 = tpu.memref_slice %arg6[%add3A_133, %dma_start3A_137] : memref<20000x32xf32, #tpu.memory_space<hbm>> -> memref<80x32xf32, #tpu.memory_space<hbm>>
        %dma_start3A_139 = arith.constant 0 : i32
        %dma_start3A_140 = tpu.memref_slice %arg6[%add3A_133, %dma_start3A_139] : memref<20000x32xf32, #tpu.memory_space<hbm>> -> memref<80x32xf32, #tpu.memory_space<hbm>>
        %dma_start3A_141 = arith.constant 0 : i32
        %dma_start3A_142 = arith.constant 0 : i32
        %dma_start3A_143 = tpu.memref_slice %arg11[%dma_start3A_141, %dma_start3A_142] : memref<100x32xf32, #tpu.memory_space<vmem>> -> memref<80x32xf32, #tpu.memory_space<vmem>>
        tpu.enqueue_dma source(%dma_start3A_143 : memref<80x32xf32, #tpu.memory_space<vmem>>) target(%dma_start3A_140 : memref<80x32xf32, #tpu.memory_space<hbm>>) target_semaphore(%run_scoped3A : memref<!tpu.dma_semaphore, #tpu.memory_space<semaphore_mem>>)
        %dma_wait3A = arith.constant 0 : i32
        %dma_wait3A_144 = arith.constant 0 : i32
        %dma_wait3A_145 = tpu.memref_slice %arg11[%dma_wait3A, %dma_wait3A_144] : memref<100x32xf32, #tpu.memory_space<vmem>> -> memref<80x32xf32, #tpu.memory_space<vmem>>
        %dma_wait3A_146 = arith.constant 0 : i32
        %dma_wait3A_147 = tpu.memref_slice %arg6[%add3A_133, %dma_wait3A_146] : memref<20000x32xf32, #tpu.memory_space<hbm>> -> memref<80x32xf32, #tpu.memory_space<hbm>>
        %dma_wait3A_148 = arith.constant 0 : i32
        %dma_wait3A_149 = tpu.memref_slice %arg6[%add3A_133, %dma_wait3A_148] : memref<20000x32xf32, #tpu.memory_space<hbm>> -> memref<80x32xf32, #tpu.memory_space<hbm>>
        %dma_wait3A_150 = arith.constant 0 : i32
        %dma_wait3A_151 = arith.constant 0 : i32
        %dma_wait3A_152 = tpu.memref_slice %arg11[%dma_wait3A_150, %dma_wait3A_151] : memref<100x32xf32, #tpu.memory_space<vmem>> -> memref<80x32xf32, #tpu.memory_space<vmem>>
        tpu.wait_dma2 semaphore(%run_scoped3A : memref<!tpu.dma_semaphore, #tpu.memory_space<semaphore_mem>>) src(%dma_wait3A_152 : memref<80x32xf32, #tpu.memory_space<vmem>>) dst(%dma_wait3A_149 : memref<80x32xf32, #tpu.memory_space<hbm>>)
        tpu.yield
      }) : () -> ()
    } else {
    }
    %add3A_78 = arith.constant 16 : i32
    %add3A_79 = arith.addi %arg1, %add3A_78 : i32
    %lt3A_80 = arith.constant 125 : i32
    %lt3A_81 = arith.cmpi slt, %add3A_79, %lt3A_80 : i32
    %convert_element_type3A_82 = arith.extui %lt3A_81 : i1 to i32
    %cond3A_83 = arith.constant 0 : i32
    %cond3A_84 = arith.cmpi ne, %convert_element_type3A_82, %cond3A_83 : i32
    scf.if %cond3A_84 {
      %mul3A_127 = arith.constant 80 : i32
      %mul3A_128 = arith.muli %add3A_79, %mul3A_127 : i32
      "tpu.region"() ({
        %run_scoped3A = tpu.sem_alloc : memref<!tpu.dma_semaphore, #tpu.memory_space<semaphore_mem>>
        %dma_start3A_134 = arith.constant 0 : i32
        %dma_start3A_135 = arith.constant 0 : i32
        %dma_start3A_136 = tpu.memref_slice %arg11[%dma_start3A_134, %dma_start3A_135] : memref<100x32xf32, #tpu.memory_space<vmem>> -> memref<80x32xf32, #tpu.memory_space<vmem>>
        %dma_start3A_137 = arith.constant 0 : i32
        %dma_start3A_138 = tpu.memref_slice %arg15[%mul3A_128, %dma_start3A_137] : memref<10000x32xf32, #tpu.memory_space<vmem_shared>> -> memref<80x32xf32, #tpu.memory_space<vmem_shared>>
        %dma_start3A_139 = arith.constant 0 : i32
        %dma_start3A_140 = arith.constant 0 : i32
        %dma_start3A_141 = tpu.memref_slice %arg11[%dma_start3A_139, %dma_start3A_140] : memref<100x32xf32, #tpu.memory_space<vmem>> -> memref<80x32xf32, #tpu.memory_space<vmem>>
        %dma_start3A_142 = arith.constant 0 : i32
        %dma_start3A_143 = tpu.memref_slice %arg15[%mul3A_128, %dma_start3A_142] : memref<10000x32xf32, #tpu.memory_space<vmem_shared>> -> memref<80x32xf32, #tpu.memory_space<vmem_shared>>
        tpu.enqueue_dma source(%dma_start3A_143 : memref<80x32xf32, #tpu.memory_space<vmem_shared>>) target(%dma_start3A_141 : memref<80x32xf32, #tpu.memory_space<vmem>>) target_semaphore(%run_scoped3A : memref<!tpu.dma_semaphore, #tpu.memory_space<semaphore_mem>>)
        %dma_wait3A = arith.constant 0 : i32
        %dma_wait3A_144 = arith.constant 0 : i32
        %dma_wait3A_145 = tpu.memref_slice %arg11[%dma_wait3A, %dma_wait3A_144] : memref<100x32xf32, #tpu.memory_space<vmem>> -> memref<80x32xf32, #tpu.memory_space<vmem>>
        %dma_wait3A_146 = arith.constant 0 : i32
        %dma_wait3A_147 = tpu.memref_slice %arg15[%mul3A_128, %dma_wait3A_146] : memref<10000x32xf32, #tpu.memory_space<vmem_shared>> -> memref<80x32xf32, #tpu.memory_space<vmem_shared>>
        %dma_wait3A_148 = arith.constant 0 : i32
        %dma_wait3A_149 = arith.constant 0 : i32
        %dma_wait3A_150 = tpu.memref_slice %arg11[%dma_wait3A_148, %dma_wait3A_149] : memref<100x32xf32, #tpu.memory_space<vmem>> -> memref<80x32xf32, #tpu.memory_space<vmem>>
        %dma_wait3A_151 = arith.constant 0 : i32
        %dma_wait3A_152 = tpu.memref_slice %arg15[%mul3A_128, %dma_wait3A_151] : memref<10000x32xf32, #tpu.memory_space<vmem_shared>> -> memref<80x32xf32, #tpu.memory_space<vmem_shared>>
        tpu.wait_dma2 semaphore(%run_scoped3A : memref<!tpu.dma_semaphore, #tpu.memory_space<semaphore_mem>>) src(%dma_wait3A_152 : memref<80x32xf32, #tpu.memory_space<vmem_shared>>) dst(%dma_wait3A_150 : memref<80x32xf32, #tpu.memory_space<vmem>>)
        tpu.yield
      }) : () -> ()
      %mul3A_129 = arith.constant 10000 : i32
      %mul3A_130 = arith.muli %arg0, %mul3A_129 : i32
      %mul3A_131 = arith.constant 80 : i32
      %mul3A_132 = arith.muli %add3A_79, %mul3A_131 : i32
      %add3A_133 = arith.addi %mul3A_130, %mul3A_132 : i32
      "tpu.region"() ({
        %run_scoped3A = tpu.sem_alloc : memref<!tpu.dma_semaphore, #tpu.memory_space<semaphore_mem>>
        %dma_start3A_134 = arith.constant 0 : i32
        %dma_start3A_135 = arith.constant 0 : i32
        %dma_start3A_136 = tpu.memref_slice %arg11[%dma_start3A_134, %dma_start3A_135] : memref<100x32xf32, #tpu.memory_space<vmem>> -> memref<80x32xf32, #tpu.memory_space<vmem>>
        %dma_start3A_137 = arith.constant 0 : i32
        %dma_start3A_138 = tpu.memref_slice %arg6[%add3A_133, %dma_start3A_137] : memref<20000x32xf32, #tpu.memory_space<hbm>> -> memref<80x32xf32, #tpu.memory_space<hbm>>
        %dma_start3A_139 = arith.constant 0 : i32
        %dma_start3A_140 = tpu.memref_slice %arg6[%add3A_133, %dma_start3A_139] : memref<20000x32xf32, #tpu.memory_space<hbm>> -> memref<80x32xf32, #tpu.memory_space<hbm>>
        %dma_start3A_141 = arith.constant 0 : i32
        %dma_start3A_142 = arith.constant 0 : i32
        %dma_start3A_143 = tpu.memref_slice %arg11[%dma_start3A_141, %dma_start3A_142] : memref<100x32xf32, #tpu.memory_space<vmem>> -> memref<80x32xf32, #tpu.memory_space<vmem>>
        tpu.enqueue_dma source(%dma_start3A_143 : memref<80x32xf32, #tpu.memory_space<vmem>>) target(%dma_start3A_140 : memref<80x32xf32, #tpu.memory_space<hbm>>) target_semaphore(%run_scoped3A : memref<!tpu.dma_semaphore, #tpu.memory_space<semaphore_mem>>)
        %dma_wait3A = arith.constant 0 : i32
        %dma_wait3A_144 = arith.constant 0 : i32
        %dma_wait3A_145 = tpu.memref_slice %arg11[%dma_wait3A, %dma_wait3A_144] : memref<100x32xf32, #tpu.memory_space<vmem>> -> memref<80x32xf32, #tpu.memory_space<vmem>>
        %dma_wait3A_146 = arith.constant 0 : i32
        %dma_wait3A_147 = tpu.memref_slice %arg6[%add3A_133, %dma_wait3A_146] : memref<20000x32xf32, #tpu.memory_space<hbm>> -> memref<80x32xf32, #tpu.memory_space<hbm>>
        %dma_wait3A_148 = arith.constant 0 : i32
        %dma_wait3A_149 = tpu.memref_slice %arg6[%add3A_133, %dma_wait3A_148] : memref<20000x32xf32, #tpu.memory_space<hbm>> -> memref<80x32xf32, #tpu.memory_space<hbm>>
        %dma_wait3A_150 = arith.constant 0 : i32
        %dma_wait3A_151 = arith.constant 0 : i32
        %dma_wait3A_152 = tpu.memref_slice %arg11[%dma_wait3A_150, %dma_wait3A_151] : memref<100x32xf32, #tpu.memory_space<vmem>> -> memref<80x32xf32, #tpu.memory_space<vmem>>
        tpu.wait_dma2 semaphore(%run_scoped3A : memref<!tpu.dma_semaphore, #tpu.memory_space<semaphore_mem>>) src(%dma_wait3A_152 : memref<80x32xf32, #tpu.memory_space<vmem>>) dst(%dma_wait3A_149 : memref<80x32xf32, #tpu.memory_space<hbm>>)
        tpu.yield
      }) : () -> ()
    } else {
    }
    %add3A_85 = arith.constant 32 : i32
    %add3A_86 = arith.addi %arg1, %add3A_85 : i32
    %lt3A_87 = arith.constant 125 : i32
    %lt3A_88 = arith.cmpi slt, %add3A_86, %lt3A_87 : i32
    %convert_element_type3A_89 = arith.extui %lt3A_88 : i1 to i32
    %cond3A_90 = arith.constant 0 : i32
    %cond3A_91 = arith.cmpi ne, %convert_element_type3A_89, %cond3A_90 : i32
    scf.if %cond3A_91 {
      %mul3A_127 = arith.constant 80 : i32
      %mul3A_128 = arith.muli %add3A_86, %mul3A_127 : i32
      "tpu.region"() ({
        %run_scoped3A = tpu.sem_alloc : memref<!tpu.dma_semaphore, #tpu.memory_space<semaphore_mem>>
        %dma_start3A_134 = arith.constant 0 : i32
        %dma_start3A_135 = arith.constant 0 : i32
        %dma_start3A_136 = tpu.memref_slice %arg11[%dma_start3A_134, %dma_start3A_135] : memref<100x32xf32, #tpu.memory_space<vmem>> -> memref<80x32xf32, #tpu.memory_space<vmem>>
        %dma_start3A_137 = arith.constant 0 : i32
        %dma_start3A_138 = tpu.memref_slice %arg15[%mul3A_128, %dma_start3A_137] : memref<10000x32xf32, #tpu.memory_space<vmem_shared>> -> memref<80x32xf32, #tpu.memory_space<vmem_shared>>
        %dma_start3A_139 = arith.constant 0 : i32
        %dma_start3A_140 = arith.constant 0 : i32
        %dma_start3A_141 = tpu.memref_slice %arg11[%dma_start3A_139, %dma_start3A_140] : memref<100x32xf32, #tpu.memory_space<vmem>> -> memref<80x32xf32, #tpu.memory_space<vmem>>
        %dma_start3A_142 = arith.constant 0 : i32
        %dma_start3A_143 = tpu.memref_slice %arg15[%mul3A_128, %dma_start3A_142] : memref<10000x32xf32, #tpu.memory_space<vmem_shared>> -> memref<80x32xf32, #tpu.memory_space<vmem_shared>>
        tpu.enqueue_dma source(%dma_start3A_143 : memref<80x32xf32, #tpu.memory_space<vmem_shared>>) target(%dma_start3A_141 : memref<80x32xf32, #tpu.memory_space<vmem>>) target_semaphore(%run_scoped3A : memref<!tpu.dma_semaphore, #tpu.memory_space<semaphore_mem>>)
        %dma_wait3A = arith.constant 0 : i32
        %dma_wait3A_144 = arith.constant 0 : i32
        %dma_wait3A_145 = tpu.memref_slice %arg11[%dma_wait3A, %dma_wait3A_144] : memref<100x32xf32, #tpu.memory_space<vmem>> -> memref<80x32xf32, #tpu.memory_space<vmem>>
        %dma_wait3A_146 = arith.constant 0 : i32
        %dma_wait3A_147 = tpu.memref_slice %arg15[%mul3A_128, %dma_wait3A_146] : memref<10000x32xf32, #tpu.memory_space<vmem_shared>> -> memref<80x32xf32, #tpu.memory_space<vmem_shared>>
        %dma_wait3A_148 = arith.constant 0 : i32
        %dma_wait3A_149 = arith.constant 0 : i32
        %dma_wait3A_150 = tpu.memref_slice %arg11[%dma_wait3A_148, %dma_wait3A_149] : memref<100x32xf32, #tpu.memory_space<vmem>> -> memref<80x32xf32, #tpu.memory_space<vmem>>
        %dma_wait3A_151 = arith.constant 0 : i32
        %dma_wait3A_152 = tpu.memref_slice %arg15[%mul3A_128, %dma_wait3A_151] : memref<10000x32xf32, #tpu.memory_space<vmem_shared>> -> memref<80x32xf32, #tpu.memory_space<vmem_shared>>
        tpu.wait_dma2 semaphore(%run_scoped3A : memref<!tpu.dma_semaphore, #tpu.memory_space<semaphore_mem>>) src(%dma_wait3A_152 : memref<80x32xf32, #tpu.memory_space<vmem_shared>>) dst(%dma_wait3A_150 : memref<80x32xf32, #tpu.memory_space<vmem>>)
        tpu.yield
      }) : () -> ()
      %mul3A_129 = arith.constant 10000 : i32
      %mul3A_130 = arith.muli %arg0, %mul3A_129 : i32
      %mul3A_131 = arith.constant 80 : i32
      %mul3A_132 = arith.muli %add3A_86, %mul3A_131 : i32
      %add3A_133 = arith.addi %mul3A_130, %mul3A_132 : i32
      "tpu.region"() ({
        %run_scoped3A = tpu.sem_alloc : memref<!tpu.dma_semaphore, #tpu.memory_space<semaphore_mem>>
        %dma_start3A_134 = arith.constant 0 : i32
        %dma_start3A_135 = arith.constant 0 : i32
        %dma_start3A_136 = tpu.memref_slice %arg11[%dma_start3A_134, %dma_start3A_135] : memref<100x32xf32, #tpu.memory_space<vmem>> -> memref<80x32xf32, #tpu.memory_space<vmem>>
        %dma_start3A_137 = arith.constant 0 : i32
        %dma_start3A_138 = tpu.memref_slice %arg6[%add3A_133, %dma_start3A_137] : memref<20000x32xf32, #tpu.memory_space<hbm>> -> memref<80x32xf32, #tpu.memory_space<hbm>>
        %dma_start3A_139 = arith.constant 0 : i32
        %dma_start3A_140 = tpu.memref_slice %arg6[%add3A_133, %dma_start3A_139] : memref<20000x32xf32, #tpu.memory_space<hbm>> -> memref<80x32xf32, #tpu.memory_space<hbm>>
        %dma_start3A_141 = arith.constant 0 : i32
        %dma_start3A_142 = arith.constant 0 : i32
        %dma_start3A_143 = tpu.memref_slice %arg11[%dma_start3A_141, %dma_start3A_142] : memref<100x32xf32, #tpu.memory_space<vmem>> -> memref<80x32xf32, #tpu.memory_space<vmem>>
        tpu.enqueue_dma source(%dma_start3A_143 : memref<80x32xf32, #tpu.memory_space<vmem>>) target(%dma_start3A_140 : memref<80x32xf32, #tpu.memory_space<hbm>>) target_semaphore(%run_scoped3A : memref<!tpu.dma_semaphore, #tpu.memory_space<semaphore_mem>>)
        %dma_wait3A = arith.constant 0 : i32
        %dma_wait3A_144 = arith.constant 0 : i32
        %dma_wait3A_145 = tpu.memref_slice %arg11[%dma_wait3A, %dma_wait3A_144] : memref<100x32xf32, #tpu.memory_space<vmem>> -> memref<80x32xf32, #tpu.memory_space<vmem>>
        %dma_wait3A_146 = arith.constant 0 : i32
        %dma_wait3A_147 = tpu.memref_slice %arg6[%add3A_133, %dma_wait3A_146] : memref<20000x32xf32, #tpu.memory_space<hbm>> -> memref<80x32xf32, #tpu.memory_space<hbm>>
        %dma_wait3A_148 = arith.constant 0 : i32
        %dma_wait3A_149 = tpu.memref_slice %arg6[%add3A_133, %dma_wait3A_148] : memref<20000x32xf32, #tpu.memory_space<hbm>> -> memref<80x32xf32, #tpu.memory_space<hbm>>
        %dma_wait3A_150 = arith.constant 0 : i32
        %dma_wait3A_151 = arith.constant 0 : i32
        %dma_wait3A_152 = tpu.memref_slice %arg11[%dma_wait3A_150, %dma_wait3A_151] : memref<100x32xf32, #tpu.memory_space<vmem>> -> memref<80x32xf32, #tpu.memory_space<vmem>>
        tpu.wait_dma2 semaphore(%run_scoped3A : memref<!tpu.dma_semaphore, #tpu.memory_space<semaphore_mem>>) src(%dma_wait3A_152 : memref<80x32xf32, #tpu.memory_space<vmem>>) dst(%dma_wait3A_149 : memref<80x32xf32, #tpu.memory_space<hbm>>)
        tpu.yield
      }) : () -> ()
    } else {
    }
    %add3A_92 = arith.constant 48 : i32
    %add3A_93 = arith.addi %arg1, %add3A_92 : i32
    %lt3A_94 = arith.constant 125 : i32
    %lt3A_95 = arith.cmpi slt, %add3A_93, %lt3A_94 : i32
    %convert_element_type3A_96 = arith.extui %lt3A_95 : i1 to i32
    %cond3A_97 = arith.constant 0 : i32
    %cond3A_98 = arith.cmpi ne, %convert_element_type3A_96, %cond3A_97 : i32
    scf.if %cond3A_98 {
      %mul3A_127 = arith.constant 80 : i32
      %mul3A_128 = arith.muli %add3A_93, %mul3A_127 : i32
      "tpu.region"() ({
        %run_scoped3A = tpu.sem_alloc : memref<!tpu.dma_semaphore, #tpu.memory_space<semaphore_mem>>
        %dma_start3A_134 = arith.constant 0 : i32
        %dma_start3A_135 = arith.constant 0 : i32
        %dma_start3A_136 = tpu.memref_slice %arg11[%dma_start3A_134, %dma_start3A_135] : memref<100x32xf32, #tpu.memory_space<vmem>> -> memref<80x32xf32, #tpu.memory_space<vmem>>
        %dma_start3A_137 = arith.constant 0 : i32
        %dma_start3A_138 = tpu.memref_slice %arg15[%mul3A_128, %dma_start3A_137] : memref<10000x32xf32, #tpu.memory_space<vmem_shared>> -> memref<80x32xf32, #tpu.memory_space<vmem_shared>>
        %dma_start3A_139 = arith.constant 0 : i32
        %dma_start3A_140 = arith.constant 0 : i32
        %dma_start3A_141 = tpu.memref_slice %arg11[%dma_start3A_139, %dma_start3A_140] : memref<100x32xf32, #tpu.memory_space<vmem>> -> memref<80x32xf32, #tpu.memory_space<vmem>>
        %dma_start3A_142 = arith.constant 0 : i32
        %dma_start3A_143 = tpu.memref_slice %arg15[%mul3A_128, %dma_start3A_142] : memref<10000x32xf32, #tpu.memory_space<vmem_shared>> -> memref<80x32xf32, #tpu.memory_space<vmem_shared>>
        tpu.enqueue_dma source(%dma_start3A_143 : memref<80x32xf32, #tpu.memory_space<vmem_shared>>) target(%dma_start3A_141 : memref<80x32xf32, #tpu.memory_space<vmem>>) target_semaphore(%run_scoped3A : memref<!tpu.dma_semaphore, #tpu.memory_space<semaphore_mem>>)
        %dma_wait3A = arith.constant 0 : i32
        %dma_wait3A_144 = arith.constant 0 : i32
        %dma_wait3A_145 = tpu.memref_slice %arg11[%dma_wait3A, %dma_wait3A_144] : memref<100x32xf32, #tpu.memory_space<vmem>> -> memref<80x32xf32, #tpu.memory_space<vmem>>
        %dma_wait3A_146 = arith.constant 0 : i32
        %dma_wait3A_147 = tpu.memref_slice %arg15[%mul3A_128, %dma_wait3A_146] : memref<10000x32xf32, #tpu.memory_space<vmem_shared>> -> memref<80x32xf32, #tpu.memory_space<vmem_shared>>
        %dma_wait3A_148 = arith.constant 0 : i32
        %dma_wait3A_149 = arith.constant 0 : i32
        %dma_wait3A_150 = tpu.memref_slice %arg11[%dma_wait3A_148, %dma_wait3A_149] : memref<100x32xf32, #tpu.memory_space<vmem>> -> memref<80x32xf32, #tpu.memory_space<vmem>>
        %dma_wait3A_151 = arith.constant 0 : i32
        %dma_wait3A_152 = tpu.memref_slice %arg15[%mul3A_128, %dma_wait3A_151] : memref<10000x32xf32, #tpu.memory_space<vmem_shared>> -> memref<80x32xf32, #tpu.memory_space<vmem_shared>>
        tpu.wait_dma2 semaphore(%run_scoped3A : memref<!tpu.dma_semaphore, #tpu.memory_space<semaphore_mem>>) src(%dma_wait3A_152 : memref<80x32xf32, #tpu.memory_space<vmem_shared>>) dst(%dma_wait3A_150 : memref<80x32xf32, #tpu.memory_space<vmem>>)
        tpu.yield
      }) : () -> ()
      %mul3A_129 = arith.constant 10000 : i32
      %mul3A_130 = arith.muli %arg0, %mul3A_129 : i32
      %mul3A_131 = arith.constant 80 : i32
      %mul3A_132 = arith.muli %add3A_93, %mul3A_131 : i32
      %add3A_133 = arith.addi %mul3A_130, %mul3A_132 : i32
      "tpu.region"() ({
        %run_scoped3A = tpu.sem_alloc : memref<!tpu.dma_semaphore, #tpu.memory_space<semaphore_mem>>
        %dma_start3A_134 = arith.constant 0 : i32
        %dma_start3A_135 = arith.constant 0 : i32
        %dma_start3A_136 = tpu.memref_slice %arg11[%dma_start3A_134, %dma_start3A_135] : memref<100x32xf32, #tpu.memory_space<vmem>> -> memref<80x32xf32, #tpu.memory_space<vmem>>
        %dma_start3A_137 = arith.constant 0 : i32
        %dma_start3A_138 = tpu.memref_slice %arg6[%add3A_133, %dma_start3A_137] : memref<20000x32xf32, #tpu.memory_space<hbm>> -> memref<80x32xf32, #tpu.memory_space<hbm>>
        %dma_start3A_139 = arith.constant 0 : i32
        %dma_start3A_140 = tpu.memref_slice %arg6[%add3A_133, %dma_start3A_139] : memref<20000x32xf32, #tpu.memory_space<hbm>> -> memref<80x32xf32, #tpu.memory_space<hbm>>
        %dma_start3A_141 = arith.constant 0 : i32
        %dma_start3A_142 = arith.constant 0 : i32
        %dma_start3A_143 = tpu.memref_slice %arg11[%dma_start3A_141, %dma_start3A_142] : memref<100x32xf32, #tpu.memory_space<vmem>> -> memref<80x32xf32, #tpu.memory_space<vmem>>
        tpu.enqueue_dma source(%dma_start3A_143 : memref<80x32xf32, #tpu.memory_space<vmem>>) target(%dma_start3A_140 : memref<80x32xf32, #tpu.memory_space<hbm>>) target_semaphore(%run_scoped3A : memref<!tpu.dma_semaphore, #tpu.memory_space<semaphore_mem>>)
        %dma_wait3A = arith.constant 0 : i32
        %dma_wait3A_144 = arith.constant 0 : i32
        %dma_wait3A_145 = tpu.memref_slice %arg11[%dma_wait3A, %dma_wait3A_144] : memref<100x32xf32, #tpu.memory_space<vmem>> -> memref<80x32xf32, #tpu.memory_space<vmem>>
        %dma_wait3A_146 = arith.constant 0 : i32
        %dma_wait3A_147 = tpu.memref_slice %arg6[%add3A_133, %dma_wait3A_146] : memref<20000x32xf32, #tpu.memory_space<hbm>> -> memref<80x32xf32, #tpu.memory_space<hbm>>
        %dma_wait3A_148 = arith.constant 0 : i32
        %dma_wait3A_149 = tpu.memref_slice %arg6[%add3A_133, %dma_wait3A_148] : memref<20000x32xf32, #tpu.memory_space<hbm>> -> memref<80x32xf32, #tpu.memory_space<hbm>>
        %dma_wait3A_150 = arith.constant 0 : i32
        %dma_wait3A_151 = arith.constant 0 : i32
        %dma_wait3A_152 = tpu.memref_slice %arg11[%dma_wait3A_150, %dma_wait3A_151] : memref<100x32xf32, #tpu.memory_space<vmem>> -> memref<80x32xf32, #tpu.memory_space<vmem>>
        tpu.wait_dma2 semaphore(%run_scoped3A : memref<!tpu.dma_semaphore, #tpu.memory_space<semaphore_mem>>) src(%dma_wait3A_152 : memref<80x32xf32, #tpu.memory_space<vmem>>) dst(%dma_wait3A_149 : memref<80x32xf32, #tpu.memory_space<hbm>>)
        tpu.yield
      }) : () -> ()
    } else {
    }
    %add3A_99 = arith.constant 64 : i32
    %add3A_100 = arith.addi %arg1, %add3A_99 : i32
    %lt3A_101 = arith.constant 125 : i32
    %lt3A_102 = arith.cmpi slt, %add3A_100, %lt3A_101 : i32
    %convert_element_type3A_103 = arith.extui %lt3A_102 : i1 to i32
    %cond3A_104 = arith.constant 0 : i32
    %cond3A_105 = arith.cmpi ne, %convert_element_type3A_103, %cond3A_104 : i32
    scf.if %cond3A_105 {
      %mul3A_127 = arith.constant 80 : i32
      %mul3A_128 = arith.muli %add3A_100, %mul3A_127 : i32
      "tpu.region"() ({
        %run_scoped3A = tpu.sem_alloc : memref<!tpu.dma_semaphore, #tpu.memory_space<semaphore_mem>>
        %dma_start3A_134 = arith.constant 0 : i32
        %dma_start3A_135 = arith.constant 0 : i32
        %dma_start3A_136 = tpu.memref_slice %arg11[%dma_start3A_134, %dma_start3A_135] : memref<100x32xf32, #tpu.memory_space<vmem>> -> memref<80x32xf32, #tpu.memory_space<vmem>>
        %dma_start3A_137 = arith.constant 0 : i32
        %dma_start3A_138 = tpu.memref_slice %arg15[%mul3A_128, %dma_start3A_137] : memref<10000x32xf32, #tpu.memory_space<vmem_shared>> -> memref<80x32xf32, #tpu.memory_space<vmem_shared>>
        %dma_start3A_139 = arith.constant 0 : i32
        %dma_start3A_140 = arith.constant 0 : i32
        %dma_start3A_141 = tpu.memref_slice %arg11[%dma_start3A_139, %dma_start3A_140] : memref<100x32xf32, #tpu.memory_space<vmem>> -> memref<80x32xf32, #tpu.memory_space<vmem>>
        %dma_start3A_142 = arith.constant 0 : i32
        %dma_start3A_143 = tpu.memref_slice %arg15[%mul3A_128, %dma_start3A_142] : memref<10000x32xf32, #tpu.memory_space<vmem_shared>> -> memref<80x32xf32, #tpu.memory_space<vmem_shared>>
        tpu.enqueue_dma source(%dma_start3A_143 : memref<80x32xf32, #tpu.memory_space<vmem_shared>>) target(%dma_start3A_141 : memref<80x32xf32, #tpu.memory_space<vmem>>) target_semaphore(%run_scoped3A : memref<!tpu.dma_semaphore, #tpu.memory_space<semaphore_mem>>)
        %dma_wait3A = arith.constant 0 : i32
        %dma_wait3A_144 = arith.constant 0 : i32
        %dma_wait3A_145 = tpu.memref_slice %arg11[%dma_wait3A, %dma_wait3A_144] : memref<100x32xf32, #tpu.memory_space<vmem>> -> memref<80x32xf32, #tpu.memory_space<vmem>>
        %dma_wait3A_146 = arith.constant 0 : i32
        %dma_wait3A_147 = tpu.memref_slice %arg15[%mul3A_128, %dma_wait3A_146] : memref<10000x32xf32, #tpu.memory_space<vmem_shared>> -> memref<80x32xf32, #tpu.memory_space<vmem_shared>>
        %dma_wait3A_148 = arith.constant 0 : i32
        %dma_wait3A_149 = arith.constant 0 : i32
        %dma_wait3A_150 = tpu.memref_slice %arg11[%dma_wait3A_148, %dma_wait3A_149] : memref<100x32xf32, #tpu.memory_space<vmem>> -> memref<80x32xf32, #tpu.memory_space<vmem>>
        %dma_wait3A_151 = arith.constant 0 : i32
        %dma_wait3A_152 = tpu.memref_slice %arg15[%mul3A_128, %dma_wait3A_151] : memref<10000x32xf32, #tpu.memory_space<vmem_shared>> -> memref<80x32xf32, #tpu.memory_space<vmem_shared>>
        tpu.wait_dma2 semaphore(%run_scoped3A : memref<!tpu.dma_semaphore, #tpu.memory_space<semaphore_mem>>) src(%dma_wait3A_152 : memref<80x32xf32, #tpu.memory_space<vmem_shared>>) dst(%dma_wait3A_150 : memref<80x32xf32, #tpu.memory_space<vmem>>)
        tpu.yield
      }) : () -> ()
      %mul3A_129 = arith.constant 10000 : i32
      %mul3A_130 = arith.muli %arg0, %mul3A_129 : i32
      %mul3A_131 = arith.constant 80 : i32
      %mul3A_132 = arith.muli %add3A_100, %mul3A_131 : i32
      %add3A_133 = arith.addi %mul3A_130, %mul3A_132 : i32
      "tpu.region"() ({
        %run_scoped3A = tpu.sem_alloc : memref<!tpu.dma_semaphore, #tpu.memory_space<semaphore_mem>>
        %dma_start3A_134 = arith.constant 0 : i32
        %dma_start3A_135 = arith.constant 0 : i32
        %dma_start3A_136 = tpu.memref_slice %arg11[%dma_start3A_134, %dma_start3A_135] : memref<100x32xf32, #tpu.memory_space<vmem>> -> memref<80x32xf32, #tpu.memory_space<vmem>>
        %dma_start3A_137 = arith.constant 0 : i32
        %dma_start3A_138 = tpu.memref_slice %arg6[%add3A_133, %dma_start3A_137] : memref<20000x32xf32, #tpu.memory_space<hbm>> -> memref<80x32xf32, #tpu.memory_space<hbm>>
        %dma_start3A_139 = arith.constant 0 : i32
        %dma_start3A_140 = tpu.memref_slice %arg6[%add3A_133, %dma_start3A_139] : memref<20000x32xf32, #tpu.memory_space<hbm>> -> memref<80x32xf32, #tpu.memory_space<hbm>>
        %dma_start3A_141 = arith.constant 0 : i32
        %dma_start3A_142 = arith.constant 0 : i32
        %dma_start3A_143 = tpu.memref_slice %arg11[%dma_start3A_141, %dma_start3A_142] : memref<100x32xf32, #tpu.memory_space<vmem>> -> memref<80x32xf32, #tpu.memory_space<vmem>>
        tpu.enqueue_dma source(%dma_start3A_143 : memref<80x32xf32, #tpu.memory_space<vmem>>) target(%dma_start3A_140 : memref<80x32xf32, #tpu.memory_space<hbm>>) target_semaphore(%run_scoped3A : memref<!tpu.dma_semaphore, #tpu.memory_space<semaphore_mem>>)
        %dma_wait3A = arith.constant 0 : i32
        %dma_wait3A_144 = arith.constant 0 : i32
        %dma_wait3A_145 = tpu.memref_slice %arg11[%dma_wait3A, %dma_wait3A_144] : memref<100x32xf32, #tpu.memory_space<vmem>> -> memref<80x32xf32, #tpu.memory_space<vmem>>
        %dma_wait3A_146 = arith.constant 0 : i32
        %dma_wait3A_147 = tpu.memref_slice %arg6[%add3A_133, %dma_wait3A_146] : memref<20000x32xf32, #tpu.memory_space<hbm>> -> memref<80x32xf32, #tpu.memory_space<hbm>>
        %dma_wait3A_148 = arith.constant 0 : i32
        %dma_wait3A_149 = tpu.memref_slice %arg6[%add3A_133, %dma_wait3A_148] : memref<20000x32xf32, #tpu.memory_space<hbm>> -> memref<80x32xf32, #tpu.memory_space<hbm>>
        %dma_wait3A_150 = arith.constant 0 : i32
        %dma_wait3A_151 = arith.constant 0 : i32
        %dma_wait3A_152 = tpu.memref_slice %arg11[%dma_wait3A_150, %dma_wait3A_151] : memref<100x32xf32, #tpu.memory_space<vmem>> -> memref<80x32xf32, #tpu.memory_space<vmem>>
        tpu.wait_dma2 semaphore(%run_scoped3A : memref<!tpu.dma_semaphore, #tpu.memory_space<semaphore_mem>>) src(%dma_wait3A_152 : memref<80x32xf32, #tpu.memory_space<vmem>>) dst(%dma_wait3A_149 : memref<80x32xf32, #tpu.memory_space<hbm>>)
        tpu.yield
      }) : () -> ()
    } else {
    }
    %add3A_106 = arith.constant 80 : i32
    %add3A_107 = arith.addi %arg1, %add3A_106 : i32
    %lt3A_108 = arith.constant 125 : i32
    %lt3A_109 = arith.cmpi slt, %add3A_107, %lt3A_108 : i32
    %convert_element_type3A_110 = arith.extui %lt3A_109 : i1 to i32
    %cond3A_111 = arith.constant 0 : i32
    %cond3A_112 = arith.cmpi ne, %convert_element_type3A_110, %cond3A_111 : i32
    scf.if %cond3A_112 {
      %mul3A_127 = arith.constant 80 : i32
      %mul3A_128 = arith.muli %add3A_107, %mul3A_127 : i32
      "tpu.region"() ({
        %run_scoped3A = tpu.sem_alloc : memref<!tpu.dma_semaphore, #tpu.memory_space<semaphore_mem>>
        %dma_start3A_134 = arith.constant 0 : i32
        %dma_start3A_135 = arith.constant 0 : i32
        %dma_start3A_136 = tpu.memref_slice %arg11[%dma_start3A_134, %dma_start3A_135] : memref<100x32xf32, #tpu.memory_space<vmem>> -> memref<80x32xf32, #tpu.memory_space<vmem>>
        %dma_start3A_137 = arith.constant 0 : i32
        %dma_start3A_138 = tpu.memref_slice %arg15[%mul3A_128, %dma_start3A_137] : memref<10000x32xf32, #tpu.memory_space<vmem_shared>> -> memref<80x32xf32, #tpu.memory_space<vmem_shared>>
        %dma_start3A_139 = arith.constant 0 : i32
        %dma_start3A_140 = arith.constant 0 : i32
        %dma_start3A_141 = tpu.memref_slice %arg11[%dma_start3A_139, %dma_start3A_140] : memref<100x32xf32, #tpu.memory_space<vmem>> -> memref<80x32xf32, #tpu.memory_space<vmem>>
        %dma_start3A_142 = arith.constant 0 : i32
        %dma_start3A_143 = tpu.memref_slice %arg15[%mul3A_128, %dma_start3A_142] : memref<10000x32xf32, #tpu.memory_space<vmem_shared>> -> memref<80x32xf32, #tpu.memory_space<vmem_shared>>
        tpu.enqueue_dma source(%dma_start3A_143 : memref<80x32xf32, #tpu.memory_space<vmem_shared>>) target(%dma_start3A_141 : memref<80x32xf32, #tpu.memory_space<vmem>>) target_semaphore(%run_scoped3A : memref<!tpu.dma_semaphore, #tpu.memory_space<semaphore_mem>>)
        %dma_wait3A = arith.constant 0 : i32
        %dma_wait3A_144 = arith.constant 0 : i32
        %dma_wait3A_145 = tpu.memref_slice %arg11[%dma_wait3A, %dma_wait3A_144] : memref<100x32xf32, #tpu.memory_space<vmem>> -> memref<80x32xf32, #tpu.memory_space<vmem>>
        %dma_wait3A_146 = arith.constant 0 : i32
        %dma_wait3A_147 = tpu.memref_slice %arg15[%mul3A_128, %dma_wait3A_146] : memref<10000x32xf32, #tpu.memory_space<vmem_shared>> -> memref<80x32xf32, #tpu.memory_space<vmem_shared>>
        %dma_wait3A_148 = arith.constant 0 : i32
        %dma_wait3A_149 = arith.constant 0 : i32
        %dma_wait3A_150 = tpu.memref_slice %arg11[%dma_wait3A_148, %dma_wait3A_149] : memref<100x32xf32, #tpu.memory_space<vmem>> -> memref<80x32xf32, #tpu.memory_space<vmem>>
        %dma_wait3A_151 = arith.constant 0 : i32
        %dma_wait3A_152 = tpu.memref_slice %arg15[%mul3A_128, %dma_wait3A_151] : memref<10000x32xf32, #tpu.memory_space<vmem_shared>> -> memref<80x32xf32, #tpu.memory_space<vmem_shared>>
        tpu.wait_dma2 semaphore(%run_scoped3A : memref<!tpu.dma_semaphore, #tpu.memory_space<semaphore_mem>>) src(%dma_wait3A_152 : memref<80x32xf32, #tpu.memory_space<vmem_shared>>) dst(%dma_wait3A_150 : memref<80x32xf32, #tpu.memory_space<vmem>>)
        tpu.yield
      }) : () -> ()
      %mul3A_129 = arith.constant 10000 : i32
      %mul3A_130 = arith.muli %arg0, %mul3A_129 : i32
      %mul3A_131 = arith.constant 80 : i32
      %mul3A_132 = arith.muli %add3A_107, %mul3A_131 : i32
      %add3A_133 = arith.addi %mul3A_130, %mul3A_132 : i32
      "tpu.region"() ({
        %run_scoped3A = tpu.sem_alloc : memref<!tpu.dma_semaphore, #tpu.memory_space<semaphore_mem>>
        %dma_start3A_134 = arith.constant 0 : i32
        %dma_start3A_135 = arith.constant 0 : i32
        %dma_start3A_136 = tpu.memref_slice %arg11[%dma_start3A_134, %dma_start3A_135] : memref<100x32xf32, #tpu.memory_space<vmem>> -> memref<80x32xf32, #tpu.memory_space<vmem>>
        %dma_start3A_137 = arith.constant 0 : i32
        %dma_start3A_138 = tpu.memref_slice %arg6[%add3A_133, %dma_start3A_137] : memref<20000x32xf32, #tpu.memory_space<hbm>> -> memref<80x32xf32, #tpu.memory_space<hbm>>
        %dma_start3A_139 = arith.constant 0 : i32
        %dma_start3A_140 = tpu.memref_slice %arg6[%add3A_133, %dma_start3A_139] : memref<20000x32xf32, #tpu.memory_space<hbm>> -> memref<80x32xf32, #tpu.memory_space<hbm>>
        %dma_start3A_141 = arith.constant 0 : i32
        %dma_start3A_142 = arith.constant 0 : i32
        %dma_start3A_143 = tpu.memref_slice %arg11[%dma_start3A_141, %dma_start3A_142] : memref<100x32xf32, #tpu.memory_space<vmem>> -> memref<80x32xf32, #tpu.memory_space<vmem>>
        tpu.enqueue_dma source(%dma_start3A_143 : memref<80x32xf32, #tpu.memory_space<vmem>>) target(%dma_start3A_140 : memref<80x32xf32, #tpu.memory_space<hbm>>) target_semaphore(%run_scoped3A : memref<!tpu.dma_semaphore, #tpu.memory_space<semaphore_mem>>)
        %dma_wait3A = arith.constant 0 : i32
        %dma_wait3A_144 = arith.constant 0 : i32
        %dma_wait3A_145 = tpu.memref_slice %arg11[%dma_wait3A, %dma_wait3A_144] : memref<100x32xf32, #tpu.memory_space<vmem>> -> memref<80x32xf32, #tpu.memory_space<vmem>>
        %dma_wait3A_146 = arith.constant 0 : i32
        %dma_wait3A_147 = tpu.memref_slice %arg6[%add3A_133, %dma_wait3A_146] : memref<20000x32xf32, #tpu.memory_space<hbm>> -> memref<80x32xf32, #tpu.memory_space<hbm>>
        %dma_wait3A_148 = arith.constant 0 : i32
        %dma_wait3A_149 = tpu.memref_slice %arg6[%add3A_133, %dma_wait3A_148] : memref<20000x32xf32, #tpu.memory_space<hbm>> -> memref<80x32xf32, #tpu.memory_space<hbm>>
        %dma_wait3A_150 = arith.constant 0 : i32
        %dma_wait3A_151 = arith.constant 0 : i32
        %dma_wait3A_152 = tpu.memref_slice %arg11[%dma_wait3A_150, %dma_wait3A_151] : memref<100x32xf32, #tpu.memory_space<vmem>> -> memref<80x32xf32, #tpu.memory_space<vmem>>
        tpu.wait_dma2 semaphore(%run_scoped3A : memref<!tpu.dma_semaphore, #tpu.memory_space<semaphore_mem>>) src(%dma_wait3A_152 : memref<80x32xf32, #tpu.memory_space<vmem>>) dst(%dma_wait3A_149 : memref<80x32xf32, #tpu.memory_space<hbm>>)
        tpu.yield
      }) : () -> ()
    } else {
    }
    %add3A_113 = arith.constant 96 : i32
    %add3A_114 = arith.addi %arg1, %add3A_113 : i32
    %lt3A_115 = arith.constant 125 : i32
    %lt3A_116 = arith.cmpi slt, %add3A_114, %lt3A_115 : i32
    %convert_element_type3A_117 = arith.extui %lt3A_116 : i1 to i32
    %cond3A_118 = arith.constant 0 : i32
    %cond3A_119 = arith.cmpi ne, %convert_element_type3A_117, %cond3A_118 : i32
    scf.if %cond3A_119 {
      %mul3A_127 = arith.constant 80 : i32
      %mul3A_128 = arith.muli %add3A_114, %mul3A_127 : i32
      "tpu.region"() ({
        %run_scoped3A = tpu.sem_alloc : memref<!tpu.dma_semaphore, #tpu.memory_space<semaphore_mem>>
        %dma_start3A_134 = arith.constant 0 : i32
        %dma_start3A_135 = arith.constant 0 : i32
        %dma_start3A_136 = tpu.memref_slice %arg11[%dma_start3A_134, %dma_start3A_135] : memref<100x32xf32, #tpu.memory_space<vmem>> -> memref<80x32xf32, #tpu.memory_space<vmem>>
        %dma_start3A_137 = arith.constant 0 : i32
        %dma_start3A_138 = tpu.memref_slice %arg15[%mul3A_128, %dma_start3A_137] : memref<10000x32xf32, #tpu.memory_space<vmem_shared>> -> memref<80x32xf32, #tpu.memory_space<vmem_shared>>
        %dma_start3A_139 = arith.constant 0 : i32
        %dma_start3A_140 = arith.constant 0 : i32
        %dma_start3A_141 = tpu.memref_slice %arg11[%dma_start3A_139, %dma_start3A_140] : memref<100x32xf32, #tpu.memory_space<vmem>> -> memref<80x32xf32, #tpu.memory_space<vmem>>
        %dma_start3A_142 = arith.constant 0 : i32
        %dma_start3A_143 = tpu.memref_slice %arg15[%mul3A_128, %dma_start3A_142] : memref<10000x32xf32, #tpu.memory_space<vmem_shared>> -> memref<80x32xf32, #tpu.memory_space<vmem_shared>>
        tpu.enqueue_dma source(%dma_start3A_143 : memref<80x32xf32, #tpu.memory_space<vmem_shared>>) target(%dma_start3A_141 : memref<80x32xf32, #tpu.memory_space<vmem>>) target_semaphore(%run_scoped3A : memref<!tpu.dma_semaphore, #tpu.memory_space<semaphore_mem>>)
        %dma_wait3A = arith.constant 0 : i32
        %dma_wait3A_144 = arith.constant 0 : i32
        %dma_wait3A_145 = tpu.memref_slice %arg11[%dma_wait3A, %dma_wait3A_144] : memref<100x32xf32, #tpu.memory_space<vmem>> -> memref<80x32xf32, #tpu.memory_space<vmem>>
        %dma_wait3A_146 = arith.constant 0 : i32
        %dma_wait3A_147 = tpu.memref_slice %arg15[%mul3A_128, %dma_wait3A_146] : memref<10000x32xf32, #tpu.memory_space<vmem_shared>> -> memref<80x32xf32, #tpu.memory_space<vmem_shared>>
        %dma_wait3A_148 = arith.constant 0 : i32
        %dma_wait3A_149 = arith.constant 0 : i32
        %dma_wait3A_150 = tpu.memref_slice %arg11[%dma_wait3A_148, %dma_wait3A_149] : memref<100x32xf32, #tpu.memory_space<vmem>> -> memref<80x32xf32, #tpu.memory_space<vmem>>
        %dma_wait3A_151 = arith.constant 0 : i32
        %dma_wait3A_152 = tpu.memref_slice %arg15[%mul3A_128, %dma_wait3A_151] : memref<10000x32xf32, #tpu.memory_space<vmem_shared>> -> memref<80x32xf32, #tpu.memory_space<vmem_shared>>
        tpu.wait_dma2 semaphore(%run_scoped3A : memref<!tpu.dma_semaphore, #tpu.memory_space<semaphore_mem>>) src(%dma_wait3A_152 : memref<80x32xf32, #tpu.memory_space<vmem_shared>>) dst(%dma_wait3A_150 : memref<80x32xf32, #tpu.memory_space<vmem>>)
        tpu.yield
      }) : () -> ()
      %mul3A_129 = arith.constant 10000 : i32
      %mul3A_130 = arith.muli %arg0, %mul3A_129 : i32
      %mul3A_131 = arith.constant 80 : i32
      %mul3A_132 = arith.muli %add3A_114, %mul3A_131 : i32
      %add3A_133 = arith.addi %mul3A_130, %mul3A_132 : i32
      "tpu.region"() ({
        %run_scoped3A = tpu.sem_alloc : memref<!tpu.dma_semaphore, #tpu.memory_space<semaphore_mem>>
        %dma_start3A_134 = arith.constant 0 : i32
        %dma_start3A_135 = arith.constant 0 : i32
        %dma_start3A_136 = tpu.memref_slice %arg11[%dma_start3A_134, %dma_start3A_135] : memref<100x32xf32, #tpu.memory_space<vmem>> -> memref<80x32xf32, #tpu.memory_space<vmem>>
        %dma_start3A_137 = arith.constant 0 : i32
        %dma_start3A_138 = tpu.memref_slice %arg6[%add3A_133, %dma_start3A_137] : memref<20000x32xf32, #tpu.memory_space<hbm>> -> memref<80x32xf32, #tpu.memory_space<hbm>>
        %dma_start3A_139 = arith.constant 0 : i32
        %dma_start3A_140 = tpu.memref_slice %arg6[%add3A_133, %dma_start3A_139] : memref<20000x32xf32, #tpu.memory_space<hbm>> -> memref<80x32xf32, #tpu.memory_space<hbm>>
        %dma_start3A_141 = arith.constant 0 : i32
        %dma_start3A_142 = arith.constant 0 : i32
        %dma_start3A_143 = tpu.memref_slice %arg11[%dma_start3A_141, %dma_start3A_142] : memref<100x32xf32, #tpu.memory_space<vmem>> -> memref<80x32xf32, #tpu.memory_space<vmem>>
        tpu.enqueue_dma source(%dma_start3A_143 : memref<80x32xf32, #tpu.memory_space<vmem>>) target(%dma_start3A_140 : memref<80x32xf32, #tpu.memory_space<hbm>>) target_semaphore(%run_scoped3A : memref<!tpu.dma_semaphore, #tpu.memory_space<semaphore_mem>>)
        %dma_wait3A = arith.constant 0 : i32
        %dma_wait3A_144 = arith.constant 0 : i32
        %dma_wait3A_145 = tpu.memref_slice %arg11[%dma_wait3A, %dma_wait3A_144] : memref<100x32xf32, #tpu.memory_space<vmem>> -> memref<80x32xf32, #tpu.memory_space<vmem>>
        %dma_wait3A_146 = arith.constant 0 : i32
        %dma_wait3A_147 = tpu.memref_slice %arg6[%add3A_133, %dma_wait3A_146] : memref<20000x32xf32, #tpu.memory_space<hbm>> -> memref<80x32xf32, #tpu.memory_space<hbm>>
        %dma_wait3A_148 = arith.constant 0 : i32
        %dma_wait3A_149 = tpu.memref_slice %arg6[%add3A_133, %dma_wait3A_148] : memref<20000x32xf32, #tpu.memory_space<hbm>> -> memref<80x32xf32, #tpu.memory_space<hbm>>
        %dma_wait3A_150 = arith.constant 0 : i32
        %dma_wait3A_151 = arith.constant 0 : i32
        %dma_wait3A_152 = tpu.memref_slice %arg11[%dma_wait3A_150, %dma_wait3A_151] : memref<100x32xf32, #tpu.memory_space<vmem>> -> memref<80x32xf32, #tpu.memory_space<vmem>>
        tpu.wait_dma2 semaphore(%run_scoped3A : memref<!tpu.dma_semaphore, #tpu.memory_space<semaphore_mem>>) src(%dma_wait3A_152 : memref<80x32xf32, #tpu.memory_space<vmem>>) dst(%dma_wait3A_149 : memref<80x32xf32, #tpu.memory_space<hbm>>)
        tpu.yield
      }) : () -> ()
    } else {
    }
    %add3A_120 = arith.constant 112 : i32
    %add3A_121 = arith.addi %arg1, %add3A_120 : i32
    %lt3A_122 = arith.constant 125 : i32
    %lt3A_123 = arith.cmpi slt, %add3A_121, %lt3A_122 : i32
    %convert_element_type3A_124 = arith.extui %lt3A_123 : i1 to i32
    %cond3A_125 = arith.constant 0 : i32
    %cond3A_126 = arith.cmpi ne, %convert_element_type3A_124, %cond3A_125 : i32
    scf.if %cond3A_126 {
      %mul3A_127 = arith.constant 80 : i32
      %mul3A_128 = arith.muli %add3A_121, %mul3A_127 : i32
      "tpu.region"() ({
        %run_scoped3A = tpu.sem_alloc : memref<!tpu.dma_semaphore, #tpu.memory_space<semaphore_mem>>
        %dma_start3A_134 = arith.constant 0 : i32
        %dma_start3A_135 = arith.constant 0 : i32
        %dma_start3A_136 = tpu.memref_slice %arg11[%dma_start3A_134, %dma_start3A_135] : memref<100x32xf32, #tpu.memory_space<vmem>> -> memref<80x32xf32, #tpu.memory_space<vmem>>
        %dma_start3A_137 = arith.constant 0 : i32
        %dma_start3A_138 = tpu.memref_slice %arg15[%mul3A_128, %dma_start3A_137] : memref<10000x32xf32, #tpu.memory_space<vmem_shared>> -> memref<80x32xf32, #tpu.memory_space<vmem_shared>>
        %dma_start3A_139 = arith.constant 0 : i32
        %dma_start3A_140 = arith.constant 0 : i32
        %dma_start3A_141 = tpu.memref_slice %arg11[%dma_start3A_139, %dma_start3A_140] : memref<100x32xf32, #tpu.memory_space<vmem>> -> memref<80x32xf32, #tpu.memory_space<vmem>>
        %dma_start3A_142 = arith.constant 0 : i32
        %dma_start3A_143 = tpu.memref_slice %arg15[%mul3A_128, %dma_start3A_142] : memref<10000x32xf32, #tpu.memory_space<vmem_shared>> -> memref<80x32xf32, #tpu.memory_space<vmem_shared>>
        tpu.enqueue_dma source(%dma_start3A_143 : memref<80x32xf32, #tpu.memory_space<vmem_shared>>) target(%dma_start3A_141 : memref<80x32xf32, #tpu.memory_space<vmem>>) target_semaphore(%run_scoped3A : memref<!tpu.dma_semaphore, #tpu.memory_space<semaphore_mem>>)
        %dma_wait3A = arith.constant 0 : i32
        %dma_wait3A_144 = arith.constant 0 : i32
        %dma_wait3A_145 = tpu.memref_slice %arg11[%dma_wait3A, %dma_wait3A_144] : memref<100x32xf32, #tpu.memory_space<vmem>> -> memref<80x32xf32, #tpu.memory_space<vmem>>
        %dma_wait3A_146 = arith.constant 0 : i32
        %dma_wait3A_147 = tpu.memref_slice %arg15[%mul3A_128, %dma_wait3A_146] : memref<10000x32xf32, #tpu.memory_space<vmem_shared>> -> memref<80x32xf32, #tpu.memory_space<vmem_shared>>
        %dma_wait3A_148 = arith.constant 0 : i32
        %dma_wait3A_149 = arith.constant 0 : i32
        %dma_wait3A_150 = tpu.memref_slice %arg11[%dma_wait3A_148, %dma_wait3A_149] : memref<100x32xf32, #tpu.memory_space<vmem>> -> memref<80x32xf32, #tpu.memory_space<vmem>>
        %dma_wait3A_151 = arith.constant 0 : i32
        %dma_wait3A_152 = tpu.memref_slice %arg15[%mul3A_128, %dma_wait3A_151] : memref<10000x32xf32, #tpu.memory_space<vmem_shared>> -> memref<80x32xf32, #tpu.memory_space<vmem_shared>>
        tpu.wait_dma2 semaphore(%run_scoped3A : memref<!tpu.dma_semaphore, #tpu.memory_space<semaphore_mem>>) src(%dma_wait3A_152 : memref<80x32xf32, #tpu.memory_space<vmem_shared>>) dst(%dma_wait3A_150 : memref<80x32xf32, #tpu.memory_space<vmem>>)
        tpu.yield
      }) : () -> ()
      %mul3A_129 = arith.constant 10000 : i32
      %mul3A_130 = arith.muli %arg0, %mul3A_129 : i32
      %mul3A_131 = arith.constant 80 : i32
      %mul3A_132 = arith.muli %add3A_121, %mul3A_131 : i32
      %add3A_133 = arith.addi %mul3A_130, %mul3A_132 : i32
      "tpu.region"() ({
        %run_scoped3A = tpu.sem_alloc : memref<!tpu.dma_semaphore, #tpu.memory_space<semaphore_mem>>
        %dma_start3A_134 = arith.constant 0 : i32
        %dma_start3A_135 = arith.constant 0 : i32
        %dma_start3A_136 = tpu.memref_slice %arg11[%dma_start3A_134, %dma_start3A_135] : memref<100x32xf32, #tpu.memory_space<vmem>> -> memref<80x32xf32, #tpu.memory_space<vmem>>
        %dma_start3A_137 = arith.constant 0 : i32
        %dma_start3A_138 = tpu.memref_slice %arg6[%add3A_133, %dma_start3A_137] : memref<20000x32xf32, #tpu.memory_space<hbm>> -> memref<80x32xf32, #tpu.memory_space<hbm>>
        %dma_start3A_139 = arith.constant 0 : i32
        %dma_start3A_140 = tpu.memref_slice %arg6[%add3A_133, %dma_start3A_139] : memref<20000x32xf32, #tpu.memory_space<hbm>> -> memref<80x32xf32, #tpu.memory_space<hbm>>
        %dma_start3A_141 = arith.constant 0 : i32
        %dma_start3A_142 = arith.constant 0 : i32
        %dma_start3A_143 = tpu.memref_slice %arg11[%dma_start3A_141, %dma_start3A_142] : memref<100x32xf32, #tpu.memory_space<vmem>> -> memref<80x32xf32, #tpu.memory_space<vmem>>
        tpu.enqueue_dma source(%dma_start3A_143 : memref<80x32xf32, #tpu.memory_space<vmem>>) target(%dma_start3A_140 : memref<80x32xf32, #tpu.memory_space<hbm>>) target_semaphore(%run_scoped3A : memref<!tpu.dma_semaphore, #tpu.memory_space<semaphore_mem>>)
        %dma_wait3A = arith.constant 0 : i32
        %dma_wait3A_144 = arith.constant 0 : i32
        %dma_wait3A_145 = tpu.memref_slice %arg11[%dma_wait3A, %dma_wait3A_144] : memref<100x32xf32, #tpu.memory_space<vmem>> -> memref<80x32xf32, #tpu.memory_space<vmem>>
        %dma_wait3A_146 = arith.constant 0 : i32
        %dma_wait3A_147 = tpu.memref_slice %arg6[%add3A_133, %dma_wait3A_146] : memref<20000x32xf32, #tpu.memory_space<hbm>> -> memref<80x32xf32, #tpu.memory_space<hbm>>
        %dma_wait3A_148 = arith.constant 0 : i32
        %dma_wait3A_149 = tpu.memref_slice %arg6[%add3A_133, %dma_wait3A_148] : memref<20000x32xf32, #tpu.memory_space<hbm>> -> memref<80x32xf32, #tpu.memory_space<hbm>>
        %dma_wait3A_150 = arith.constant 0 : i32
        %dma_wait3A_151 = arith.constant 0 : i32
        %dma_wait3A_152 = tpu.memref_slice %arg11[%dma_wait3A_150, %dma_wait3A_151] : memref<100x32xf32, #tpu.memory_space<vmem>> -> memref<80x32xf32, #tpu.memory_space<vmem>>
        tpu.wait_dma2 semaphore(%run_scoped3A : memref<!tpu.dma_semaphore, #tpu.memory_space<semaphore_mem>>) src(%dma_wait3A_152 : memref<80x32xf32, #tpu.memory_space<vmem>>) dst(%dma_wait3A_149 : memref<80x32xf32, #tpu.memory_space<hbm>>)
        tpu.yield
      }) : () -> ()
    } else {
    }
    return
  }
}

module attributes {stable_mosaic.version = 14 : i64} {
  func.func @_mm_body(%arg0: memref<10000x128xf32, #tpu.memory_space<vmem>>, %arg1: memref<128x100xf32, #tpu.memory_space<vmem>>, %arg2: memref<2x10000x56xf32, #tpu.memory_space<vmem>>) attributes {dimension_semantics = [], scalar_prefetch = 0 : i64, scratch_operands = 0 : i64, tpu.core_type = #tpu.core_type<tc>} {
    %get3A = arith.constant 0 : index
    %get3A_0 = arith.constant 0 : index
    %get3A_1 = vector.load %arg0[%get3A, %get3A_0] : memref<10000x128xf32, #tpu.memory_space<vmem>>, vector<10000x128xf32>
    %get3A_2 = arith.constant 0 : index
    %get3A_3 = arith.constant 0 : index
    %get3A_4 = vector.load %arg1[%get3A_2, %get3A_3] : memref<128x100xf32, #tpu.memory_space<vmem>>, vector<128x100xf32>
    %dot_general3A = arith.constant dense<0.000000e+00> : vector<10000x100xf32>
    %dot_general3A_5 = tpu.matmul %get3A_1, %get3A_4, %dot_general3A {dimension_numbers = #tpu.dot_dimension_numbers<[1], [0], [0], [1], [0, 0, 1, 1], [], []>, transpose_lhs_hint = false} : vector<10000x128xf32>, vector<128x100xf32>, vector<10000x100xf32> -> vector<10000x100xf32>
    %slice3A = vector.extract_strided_slice %dot_general3A_5 {offsets = [0, 0], sizes = [10000, 56], strides = [1, 1]} : vector<10000x100xf32> to vector<10000x56xf32>
    %swap3A = arith.constant 0 : index
    %swap3A_6 = arith.constant 0 : index
    %swap3A_7 = arith.constant 0 : index
    %swap3A_8 = vector.load %arg2[%swap3A, %swap3A_6, %swap3A_7] : memref<2x10000x56xf32, #tpu.memory_space<vmem>>, vector<1x10000x56xf32>
    %swap3A_9 = vector.shape_cast %swap3A_8 : vector<1x10000x56xf32> to vector<10000x56xf32>
    %swap3A_10 = vector.shape_cast %slice3A : vector<10000x56xf32> to vector<1x10000x56xf32>
    tpu.vector_store %arg2[%swap3A, %swap3A_6, %swap3A_7], %swap3A_10 {strides = array<i32>} : memref<2x10000x56xf32, #tpu.memory_space<vmem>>, vector<1x10000x56xf32>,
    %slice3A_11 = vector.extract_strided_slice %dot_general3A_5 {offsets = [0, 56], sizes = [10000, 44], strides = [1, 1]} : vector<10000x100xf32> to vector<10000x44xf32>
    %broadcast_in_dim3A = arith.constant 0.000000e+00 : f32
    %broadcast_in_dim3A_12 = vector.broadcast %broadcast_in_dim3A : f32 to vector<10000x12xf32>
    %concatenate3A = tpu.concatenate %slice3A_11, %broadcast_in_dim3A_12 in 1 : vector<10000x44xf32>, vector<10000x12xf32> -> vector<10000x56xf32>
    %swap3A_13 = arith.constant 1 : index
    %swap3A_14 = arith.constant 0 : index
    %swap3A_15 = arith.constant 0 : index
    %swap3A_16 = vector.load %arg2[%swap3A_13, %swap3A_14, %swap3A_15] : memref<2x10000x56xf32, #tpu.memory_space<vmem>>, vector<1x10000x56xf32>
    %swap3A_17 = vector.shape_cast %swap3A_16 : vector<1x10000x56xf32> to vector<10000x56xf32>
    %swap3A_18 = vector.shape_cast %concatenate3A : vector<10000x56xf32> to vector<1x10000x56xf32>
    tpu.vector_store %arg2[%swap3A_13, %swap3A_14, %swap3A_15], %swap3A_18 {strides = array<i32>} : memref<2x10000x56xf32, #tpu.memory_space<vmem>>, vector<1x10000x56xf32>,
    return
  }
}

module attributes {stable_mosaic.version = 14 : i64} {
  func.func @_mid_body(%arg0: memref<2x10000x56xf32, #tpu.memory_space<vmem>>, %arg1: memref<20000x56xf32, #tpu.memory_space<vmem>>, %arg2: memref<100xf32, #tpu.memory_space<vmem>>, %arg3: memref<100xf32, #tpu.memory_space<vmem>>, %arg4: memref<100xf32, #tpu.memory_space<vmem>>, %arg5: memref<100x100xf32, #tpu.memory_space<vmem>>, %arg6: memref<100xf32, #tpu.memory_space<vmem>>, %arg7: memref<100x20xf32, #tpu.memory_space<vmem>>, %arg8: memref<10000x32xf32, #tpu.memory_space<vmem>>) attributes {dimension_semantics = [], scalar_prefetch = 0 : i64, scratch_operands = 0 : i64, tpu.core_type = #tpu.core_type<tc>} {
    %get3A = arith.constant 0 : index
    %get3A_0 = arith.constant 0 : index
    %get3A_1 = arith.constant 0 : index
    %get3A_2 = vector.load %arg0[%get3A, %get3A_0, %get3A_1] : memref<2x10000x56xf32, #tpu.memory_space<vmem>>, vector<1x10000x56xf32>
    %get3A_3 = vector.shape_cast %get3A_2 : vector<1x10000x56xf32> to vector<10000x56xf32>
    %get3A_4 = arith.constant 1 : index
    %get3A_5 = arith.constant 0 : index
    %get3A_6 = arith.constant 0 : index
    %get3A_7 = vector.load %arg0[%get3A_4, %get3A_5, %get3A_6] : memref<2x10000x56xf32, #tpu.memory_space<vmem>>, vector<1x10000x56xf32>
    %get3A_8 = vector.shape_cast %get3A_7 : vector<1x10000x56xf32> to vector<10000x56xf32>
    %concatenate3A = tpu.concatenate %get3A_3, %get3A_8 in 1 : vector<10000x56xf32>, vector<10000x56xf32> -> vector<10000x112xf32>
    %get3A_9 = arith.constant 0 : index
    %get3A_10 = arith.constant 0 : index
    %get3A_11 = vector.load %arg1[%get3A_9, %get3A_10] : memref<20000x56xf32, #tpu.memory_space<vmem>>, vector<10000x56xf32>
    %get3A_12 = arith.constant 10000 : index
    %get3A_13 = arith.constant 0 : index
    %get3A_14 = vector.load %arg1[%get3A_12, %get3A_13] : memref<20000x56xf32, #tpu.memory_space<vmem>>, vector<10000x56xf32>
    %concatenate3A_15 = tpu.concatenate %get3A_11, %get3A_14 in 1 : vector<10000x56xf32>, vector<10000x56xf32> -> vector<10000x112xf32>
    %add3A = arith.addf %concatenate3A, %concatenate3A_15 : vector<10000x112xf32>
    %get3A_16 = arith.constant 0 : index
    %get3A_17 = vector.load %arg2[%get3A_16] : memref<100xf32, #tpu.memory_space<vmem>>, vector<100xf32>
    %reshape3A = vector.shape_cast %get3A_17 : vector<100xf32> to vector<1x100xf32>
    %broadcast_in_dim3A = arith.constant 0.000000e+00 : f32
    %broadcast_in_dim3A_18 = vector.broadcast %broadcast_in_dim3A : f32 to vector<1x12xf32>
    %concatenate3A_19 = tpu.concatenate %reshape3A, %broadcast_in_dim3A_18 in 1 : vector<1x100xf32>, vector<1x12xf32> -> vector<1x112xf32>
    %add3A_20 = vector.broadcast %concatenate3A_19 : vector<1x112xf32> to vector<10000x112xf32>
    %add3A_21 = arith.addf %add3A, %add3A_20 : vector<10000x112xf32>
    %reduce_sum3A = arith.constant dense<0.000000e+00> : vector<112xf32>
    %reduce_sum3A_22 = vector.multi_reduction <add>, %add3A_21, %reduce_sum3A [0] : vector<10000x112xf32> to vector<112xf32>
    %broadcast_in_dim3A_23 = vector.shape_cast %reduce_sum3A_22 : vector<112xf32> to vector<1x112xf32>
    %div3A = arith.constant 1.000000e+04 : f32
    %div3A_24 = vector.broadcast %div3A : f32 to vector<1x112xf32>
    %div3A_25 = arith.divf %broadcast_in_dim3A_23, %div3A_24 : vector<1x112xf32>
    %sub3A = vector.broadcast %div3A_25 : vector<1x112xf32> to vector<10000x112xf32>
    %sub3A_26 = arith.subf %add3A_21, %sub3A : vector<10000x112xf32>
    %mul3A = arith.mulf %sub3A_26, %sub3A_26 : vector<10000x112xf32>
    %reduce_sum3A_27 = arith.constant dense<0.000000e+00> : vector<112xf32>
    %reduce_sum3A_28 = vector.multi_reduction <add>, %mul3A, %reduce_sum3A_27 [0] : vector<10000x112xf32> to vector<112xf32>
    %broadcast_in_dim3A_29 = vector.shape_cast %reduce_sum3A_28 : vector<112xf32> to vector<1x112xf32>
    %div3A_30 = arith.constant 1.000000e+04 : f32
    %div3A_31 = vector.broadcast %div3A_30 : f32 to vector<1x112xf32>
    %div3A_32 = arith.divf %broadcast_in_dim3A_29, %div3A_31 : vector<1x112xf32>
    %get3A_33 = arith.constant 0 : index
    %get3A_34 = vector.load %arg3[%get3A_33] : memref<100xf32, #tpu.memory_space<vmem>>, vector<100xf32>
    %reshape3A_35 = vector.shape_cast %get3A_34 : vector<100xf32> to vector<1x100xf32>
    %broadcast_in_dim3A_36 = arith.constant 1.000000e+00 : f32
    %broadcast_in_dim3A_37 = vector.broadcast %broadcast_in_dim3A_36 : f32 to vector<1x12xf32>
    %concatenate3A_38 = tpu.concatenate %reshape3A_35, %broadcast_in_dim3A_37 in 1 : vector<1x100xf32>, vector<1x12xf32> -> vector<1x112xf32>
    %mul3A_39 = vector.broadcast %concatenate3A_38 : vector<1x112xf32> to vector<10000x112xf32>
    %mul3A_40 = arith.mulf %mul3A_39, %sub3A_26 : vector<10000x112xf32>
    %add3A_41 = arith.constant 9.99999974E-6 : f32
    %add3A_42 = vector.broadcast %add3A_41 : f32 to vector<1x112xf32>
    %add3A_43 = arith.addf %div3A_32, %add3A_42 : vector<1x112xf32>
    %rsqrt3A = math.rsqrt %add3A_43 : vector<1x112xf32>
    %mul3A_44 = vector.broadcast %rsqrt3A : vector<1x112xf32> to vector<10000x112xf32>
    %mul3A_45 = arith.mulf %mul3A_40, %mul3A_44 : vector<10000x112xf32>
    %get3A_46 = arith.constant 0 : index
    %get3A_47 = vector.load %arg4[%get3A_46] : memref<100xf32, #tpu.memory_space<vmem>>, vector<100xf32>
    %reshape3A_48 = vector.shape_cast %get3A_47 : vector<100xf32> to vector<1x100xf32>
    %broadcast_in_dim3A_49 = arith.constant 0.000000e+00 : f32
    %broadcast_in_dim3A_50 = vector.broadcast %broadcast_in_dim3A_49 : f32 to vector<1x12xf32>
    %concatenate3A_51 = tpu.concatenate %reshape3A_48, %broadcast_in_dim3A_50 in 1 : vector<1x100xf32>, vector<1x12xf32> -> vector<1x112xf32>
    %add3A_52 = vector.broadcast %concatenate3A_51 : vector<1x112xf32> to vector<10000x112xf32>
    %add3A_53 = arith.addf %mul3A_45, %add3A_52 : vector<10000x112xf32>
    %max3A = arith.constant 0.000000e+00 : f32
    %max3A_54 = vector.broadcast %max3A : f32 to vector<10000x112xf32>
    %max3A_55 = arith.maximumf %add3A_53, %max3A_54 : vector<10000x112xf32>
    %slice3A = vector.extract_strided_slice %max3A_55 {offsets = [0, 0], sizes = [10000, 100], strides = [1, 1]} : vector<10000x112xf32> to vector<10000x100xf32>
    %get3A_56 = arith.constant 0 : index
    %get3A_57 = arith.constant 0 : index
    %get3A_58 = vector.load %arg5[%get3A_56, %get3A_57] : memref<100x100xf32, #tpu.memory_space<vmem>>, vector<100x100xf32>
    %dot_general3A = arith.constant dense<0.000000e+00> : vector<10000x100xf32>
    %dot_general3A_59 = tpu.matmul %slice3A, %get3A_58, %dot_general3A {dimension_numbers = #tpu.dot_dimension_numbers<[1], [0], [0], [1], [0, 0, 1, 1], [], []>, transpose_lhs_hint = false} : vector<10000x100xf32>, vector<100x100xf32>, vector<10000x100xf32> -> vector<10000x100xf32>
    %get3A_60 = arith.constant 0 : index
    %get3A_61 = vector.load %arg6[%get3A_60] : memref<100xf32, #tpu.memory_space<vmem>>, vector<100xf32>
    %reshape3A_62 = vector.shape_cast %get3A_61 : vector<100xf32> to vector<1x100xf32>
    %add3A_63 = vector.broadcast %reshape3A_62 : vector<1x100xf32> to vector<10000x100xf32>
    %add3A_64 = arith.addf %dot_general3A_59, %add3A_63 : vector<10000x100xf32>
    %max3A_65 = arith.constant 0.000000e+00 : f32
    %max3A_66 = vector.broadcast %max3A_65 : f32 to vector<10000x100xf32>
    %max3A_67 = arith.maximumf %add3A_64, %max3A_66 : vector<10000x100xf32>
    %get3A_68 = arith.constant 0 : index
    %get3A_69 = arith.constant 0 : index
    %get3A_70 = vector.load %arg7[%get3A_68, %get3A_69] : memref<100x20xf32, #tpu.memory_space<vmem>>, vector<100x20xf32>
    %dot_general3A_71 = arith.constant dense<0.000000e+00> : vector<10000x20xf32>
    %dot_general3A_72 = tpu.matmul %max3A_67, %get3A_70, %dot_general3A_71 {dimension_numbers = #tpu.dot_dimension_numbers<[1], [0], [0], [1], [0, 0, 1, 1], [], []>, transpose_lhs_hint = false} : vector<10000x100xf32>, vector<100x20xf32>, vector<10000x20xf32> -> vector<10000x20xf32>
    %broadcast_in_dim3A_73 = arith.constant 0.000000e+00 : f32
    %broadcast_in_dim3A_74 = vector.broadcast %broadcast_in_dim3A_73 : f32 to vector<10000x12xf32>
    %concatenate3A_75 = tpu.concatenate %dot_general3A_72, %broadcast_in_dim3A_74 in 1 : vector<10000x20xf32>, vector<10000x12xf32> -> vector<10000x32xf32>
    %swap3A = arith.constant 0 : index
    %swap3A_76 = arith.constant 0 : index
    %swap3A_77 = vector.load %arg8[%swap3A, %swap3A_76] : memref<10000x32xf32, #tpu.memory_space<vmem>>, vector<10000x32xf32>
    tpu.vector_store %arg8[%swap3A, %swap3A_76], %concatenate3A_75 {strides = array<i32>} : memref<10000x32xf32, #tpu.memory_space<vmem>>, vector<10000x32xf32>,
    return
  }
}

module attributes {stable_mosaic.version = 14 : i64} {
  func.func @_final_body(%arg0: memref<10000x32xf32, #tpu.memory_space<vmem>>, %arg1: memref<20000x32xf32, #tpu.memory_space<vmem>>, %arg2: memref<20xf32, #tpu.memory_space<vmem>>, %arg3: memref<20xf32, #tpu.memory_space<vmem>>, %arg4: memref<20xf32, #tpu.memory_space<vmem>>, %arg5: memref<20x20xf32, #tpu.memory_space<vmem>>, %arg6: memref<20xf32, #tpu.memory_space<vmem>>, %arg7: memref<10000xi32, #tpu.memory_space<vmem>>, %arg8: memref<256x16xf32, #tpu.memory_space<vmem>>, %arg9: memref<20x320xf32, #tpu.memory_space<vmem>>, %arg10: memref<16x320xf32, #tpu.memory_space<vmem>>, %arg11: memref<320x32xf32, #tpu.memory_space<vmem>>, %arg12: memref<32xf32, #tpu.memory_space<vmem>>, %arg13: memref<32xf32, #tpu.memory_space<vmem>>, %arg14: memref<32xf32, #tpu.memory_space<vmem>>, %arg15: memref<32x8xf32, #tpu.memory_space<vmem>>, %arg16: memref<8xf32, #tpu.memory_space<vmem>>, %arg17: memref<8xf32, #tpu.memory_space<vmem>>, %arg18: memref<8xf32, #tpu.memory_space<vmem>>, %arg19: memref<8x2xf32, #tpu.memory_space<vmem>>, %arg20: memref<2xf32, #tpu.memory_space<vmem>>, %arg21: memref<256x2xf32, #tpu.memory_space<vmem>>) attributes {dimension_semantics = [], scalar_prefetch = 0 : i64, scratch_operands = 0 : i64, tpu.core_type = #tpu.core_type<tc>} {
    %get3A = arith.constant 0 : index
    %get3A_0 = arith.constant 0 : index
    %get3A_1 = vector.load %arg0[%get3A, %get3A_0] : memref<10000x32xf32, #tpu.memory_space<vmem>>, vector<10000x32xf32>
    %get3A_2 = arith.constant 0 : index
    %get3A_3 = vector.load %arg2[%get3A_2] : memref<20xf32, #tpu.memory_space<vmem>>, vector<20xf32>
    %reshape3A = vector.shape_cast %get3A_3 : vector<20xf32> to vector<1x20xf32>
    %broadcast_in_dim3A = arith.constant 0.000000e+00 : f32
    %broadcast_in_dim3A_4 = vector.broadcast %broadcast_in_dim3A : f32 to vector<1x12xf32>
    %concatenate3A = tpu.concatenate %reshape3A, %broadcast_in_dim3A_4 in 1 : vector<1x20xf32>, vector<1x12xf32> -> vector<1x32xf32>
    %add3A = vector.broadcast %concatenate3A : vector<1x32xf32> to vector<10000x32xf32>
    %add3A_5 = arith.addf %get3A_1, %add3A : vector<10000x32xf32>
    %get3A_6 = arith.constant 0 : index
    %get3A_7 = arith.constant 0 : index
    %get3A_8 = vector.load %arg1[%get3A_6, %get3A_7] : memref<20000x32xf32, #tpu.memory_space<vmem>>, vector<10000x32xf32>
    %add3A_9 = arith.addf %add3A_5, %get3A_8 : vector<10000x32xf32>
    %get3A_10 = arith.constant 10000 : index
    %get3A_11 = arith.constant 0 : index
    %get3A_12 = vector.load %arg1[%get3A_10, %get3A_11] : memref<20000x32xf32, #tpu.memory_space<vmem>>, vector<10000x32xf32>
    %add3A_13 = arith.addf %add3A_9, %get3A_12 : vector<10000x32xf32>
    %reduce_sum3A = arith.constant dense<0.000000e+00> : vector<32xf32>
    %reduce_sum3A_14 = vector.multi_reduction <add>, %add3A_13, %reduce_sum3A [0] : vector<10000x32xf32> to vector<32xf32>
    %broadcast_in_dim3A_15 = vector.shape_cast %reduce_sum3A_14 : vector<32xf32> to vector<1x32xf32>
    %div3A = arith.constant 1.000000e+04 : f32
    %div3A_16 = vector.broadcast %div3A : f32 to vector<1x32xf32>
    %div3A_17 = arith.divf %broadcast_in_dim3A_15, %div3A_16 : vector<1x32xf32>
    %sub3A = vector.broadcast %div3A_17 : vector<1x32xf32> to vector<10000x32xf32>
    %sub3A_18 = arith.subf %add3A_13, %sub3A : vector<10000x32xf32>
    %mul3A = arith.mulf %sub3A_18, %sub3A_18 : vector<10000x32xf32>
    %reduce_sum3A_19 = arith.constant dense<0.000000e+00> : vector<32xf32>
    %reduce_sum3A_20 = vector.multi_reduction <add>, %mul3A, %reduce_sum3A_19 [0] : vector<10000x32xf32> to vector<32xf32>
    %broadcast_in_dim3A_21 = vector.shape_cast %reduce_sum3A_20 : vector<32xf32> to vector<1x32xf32>
    %div3A_22 = arith.constant 1.000000e+04 : f32
    %div3A_23 = vector.broadcast %div3A_22 : f32 to vector<1x32xf32>
    %div3A_24 = arith.divf %broadcast_in_dim3A_21, %div3A_23 : vector<1x32xf32>
    %get3A_25 = arith.constant 0 : index
    %get3A_26 = vector.load %arg3[%get3A_25] : memref<20xf32, #tpu.memory_space<vmem>>, vector<20xf32>
    %reshape3A_27 = vector.shape_cast %get3A_26 : vector<20xf32> to vector<1x20xf32>
    %broadcast_in_dim3A_28 = arith.constant 1.000000e+00 : f32
    %broadcast_in_dim3A_29 = vector.broadcast %broadcast_in_dim3A_28 : f32 to vector<1x12xf32>
    %concatenate3A_30 = tpu.concatenate %reshape3A_27, %broadcast_in_dim3A_29 in 1 : vector<1x20xf32>, vector<1x12xf32> -> vector<1x32xf32>
    %mul3A_31 = vector.broadcast %concatenate3A_30 : vector<1x32xf32> to vector<10000x32xf32>
    %mul3A_32 = arith.mulf %mul3A_31, %sub3A_18 : vector<10000x32xf32>
    %add3A_33 = arith.constant 9.99999974E-6 : f32
    %add3A_34 = vector.broadcast %add3A_33 : f32 to vector<1x32xf32>
    %add3A_35 = arith.addf %div3A_24, %add3A_34 : vector<1x32xf32>
    %rsqrt3A = math.rsqrt %add3A_35 : vector<1x32xf32>
    %mul3A_36 = vector.broadcast %rsqrt3A : vector<1x32xf32> to vector<10000x32xf32>
    %mul3A_37 = arith.mulf %mul3A_32, %mul3A_36 : vector<10000x32xf32>
    %get3A_38 = arith.constant 0 : index
    %get3A_39 = vector.load %arg4[%get3A_38] : memref<20xf32, #tpu.memory_space<vmem>>, vector<20xf32>
    %reshape3A_40 = vector.shape_cast %get3A_39 : vector<20xf32> to vector<1x20xf32>
    %broadcast_in_dim3A_41 = arith.constant 0.000000e+00 : f32
    %broadcast_in_dim3A_42 = vector.broadcast %broadcast_in_dim3A_41 : f32 to vector<1x12xf32>
    %concatenate3A_43 = tpu.concatenate %reshape3A_40, %broadcast_in_dim3A_42 in 1 : vector<1x20xf32>, vector<1x12xf32> -> vector<1x32xf32>
    %add3A_44 = vector.broadcast %concatenate3A_43 : vector<1x32xf32> to vector<10000x32xf32>
    %add3A_45 = arith.addf %mul3A_37, %add3A_44 : vector<10000x32xf32>
    %max3A = arith.constant 0.000000e+00 : f32
    %max3A_46 = vector.broadcast %max3A : f32 to vector<10000x32xf32>
    %max3A_47 = arith.maximumf %add3A_45, %max3A_46 : vector<10000x32xf32>
    %slice3A = vector.extract_strided_slice %max3A_47 {offsets = [0, 0], sizes = [10000, 20], strides = [1, 1]} : vector<10000x32xf32> to vector<10000x20xf32>
    %get3A_48 = arith.constant 0 : index
    %get3A_49 = arith.constant 0 : index
    %get3A_50 = vector.load %arg5[%get3A_48, %get3A_49] : memref<20x20xf32, #tpu.memory_space<vmem>>, vector<20x20xf32>
    %dot_general3A = arith.constant dense<0.000000e+00> : vector<10000x20xf32>
    %dot_general3A_51 = tpu.matmul %slice3A, %get3A_50, %dot_general3A {dimension_numbers = #tpu.dot_dimension_numbers<[1], [0], [0], [1], [0, 0, 1, 1], [], []>, transpose_lhs_hint = false} : vector<10000x20xf32>, vector<20x20xf32>, vector<10000x20xf32> -> vector<10000x20xf32>
    %get3A_52 = arith.constant 0 : index
    %get3A_53 = vector.load %arg6[%get3A_52] : memref<20xf32, #tpu.memory_space<vmem>>, vector<20xf32>
    %reshape3A_54 = vector.shape_cast %get3A_53 : vector<20xf32> to vector<1x20xf32>
    %add3A_55 = vector.broadcast %reshape3A_54 : vector<1x20xf32> to vector<10000x20xf32>
    %add3A_56 = arith.addf %dot_general3A_51, %add3A_55 : vector<10000x20xf32>
    %max3A_57 = arith.constant 0.000000e+00 : f32
    %max3A_58 = vector.broadcast %max3A_57 : f32 to vector<10000x20xf32>
    %max3A_59 = arith.maximumf %add3A_56, %max3A_58 : vector<10000x20xf32>
    %iota3A = tpu.iota {dimensions = array<i32: 0>} : vector<256x10000xi32>
    %get3A_60 = arith.constant 0 : index
    %get3A_61 = vector.load %arg7[%get3A_60] : memref<10000xi32, #tpu.memory_space<vmem>>, vector<10000xi32>
    %reshape3A_62 = vector.shape_cast %get3A_61 : vector<10000xi32> to vector<1x10000xi32>
    %eq3A = vector.broadcast %reshape3A_62 : vector<1x10000xi32> to vector<256x10000xi32>
    %eq3A_63 = arith.cmpi eq, %iota3A, %eq3A : vector<256x10000xi32>
    %convert_element_type3A = arith.extui %eq3A_63 : vector<256x10000xi1> to vector<256x10000xi32>
    %convert_element_type3A_64 = arith.sitofp %convert_element_type3A : vector<256x10000xi32> to vector<256x10000xf32>
    %dot_general3A_65 = arith.constant dense<0.000000e+00> : vector<256x20xf32>
    %dot_general3A_66 = tpu.matmul %convert_element_type3A_64, %max3A_59, %dot_general3A_65 {dimension_numbers = #tpu.dot_dimension_numbers<[1], [0], [0], [1], [0, 0, 1, 1], [], []>, transpose_lhs_hint = false} : vector<256x10000xf32>, vector<10000x20xf32>, vector<256x20xf32> -> vector<256x20xf32>
    %reduce_sum3A_67 = arith.constant dense<0.000000e+00> : vector<256xf32>
    %reduce_sum3A_68 = vector.multi_reduction <add>, %convert_element_type3A_64, %reduce_sum3A_67 [1] : vector<256x10000xf32> to vector<256xf32>
    %broadcast_in_dim3A_69 = vector.shape_cast %reduce_sum3A_68 : vector<256xf32> to vector<256x1xf32>
    %max3A_70 = arith.constant 1.000000e+00 : f32
    %max3A_71 = vector.broadcast %max3A_70 : f32 to vector<256x1xf32>
    %max3A_72 = arith.maximumf %broadcast_in_dim3A_69, %max3A_71 : vector<256x1xf32>
    %div3A_73 = vector.broadcast %max3A_72 : vector<256x1xf32> to vector<256x20xf32>
    %div3A_74 = arith.divf %dot_general3A_66, %div3A_73 : vector<256x20xf32>
    %get3A_75 = arith.constant 0 : index
    %get3A_76 = arith.constant 0 : index
    %get3A_77 = vector.load %arg9[%get3A_75, %get3A_76] : memref<20x320xf32, #tpu.memory_space<vmem>>, vector<20x320xf32>
    %dot_general3A_78 = arith.constant dense<0.000000e+00> : vector<256x320xf32>
    %dot_general3A_79 = tpu.matmul %div3A_74, %get3A_77, %dot_general3A_78 {dimension_numbers = #tpu.dot_dimension_numbers<[1], [0], [0], [1], [0, 0, 1, 1], [], []>, transpose_lhs_hint = false} : vector<256x20xf32>, vector<20x320xf32>, vector<256x320xf32> -> vector<256x320xf32>
    %get3A_80 = arith.constant 0 : index
    %get3A_81 = arith.constant 0 : index
    %get3A_82 = vector.load %arg8[%get3A_80, %get3A_81] : memref<256x16xf32, #tpu.memory_space<vmem>>, vector<256x16xf32>
    %get3A_83 = arith.constant 0 : index
    %get3A_84 = arith.constant 0 : index
    %get3A_85 = vector.load %arg10[%get3A_83, %get3A_84] : memref<16x320xf32, #tpu.memory_space<vmem>>, vector<16x320xf32>
    %dot_general3A_86 = arith.constant dense<0.000000e+00> : vector<256x320xf32>
    %dot_general3A_87 = tpu.matmul %get3A_82, %get3A_85, %dot_general3A_86 {dimension_numbers = #tpu.dot_dimension_numbers<[1], [0], [0], [1], [0, 0, 1, 1], [], []>, transpose_lhs_hint = false} : vector<256x16xf32>, vector<16x320xf32>, vector<256x320xf32> -> vector<256x320xf32>
    %mul3A_88 = arith.mulf %dot_general3A_79, %dot_general3A_87 : vector<256x320xf32>
    %get3A_89 = arith.constant 0 : index
    %get3A_90 = arith.constant 0 : index
    %get3A_91 = vector.load %arg11[%get3A_89, %get3A_90] : memref<320x32xf32, #tpu.memory_space<vmem>>, vector<320x32xf32>
    %dot_general3A_92 = arith.constant dense<0.000000e+00> : vector<256x32xf32>
    %dot_general3A_93 = tpu.matmul %mul3A_88, %get3A_91, %dot_general3A_92 {dimension_numbers = #tpu.dot_dimension_numbers<[1], [0], [0], [1], [0, 0, 1, 1], [], []>, transpose_lhs_hint = false} : vector<256x320xf32>, vector<320x32xf32>, vector<256x32xf32> -> vector<256x32xf32>
    %get3A_94 = arith.constant 0 : index
    %get3A_95 = vector.load %arg12[%get3A_94] : memref<32xf32, #tpu.memory_space<vmem>>, vector<32xf32>
    %reshape3A_96 = vector.shape_cast %get3A_95 : vector<32xf32> to vector<1x32xf32>
    %add3A_97 = vector.broadcast %reshape3A_96 : vector<1x32xf32> to vector<256x32xf32>
    %add3A_98 = arith.addf %dot_general3A_93, %add3A_97 : vector<256x32xf32>
    %get3A_99 = arith.constant 0 : index
    %get3A_100 = vector.load %arg13[%get3A_99] : memref<32xf32, #tpu.memory_space<vmem>>, vector<32xf32>
    %get3A_101 = arith.constant 0 : index
    %get3A_102 = vector.load %arg14[%get3A_101] : memref<32xf32, #tpu.memory_space<vmem>>, vector<32xf32>
    %reduce_sum3A_103 = arith.constant dense<0.000000e+00> : vector<32xf32>
    %reduce_sum3A_104 = vector.multi_reduction <add>, %add3A_98, %reduce_sum3A_103 [0] : vector<256x32xf32> to vector<32xf32>
    %broadcast_in_dim3A_105 = vector.shape_cast %reduce_sum3A_104 : vector<32xf32> to vector<1x32xf32>
    %div3A_106 = arith.constant 2.560000e+02 : f32
    %div3A_107 = vector.broadcast %div3A_106 : f32 to vector<1x32xf32>
    %div3A_108 = arith.divf %broadcast_in_dim3A_105, %div3A_107 : vector<1x32xf32>
    %sub3A_109 = vector.broadcast %div3A_108 : vector<1x32xf32> to vector<256x32xf32>
    %sub3A_110 = arith.subf %add3A_98, %sub3A_109 : vector<256x32xf32>
    %mul3A_111 = arith.mulf %sub3A_110, %sub3A_110 : vector<256x32xf32>
    %reduce_sum3A_112 = arith.constant dense<0.000000e+00> : vector<32xf32>
    %reduce_sum3A_113 = vector.multi_reduction <add>, %mul3A_111, %reduce_sum3A_112 [0] : vector<256x32xf32> to vector<32xf32>
    %broadcast_in_dim3A_114 = vector.shape_cast %reduce_sum3A_113 : vector<32xf32> to vector<1x32xf32>
    %div3A_115 = arith.constant 2.560000e+02 : f32
    %div3A_116 = vector.broadcast %div3A_115 : f32 to vector<1x32xf32>
    %div3A_117 = arith.divf %broadcast_in_dim3A_114, %div3A_116 : vector<1x32xf32>
    %reshape3A_118 = vector.shape_cast %get3A_100 : vector<32xf32> to vector<1x32xf32>
    %mul3A_119 = vector.broadcast %reshape3A_118 : vector<1x32xf32> to vector<256x32xf32>
    %mul3A_120 = arith.mulf %mul3A_119, %sub3A_110 : vector<256x32xf32>
    %add3A_121 = arith.constant 9.99999974E-6 : f32
    %add3A_122 = vector.broadcast %add3A_121 : f32 to vector<1x32xf32>
    %add3A_123 = arith.addf %div3A_117, %add3A_122 : vector<1x32xf32>
    %rsqrt3A_124 = math.rsqrt %add3A_123 : vector<1x32xf32>
    %mul3A_125 = vector.broadcast %rsqrt3A_124 : vector<1x32xf32> to vector<256x32xf32>
    %mul3A_126 = arith.mulf %mul3A_120, %mul3A_125 : vector<256x32xf32>
    %reshape3A_127 = vector.shape_cast %get3A_102 : vector<32xf32> to vector<1x32xf32>
    %add3A_128 = vector.broadcast %reshape3A_127 : vector<1x32xf32> to vector<256x32xf32>
    %add3A_129 = arith.addf %mul3A_126, %add3A_128 : vector<256x32xf32>
    %max3A_130 = arith.constant 0.000000e+00 : f32
    %max3A_131 = vector.broadcast %max3A_130 : f32 to vector<256x32xf32>
    %max3A_132 = arith.maximumf %add3A_129, %max3A_131 : vector<256x32xf32>
    %get3A_133 = arith.constant 0 : index
    %get3A_134 = arith.constant 0 : index
    %get3A_135 = vector.load %arg15[%get3A_133, %get3A_134] : memref<32x8xf32, #tpu.memory_space<vmem>>, vector<32x8xf32>
    %dot_general3A_136 = arith.constant dense<0.000000e+00> : vector<256x8xf32>
    %dot_general3A_137 = tpu.matmul %max3A_132, %get3A_135, %dot_general3A_136 {dimension_numbers = #tpu.dot_dimension_numbers<[1], [0], [0], [1], [0, 0, 1, 1], [], []>, transpose_lhs_hint = false} : vector<256x32xf32>, vector<32x8xf32>, vector<256x8xf32> -> vector<256x8xf32>
    %get3A_138 = arith.constant 0 : index
    %get3A_139 = vector.load %arg16[%get3A_138] : memref<8xf32, #tpu.memory_space<vmem>>, vector<8xf32>
    %reshape3A_140 = vector.shape_cast %get3A_139 : vector<8xf32> to vector<1x8xf32>
    %add3A_141 = vector.broadcast %reshape3A_140 : vector<1x8xf32> to vector<256x8xf32>
    %add3A_142 = arith.addf %dot_general3A_137, %add3A_141 : vector<256x8xf32>
    %get3A_143 = arith.constant 0 : index
    %get3A_144 = vector.load %arg17[%get3A_143] : memref<8xf32, #tpu.memory_space<vmem>>, vector<8xf32>
    %get3A_145 = arith.constant 0 : index
    %get3A_146 = vector.load %arg18[%get3A_145] : memref<8xf32, #tpu.memory_space<vmem>>, vector<8xf32>
    %reduce_sum3A_147 = arith.constant dense<0.000000e+00> : vector<8xf32>
    %reduce_sum3A_148 = vector.multi_reduction <add>, %add3A_142, %reduce_sum3A_147 [0] : vector<256x8xf32> to vector<8xf32>
    %broadcast_in_dim3A_149 = vector.shape_cast %reduce_sum3A_148 : vector<8xf32> to vector<1x8xf32>
    %div3A_150 = arith.constant 2.560000e+02 : f32
    %div3A_151 = vector.broadcast %div3A_150 : f32 to vector<1x8xf32>
    %div3A_152 = arith.divf %broadcast_in_dim3A_149, %div3A_151 : vector<1x8xf32>
    %sub3A_153 = vector.broadcast %div3A_152 : vector<1x8xf32> to vector<256x8xf32>
    %sub3A_154 = arith.subf %add3A_142, %sub3A_153 : vector<256x8xf32>
    %mul3A_155 = arith.mulf %sub3A_154, %sub3A_154 : vector<256x8xf32>
    %reduce_sum3A_156 = arith.constant dense<0.000000e+00> : vector<8xf32>
    %reduce_sum3A_157 = vector.multi_reduction <add>, %mul3A_155, %reduce_sum3A_156 [0] : vector<256x8xf32> to vector<8xf32>
    %broadcast_in_dim3A_158 = vector.shape_cast %reduce_sum3A_157 : vector<8xf32> to vector<1x8xf32>
    %div3A_159 = arith.constant 2.560000e+02 : f32
    %div3A_160 = vector.broadcast %div3A_159 : f32 to vector<1x8xf32>
    %div3A_161 = arith.divf %broadcast_in_dim3A_158, %div3A_160 : vector<1x8xf32>
    %reshape3A_162 = vector.shape_cast %get3A_144 : vector<8xf32> to vector<1x8xf32>
    %mul3A_163 = vector.broadcast %reshape3A_162 : vector<1x8xf32> to vector<256x8xf32>
    %mul3A_164 = arith.mulf %mul3A_163, %sub3A_154 : vector<256x8xf32>
    %add3A_165 = arith.constant 9.99999974E-6 : f32
    %add3A_166 = vector.broadcast %add3A_165 : f32 to vector<1x8xf32>
    %add3A_167 = arith.addf %div3A_161, %add3A_166 : vector<1x8xf32>
    %rsqrt3A_168 = math.rsqrt %add3A_167 : vector<1x8xf32>
    %mul3A_169 = vector.broadcast %rsqrt3A_168 : vector<1x8xf32> to vector<256x8xf32>
    %mul3A_170 = arith.mulf %mul3A_164, %mul3A_169 : vector<256x8xf32>
    %reshape3A_171 = vector.shape_cast %get3A_146 : vector<8xf32> to vector<1x8xf32>
    %add3A_172 = vector.broadcast %reshape3A_171 : vector<1x8xf32> to vector<256x8xf32>
    %add3A_173 = arith.addf %mul3A_170, %add3A_172 : vector<256x8xf32>
    %max3A_174 = arith.constant 0.000000e+00 : f32
    %max3A_175 = vector.broadcast %max3A_174 : f32 to vector<256x8xf32>
    %max3A_176 = arith.maximumf %add3A_173, %max3A_175 : vector<256x8xf32>
    %get3A_177 = arith.constant 0 : index
    %get3A_178 = arith.constant 0 : index
    %get3A_179 = vector.load %arg19[%get3A_177, %get3A_178] : memref<8x2xf32, #tpu.memory_space<vmem>>, vector<8x2xf32>
    %dot_general3A_180 = arith.constant dense<0.000000e+00> : vector<256x2xf32>
    %dot_general3A_181 = tpu.matmul %max3A_176, %get3A_179, %dot_general3A_180 {dimension_numbers = #tpu.dot_dimension_numbers<[1], [0], [0], [1], [0, 0, 1, 1], [], []>, transpose_lhs_hint = false} : vector<256x8xf32>, vector<8x2xf32>, vector<256x2xf32> -> vector<256x2xf32>
    %get3A_182 = arith.constant 0 : index
    %get3A_183 = vector.load %arg20[%get3A_182] : memref<2xf32, #tpu.memory_space<vmem>>, vector<2xf32>
    %reshape3A_184 = vector.shape_cast %get3A_183 : vector<2xf32> to vector<1x2xf32>
    %add3A_185 = vector.broadcast %reshape3A_184 : vector<1x2xf32> to vector<256x2xf32>
    %add3A_186 = arith.addf %dot_general3A_181, %add3A_185 : vector<256x2xf32>
    %swap3A = arith.constant 0 : index
    %swap3A_187 = arith.constant 0 : index
    %swap3A_188 = vector.load %arg21[%swap3A, %swap3A_187] : memref<256x2xf32, #tpu.memory_space<vmem>>, vector<256x2xf32>
    tpu.vector_store %arg21[%swap3A, %swap3A_187], %add3A_186 {strides = array<i32>} : memref<256x2xf32, #tpu.memory_space<vmem>>, vector<256x2xf32>,
    return
  }
}

</mosaic_0001>

<sc_bundles>
// kernel: kernel.10.cloned.1.call-start
scs
__scs_entry_jumppad:
0x0: {  	(pc) =	sbr.rel $0x88, $3  }
0x1: {  	(tag) =	ssettag $0x0;
	lr =	simm.s32 $0x1  }
0x2: {  	[smem:$0x3F87] =	sst lr;
	_ =	strace $0xD0000000  }
0x3: {  	_ = 	snop  }
0x4: {  	_ = 	snop  }
0x5: {  	_ = 	snop  }
0x6: {  	_ = 	snop  }
0x7: {  	_ = 	snop  }
__scs_overlays_trampoline_lowered:
0x8: {  	[smem:$0x3F96] =	sst s0  }
0x9: {  	[smem:$0x3F97] =	sst s1  }
0xa: {  	[smem:$0x3F98] =	sst s2  }
0xb: {  	[smem:$0x3F99] =	sst s3  }
0xc: {  	[smem:$0x3F9A] =	sst s4  }
0xd: {  	[smem:$0x3F9B] =	sst s5  }
0xe: {  	[smem:$0x3F9C] =	sst s6  }
0xf: {  	[smem:$0x3F9D] =	sst s7  }
0x10: {  	[smem:$0x3F9E] =	sst s8  }
0x11: {  	[smem:$0x3F9F] =	sst s9;
	s0 =	simm.s32 @!p0 $0x0  }
0x12: {  	s1 =	sld [smem:$0x3F85];
	s0 =	simm.s32 @p0 $0x1  }
0x13: {  	[smem:$0x3FA0] =	sst s0;
	s0 =	simm.s32 @!p1 $0x0  }
0x14: {  	s2 =	sld [smem:$0x3F84];
	s0 =	simm.s32 @p1 $0x1  }
0x15: {  	[smem:$0x3FA1] =	sst s0;
	s0 =	simm.s32 @!p2 $0x0  }
0x16: {  	s3 =	sld [smem:$0x3FDB];
	s0 =	simm.s32 @p2 $0x1  }
0x17: {  	s4 =	simm.s32 $0x1BF5;
	[smem:$0x3FA3] =	sst s0  }
0x18: {  	s0 =	sld [smem:$0x3F86];
	_ =	swait.ge [sflag:s4], $0x0  }
0x19: {  	s7 =	sld [smem:$0x3F87]  }
0x1a: {  	s8 =	sadd.s32 $0xFFFFE003, lr  }
0x1b: {  	s9 =	sadd.s32 $0xFFFFFEF7, lr;
	s5 =	simm.s32 $0xFFFFFFFF;
	p2 =	slt.u32 s8, $0xFFFFF086  }
0x1c: {  	p1 =	slt.u32 s9, $0xF7A;
	s5 =	simm.s32 @!p2 $0x0  }
0x1d: {  	s5 =	simm.s32 @p1 $0x1;
	p0 =	seq.s32 s7, s2  }
0x1e: {  	s7 =	smul.u32 @!p0 $0xF7A, s2;
	p2 =	seq.s32 @!p0 s5, $0x0  }
0x1f: {  	s9 =	smul.u32 $0xF7A, s1;
	s8 =	simm.s32 @!p0 $0x1BF5;
	p2 =	por !p2, p0  }
0x20: {  	[sflag:s8] =	ssyncset.s32 @!p0 $0xFFFFF086;
	s6 =	sadd.s32 @!p0 s3, s7;
	s7 =	simm.s32 @!p0 $0x108  }
0x21: {  	s3 =	sadd.s32 s3, s9;
	s6 =	sadd.s32 @!p0 $0x88, s6;
	s7 =	simm.s32 @p2 $0x1082  }
0x22: {  	[simem:s7], [sflag:s8] =	dma.local @!p0 [hbm:s6], $0xF7A  }
0x23: {  	s9 =	sor.u32 $0xD0000000, s2;
	s6 =	simm.s32 $0x108;
	_ =	swait.ge @!p0 [sflag:s8], $0x0  }
0x24: {  	s3 =	sadd.s32 $0x88, s3;
	s6 =	simm.s32 @!p1 $0x1082;
	[sflag:s4] =	ssyncset.s32 $0xFFFFF086  }
0x25: {  	[simem:s6], [sflag:s4] =	dma.local [hbm:s3], $0xF7A  }
0x26: {  	[smem:$0x3F87] =	sst s1;
	(tag) =	ssettag s2;
	_ =	strace s9  }
0x27: {  	s1 =	sld [smem:$0x3F97]  }
0x28: {  	s2 =	sld [smem:$0x3F98]  }
0x29: {  	s4 =	sld [smem:$0x3F9A]  }
0x2a: {  	p0 =	seq.s32 s5, $0x0;
	s5 =	sld [smem:$0x3F9B]  }
0x2b: {  	s6 =	sld [smem:$0x3F9C]  }
0x2c: {  	s7 =	sld [smem:$0x3F9D]  }
0x2d: {  	s3 =	simm.s32 $0x108;
	s8 =	sld [smem:$0x3F9E]  }
0x2e: {  	s3 =	simm.s32 @!p0 $0x1082;
	s9 =	sld [smem:$0x3F9F]  }
0x2f: {  	lr =	sadd.s32 s0, s3;
	s0 =	sld [smem:$0x3F96]  }
0x30: {  	s3 =	sld [smem:$0x3F99]  }
0x31: {  	[smem:$0x3FA2] =	sst s10  }
0x32: {  	s10 =	sld [smem:$0x3FA0];
	_ =	sdelay $0x3  }
0x33: {  	p0 =	seq.s32 s10, $0x1;
	s10 =	sld [smem:$0x3FA2];
	_ =	sdelay $0x3  }
0x34: {  	[smem:$0x3FA2] =	sst s10  }
0x35: {  	s10 =	sld [smem:$0x3FA1];
	_ =	sdelay $0x3  }
0x36: {  	p1 =	seq.s32 s10, $0x1;
	s10 =	sld [smem:$0x3FA2];
	_ =	sdelay $0x3  }
0x37: {  	[smem:$0x3FA2] =	sst s10  }
0x38: {  	s10 =	sld [smem:$0x3FA3]  }
0x39: {  	_ = 	snop;
	(pc) =	sbr.ind lr, $3  }
0x3a: {  	_ = 	snop  }
0x3b: {  	_ = 	snop  }
0x3c: {  	p2 =	seq.s32 s10, $0x1;
	s10 =	sld [smem:$0x3FA2]  }
0x3d: {  	_ =	shalt  }
0x3e: {  	_ =	shalt  }
0x3f: {  	_ =	shalt  }
0x40: {  	_ =	shalt  }
0x41: {  	_ =	shalt  }
0x42: {  	_ =	shalt  }
0x43: {  	_ =	shalt  }
0x44: {  	_ =	shalt  }
0x45: {  	_ =	shalt  }
0x46: {  	_ =	shalt  }
0x47: {  	_ =	shalt  }
0x48: {  	_ =	shalt  }
0x49: {  	_ =	shalt  }
0x4a: {  	_ =	shalt  }
0x4b: {  	_ =	shalt  }
0x4c: {  	_ =	shalt  }
0x4d: {  	_ =	shalt  }
0x4e: {  	_ =	shalt  }
0x4f: {  	_ =	shalt  }
0x50: {  	_ =	shalt  }
0x51: {  	_ =	shalt  }
0x52: {  	_ =	shalt  }
0x53: {  	_ =	shalt  }
0x54: {  	_ =	shalt  }
0x55: {  	_ =	shalt  }
0x56: {  	_ =	shalt  }
0x57: {  	_ =	shalt  }
0x58: {  	_ =	shalt  }
0x59: {  	_ =	shalt  }
0x5a: {  	_ =	shalt  }
0x5b: {  	_ =	shalt  }
0x5c: {  	_ =	shalt  }
0x5d: {  	_ =	shalt  }
0x5e: {  	_ =	shalt  }
0x5f: {  	_ =	shalt  }
0x60: {  	_ =	shalt  }
0x61: {  	_ =	shalt  }
0x62: {  	_ =	shalt  }
0x63: {  	_ =	shalt  }
0x64: {  	_ =	shalt  }
0x65: {  	_ =	shalt  }
0x66: {  	_ =	shalt  }
0x67: {  	_ =	shalt  }
0x68: {  	_ =	shalt  }
0x69: {  	_ =	shalt  }
0x6a: {  	_ =	shalt  }
0x6b: {  	_ =	shalt  }
0x6c: {  	_ =	shalt  }
0x6d: {  	_ =	shalt  }
0x6e: {  	_ =	shalt  }
0x6f: {  	_ =	shalt  }
0x70: {  	_ =	shalt  }
0x71: {  	_ =	shalt  }
0x72: {  	_ =	shalt  }
0x73: {  	_ =	shalt  }
0x74: {  	_ =	shalt  }
0x75: {  	_ =	shalt  }
0x76: {  	_ =	shalt  }
0x77: {  	_ =	shalt  }
0x78: {  	_ =	shalt  }
0x79: {  	_ =	shalt  }
0x7a: {  	_ =	shalt  }
0x7b: {  	_ =	shalt  }
0x7c: {  	_ =	shalt  }
0x7d: {  	_ =	shalt  }
0x7e: {  	_ =	shalt  }
0x7f: {  	_ =	shalt  }
0x80: {  	_ =	shalt  }
0x81: {  	_ =	shalt  }
0x82: {  	_ =	shalt  }
0x83: {  	_ =	shalt  }
0x84: {  	_ =	shalt  }
0x85: {  	_ =	shalt  }
0x86: {  	_ =	shalt  }
0x87: {  	_ =	shalt  }
.Lfunc_end0:
.L_simem_size_0:
called_computation.1_lowered:
.L_overlay_start_0:
0x88: {  	s2 =	sld [smem:$0x3FD9]  }
0x89: {  	s3 =	sld [smem:$0x3FFE];
	_ =	sdelay $0x1  }
0x8a: {  	s1 =	srdreg.scid  }
0x8b: {  	s0 =	sand.u32 $0x1, s1  }
0x8c: {  	s16 =	sshll.u32 s0, $0xA;
	s2 =	sadd.s32 s3, s2  }
0x8d: {  	s2 =	sadd.s32 s2, s16  }
0x8e: {  	[smem:$0x3FAE] =	sst s2  }
0x8f: {  	_ = 	snop  }
0x90: {  	(tm) =	ssettm $0x1  }
0x91: {  	s17 =	sld [smem:$0x3FFB];
	_ =	sdelay $0x3  }
0x92: {  	_ =	strace s17  }
0x93: {  	s2 =	sld [smem:$0x3FFC];
	_ =	sdelay $0x3  }
0x94: {  	_ =	strace s2  }
0x95: {  	s2 =	sld [smem:$0x3FFD];
	_ =	sdelay $0x3  }
0x96: {  	_ =	strace s2  }
0x97: {  	_ =	strace $0x8FFFFFFF  }
0x98: {  	s18 =	sld [smem:$0x3FDB];
	_ =	sdelay $0x1  }
0x99: {  	s19 =	simm.s32 $_scs_section_size  }
0x9a: {  	s4 =	simm.s32 $_size__tile_overlayer_lowered;
	s5 =	simm.s32 $_tile_overlayer_lowered  }
0x9b: {  	s22 =	simm.s32 $0x1BFF;
	s21 =	sshll.u32 s5, $0x1;
	s2 =	sadd.s32 s19, s18  }
0x9c: {  	s6 =	simm.s32 $0x0;
	s20 =	sshll.u32 s4, $0x1;
	s4 =	sadd.s32 s21, s2  }
0x9d: {  	[timem:s6], [sflag:s22] =	dma.local [hbm:s4], s20  }
0x9e: {  	_ =	swait.ge [sflag:s22], s20  }
0x9f: {  	s3 =	ssub.s32 $0x0, s20;
	[sflag:s22] =	ssyncset.done $0x0  }
0xa0: {  	[sflag:s22] =	ssyncadd.s32 s3;
	_ =	sdelay $0x1  }
0xa1: {  	s23 =	simm.s32 $0x1B8B  }
0xa2: {  	_ =	swait.ge [sflag:s23], $0x1  }
0xa3: {  	[sflag:s23] =	ssyncset.done $0x0  }
0xa4: {  	s25 =	simm.s32 $0x1B8E;
	s24 =	sld [smem:$0x3FFE];
	[sflag:s23] =	ssyncadd.s32 $0xFFFFFFFF  }
0xa5: {  	s26 =	simm.s32 $execute0_lowered;
	[smem:$0x3FD2] =	sst s25  }
0xa6: {  	s4 =	sshll.u32 s26, $0x1;
	_ =	strace $0x80000049;
	[dreg:$0x1] =	wrdreg $0xFFFFFFFF  }
0xa7: {  	s28 =	simm.s32 $_size_execute0_lowered;
	s2 =	sadd.s32 s2, s4;
	[dreg:$0x0] =	wrdreg $0x0  }
0xa8: {  	s4 =	sshll.u32 s28, $0x1;
	[dreg:$0x2] =	wrdreg s2  }
0xa9: {  	[dreg:$0x3] =	wrdreg s4  }
0xaa: {  	[dreg:$0x4] =	wrdreg $0xC0  }
0xab: {  	_ =	task [dreg:s6], $0x5FFFF  }
0xac: {  	[dreg:$0x1] =	wrdreg $0xFFFFFFFF  }
0xad: {  	[dreg:$0x0] =	wrdreg $0x60  }
0xae: {  	[dreg:$0x2] =	wrdreg s24  }
0xaf: {  	[dreg:$0x3] =	wrdreg $0x42400  }
0xb0: {  	[dreg:$0x4] =	wrdreg $0x9  }
0xb1: {  	_ =	task.clear_ibuf [dreg:s6], $0x5FFFF;
	_ =	strace $0x90000049  }
0xb2: {  	s29 =	simm.s32 $0x9;
	_ =	strace $0x8000004B  }
0xb3: {  	_ =	swait.ge [sflag:s29], $0x1  }
0xb4: {  	[sflag:s29] =	ssyncadd.s32 $0xFFFFFFFF  }
0xb5: {  	_ =	strace $0x9000004B  }
0xb6: {  	_ =	sfence  }
0xb7: {  	s30 =	sld [smem:$0x0];
	_ =	sdelay $0x2  }
0xb8: {  	s31 =	sshll.u32 s1, $0xD;
	s1 =	sshrl.u32 s1, $0x2  }
0xb9: {  	s3 =	sand.u32 $0x4000, s31;
	s1 =	sadd.s32 s1, s30  }
0xba: {  	s0 =	sor.u32 s3, s0;
	s1 =	sshll.u32 s1, $0x11  }
0xbb: {  	s0 =	sor.u32 s1, s0  }
0xbc: {  	s0 =	sadd.s32 $0x8F2B, s0  }
0xbd: {  	[sflag:s0] =	ssyncadd.remote.s32 $0x1  }
0xbe: {  	_ =	sfence.sel $0xFFFF  }
0xbf: {  	[dreg:$0x0] =	wrdreg $0xFFFFFFFF;
	(pc) =	sbr.abs _section_cstart, $3  }
0xc0: {  	[dreg:$0x1] =	wrdreg $0xFFFFFFFF  }
0xc1: {  	_ =	task.clear_ibuf [dreg:s6], $0x2FFFF;
	_ =	strace $0x9FFFFFFF  }
0xc2: {  	(tm) =	ssettm $0x7FFFFFFF  }
0xc3: {  	_ =	shalt  }
tec
execute0_lowered:
.L_overlay_start_1:
0x0: {  	(tag) =	ssettag $0x1  }
0x1: {  	s3 =	rddreg [dreg:$0x0]  }
0x2: {  	s1 =	rddreg [dreg:$0x1]  }
0x3: {  	s2 =	simm.s32 $0x0;
	s0 =	srdreg.scid;
	s24 =	stileid.u32  }
0x4: {  	s22 =	simm.s32 $0x68;
	s25 =	simm.s32 $0xD0;
	s26 =	simm.s32 $0x138  }
0x5: {  	s28 =	simm.s32 $0x1040;
	s30 =	simm.s32 $0x410;
	s31 =	simm.s32 $0x3  }
0x6: {  	[smem:$0x7FF] =	sst s2;
	s13 =	sand.u32 $0x1, s0;
	s15 =	smul.u32 $0x50, s24  }
0x7: {  	s12 =	sadd.s32 $0xE000, s3;
	s9 =	sor.u32 $0x10, s24;
	s14 =	smul.u32 $0x2710, s13  }
0x8: {  	s11 =	sadd.s32 $0x3C00, s3;
	s10 =	sor.u32 $0x20, s24;
	s16 =	smul.u32 $0x50, s9  }
0x9: {  	s8 =	sor.u32 $0x30, s24;
	s7 =	sor.u32 $0x40, s24;
	s17 =	smul.u32 $0x50, s10  }
0xa: {  	s6 =	sor.u32 $0x50, s24;
	s5 =	sor.u32 $0x60, s24;
	s18 =	smul.u32 $0x50, s8  }
0xb: {  	_ =	strace $0x8000004A;
	s19 =	smul.u32 $0x50, s7;
	[dreg:$0x3] =	wrdreg s22  }
0xc: {  	s0 =	ssub.s32 $0x2, s13;
	s20 =	smul.u32 $0x50, s6;
	[dreg:$0x4] =	wrdreg s25  }
0xd: {  	s21 =	smul.u32 $0x50, s5;
	[dreg:$0x5] =	wrdreg s26;
	s25 =	simm.s32 $0x478  }
0xe: {  	s26 =	simm.s32 $0x1A0;
	s22 =	simm.s32 $0x548;
	[dreg:$0x6] =	wrdreg s25  }
0xf: {  	s6 =	smul.u32 $0x2800, s6;
	s4 =	sshrl.u32 s0, $0x1;
	[dreg:$0x7] =	wrdreg s26  }
0x10: {  	s25 =	simm.s32 $0x208;
	s26 =	simm.s32 $0x4E0;
	[dreg:$0xa] =	wrdreg s22  }
0x11: {  	s22 =	simm.s32 $0x5B0;
	s0 =	ssub.s32 s0, s4;
	s4 =	sor.u32 $0x70, s24  }
0x12: {  	s15 =	sadd.s32 s15, s14;
	s16 =	sadd.s32 s14, s16;
	[dreg:$0x8] =	wrdreg s25  }
0x13: {  	s17 =	sadd.s32 s14, s17;
	s18 =	sadd.s32 s14, s18;
	[dreg:$0x9] =	wrdreg s26  }
0x14: {  	s19 =	sadd.s32 s14, s19;
	s25 =	simm.s32 $0x270;
	[dreg:$0xd] =	wrdreg s22  }
0x15: {  	s20 =	sadd.s32 s14, s20;
	s22 =	simm.s32 $0x6E8;
	[dreg:$0xb] =	wrdreg s25  }
0x16: {  	s26 =	sshll.u32 s17, $0x2;
	s17 =	simm.s32 $0x2D8;
	[dreg:$0x12] =	wrdreg s22  }
0x17: {  	s25 =	sshll.u32 s18, $0x2;
	s18 =	simm.s32 $0x3A8;
	[dreg:$0xc] =	wrdreg s17  }
0x18: {  	s21 =	sadd.s32 s14, s21;
	s22 =	simm.s32 $0xC98;
	[dreg:$0x10] =	wrdreg s18  }
0x19: {  	s23 =	smul.u32 $0x50, s4;
	s0 =	smax.u32 s0, $0x1;
	[dreg:$0x18] =	wrdreg s22  }
0x1a: {  	s17 =	sshll.u32 s19, $0x2;
	s19 =	simm.s32 $0x680;
	[smem:$0x7F4] =	sst s0  }
0x1b: {  	s15 =	sshll.u32 s15, $0x2;
	s18 =	simm.s32 $0x888;
	[dreg:$0x11] =	wrdreg s19  }
0x1c: {  	s22 =	simm.s32 $0xDD0;
	s14 =	sadd.s32 s14, s23;
	[dreg:$0x15] =	wrdreg s18  }
0x1d: {  	s23 =	sadd.s32 $0x22400, s3;
	s19 =	simm.s32 $0x8F0;
	[dreg:$0x1f] =	wrdreg s22  }
0x1e: {  	s16 =	sshll.u32 s16, $0x2;
	s15 =	sadd.s32 s23, s15;
	[dreg:$0x16] =	wrdreg s19  }
0x1f: {  	s5 =	smul.u32 $0x2800, s5;
	s16 =	sadd.s32 s23, s16;
	[smem:$0x7E7] =	sst s15  }
0x20: {  	s22 =	sshrl.u32 s6, $0x2;
	s19 =	simm.s32 $0xD68;
	[smem:$0x7E8] =	sst s16  }
0x21: {  	s5 =	sshrl.u32 s5, $0x2;
	s29 =	sadd.s32 s22, s1;
	[dreg:$0x1c] =	wrdreg s19  }
0x22: {  	p0 =	sgt.u32 s24, $0xC;
	s22 =	sadd.s32 s5, s1;
	[smem:$0x7F8] =	sst s29  }
0x23: {  	s9 =	smul.u32 $0x2800, s9;
	s16 =	sadd.s32 s23, s26;
	[smem:$0x7FA] =	sst s22  }
0x24: {  	s14 =	sshll.u32 s14, $0x2;
	s26 =	simm.s32 $0x618;
	[smem:$0x7E9] =	sst s16  }
0x25: {  	s10 =	smul.u32 $0x2800, s10;
	s14 =	sadd.s32 s23, s14;
	[dreg:$0xe] =	wrdreg s26  }
0x26: {  	s8 =	smul.u32 $0x2800, s8;
	s16 =	sadd.s32 s23, s25;
	[smem:$0x7EE] =	sst s14  }
0x27: {  	s7 =	smul.u32 $0x2800, s7;
	s25 =	simm.s32 $0x750;
	[smem:$0x7EA] =	sst s16  }
0x28: {  	s26 =	sshll.u32 s21, $0x2;
	s16 =	simm.s32 $0x340;
	[dreg:$0x13] =	wrdreg s25  }
0x29: {  	s21 =	sshll.u32 s13, $0x4;
	s25 =	simm.s32 $0xA28;
	[dreg:$0xf] =	wrdreg s16  }
0x2a: {  	s15 =	sor.u32 s24, s21;
	s21 =	simm.s32 $0xAF8;
	[dreg:$0x1a] =	wrdreg s25  }
0x2b: {  	s20 =	sshll.u32 s20, $0x2;
	s16 =	sadd.s32 s23, s17;
	[dreg:$0x1e] =	wrdreg s21  }
0x2c: {  	s4 =	smul.u32 $0x2800, s4;
	s17 =	simm.s32 $0x7B8;
	[smem:$0x7EB] =	sst s16  }
0x2d: {  	s0 =	simm.s32 $0x820;
	s25 =	simm.s32 $0xE38;
	[dreg:$0x14] =	wrdreg s17  }
0x2e: {  	s18 =	smul.u32 $0x514, s24;
	s16 =	sadd.s32 s23, s20;
	[smem:$0x7F1] =	sst s25  }
0x2f: {  	s6 =	simm.s32 $0x2940;
	s20 =	simm.s32 $0x958;
	[smem:$0x7EC] =	sst s16  }
0x30: {  	s13 =	smul.u32 $0x5140, s13;
	s16 =	sadd.s32 s23, s26;
	[dreg:$0x17] =	wrdreg s20  }
0x31: {  	s15 =	smul.u32 $0x514, s15;
	s23 =	simm.s32 $0x9C0;
	[smem:$0x7ED] =	sst s16  }
0x32: {  	s5 =	simm.s32 $0x1CC0;
	s26 =	simm.s32 $0xD00;
	[dreg:$0x19] =	wrdreg s23  }
0x33: {  	s17 =	sadd.s32 s11, s15;
	s11 =	sadd.s32 s13, s11;
	[dreg:$0x1b] =	wrdreg s26  }
0x34: {  	s20 =	simm.s32 $0xA90;
	s16 =	sadd.s32 s12, s15;
	[smem:$0x7F0] =	sst s17  }
0x35: {  	s12 =	sadd.s32 s13, s12;
	[dreg:$0x1d] =	wrdreg s20;
	s15 =	sadd.s32 s18, s11  }
0x36: {  	s23 =	smul.u32 $0x2800, s24;
	s26 =	simm.s32 $0xB60;
	s13 =	sshrl.u32 s10, $0x2  }
0x37: {  	s17 =	sshrl.u32 s8, $0x2;
	s24 =	simm.s32 $0x4;
	s8 =	simm.s32 $0x1  }
0x38: {  	s10 =	simm.s32 $0xBC8;
	[smem:$0x7EF] =	sst s16;
	s14 =	sadd.s32 s18, s12  }
0x39: {  	[smem:$0x7F2] =	sst s26;
	s16 =	sadd.s32 $0x18400, s3;
	s3 =	sadd.s32 $0x22200, s3  }
0x3a: {  	s12 =	sshrl.u32 s9, $0x2;
	s21 =	sadd.s32 s13, s1;
	s25 =	sadd.s32 s17, s1  }
0x3b: {  	s18 =	sshrl.u32 s7, $0x2;
	s7 =	simm.s32 $0x35C0;
	[smem:$0x7F3] =	sst s3  }
0x3c: {  	s9 =	simm.s32 $0x2;
	s13 =	simm.s32 $0xF70;
	[smem:$0x7F6] =	sst s25  }
0x3d: {  	s26 =	sadd.s32 s18, s1;
	s18 =	simm.s32 $0x0;
	[smem:$0x7F9] =	sst s21  }
0x3e: {  	s17 =	simm.s32 $0xFD8;
	s11 =	sshrl.u32 s23, $0x2;
	[smem:$0x7F5] =	sst s18  }
0x3f: {  	s20 =	sadd.s32 s12, s1;
	s23 =	sshrl.u32 s4, $0x2;
	[smem:$0x7F7] =	sst s26  }
0x40: {  	s3 =	simm.s32 $0xC30;
	s23 =	sadd.s32 s23, s1;
	[smem:$0x7FB] =	sst s20  }
0x41: {  	s4 =	simm.s32 $0x64;
	s19 =	sadd.s32 s11, s1;
	[smem:$0x7FC] =	sst s23  }
0x42: {  	s12 =	simm.s32 $0xF08;
	s11 =	simm.s32 $0xEA0;
	[smem:$0x7FD] =	sst s19  }
.LBB2_1:
0x43: {  	s18 =	sld [smem:$0x7F3];
	_ =	sdelay $0x2  }
0x44: {  	[tilespmem:s28], [sflag:$0x4] =	stream.linear.gather [hbm4b:s18+s2], $0xA00, $0x38;
	[tilespmem:$0x9060] =	vst v63  }
0x45: {  	_ =	swait.ge [sflag:s24], $0xA00  }
0x46: {  	[sflag:s24] =	ssyncset.done $0x0  }
0x47: {  	[sflag:s24] =	ssyncadd.s32 $0xFFFFF600  }
0x48: {  	[spmem:s19] =	stream.linear.scatter [tilespmem:s28], [sflag:$0x4], $0xA00, $0x38;
	[tilespmem:$0x9060] =	vst v63  }
0x49: {  	_ =	swait.ge [sflag:s24], $0xA00  }
0x4a: {  	[sflag:s24] =	ssyncset.done $0x0  }
0x4b: {  	[sflag:s24] =	ssyncadd.s32 $0xFFFFF600  }
0x4c: {  	[spmem:s20] =	stream.linear.scatter [tilespmem:s28], [sflag:$0x4], $0xA00, $0x38;
	[tilespmem:$0x9060] =	vst v63  }
0x4d: {  	_ =	swait.ge [sflag:s24], $0xA00  }
0x4e: {  	[sflag:s24] =	ssyncset.done $0x0  }
0x4f: {  	[sflag:s24] =	ssyncadd.s32 $0xFFFFF600  }
0x50: {  	[spmem:s21] =	stream.linear.scatter [tilespmem:s28], [sflag:$0x4], $0xA00, $0x38;
	[tilespmem:$0x9060] =	vst v63  }
0x51: {  	_ =	swait.ge [sflag:s24], $0xA00  }
0x52: {  	[sflag:s24] =	ssyncset.done $0x0  }
0x53: {  	[sflag:s24] =	ssyncadd.s32 $0xFFFFF600  }
0x54: {  	[spmem:s25] =	stream.linear.scatter [tilespmem:s28], [sflag:$0x4], $0xA00, $0x38;
	[tilespmem:$0x9060] =	vst v63  }
0x55: {  	_ =	swait.ge [sflag:s24], $0xA00  }
0x56: {  	[sflag:s24] =	ssyncset.done $0x0  }
0x57: {  	[sflag:s24] =	ssyncadd.s32 $0xFFFFF600  }
0x58: {  	[spmem:s26] =	stream.linear.scatter [tilespmem:s28], [sflag:$0x4], $0xA00, $0x38;
	[tilespmem:$0x9060] =	vst v63  }
0x59: {  	_ =	swait.ge [sflag:s24], $0xA00  }
0x5a: {  	[sflag:s24] =	ssyncset.done $0x0  }
0x5b: {  	[sflag:s24] =	ssyncadd.s32 $0xFFFFF600  }
0x5c: {  	[spmem:s29] =	stream.linear.scatter [tilespmem:s28], [sflag:$0x4], $0xA00, $0x38;
	[tilespmem:$0x9060] =	vst v63  }
0x5d: {  	_ =	swait.ge [sflag:s24], $0xA00  }
0x5e: {  	[sflag:s24] =	ssyncset.done $0x0  }
0x5f: {  	[sflag:s24] =	ssyncadd.s32 $0xFFFFF600  }
0x60: {  	[spmem:s22] =	stream.linear.scatter [tilespmem:s28], [sflag:$0x4], $0xA00, $0x38;
	[tilespmem:$0x9060] =	vst v63  }
0x61: {  	_ =	swait.ge [sflag:s24], $0xA00  }
0x62: {  	[sflag:s24] =	ssyncset.done $0x0  }
0x63: {  	s18 =	simm.s32 @!p0 $0x1040;
	[sflag:s24] =	ssyncadd.s32 $0xFFFFF600  }
0x64: {  	[spmem:s23] =	stream.linear.scatter @!p0 [tilespmem:s18], [sflag:$0x4], $0xA00, $0x38;
	[tilespmem:$0x9060] =	vst v63  }
0x65: {  	s18 =	simm.s32 @!p0 $0x4  }
0x66: {  	_ =	swait.ge @!p0 [sflag:s18], $0xA00  }
0x67: {  	[sflag:s18] =	ssyncset.done @!p0 $0x0  }
0x68: {  	[sflag:s18] =	ssyncadd.s32 @!p0 $0xFFFFF600  }
0x69: {  	[bflag:$0x0] =	sbarrier.arrive $0xFFFF  }
0x6a: {  	s26 =	sld [smem:$0x7EF];
	_ =	sdelay $0x1  }
0x6b: {  	s29 =	sld [smem:$0x7F0]  }
0x6c: {  	[tilespmem:s2], [sflag:$0x3] =	stream.linear.gather [hbm4b:s26+s2], $0x410, $0x38;
	[tilespmem:$0x9060] =	vst v63  }
0x6d: {  	_ = 	snop  }
0x6e: {  	[tilespmem:s30], [sflag:$0x3] =	stream.linear.gather [hbm4b:s29+s2], $0x410, $0x38;
	[tilespmem:$0x9060] =	vst v63  }
0x6f: {  	_ =	swait.ge [sflag:s31], $0x410  }
0x70: {  	[sflag:s31] =	ssyncset.done $0x0  }
0x71: {  	[sflag:s31] =	ssyncadd.s32 $0xFFFFFBF0  }
0x72: {  	_ =	swait.ge [sflag:s31], $0x410  }
0x73: {  	s19 =	sadd.s32 $0x0, s14;
	[sflag:s31] =	ssyncset.done $0x0  }
0x74: {  	s20 =	sadd.s32 $0x0, s15;
	s18 =	sadd.s32 $0x82, s19;
	[sflag:s31] =	ssyncadd.s32 $0xFFFFFBF0  }
0x75: {  	[tilespmem:s0], [sflag:$0x3] =	stream.linear.gather [hbm4b:s18+s2], $0x410, $0x38;
	[tilespmem:$0x9060] =	vst v63  }
0x76: {  	s21 =	sadd.s32 $0x82, s20  }
0x77: {  	[tilespmem:s3], [sflag:$0x3] =	stream.linear.gather [hbm4b:s21+s2], $0x410, $0x38;
	[tilespmem:$0x9060] =	vst v63  }
0x78: {  	_ = 	snop  }
0x79: {  	[tilespmem:s28], [sflag:$0x1] =	stream.indirect.gather [hbm4b:s16+s4], $0x20, s2, s4, $0xb8;
	[tilespmem:$0x9060] =	vst v63  }
0x7a: {  	s22 =	rddreg [dreg:$0x3]  }
0x7b: {  	[tilespmem:s5], [sflag:$0x1] =	stream.indirect.gather [hbm4b:s16+s4], $0x20, s22, s4, $0xb8;
	[tilespmem:$0x9060] =	vst v63  }
0x7c: {  	s23 =	rddreg [dreg:$0x4]  }
0x7d: {  	[tilespmem:s6], [sflag:$0x1] =	stream.indirect.gather [hbm4b:s16+s4], $0x20, s23, s4, $0xb8;
	[tilespmem:$0x9060] =	vst v63  }
0x7e: {  	s24 =	rddreg [dreg:$0x5]  }
0x7f: {  	[tilespmem:s7], [sflag:$0x1] =	stream.indirect.gather [hbm4b:s16+s4], $0x20, s24, s4, $0xb8;
	[tilespmem:$0x9060] =	vst v63  }
0x80: {  	_ =	swait.ge [sflag:s8], $0xC80  }
0x81: {  	[sflag:s8] =	ssyncset.done $0x0  }
0x82: {  	[sflag:s8] =	ssyncadd.s32 $0xFFFFF380  }
0x83: {  	_ =	swait.ge [sflag:s8], $0xC80  }
0x84: {  	[sflag:s8] =	ssyncset.done $0x0  }
0x85: {  	[sflag:s8] =	ssyncadd.s32 $0xFFFFF380  }
0x86: {  	[spmem:s1] =	stream.indirect.scatter.add.f32 [tilespmem:s28], [sflag:$0x2], $0x20, s30, s4, $0xb8;
	[tilespmem:$0x9060] =	vst v63  }
0x87: {  	s25 =	rddreg [dreg:$0x6]  }
0x88: {  	[spmem:s1] =	stream.indirect.scatter.add.f32 [tilespmem:s5], [sflag:$0x2], $0x20, s25, s4, $0xb8;
	[tilespmem:$0x9060] =	vst v63  }
0x89: {  	s26 =	rddreg [dreg:$0x7]  }
0x8a: {  	[tilespmem:s28], [sflag:$0x1] =	stream.indirect.gather [hbm4b:s16+s4], $0x20, s26, s4, $0xb8;
	[tilespmem:$0x9060] =	vst v63  }
0x8b: {  	s29 =	rddreg [dreg:$0x8]  }
0x8c: {  	[tilespmem:s5], [sflag:$0x1] =	stream.indirect.gather [hbm4b:s16+s4], $0x20, s29, s4, $0xb8;
	[tilespmem:$0x9060] =	vst v63  }
0x8d: {  	_ =	swait.ge [sflag:s8], $0xC80  }
0x8e: {  	[sflag:s8] =	ssyncset.done $0x0  }
0x8f: {  	[sflag:s8] =	ssyncadd.s32 $0xFFFFF380  }
0x90: {  	_ =	swait.ge [sflag:s8], $0xC80  }
0x91: {  	[sflag:s8] =	ssyncset.done $0x0  }
0x92: {  	s20 =	rddreg [dreg:$0x9];
	[sflag:s8] =	ssyncadd.s32 $0xFFFFF380  }
0x93: {  	[spmem:s1] =	stream.indirect.scatter.add.f32 [tilespmem:s6], [sflag:$0x2], $0x20, s20, s4, $0xb8;
	[tilespmem:$0x9060] =	vst v63  }
0x94: {  	s21 =	rddreg [dreg:$0xa]  }
0x95: {  	[spmem:s1] =	stream.indirect.scatter.add.f32 [tilespmem:s7], [sflag:$0x2], $0x20, s21, s4, $0xb8;
	[tilespmem:$0x9060] =	vst v63  }
0x96: {  	_ =	swait.ge [sflag:s9], $0xC80  }
0x97: {  	[sflag:s9] =	ssyncset.done $0x0  }
0x98: {  	[sflag:s9] =	ssyncadd.s32 $0xFFFFF380  }
0x99: {  	_ =	swait.ge [sflag:s9], $0xC80  }
0x9a: {  	[sflag:s9] =	ssyncset.done $0x0  }
0x9b: {  	s22 =	rddreg [dreg:$0xb];
	[sflag:s9] =	ssyncadd.s32 $0xFFFFF380  }
0x9c: {  	[tilespmem:s6], [sflag:$0x1] =	stream.indirect.gather [hbm4b:s16+s4], $0x20, s22, s4, $0xb8;
	[tilespmem:$0x9060] =	vst v63  }
0x9d: {  	s23 =	rddreg [dreg:$0xc]  }
0x9e: {  	[tilespmem:s7], [sflag:$0x1] =	stream.indirect.gather [hbm4b:s16+s4], $0x20, s23, s4, $0xb8;
	[tilespmem:$0x9060] =	vst v63  }
0x9f: {  	_ =	swait.ge [sflag:s8], $0xC80  }
0xa0: {  	[sflag:s8] =	ssyncset.done $0x0  }
0xa1: {  	[sflag:s8] =	ssyncadd.s32 $0xFFFFF380  }
0xa2: {  	_ =	swait.ge [sflag:s8], $0xC80  }
0xa3: {  	[sflag:s8] =	ssyncset.done $0x0  }
0xa4: {  	s24 =	rddreg [dreg:$0xd];
	[sflag:s8] =	ssyncadd.s32 $0xFFFFF380  }
0xa5: {  	[spmem:s1] =	stream.indirect.scatter.add.f32 [tilespmem:s28], [sflag:$0x2], $0x20, s24, s4, $0xb8;
	[tilespmem:$0x9060] =	vst v63  }
0xa6: {  	s25 =	rddreg [dreg:$0xe]  }
0xa7: {  	[spmem:s1] =	stream.indirect.scatter.add.f32 [tilespmem:s5], [sflag:$0x2], $0x20, s25, s4, $0xb8;
	[tilespmem:$0x9060] =	vst v63  }
0xa8: {  	_ =	swait.ge [sflag:s9], $0xC80  }
0xa9: {  	[sflag:s9] =	ssyncset.done $0x0  }
0xaa: {  	[sflag:s9] =	ssyncadd.s32 $0xFFFFF380  }
0xab: {  	_ =	swait.ge [sflag:s9], $0xC80  }
0xac: {  	[sflag:s9] =	ssyncset.done $0x0  }
0xad: {  	s26 =	rddreg [dreg:$0xf];
	[sflag:s9] =	ssyncadd.s32 $0xFFFFF380  }
0xae: {  	[tilespmem:s28], [sflag:$0x1] =	stream.indirect.gather [hbm4b:s16+s4], $0x20, s26, s4, $0xb8;
	[tilespmem:$0x9060] =	vst v63  }
0xaf: {  	s29 =	rddreg [dreg:$0x10]  }
0xb0: {  	[tilespmem:s5], [sflag:$0x1] =	stream.indirect.gather [hbm4b:s16+s4], $0x20, s29, s4, $0xb8;
	[tilespmem:$0x9060] =	vst v63  }
0xb1: {  	_ =	swait.ge [sflag:s8], $0xC80  }
0xb2: {  	[sflag:s8] =	ssyncset.done $0x0  }
0xb3: {  	[sflag:s8] =	ssyncadd.s32 $0xFFFFF380  }
0xb4: {  	_ =	swait.ge [sflag:s8], $0xC80  }
0xb5: {  	[sflag:s8] =	ssyncset.done $0x0  }
0xb6: {  	s19 =	rddreg [dreg:$0x11];
	[sflag:s8] =	ssyncadd.s32 $0xFFFFF380  }
0xb7: {  	[spmem:s1] =	stream.indirect.scatter.add.f32 [tilespmem:s6], [sflag:$0x2], $0x20, s19, s4, $0xb8;
	[tilespmem:$0x9060] =	vst v63  }
0xb8: {  	s20 =	rddreg [dreg:$0x12]  }
0xb9: {  	[spmem:s1] =	stream.indirect.scatter.add.f32 [tilespmem:s7], [sflag:$0x2], $0x20, s20, s4, $0xb8;
	[tilespmem:$0x9060] =	vst v63  }
0xba: {  	_ =	swait.ge [sflag:s9], $0xC80  }
0xbb: {  	[sflag:s9] =	ssyncset.done $0x0  }
0xbc: {  	[sflag:s9] =	ssyncadd.s32 $0xFFFFF380  }
0xbd: {  	_ =	swait.ge [sflag:s9], $0xC80  }
0xbe: {  	[sflag:s9] =	ssyncset.done $0x0  }
0xbf: {  	[sflag:s9] =	ssyncadd.s32 $0xFFFFF380  }
0xc0: {  	_ =	swait.ge [sflag:s8], $0xC80  }
0xc1: {  	[sflag:s8] =	ssyncset.done $0x0  }
0xc2: {  	[sflag:s8] =	ssyncadd.s32 $0xFFFFF380  }
0xc3: {  	_ =	swait.ge [sflag:s8], $0xC80  }
0xc4: {  	[sflag:s8] =	ssyncset.done $0x0  }
0xc5: {  	s21 =	rddreg [dreg:$0x13];
	[sflag:s8] =	ssyncadd.s32 $0xFFFFF380  }
0xc6: {  	[spmem:s1] =	stream.indirect.scatter.add.f32 [tilespmem:s28], [sflag:$0x2], $0x20, s21, s4, $0xb8;
	[tilespmem:$0x9060] =	vst v63  }
0xc7: {  	s22 =	rddreg [dreg:$0x14]  }
0xc8: {  	[spmem:s1] =	stream.indirect.scatter.add.f32 [tilespmem:s5], [sflag:$0x2], $0x20, s22, s4, $0xb8;
	[tilespmem:$0x9060] =	vst v63  }
0xc9: {  	_ =	swait.ge [sflag:s9], $0xC80  }
0xca: {  	[sflag:s9] =	ssyncset.done $0x0  }
0xcb: {  	[sflag:s9] =	ssyncadd.s32 $0xFFFFF380  }
0xcc: {  	_ =	swait.ge [sflag:s9], $0xC80  }
0xcd: {  	[sflag:s9] =	ssyncset.done $0x0  }
0xce: {  	[sflag:s9] =	ssyncadd.s32 $0xFFFFF380  }
0xcf: {  	_ =	swait.ge [sflag:s9], $0xC80  }
0xd0: {  	[sflag:s9] =	ssyncset.done $0x0  }
0xd1: {  	[sflag:s9] =	ssyncadd.s32 $0xFFFFF380  }
0xd2: {  	_ =	swait.ge [sflag:s9], $0xC80  }
0xd3: {  	[sflag:s9] =	ssyncset.done $0x0  }
0xd4: {  	[sflag:s9] =	ssyncadd.s32 $0xFFFFF380  }
0xd5: {  	_ =	swait.ge [sflag:s31], $0x410  }
0xd6: {  	[sflag:s31] =	ssyncset.done $0x0  }
0xd7: {  	p1 =	por $0x0, $0x0;
	[sflag:s31] =	ssyncadd.s32 $0xFFFFFBF0  }
0xd8: {  	s18 =	sadd.s32 @!p1 $0x0, s14;
	_ =	swait.ge [sflag:s31], $0x410  }
0xd9: {  	s18 =	sadd.s32 @!p1 $0x104, s18;
	[sflag:s31] =	ssyncset.done $0x0  }
0xda: {  	s19 =	sadd.s32 @!p1 $0x0, s15;
	s20 =	simm.s32 @!p1 $0x0;
	[sflag:s31] =	ssyncadd.s32 $0xFFFFFBF0  }
0xdb: {  	[tilespmem:s20], [sflag:$0x3] =	stream.linear.gather @!p1 [hbm4b:s18+s20], $0x410, $0x38;
	[tilespmem:$0x9060] =	vst v63  }
0xdc: {  	s18 =	sadd.s32 @!p1 $0x104, s19;
	s19 =	simm.s32 @!p1 $0x410  }
0xdd: {  	[tilespmem:s19], [sflag:$0x3] =	stream.linear.gather @!p1 [hbm4b:s18+s20], $0x410, $0x38;
	[tilespmem:$0x9060] =	vst v63  }
0xde: {  	_ = 	snop  }
0xdf: {  	[tilespmem:s28], [sflag:$0x1] =	stream.indirect.gather [hbm4b:s16+s4], $0x20, s0, s4, $0xb8;
	[tilespmem:$0x9060] =	vst v63  }
0xe0: {  	s23 =	rddreg [dreg:$0x15]  }
0xe1: {  	[tilespmem:s5], [sflag:$0x1] =	stream.indirect.gather [hbm4b:s16+s4], $0x20, s23, s4, $0xb8;
	[tilespmem:$0x9060] =	vst v63  }
0xe2: {  	s24 =	rddreg [dreg:$0x16]  }
0xe3: {  	[tilespmem:s6], [sflag:$0x1] =	stream.indirect.gather [hbm4b:s16+s4], $0x20, s24, s4, $0xb8;
	[tilespmem:$0x9060] =	vst v63  }
0xe4: {  	s25 =	rddreg [dreg:$0x17]  }
0xe5: {  	[tilespmem:s7], [sflag:$0x1] =	stream.indirect.gather [hbm4b:s16+s4], $0x20, s25, s4, $0xb8;
	[tilespmem:$0x9060] =	vst v63  }
0xe6: {  	_ =	swait.ge [sflag:s8], $0xC80  }
0xe7: {  	[sflag:s8] =	ssyncset.done $0x0  }
0xe8: {  	[sflag:s8] =	ssyncadd.s32 $0xFFFFF380  }
0xe9: {  	_ =	swait.ge [sflag:s8], $0xC80  }
0xea: {  	[sflag:s8] =	ssyncset.done $0x0  }
0xeb: {  	[sflag:s8] =	ssyncadd.s32 $0xFFFFF380  }
0xec: {  	[spmem:s1] =	stream.indirect.scatter.add.f32 [tilespmem:s28], [sflag:$0x2], $0x20, s3, s4, $0xb8;
	[tilespmem:$0x9060] =	vst v63  }
0xed: {  	s26 =	rddreg [dreg:$0x18]  }
0xee: {  	[spmem:s1] =	stream.indirect.scatter.add.f32 [tilespmem:s5], [sflag:$0x2], $0x20, s26, s4, $0xb8;
	[tilespmem:$0x9060] =	vst v63  }
0xef: {  	s29 =	rddreg [dreg:$0x19]  }
0xf0: {  	[tilespmem:s28], [sflag:$0x1] =	stream.indirect.gather [hbm4b:s16+s4], $0x20, s29, s4, $0xb8;
	[tilespmem:$0x9060] =	vst v63  }
0xf1: {  	s20 =	rddreg [dreg:$0x1a]  }
0xf2: {  	[tilespmem:s5], [sflag:$0x1] =	stream.indirect.gather [hbm4b:s16+s4], $0x20, s20, s4, $0xb8;
	[tilespmem:$0x9060] =	vst v63  }
0xf3: {  	_ =	swait.ge [sflag:s8], $0xC80  }
0xf4: {  	[sflag:s8] =	ssyncset.done $0x0  }
0xf5: {  	[sflag:s8] =	ssyncadd.s32 $0xFFFFF380  }
0xf6: {  	_ =	swait.ge [sflag:s8], $0xC80  }
0xf7: {  	[sflag:s8] =	ssyncset.done $0x0  }
0xf8: {  	s21 =	rddreg [dreg:$0x1b];
	[sflag:s8] =	ssyncadd.s32 $0xFFFFF380  }
0xf9: {  	[spmem:s1] =	stream.indirect.scatter.add.f32 [tilespmem:s6], [sflag:$0x2], $0x20, s21, s4, $0xb8;
	[tilespmem:$0x9060] =	vst v63  }
0xfa: {  	s22 =	rddreg [dreg:$0x1c]  }
0xfb: {  	[spmem:s1] =	stream.indirect.scatter.add.f32 [tilespmem:s7], [sflag:$0x2], $0x20, s22, s4, $0xb8;
	[tilespmem:$0x9060] =	vst v63  }
0xfc: {  	_ =	swait.ge [sflag:s9], $0xC80  }
0xfd: {  	[sflag:s9] =	ssyncset.done $0x0  }
0xfe: {  	[sflag:s9] =	ssyncadd.s32 $0xFFFFF380  }
0xff: {  	_ =	swait.ge [sflag:s9], $0xC80  }
0x100: {  	[sflag:s9] =	ssyncset.done $0x0  }
0x101: {  	s23 =	rddreg [dreg:$0x1d];
	[sflag:s9] =	ssyncadd.s32 $0xFFFFF380  }
0x102: {  	[tilespmem:s6], [sflag:$0x1] =	stream.indirect.gather [hbm4b:s16+s4], $0x20, s23, s4, $0xb8;
	[tilespmem:$0x9060] =	vst v63  }
0x103: {  	s24 =	rddreg [dreg:$0x1e]  }
0x104: {  	[tilespmem:s7], [sflag:$0x1] =	stream.indirect.gather [hbm4b:s16+s4], $0x20, s24, s4, $0xb8;
	[tilespmem:$0x9060] =	vst v63  }
0x105: {  	_ =	swait.ge [sflag:s8], $0xC80  }
0x106: {  	[sflag:s8] =	ssyncset.done $0x0  }
0x107: {  	[sflag:s8] =	ssyncadd.s32 $0xFFFFF380  }
0x108: {  	_ =	swait.ge [sflag:s8], $0xC80  }
0x109: {  	s25 =	rddreg [dreg:$0x1f];
	[sflag:s8] =	ssyncset.done $0x0  }
0x10a: {  	s26 =	sld [smem:$0x7F1];
	[sflag:s8] =	ssyncadd.s32 $0xFFFFF380  }
0x10b: {  	[spmem:s1] =	stream.indirect.scatter.add.f32 [tilespmem:s28], [sflag:$0x2], $0x20, s25, s4, $0xb8;
	[tilespmem:$0x9060] =	vst v63  }
0x10c: {  	_ = 	snop  }
0x10d: {  	[spmem:s1] =	stream.indirect.scatter.add.f32 [tilespmem:s5], [sflag:$0x2], $0x20, s26, s4, $0xb8;
	[tilespmem:$0x9060] =	vst v63  }
0x10e: {  	_ =	swait.ge [sflag:s9], $0xC80  }
0x10f: {  	[sflag:s9] =	ssyncset.done $0x0  }
0x110: {  	[sflag:s9] =	ssyncadd.s32 $0xFFFFF380  }
0x111: {  	_ =	swait.ge [sflag:s9], $0xC80  }
0x112: {  	s29 =	sld [smem:$0x7F2]  }
0x113: {  	[sflag:s9] =	ssyncset.done $0x0  }
0x114: {  	[sflag:s9] =	ssyncadd.s32 $0xFFFFF380  }
0x115: {  	[tilespmem:s28], [sflag:$0x1] =	stream.indirect.gather [hbm4b:s16+s4], $0x20, s29, s4, $0xb8;
	[tilespmem:$0x9060] =	vst v63  }
0x116: {  	_ = 	snop  }
0x117: {  	[tilespmem:s5], [sflag:$0x1] =	stream.indirect.gather [hbm4b:s16+s4], $0x20, s10, s4, $0xb8;
	[tilespmem:$0x9060] =	vst v63  }
0x118: {  	_ =	swait.ge [sflag:s8], $0xC80  }
0x119: {  	[sflag:s8] =	ssyncset.done $0x0  }
0x11a: {  	[sflag:s8] =	ssyncadd.s32 $0xFFFFF380  }
0x11b: {  	_ =	swait.ge [sflag:s8], $0xC80  }
0x11c: {  	[sflag:s8] =	ssyncset.done $0x0  }
0x11d: {  	[sflag:s8] =	ssyncadd.s32 $0xFFFFF380  }
0x11e: {  	[spmem:s1] =	stream.indirect.scatter.add.f32 [tilespmem:s6], [sflag:$0x2], $0x20, s11, s4, $0xb8;
	[tilespmem:$0x9060] =	vst v63  }
0x11f: {  	_ = 	snop  }
0x120: {  	[spmem:s1] =	stream.indirect.scatter.add.f32 [tilespmem:s7], [sflag:$0x2], $0x20, s12, s4, $0xb8;
	[tilespmem:$0x9060] =	vst v63  }
0x121: {  	_ =	swait.ge [sflag:s9], $0xC80  }
0x122: {  	[sflag:s9] =	ssyncset.done $0x0  }
0x123: {  	[sflag:s9] =	ssyncadd.s32 $0xFFFFF380  }
0x124: {  	_ =	swait.ge [sflag:s9], $0xC80  }
0x125: {  	[sflag:s9] =	ssyncset.done $0x0  }
0x126: {  	[sflag:s9] =	ssyncadd.s32 $0xFFFFF380  }
0x127: {  	_ =	swait.ge [sflag:s8], $0xC80  }
0x128: {  	[sflag:s8] =	ssyncset.done $0x0  }
0x129: {  	[sflag:s8] =	ssyncadd.s32 $0xFFFFF380  }
0x12a: {  	_ =	swait.ge [sflag:s8], $0xC80  }
0x12b: {  	[sflag:s8] =	ssyncset.done $0x0  }
0x12c: {  	[sflag:s8] =	ssyncadd.s32 $0xFFFFF380  }
0x12d: {  	[spmem:s1] =	stream.indirect.scatter.add.f32 [tilespmem:s28], [sflag:$0x2], $0x20, s13, s4, $0xb8;
	[tilespmem:$0x9060] =	vst v63  }
0x12e: {  	_ = 	snop  }
0x12f: {  	[spmem:s1] =	stream.indirect.scatter.add.f32 [tilespmem:s5], [sflag:$0x2], $0x20, s17, s4, $0xb8;
	[tilespmem:$0x9060] =	vst v63  }
0x130: {  	_ =	swait.ge [sflag:s9], $0xC80  }
0x131: {  	[sflag:s9] =	ssyncset.done $0x0  }
0x132: {  	[sflag:s9] =	ssyncadd.s32 $0xFFFFF380  }
0x133: {  	_ =	swait.ge [sflag:s9], $0xC80  }
0x134: {  	[sflag:s9] =	ssyncset.done $0x0  }
0x135: {  	[sflag:s9] =	ssyncadd.s32 $0xFFFFF380  }
0x136: {  	_ =	swait.ge [sflag:s9], $0xC80  }
0x137: {  	[sflag:s9] =	ssyncset.done $0x0  }
0x138: {  	[sflag:s9] =	ssyncadd.s32 $0xFFFFF380  }
0x139: {  	_ =	swait.ge [sflag:s9], $0xC80  }
0x13a: {  	s18 =	simm.s32 $0x104;
	s22 =	simm.s32 $0x4;
	[sflag:s9] =	ssyncset.done $0x0  }
.LBB2_2:
0x13b: {  	[sflag:s9] =	ssyncadd.s32 $0xFFFFF380  }
0x13c: {  	_ =	swait.ge [sflag:s31], $0x410  }
0x13d: {  	[sflag:s31] =	ssyncset.done $0x0  }
0x13e: {  	[sflag:s31] =	ssyncadd.s32 $0xFFFFFBF0  }
0x13f: {  	s19 =	smov.u32 s18;
	_ =	swait.ge [sflag:s31], $0x410  }
0x140: {  	s20 =	sadd.s32 s19, s14;
	[sflag:s31] =	ssyncset.done $0x0  }
0x141: {  	s21 =	sadd.s32 s19, s15;
	s20 =	sadd.s32 $0x82, s20;
	[sflag:s31] =	ssyncadd.s32 $0xFFFFFBF0  }
0x142: {  	[tilespmem:s0], [sflag:$0x3] =	stream.linear.gather [hbm4b:s20+s2], $0x410, $0x38;
	[tilespmem:$0x9060] =	vst v63  }
0x143: {  	s29 =	sadd.s32 $0x82, s21  }
0x144: {  	[tilespmem:s3], [sflag:$0x3] =	stream.linear.gather [hbm4b:s29+s2], $0x410, $0x38;
	[tilespmem:$0x9060] =	vst v63  }
0x145: {  	_ = 	snop  }
0x146: {  	[tilespmem:s28], [sflag:$0x1] =	stream.indirect.gather [hbm4b:s16+s4], $0x20, s2, s4, $0xb8;
	[tilespmem:$0x9060] =	vst v63  }
0x147: {  	s21 =	rddreg [dreg:$0x3]  }
0x148: {  	[tilespmem:s5], [sflag:$0x1] =	stream.indirect.gather [hbm4b:s16+s4], $0x20, s21, s4, $0xb8;
	[tilespmem:$0x9060] =	vst v63  }
0x149: {  	s23 =	rddreg [dreg:$0x4]  }
0x14a: {  	[tilespmem:s6], [sflag:$0x1] =	stream.indirect.gather [hbm4b:s16+s4], $0x20, s23, s4, $0xb8;
	[tilespmem:$0x9060] =	vst v63  }
0x14b: {  	s24 =	rddreg [dreg:$0x5]  }
0x14c: {  	[tilespmem:s7], [sflag:$0x1] =	stream.indirect.gather [hbm4b:s16+s4], $0x20, s24, s4, $0xb8;
	[tilespmem:$0x9060] =	vst v63  }
0x14d: {  	_ =	swait.ge [sflag:s8], $0xC80  }
0x14e: {  	[sflag:s8] =	ssyncset.done $0x0  }
0x14f: {  	[sflag:s8] =	ssyncadd.s32 $0xFFFFF380  }
0x150: {  	_ =	swait.ge [sflag:s8], $0xC80  }
0x151: {  	[sflag:s8] =	ssyncset.done $0x0  }
0x152: {  	[sflag:s8] =	ssyncadd.s32 $0xFFFFF380  }
0x153: {  	[spmem:s1] =	stream.indirect.scatter.add.f32 [tilespmem:s28], [sflag:$0x2], $0x20, s30, s4, $0xb8;
	[tilespmem:$0x9060] =	vst v63  }
0x154: {  	s25 =	rddreg [dreg:$0x6]  }
0x155: {  	[spmem:s1] =	stream.indirect.scatter.add.f32 [tilespmem:s5], [sflag:$0x2], $0x20, s25, s4, $0xb8;
	[tilespmem:$0x9060] =	vst v63  }
0x156: {  	s26 =	rddreg [dreg:$0x7]  }
0x157: {  	[tilespmem:s28], [sflag:$0x1] =	stream.indirect.gather [hbm4b:s16+s4], $0x20, s26, s4, $0xb8;
	[tilespmem:$0x9060] =	vst v63  }
0x158: {  	s29 =	rddreg [dreg:$0x8]  }
0x159: {  	[tilespmem:s5], [sflag:$0x1] =	stream.indirect.gather [hbm4b:s16+s4], $0x20, s29, s4, $0xb8;
	[tilespmem:$0x9060] =	vst v63  }
0x15a: {  	_ =	swait.ge [sflag:s8], $0xC80  }
0x15b: {  	[sflag:s8] =	ssyncset.done $0x0  }
0x15c: {  	[sflag:s8] =	ssyncadd.s32 $0xFFFFF380  }
0x15d: {  	_ =	swait.ge [sflag:s8], $0xC80  }
0x15e: {  	[sflag:s8] =	ssyncset.done $0x0  }
0x15f: {  	s21 =	rddreg [dreg:$0x9];
	[sflag:s8] =	ssyncadd.s32 $0xFFFFF380  }
0x160: {  	[spmem:s1] =	stream.indirect.scatter.add.f32 [tilespmem:s6], [sflag:$0x2], $0x20, s21, s4, $0xb8;
	[tilespmem:$0x9060] =	vst v63  }
0x161: {  	s23 =	rddreg [dreg:$0xa]  }
0x162: {  	[spmem:s1] =	stream.indirect.scatter.add.f32 [tilespmem:s7], [sflag:$0x2], $0x20, s23, s4, $0xb8;
	[tilespmem:$0x9060] =	vst v63  }
0x163: {  	_ =	swait.ge [sflag:s9], $0xC80  }
0x164: {  	[sflag:s9] =	ssyncset.done $0x0  }
0x165: {  	[sflag:s9] =	ssyncadd.s32 $0xFFFFF380  }
0x166: {  	_ =	swait.ge [sflag:s9], $0xC80  }
0x167: {  	[sflag:s9] =	ssyncset.done $0x0  }
0x168: {  	s24 =	rddreg [dreg:$0xb];
	[sflag:s9] =	ssyncadd.s32 $0xFFFFF380  }
0x169: {  	[tilespmem:s6], [sflag:$0x1] =	stream.indirect.gather [hbm4b:s16+s4], $0x20, s24, s4, $0xb8;
	[tilespmem:$0x9060] =	vst v63  }
0x16a: {  	s25 =	rddreg [dreg:$0xc]  }
0x16b: {  	[tilespmem:s7], [sflag:$0x1] =	stream.indirect.gather [hbm4b:s16+s4], $0x20, s25, s4, $0xb8;
	[tilespmem:$0x9060] =	vst v63  }
0x16c: {  	_ =	swait.ge [sflag:s8], $0xC80  }
0x16d: {  	[sflag:s8] =	ssyncset.done $0x0  }
0x16e: {  	[sflag:s8] =	ssyncadd.s32 $0xFFFFF380  }
0x16f: {  	_ =	swait.ge [sflag:s8], $0xC80  }
0x170: {  	[sflag:s8] =	ssyncset.done $0x0  }
0x171: {  	s26 =	rddreg [dreg:$0xd];
	[sflag:s8] =	ssyncadd.s32 $0xFFFFF380  }
0x172: {  	[spmem:s1] =	stream.indirect.scatter.add.f32 [tilespmem:s28], [sflag:$0x2], $0x20, s26, s4, $0xb8;
	[tilespmem:$0x9060] =	vst v63  }
0x173: {  	s29 =	rddreg [dreg:$0xe]  }
0x174: {  	[spmem:s1] =	stream.indirect.scatter.add.f32 [tilespmem:s5], [sflag:$0x2], $0x20, s29, s4, $0xb8;
	[tilespmem:$0x9060] =	vst v63  }
0x175: {  	_ =	swait.ge [sflag:s9], $0xC80  }
0x176: {  	[sflag:s9] =	ssyncset.done $0x0  }
0x177: {  	[sflag:s9] =	ssyncadd.s32 $0xFFFFF380  }
0x178: {  	_ =	swait.ge [sflag:s9], $0xC80  }
0x179: {  	[sflag:s9] =	ssyncset.done $0x0  }
0x17a: {  	s21 =	rddreg [dreg:$0xf];
	[sflag:s9] =	ssyncadd.s32 $0xFFFFF380  }
0x17b: {  	[tilespmem:s28], [sflag:$0x1] =	stream.indirect.gather [hbm4b:s16+s4], $0x20, s21, s4, $0xb8;
	[tilespmem:$0x9060] =	vst v63  }
0x17c: {  	s23 =	rddreg [dreg:$0x10]  }
0x17d: {  	[tilespmem:s5], [sflag:$0x1] =	stream.indirect.gather [hbm4b:s16+s4], $0x20, s23, s4, $0xb8;
	[tilespmem:$0x9060] =	vst v63  }
0x17e: {  	_ =	swait.ge [sflag:s8], $0xC80  }
0x17f: {  	[sflag:s8] =	ssyncset.done $0x0  }
0x180: {  	[sflag:s8] =	ssyncadd.s32 $0xFFFFF380  }
0x181: {  	_ =	swait.ge [sflag:s8], $0xC80  }
0x182: {  	[sflag:s8] =	ssyncset.done $0x0  }
0x183: {  	s24 =	rddreg [dreg:$0x11];
	[sflag:s8] =	ssyncadd.s32 $0xFFFFF380  }
0x184: {  	[spmem:s1] =	stream.indirect.scatter.add.f32 [tilespmem:s6], [sflag:$0x2], $0x20, s24, s4, $0xb8;
	[tilespmem:$0x9060] =	vst v63  }
0x185: {  	s25 =	rddreg [dreg:$0x12]  }
0x186: {  	[spmem:s1] =	stream.indirect.scatter.add.f32 [tilespmem:s7], [sflag:$0x2], $0x20, s25, s4, $0xb8;
	[tilespmem:$0x9060] =	vst v63  }
0x187: {  	_ =	swait.ge [sflag:s9], $0xC80  }
0x188: {  	[sflag:s9] =	ssyncset.done $0x0  }
0x189: {  	[sflag:s9] =	ssyncadd.s32 $0xFFFFF380  }
0x18a: {  	_ =	swait.ge [sflag:s9], $0xC80  }
0x18b: {  	[sflag:s9] =	ssyncset.done $0x0  }
0x18c: {  	[sflag:s9] =	ssyncadd.s32 $0xFFFFF380  }
0x18d: {  	_ =	swait.ge [sflag:s8], $0xC80  }
0x18e: {  	[sflag:s8] =	ssyncset.done $0x0  }
0x18f: {  	[sflag:s8] =	ssyncadd.s32 $0xFFFFF380  }
0x190: {  	_ =	swait.ge [sflag:s8], $0xC80  }
0x191: {  	[sflag:s8] =	ssyncset.done $0x0  }
0x192: {  	s26 =	rddreg [dreg:$0x13];
	[sflag:s8] =	ssyncadd.s32 $0xFFFFF380  }
0x193: {  	[spmem:s1] =	stream.indirect.scatter.add.f32 [tilespmem:s28], [sflag:$0x2], $0x20, s26, s4, $0xb8;
	[tilespmem:$0x9060] =	vst v63  }
0x194: {  	s29 =	rddreg [dreg:$0x14]  }
0x195: {  	[spmem:s1] =	stream.indirect.scatter.add.f32 [tilespmem:s5], [sflag:$0x2], $0x20, s29, s4, $0xb8;
	[tilespmem:$0x9060] =	vst v63  }
0x196: {  	_ =	swait.ge [sflag:s9], $0xC80  }
0x197: {  	[sflag:s9] =	ssyncset.done $0x0  }
0x198: {  	[sflag:s9] =	ssyncadd.s32 $0xFFFFF380  }
0x199: {  	_ =	swait.ge [sflag:s9], $0xC80  }
0x19a: {  	[sflag:s9] =	ssyncset.done $0x0  }
0x19b: {  	[sflag:s9] =	ssyncadd.s32 $0xFFFFF380  }
0x19c: {  	_ =	swait.ge [sflag:s9], $0xC80  }
0x19d: {  	[sflag:s9] =	ssyncset.done $0x0  }
0x19e: {  	[sflag:s9] =	ssyncadd.s32 $0xFFFFF380  }
0x19f: {  	_ =	swait.ge [sflag:s9], $0xC80  }
0x1a0: {  	[sflag:s9] =	ssyncset.done $0x0  }
0x1a1: {  	[sflag:s9] =	ssyncadd.s32 $0xFFFFF380  }
0x1a2: {  	_ =	swait.ge [sflag:s31], $0x410  }
0x1a3: {  	[sflag:s31] =	ssyncset.done $0x0  }
0x1a4: {  	[sflag:s31] =	ssyncadd.s32 $0xFFFFFBF0  }
0x1a5: {  	p2 =	seq.s32 s19, $0x410;
	_ =	swait.ge [sflag:s31], $0x410  }
0x1a6: {  	s20 =	sadd.s32 @!p2 s19, s14;
	s19 =	sadd.s32 @!p2 s19, s15;
	[sflag:s31] =	ssyncset.done $0x0  }
0x1a7: {  	s20 =	sadd.s32 @!p2 $0x104, s20;
	s21 =	simm.s32 @!p2 $0x0;
	[sflag:s31] =	ssyncadd.s32 $0xFFFFFBF0  }
0x1a8: {  	[tilespmem:s21], [sflag:$0x3] =	stream.linear.gather @!p2 [hbm4b:s20+s21], $0x410, $0x38;
	[tilespmem:$0x9060] =	vst v63  }
0x1a9: {  	s19 =	sadd.s32 @!p2 $0x104, s19;
	s20 =	simm.s32 @!p2 $0x410  }
0x1aa: {  	[tilespmem:s20], [sflag:$0x3] =	stream.linear.gather @!p2 [hbm4b:s19+s21], $0x410, $0x38;
	[tilespmem:$0x9060] =	vst v63  }
0x1ab: {  	_ = 	snop  }
0x1ac: {  	[tilespmem:s28], [sflag:$0x1] =	stream.indirect.gather [hbm4b:s16+s4], $0x20, s0, s4, $0xb8;
	[tilespmem:$0x9060] =	vst v63  }
0x1ad: {  	s21 =	rddreg [dreg:$0x15]  }
0x1ae: {  	[tilespmem:s5], [sflag:$0x1] =	stream.indirect.gather [hbm4b:s16+s4], $0x20, s21, s4, $0xb8;
	[tilespmem:$0x9060] =	vst v63  }
0x1af: {  	s23 =	rddreg [dreg:$0x16]  }
0x1b0: {  	[tilespmem:s6], [sflag:$0x1] =	stream.indirect.gather [hbm4b:s16+s4], $0x20, s23, s4, $0xb8;
	[tilespmem:$0x9060] =	vst v63  }
0x1b1: {  	s24 =	rddreg [dreg:$0x17]  }
0x1b2: {  	[tilespmem:s7], [sflag:$0x1] =	stream.indirect.gather [hbm4b:s16+s4], $0x20, s24, s4, $0xb8;
	[tilespmem:$0x9060] =	vst v63  }
0x1b3: {  	_ =	swait.ge [sflag:s8], $0xC80  }
0x1b4: {  	[sflag:s8] =	ssyncset.done $0x0  }
0x1b5: {  	[sflag:s8] =	ssyncadd.s32 $0xFFFFF380  }
0x1b6: {  	_ =	swait.ge [sflag:s8], $0xC80  }
0x1b7: {  	[sflag:s8] =	ssyncset.done $0x0  }
0x1b8: {  	[sflag:s8] =	ssyncadd.s32 $0xFFFFF380  }
0x1b9: {  	[spmem:s1] =	stream.indirect.scatter.add.f32 [tilespmem:s28], [sflag:$0x2], $0x20, s3, s4, $0xb8;
	[tilespmem:$0x9060] =	vst v63  }
0x1ba: {  	s25 =	rddreg [dreg:$0x18]  }
0x1bb: {  	[spmem:s1] =	stream.indirect.scatter.add.f32 [tilespmem:s5], [sflag:$0x2], $0x20, s25, s4, $0xb8;
	[tilespmem:$0x9060] =	vst v63  }
0x1bc: {  	s26 =	rddreg [dreg:$0x19]  }
0x1bd: {  	[tilespmem:s28], [sflag:$0x1] =	stream.indirect.gather [hbm4b:s16+s4], $0x20, s26, s4, $0xb8;
	[tilespmem:$0x9060] =	vst v63  }
0x1be: {  	s29 =	rddreg [dreg:$0x1a]  }
0x1bf: {  	[tilespmem:s5], [sflag:$0x1] =	stream.indirect.gather [hbm4b:s16+s4], $0x20, s29, s4, $0xb8;
	[tilespmem:$0x9060] =	vst v63  }
0x1c0: {  	_ =	swait.ge [sflag:s8], $0xC80  }
0x1c1: {  	[sflag:s8] =	ssyncset.done $0x0  }
0x1c2: {  	[sflag:s8] =	ssyncadd.s32 $0xFFFFF380  }
0x1c3: {  	_ =	swait.ge [sflag:s8], $0xC80  }
0x1c4: {  	[sflag:s8] =	ssyncset.done $0x0  }
0x1c5: {  	s20 =	rddreg [dreg:$0x1b];
	[sflag:s8] =	ssyncadd.s32 $0xFFFFF380  }
0x1c6: {  	[spmem:s1] =	stream.indirect.scatter.add.f32 [tilespmem:s6], [sflag:$0x2], $0x20, s20, s4, $0xb8;
	[tilespmem:$0x9060] =	vst v63  }
0x1c7: {  	s21 =	rddreg [dreg:$0x1c]  }
0x1c8: {  	[spmem:s1] =	stream.indirect.scatter.add.f32 [tilespmem:s7], [sflag:$0x2], $0x20, s21, s4, $0xb8;
	[tilespmem:$0x9060] =	vst v63  }
0x1c9: {  	_ =	swait.ge [sflag:s9], $0xC80  }
0x1ca: {  	[sflag:s9] =	ssyncset.done $0x0  }
0x1cb: {  	[sflag:s9] =	ssyncadd.s32 $0xFFFFF380  }
0x1cc: {  	_ =	swait.ge [sflag:s9], $0xC80  }
0x1cd: {  	[sflag:s9] =	ssyncset.done $0x0  }
0x1ce: {  	s23 =	rddreg [dreg:$0x1d];
	[sflag:s9] =	ssyncadd.s32 $0xFFFFF380  }
0x1cf: {  	[tilespmem:s6], [sflag:$0x1] =	stream.indirect.gather [hbm4b:s16+s4], $0x20, s23, s4, $0xb8;
	[tilespmem:$0x9060] =	vst v63  }
0x1d0: {  	s24 =	rddreg [dreg:$0x1e]  }
0x1d1: {  	[tilespmem:s7], [sflag:$0x1] =	stream.indirect.gather [hbm4b:s16+s4], $0x20, s24, s4, $0xb8;
	[tilespmem:$0x9060] =	vst v63  }
0x1d2: {  	_ =	swait.ge [sflag:s8], $0xC80  }
0x1d3: {  	[sflag:s8] =	ssyncset.done $0x0  }
0x1d4: {  	[sflag:s8] =	ssyncadd.s32 $0xFFFFF380  }
0x1d5: {  	_ =	swait.ge [sflag:s8], $0xC80  }
0x1d6: {  	s25 =	rddreg [dreg:$0x1f];
	[sflag:s8] =	ssyncset.done $0x0  }
0x1d7: {  	s26 =	sld [smem:$0x7F1];
	[sflag:s8] =	ssyncadd.s32 $0xFFFFF380  }
0x1d8: {  	[spmem:s1] =	stream.indirect.scatter.add.f32 [tilespmem:s28], [sflag:$0x2], $0x20, s25, s4, $0xb8;
	[tilespmem:$0x9060] =	vst v63  }
0x1d9: {  	_ = 	snop  }
0x1da: {  	[spmem:s1] =	stream.indirect.scatter.add.f32 [tilespmem:s5], [sflag:$0x2], $0x20, s26, s4, $0xb8;
	[tilespmem:$0x9060] =	vst v63  }
0x1db: {  	_ =	swait.ge [sflag:s9], $0xC80  }
0x1dc: {  	[sflag:s9] =	ssyncset.done $0x0  }
0x1dd: {  	[sflag:s9] =	ssyncadd.s32 $0xFFFFF380  }
0x1de: {  	_ =	swait.ge [sflag:s9], $0xC80  }
0x1df: {  	s29 =	sld [smem:$0x7F2]  }
0x1e0: {  	[sflag:s9] =	ssyncset.done $0x0  }
0x1e1: {  	[sflag:s9] =	ssyncadd.s32 $0xFFFFF380  }
0x1e2: {  	[tilespmem:s28], [sflag:$0x1] =	stream.indirect.gather [hbm4b:s16+s4], $0x20, s29, s4, $0xb8;
	[tilespmem:$0x9060] =	vst v63  }
0x1e3: {  	_ = 	snop  }
0x1e4: {  	[tilespmem:s5], [sflag:$0x1] =	stream.indirect.gather [hbm4b:s16+s4], $0x20, s10, s4, $0xb8;
	[tilespmem:$0x9060] =	vst v63  }
0x1e5: {  	_ =	swait.ge [sflag:s8], $0xC80  }
0x1e6: {  	[sflag:s8] =	ssyncset.done $0x0  }
0x1e7: {  	[sflag:s8] =	ssyncadd.s32 $0xFFFFF380  }
0x1e8: {  	_ =	swait.ge [sflag:s8], $0xC80  }
0x1e9: {  	[sflag:s8] =	ssyncset.done $0x0  }
0x1ea: {  	[sflag:s8] =	ssyncadd.s32 $0xFFFFF380  }
0x1eb: {  	[spmem:s1] =	stream.indirect.scatter.add.f32 [tilespmem:s6], [sflag:$0x2], $0x20, s11, s4, $0xb8;
	[tilespmem:$0x9060] =	vst v63  }
0x1ec: {  	_ = 	snop  }
0x1ed: {  	[spmem:s1] =	stream.indirect.scatter.add.f32 [tilespmem:s7], [sflag:$0x2], $0x20, s12, s4, $0xb8;
	[tilespmem:$0x9060] =	vst v63  }
0x1ee: {  	_ =	swait.ge [sflag:s9], $0xC80  }
0x1ef: {  	[sflag:s9] =	ssyncset.done $0x0  }
0x1f0: {  	[sflag:s9] =	ssyncadd.s32 $0xFFFFF380  }
0x1f1: {  	_ =	swait.ge [sflag:s9], $0xC80  }
0x1f2: {  	[sflag:s9] =	ssyncset.done $0x0  }
0x1f3: {  	[sflag:s9] =	ssyncadd.s32 $0xFFFFF380  }
0x1f4: {  	_ =	swait.ge [sflag:s8], $0xC80  }
0x1f5: {  	[sflag:s8] =	ssyncset.done $0x0  }
0x1f6: {  	[sflag:s8] =	ssyncadd.s32 $0xFFFFF380  }
0x1f7: {  	_ =	swait.ge [sflag:s8], $0xC80  }
0x1f8: {  	[sflag:s8] =	ssyncset.done $0x0  }
0x1f9: {  	[sflag:s8] =	ssyncadd.s32 $0xFFFFF380  }
0x1fa: {  	[spmem:s1] =	stream.indirect.scatter.add.f32 [tilespmem:s28], [sflag:$0x2], $0x20, s13, s4, $0xb8;
	[tilespmem:$0x9060] =	vst v63  }
0x1fb: {  	_ = 	snop  }
0x1fc: {  	[spmem:s1] =	stream.indirect.scatter.add.f32 [tilespmem:s5], [sflag:$0x2], $0x20, s17, s4, $0xb8;
	[tilespmem:$0x9060] =	vst v63  }
0x1fd: {  	_ =	swait.ge [sflag:s9], $0xC80  }
0x1fe: {  	[sflag:s9] =	ssyncset.done $0x0  }
0x1ff: {  	[sflag:s9] =	ssyncadd.s32 $0xFFFFF380  }
0x200: {  	_ =	swait.ge [sflag:s9], $0xC80  }
0x201: {  	s18 =	sadd.s32 $0x104, s18;
	[sflag:s9] =	ssyncset.done $0x0  }
0x202: {  	p1 =	sne.s32 s18, $0x514;
	[sflag:s9] =	ssyncadd.s32 $0xFFFFF380  }
.Ltmp0:
0x203: {  	_ =	swait.ge [sflag:s9], $0xC80;
	(pc) =	sbr.rel @p1 .LBB2_2-.Ltmp0, $4  }
0x204: {  	[sflag:s9] =	ssyncset.done $0x0  }
0x205: {  	[sflag:s9] =	ssyncadd.s32 $0xFFFFF380  }
0x206: {  	_ =	swait.ge [sflag:s9], $0xC80  }
0x207: {  	[sflag:s9] =	ssyncset.done $0x0  }
0x208: {  	[sflag:s9] =	ssyncadd.s32 $0xFFFFF380  }
0x209: {  	[bflag:$0x0] =	sbarrier.arrive $0xFFFF  }
0x20a: {  	s18 =	sld [smem:$0x7FD];
	_ =	sdelay $0x2  }
0x20b: {  	[tilespmem:s28], [sflag:$0x4] =	stream.linear.gather [spmem:s18], $0xA00, $0x38;
	[tilespmem:$0x9060] =	vst v63  }
0x20c: {  	_ =	swait.ge [sflag:s22], $0xA00  }
0x20d: {  	s20 =	sld [smem:$0x7E7]  }
0x20e: {  	[sflag:s22] =	ssyncset.done $0x0  }
0x20f: {  	[sflag:s22] =	ssyncadd.s32 $0xFFFFF600  }
0x210: {  	[hbm4b:s20+s2] =	stream.linear.scatter [tilespmem:s28], [sflag:$0x4], $0xA00, $0x38;
	[tilespmem:$0x9060] =	vst v63  }
0x211: {  	_ =	swait.ge [sflag:s22], $0xA00  }
0x212: {  	s25 =	sld [smem:$0x7FB]  }
0x213: {  	[sflag:s22] =	ssyncset.done $0x0  }
0x214: {  	[sflag:s22] =	ssyncadd.s32 $0xFFFFF600  }
0x215: {  	[tilespmem:s28], [sflag:$0x4] =	stream.linear.gather [spmem:s25], $0xA00, $0x38;
	[tilespmem:$0x9060] =	vst v63  }
0x216: {  	_ =	swait.ge [sflag:s22], $0xA00  }
0x217: {  	s21 =	sld [smem:$0x7E8]  }
0x218: {  	[sflag:s22] =	ssyncset.done $0x0  }
0x219: {  	[sflag:s22] =	ssyncadd.s32 $0xFFFFF600  }
0x21a: {  	[hbm4b:s21+s2] =	stream.linear.scatter [tilespmem:s28], [sflag:$0x4], $0xA00, $0x38;
	[tilespmem:$0x9060] =	vst v63  }
0x21b: {  	_ =	swait.ge [sflag:s22], $0xA00  }
0x21c: {  	s23 =	sld [smem:$0x7F9]  }
0x21d: {  	[sflag:s22] =	ssyncset.done $0x0  }
0x21e: {  	[sflag:s22] =	ssyncadd.s32 $0xFFFFF600  }
0x21f: {  	[tilespmem:s28], [sflag:$0x4] =	stream.linear.gather [spmem:s23], $0xA00, $0x38;
	[tilespmem:$0x9060] =	vst v63  }
0x220: {  	_ =	swait.ge [sflag:s22], $0xA00  }
0x221: {  	s24 =	sld [smem:$0x7E9]  }
0x222: {  	[sflag:s22] =	ssyncset.done $0x0  }
0x223: {  	[sflag:s22] =	ssyncadd.s32 $0xFFFFF600  }
0x224: {  	[hbm4b:s24+s2] =	stream.linear.scatter [tilespmem:s28], [sflag:$0x4], $0xA00, $0x38;
	[tilespmem:$0x9060] =	vst v63  }
0x225: {  	_ =	swait.ge [sflag:s22], $0xA00  }
0x226: {  	s26 =	sld [smem:$0x7F6]  }
0x227: {  	[sflag:s22] =	ssyncset.done $0x0  }
0x228: {  	[sflag:s22] =	ssyncadd.s32 $0xFFFFF600  }
0x229: {  	[tilespmem:s28], [sflag:$0x4] =	stream.linear.gather [spmem:s26], $0xA00, $0x38;
	[tilespmem:$0x9060] =	vst v63  }
0x22a: {  	_ =	swait.ge [sflag:s22], $0xA00  }
0x22b: {  	s19 =	sld [smem:$0x7EA]  }
0x22c: {  	[sflag:s22] =	ssyncset.done $0x0  }
0x22d: {  	[sflag:s22] =	ssyncadd.s32 $0xFFFFF600  }
0x22e: {  	[hbm4b:s19+s2] =	stream.linear.scatter [tilespmem:s28], [sflag:$0x4], $0xA00, $0x38;
	[tilespmem:$0x9060] =	vst v63  }
0x22f: {  	_ =	swait.ge [sflag:s22], $0xA00  }
0x230: {  	s26 =	sld [smem:$0x7F7]  }
0x231: {  	[sflag:s22] =	ssyncset.done $0x0  }
0x232: {  	[sflag:s22] =	ssyncadd.s32 $0xFFFFF600  }
0x233: {  	[tilespmem:s28], [sflag:$0x4] =	stream.linear.gather [spmem:s26], $0xA00, $0x38;
	[tilespmem:$0x9060] =	vst v63  }
0x234: {  	_ =	swait.ge [sflag:s22], $0xA00  }
0x235: {  	s20 =	sld [smem:$0x7EB]  }
0x236: {  	[sflag:s22] =	ssyncset.done $0x0  }
0x237: {  	[sflag:s22] =	ssyncadd.s32 $0xFFFFF600  }
0x238: {  	[hbm4b:s20+s2] =	stream.linear.scatter [tilespmem:s28], [sflag:$0x4], $0xA00, $0x38;
	[tilespmem:$0x9060] =	vst v63  }
0x239: {  	_ =	swait.ge [sflag:s22], $0xA00  }
0x23a: {  	s29 =	sld [smem:$0x7F8]  }
0x23b: {  	[sflag:s22] =	ssyncset.done $0x0  }
0x23c: {  	[sflag:s22] =	ssyncadd.s32 $0xFFFFF600  }
0x23d: {  	[tilespmem:s28], [sflag:$0x4] =	stream.linear.gather [spmem:s29], $0xA00, $0x38;
	[tilespmem:$0x9060] =	vst v63  }
0x23e: {  	_ =	swait.ge [sflag:s22], $0xA00  }
0x23f: {  	s21 =	sld [smem:$0x7EC]  }
0x240: {  	[sflag:s22] =	ssyncset.done $0x0  }
0x241: {  	[sflag:s22] =	ssyncadd.s32 $0xFFFFF600  }
0x242: {  	[hbm4b:s21+s2] =	stream.linear.scatter [tilespmem:s28], [sflag:$0x4], $0xA00, $0x38;
	[tilespmem:$0x9060] =	vst v63  }
0x243: {  	_ =	swait.ge [sflag:s22], $0xA00  }
0x244: {  	[sflag:s22] =	ssyncset.done $0x0  }
0x245: {  	[sflag:s22] =	ssyncadd.s32 $0xFFFFF600;
	s22 =	sld [smem:$0x7FA];
	_ =	sdelay $0x1  }
0x246: {  	s24 =	simm.s32 $0x4  }
0x247: {  	[tilespmem:s28], [sflag:$0x4] =	stream.linear.gather [spmem:s22], $0xA00, $0x38;
	[tilespmem:$0x9060] =	vst v63  }
0x248: {  	_ =	swait.ge [sflag:s24], $0xA00  }
0x249: {  	s23 =	sld [smem:$0x7ED]  }
0x24a: {  	[sflag:s24] =	ssyncset.done $0x0  }
0x24b: {  	[sflag:s24] =	ssyncadd.s32 $0xFFFFF600  }
0x24c: {  	[hbm4b:s23+s2] =	stream.linear.scatter [tilespmem:s28], [sflag:$0x4], $0xA00, $0x38;
	[tilespmem:$0x9060] =	vst v63  }
0x24d: {  	_ =	swait.ge [sflag:s24], $0xA00  }
0x24e: {  	s23 =	sld [smem:$0x7FC]  }
0x24f: {  	[sflag:s24] =	ssyncset.done $0x0  }
0x250: {  	s18 =	simm.s32 @!p0 $0x1040;
	s19 =	simm.s32 @!p0 $0x4;
	[sflag:s24] =	ssyncadd.s32 $0xFFFFF600  }
0x251: {  	[tilespmem:s18], [sflag:$0x4] =	stream.linear.gather @!p0 [spmem:s23], $0xA00, $0x38;
	[tilespmem:$0x9060] =	vst v63  }
0x252: {  	_ =	swait.ge @!p0 [sflag:s19], $0xA00  }
0x253: {  	s21 =	sld [smem:$0x7EE]  }
0x254: {  	[sflag:s19] =	ssyncset.done @!p0 $0x0  }
0x255: {  	s20 =	simm.s32 @!p0 $0x0;
	[sflag:s19] =	ssyncadd.s32 @!p0 $0xFFFFF600  }
0x256: {  	[hbm4b:s21+s20] =	stream.linear.scatter @!p0 [tilespmem:s18], [sflag:$0x4], $0xA00, $0x38;
	[tilespmem:$0x9060] =	vst v63  }
0x257: {  	s21 =	sld [smem:$0x7F9];
	_ =	swait.ge @!p0 [sflag:s19], $0xA00  }
0x258: {  	s18 =	sld [smem:$0x7F5];
	_ =	sdelay $0x2  }
0x259: {  	s20 =	smov.u32 s25;
	s25 =	sadd.s32 $0x1, s18;
	s18 =	sld [smem:$0x7F4]  }
0x25a: {  	_ =	sdelay $0x1  }
0x25b: {  	p1 =	sne.s32 s25, s18  }
.Ltmp1:
0x25c: {  	_ = 	snop;
	(pc) =	sbr.rel @p1 .LBB2_1-.Ltmp1, $4  }
0x25d: {  	[sflag:s19] =	ssyncset.done @!p0 $0x0  }
0x25e: {  	[sflag:s19] =	ssyncadd.s32 @!p0 $0xFFFFF600;
	s19 =	sld [smem:$0x7FD]  }
0x25f: {  	[smem:$0x7F5] =	sst s25  }
0x260: {  	s25 =	sld [smem:$0x7F6]  }
0x261: {  	_ =	sfence.sel $0x180000  }
0x262: {  	[bflag:$0x0] =	sbarrier.arrive $0xFFFF  }
0x263: {  	_ =	strace $0x9000004A  }
0x264: {  	s0 =	stileid.u32;
	[bflag:$0x2] =	sbarrier.arrive $0xFFFF  }
0x265: {  	p0 =	sne.s32 s0, $0x0;
	s0 =	rddreg [dreg:$0x2]  }
0x266: {  	s0 =	sadd.s32 @!p0 $0x100000, s0  }
0x267: {  	[sflag:s0] =	ssyncadd.tile.s32 @!p0 $0x1;
	_ =	shalt  }
.Lfunc_end2:
_tile_overlayer_lowered:
.L_overlay_start_2:
0x268: {  	(tag) =	ssettag $0x2  }
0x269: {  	s0 =	rddreg [dreg:$0x0];
	s2 =	stileid.u32  }
0x26a: {  	s1 =	rddreg [dreg:$0x1];
	p0 =	sne.s32 s2, $0x0  }
0x26b: {  	s3 =	rddreg [dreg:$0x2];
	[bflag:$0x3] =	sbarrier.arrive $0xFFFF;
	s2 =	simm.s32 @!p0 $0x1C04  }
0x26c: {  	[timem:s3], [sflag:s2] =	dma.local @!p0 [hbm:s0], s1  }
0x26d: {  	s0 =	simm.s32 @!p0 $0x4  }
0x26e: {  	_ =	swait.ge @!p0 [sflag:s0], s1  }
0x26f: {  	s1 =	ssub.s32 @!p0 $0x0, s1;
	[sflag:s0] =	ssyncset.done @!p0 $0x0  }
0x270: {  	[sflag:s0] =	ssyncadd.s32 @!p0 s1  }
0x271: {  	[bflag:$0x3] =	sbarrier.arrive $0xFFFF  }
0x272: {  	_ =	shalt  }

// kernel: kernel.7.cloned.1.call-start
scs
__scs_entry_jumppad:
0x0: {  	(pc) =	sbr.rel $0x88, $3  }
0x1: {  	(tag) =	ssettag $0x0;
	lr =	simm.s32 $0x1  }
0x2: {  	[smem:$0x3F87] =	sst lr;
	_ =	strace $0xD0000000  }
0x3: {  	_ = 	snop  }
0x4: {  	_ = 	snop  }
0x5: {  	_ = 	snop  }
0x6: {  	_ = 	snop  }
0x7: {  	_ = 	snop  }
__scs_overlays_trampoline_lowered:
0x8: {  	[smem:$0x3F96] =	sst s0  }
0x9: {  	[smem:$0x3F97] =	sst s1  }
0xa: {  	[smem:$0x3F98] =	sst s2  }
0xb: {  	[smem:$0x3F99] =	sst s3  }
0xc: {  	[smem:$0x3F9A] =	sst s4  }
0xd: {  	[smem:$0x3F9B] =	sst s5  }
0xe: {  	[smem:$0x3F9C] =	sst s6  }
0xf: {  	[smem:$0x3F9D] =	sst s7  }
0x10: {  	[smem:$0x3F9E] =	sst s8  }
0x11: {  	[smem:$0x3F9F] =	sst s9;
	s0 =	simm.s32 @!p0 $0x0  }
0x12: {  	s1 =	sld [smem:$0x3F85];
	s0 =	simm.s32 @p0 $0x1  }
0x13: {  	[smem:$0x3FA0] =	sst s0;
	s0 =	simm.s32 @!p1 $0x0  }
0x14: {  	s2 =	sld [smem:$0x3F84];
	s0 =	simm.s32 @p1 $0x1  }
0x15: {  	[smem:$0x3FA1] =	sst s0;
	s0 =	simm.s32 @!p2 $0x0  }
0x16: {  	s3 =	sld [smem:$0x3FDB];
	s0 =	simm.s32 @p2 $0x1  }
0x17: {  	s4 =	simm.s32 $0x1BF5;
	[smem:$0x3FA3] =	sst s0  }
0x18: {  	s0 =	sld [smem:$0x3F86];
	_ =	swait.ge [sflag:s4], $0x0  }
0x19: {  	s7 =	sld [smem:$0x3F87]  }
0x1a: {  	s8 =	sadd.s32 $0xFFFFE003, lr  }
0x1b: {  	s9 =	sadd.s32 $0xFFFFFEF7, lr;
	s5 =	simm.s32 $0xFFFFFFFF;
	p2 =	slt.u32 s8, $0xFFFFF086  }
0x1c: {  	p1 =	slt.u32 s9, $0xF7A;
	s5 =	simm.s32 @!p2 $0x0  }
0x1d: {  	s5 =	simm.s32 @p1 $0x1;
	p0 =	seq.s32 s7, s2  }
0x1e: {  	s7 =	smul.u32 @!p0 $0xF7A, s2;
	p2 =	seq.s32 @!p0 s5, $0x0  }
0x1f: {  	s9 =	smul.u32 $0xF7A, s1;
	s8 =	simm.s32 @!p0 $0x1BF5;
	p2 =	por !p2, p0  }
0x20: {  	[sflag:s8] =	ssyncset.s32 @!p0 $0xFFFFF086;
	s6 =	sadd.s32 @!p0 s3, s7;
	s7 =	simm.s32 @!p0 $0x108  }
0x21: {  	s3 =	sadd.s32 s3, s9;
	s6 =	sadd.s32 @!p0 $0x88, s6;
	s7 =	simm.s32 @p2 $0x1082  }
0x22: {  	[simem:s7], [sflag:s8] =	dma.local @!p0 [hbm:s6], $0xF7A  }
0x23: {  	s9 =	sor.u32 $0xD0000000, s2;
	s6 =	simm.s32 $0x108;
	_ =	swait.ge @!p0 [sflag:s8], $0x0  }
0x24: {  	s3 =	sadd.s32 $0x88, s3;
	s6 =	simm.s32 @!p1 $0x1082;
	[sflag:s4] =	ssyncset.s32 $0xFFFFF086  }
0x25: {  	[simem:s6], [sflag:s4] =	dma.local [hbm:s3], $0xF7A  }
0x26: {  	[smem:$0x3F87] =	sst s1;
	(tag) =	ssettag s2;
	_ =	strace s9  }
0x27: {  	s1 =	sld [smem:$0x3F97]  }
0x28: {  	s2 =	sld [smem:$0x3F98]  }
0x29: {  	s4 =	sld [smem:$0x3F9A]  }
0x2a: {  	p0 =	seq.s32 s5, $0x0;
	s5 =	sld [smem:$0x3F9B]  }
0x2b: {  	s6 =	sld [smem:$0x3F9C]  }
0x2c: {  	s7 =	sld [smem:$0x3F9D]  }
0x2d: {  	s3 =	simm.s32 $0x108;
	s8 =	sld [smem:$0x3F9E]  }
0x2e: {  	s3 =	simm.s32 @!p0 $0x1082;
	s9 =	sld [smem:$0x3F9F]  }
0x2f: {  	lr =	sadd.s32 s0, s3;
	s0 =	sld [smem:$0x3F96]  }
0x30: {  	s3 =	sld [smem:$0x3F99]  }
0x31: {  	[smem:$0x3FA2] =	sst s10  }
0x32: {  	s10 =	sld [smem:$0x3FA0];
	_ =	sdelay $0x3  }
0x33: {  	p0 =	seq.s32 s10, $0x1;
	s10 =	sld [smem:$0x3FA2];
	_ =	sdelay $0x3  }
0x34: {  	[smem:$0x3FA2] =	sst s10  }
0x35: {  	s10 =	sld [smem:$0x3FA1];
	_ =	sdelay $0x3  }
0x36: {  	p1 =	seq.s32 s10, $0x1;
	s10 =	sld [smem:$0x3FA2];
	_ =	sdelay $0x3  }
0x37: {  	[smem:$0x3FA2] =	sst s10  }
0x38: {  	s10 =	sld [smem:$0x3FA3]  }
0x39: {  	_ = 	snop;
	(pc) =	sbr.ind lr, $3  }
0x3a: {  	_ = 	snop  }
0x3b: {  	_ = 	snop  }
0x3c: {  	p2 =	seq.s32 s10, $0x1;
	s10 =	sld [smem:$0x3FA2]  }
0x3d: {  	_ =	shalt  }
0x3e: {  	_ =	shalt  }
0x3f: {  	_ =	shalt  }
0x40: {  	_ =	shalt  }
0x41: {  	_ =	shalt  }
0x42: {  	_ =	shalt  }
0x43: {  	_ =	shalt  }
0x44: {  	_ =	shalt  }
0x45: {  	_ =	shalt  }
0x46: {  	_ =	shalt  }
0x47: {  	_ =	shalt  }
0x48: {  	_ =	shalt  }
0x49: {  	_ =	shalt  }
0x4a: {  	_ =	shalt  }
0x4b: {  	_ =	shalt  }
0x4c: {  	_ =	shalt  }
0x4d: {  	_ =	shalt  }
0x4e: {  	_ =	shalt  }
0x4f: {  	_ =	shalt  }
0x50: {  	_ =	shalt  }
0x51: {  	_ =	shalt  }
0x52: {  	_ =	shalt  }
0x53: {  	_ =	shalt  }
0x54: {  	_ =	shalt  }
0x55: {  	_ =	shalt  }
0x56: {  	_ =	shalt  }
0x57: {  	_ =	shalt  }
0x58: {  	_ =	shalt  }
0x59: {  	_ =	shalt  }
0x5a: {  	_ =	shalt  }
0x5b: {  	_ =	shalt  }
0x5c: {  	_ =	shalt  }
0x5d: {  	_ =	shalt  }
0x5e: {  	_ =	shalt  }
0x5f: {  	_ =	shalt  }
0x60: {  	_ =	shalt  }
0x61: {  	_ =	shalt  }
0x62: {  	_ =	shalt  }
0x63: {  	_ =	shalt  }
0x64: {  	_ =	shalt  }
0x65: {  	_ =	shalt  }
0x66: {  	_ =	shalt  }
0x67: {  	_ =	shalt  }
0x68: {  	_ =	shalt  }
0x69: {  	_ =	shalt  }
0x6a: {  	_ =	shalt  }
0x6b: {  	_ =	shalt  }
0x6c: {  	_ =	shalt  }
0x6d: {  	_ =	shalt  }
0x6e: {  	_ =	shalt  }
0x6f: {  	_ =	shalt  }
0x70: {  	_ =	shalt  }
0x71: {  	_ =	shalt  }
0x72: {  	_ =	shalt  }
0x73: {  	_ =	shalt  }
0x74: {  	_ =	shalt  }
0x75: {  	_ =	shalt  }
0x76: {  	_ =	shalt  }
0x77: {  	_ =	shalt  }
0x78: {  	_ =	shalt  }
0x79: {  	_ =	shalt  }
0x7a: {  	_ =	shalt  }
0x7b: {  	_ =	shalt  }
0x7c: {  	_ =	shalt  }
0x7d: {  	_ =	shalt  }
0x7e: {  	_ =	shalt  }
0x7f: {  	_ =	shalt  }
0x80: {  	_ =	shalt  }
0x81: {  	_ =	shalt  }
0x82: {  	_ =	shalt  }
0x83: {  	_ =	shalt  }
0x84: {  	_ =	shalt  }
0x85: {  	_ =	shalt  }
0x86: {  	_ =	shalt  }
0x87: {  	_ =	shalt  }
.Lfunc_end0:
.L_simem_size_0:
called_computation_lowered:
.L_overlay_start_0:
0x88: {  	s2 =	sld [smem:$0x3FD9]  }
0x89: {  	s3 =	sld [smem:$0x3FFE];
	_ =	sdelay $0x1  }
0x8a: {  	s1 =	srdreg.scid  }
0x8b: {  	s0 =	sand.u32 $0x1, s1  }
0x8c: {  	s16 =	sshll.u32 s0, $0xA;
	s2 =	sadd.s32 s3, s2  }
0x8d: {  	s2 =	sadd.s32 s2, s16  }
0x8e: {  	[smem:$0x3FAE] =	sst s2  }
0x8f: {  	_ = 	snop  }
0x90: {  	(tm) =	ssettm $0x1  }
0x91: {  	s17 =	sld [smem:$0x3FFB];
	_ =	sdelay $0x3  }
0x92: {  	_ =	strace s17  }
0x93: {  	s2 =	sld [smem:$0x3FFC];
	_ =	sdelay $0x3  }
0x94: {  	_ =	strace s2  }
0x95: {  	s2 =	sld [smem:$0x3FFD];
	_ =	sdelay $0x3  }
0x96: {  	_ =	strace s2  }
0x97: {  	_ =	strace $0x8FFFFFFF  }
0x98: {  	s18 =	sld [smem:$0x3FDB];
	_ =	sdelay $0x1  }
0x99: {  	s19 =	simm.s32 $_scs_section_size  }
0x9a: {  	s4 =	simm.s32 $_size__tile_overlayer_lowered;
	s5 =	simm.s32 $_tile_overlayer_lowered  }
0x9b: {  	s22 =	simm.s32 $0x1BFF;
	s21 =	sshll.u32 s5, $0x1;
	s2 =	sadd.s32 s19, s18  }
0x9c: {  	s6 =	simm.s32 $0x0;
	s20 =	sshll.u32 s4, $0x1;
	s4 =	sadd.s32 s21, s2  }
0x9d: {  	[timem:s6], [sflag:s22] =	dma.local [hbm:s4], s20  }
0x9e: {  	_ =	swait.ge [sflag:s22], s20  }
0x9f: {  	s3 =	ssub.s32 $0x0, s20;
	[sflag:s22] =	ssyncset.done $0x0  }
0xa0: {  	[sflag:s22] =	ssyncadd.s32 s3;
	_ =	sdelay $0x1  }
0xa1: {  	s23 =	simm.s32 $0x1B8B  }
0xa2: {  	_ =	swait.ge [sflag:s23], $0x1  }
0xa3: {  	[sflag:s23] =	ssyncset.done $0x0  }
0xa4: {  	s25 =	simm.s32 $0x1B8E;
	s24 =	sld [smem:$0x3FFE];
	[sflag:s23] =	ssyncadd.s32 $0xFFFFFFFF  }
0xa5: {  	s26 =	simm.s32 $execute0_lowered;
	[smem:$0x3FD2] =	sst s25  }
0xa6: {  	s4 =	sshll.u32 s26, $0x1;
	_ =	strace $0x80000046;
	[dreg:$0x1] =	wrdreg $0xFFFFFFFF  }
0xa7: {  	s28 =	simm.s32 $_size_execute0_lowered;
	s2 =	sadd.s32 s2, s4;
	[dreg:$0x0] =	wrdreg $0x0  }
0xa8: {  	s4 =	sshll.u32 s28, $0x1;
	[dreg:$0x2] =	wrdreg s2  }
0xa9: {  	[dreg:$0x3] =	wrdreg s4  }
0xaa: {  	[dreg:$0x4] =	wrdreg $0xC0  }
0xab: {  	_ =	task [dreg:s6], $0x5FFFF  }
0xac: {  	[dreg:$0x1] =	wrdreg $0xFFFFFFFF  }
0xad: {  	[dreg:$0x0] =	wrdreg $0x60  }
0xae: {  	[dreg:$0x2] =	wrdreg s24  }
0xaf: {  	[dreg:$0x3] =	wrdreg $0x67C00  }
0xb0: {  	[dreg:$0x4] =	wrdreg $0x9  }
0xb1: {  	_ =	task.clear_ibuf [dreg:s6], $0x5FFFF;
	_ =	strace $0x90000046  }
0xb2: {  	s29 =	simm.s32 $0x9;
	_ =	strace $0x80000048  }
0xb3: {  	_ =	swait.ge [sflag:s29], $0x1  }
0xb4: {  	[sflag:s29] =	ssyncadd.s32 $0xFFFFFFFF  }
0xb5: {  	_ =	strace $0x90000048  }
0xb6: {  	_ =	sfence  }
0xb7: {  	s30 =	sld [smem:$0x0];
	_ =	sdelay $0x2  }
0xb8: {  	s31 =	sshll.u32 s1, $0xD;
	s1 =	sshrl.u32 s1, $0x2  }
0xb9: {  	s3 =	sand.u32 $0x4000, s31;
	s1 =	sadd.s32 s1, s30  }
0xba: {  	s0 =	sor.u32 s3, s0;
	s1 =	sshll.u32 s1, $0x11  }
0xbb: {  	s0 =	sor.u32 s1, s0  }
0xbc: {  	s0 =	sadd.s32 $0x8F2B, s0  }
0xbd: {  	[sflag:s0] =	ssyncadd.remote.s32 $0x1  }
0xbe: {  	_ =	sfence.sel $0xFFFF  }
0xbf: {  	[dreg:$0x0] =	wrdreg $0xFFFFFFFF;
	(pc) =	sbr.abs _section_cstart, $3  }
0xc0: {  	[dreg:$0x1] =	wrdreg $0xFFFFFFFF  }
0xc1: {  	_ =	task.clear_ibuf [dreg:s6], $0x2FFFF;
	_ =	strace $0x9FFFFFFF  }
0xc2: {  	(tm) =	ssettm $0x7FFFFFFF  }
0xc3: {  	_ =	shalt  }
tec
execute0_lowered:
.L_overlay_start_1:
0x0: {  	(tag) =	ssettag $0x1  }
0x1: {  	s26 =	stileid.u32  }
0x2: {  	s1 =	smul.u32 $0xA28, s26  }
0x3: {  	s0 =	srdreg.scid;
	s7 =	smul.u32 $0x4600, s26  }
0x4: {  	s6 =	sand.u32 $0x1, s0;
	s17 =	smul.u32 $0x50, s26  }
0x5: {  	s8 =	sor.u32 $0x10, s26;
	s0 =	smul.u32 $0x11170, s6  }
0x6: {  	s10 =	sor.u32 $0x20, s26;
	s9 =	smul.u32 $0x4600, s8  }
0x7: {  	s12 =	sor.u32 $0x30, s26;
	s11 =	smul.u32 $0x4600, s10  }
0x8: {  	s14 =	sor.u32 $0x40, s26;
	s13 =	smul.u32 $0x4600, s12  }
0x9: {  	s15 =	smul.u32 $0x4600, s14  }
0xa: {  	s4 =	rddreg [dreg:$0x0];
	s18 =	ssub.s32 $0x2, s6;
	s6 =	smul.u32 $0x2710, s6  }
0xb: {  	s2 =	rddreg [dreg:$0x1];
	s3 =	simm.s32 $0x0;
	s21 =	smul.u32 $0x50, s10  }
0xc: {  	[smem:$0x7FF] =	sst s3;
	s5 =	sadd.s32 $0x3A800, s4;
	s22 =	smul.u32 $0x50, s12  }
0xd: {  	s25 =	sor.u32 $0x50, s26;
	_ =	strace $0x80000047;
	s14 =	smul.u32 $0x50, s14  }
0xe: {  	[smem:$0x7EA] =	sst s5;
	s5 =	sadd.s32 $0x3AC00, s4;
	s24 =	smul.u32 $0x50, s25  }
0xf: {  	s10 =	simm.s32 $0x4E0;
	s1 =	sadd.s32 s1, s4;
	s16 =	sshrl.u32 s18, $0x1  }
0x10: {  	s7 =	sshrl.u32 s7, $0x2;
	[dreg:$0x9] =	wrdreg s10;
	s10 =	simm.s32 $0x5B0  }
0x11: {  	s0 =	sadd.s32 s0, s4;
	s4 =	ssub.s32 s18, s16;
	s18 =	sadd.s32 s7, s2  }
0x12: {  	s16 =	smul.u32 $0x50, s8;
	s19 =	sshrl.u32 s9, $0x2;
	s20 =	sshrl.u32 s11, $0x2  }
0x13: {  	s23 =	sshrl.u32 s13, $0x2;
	s17 =	sadd.s32 s17, s6;
	s21 =	sadd.s32 s6, s21  }
0x14: {  	s22 =	sadd.s32 s6, s22;
	s11 =	simm.s32 $0x68;
	[dreg:$0xd] =	wrdreg s10  }
0x15: {  	s7 =	sadd.s32 s19, s2;
	s8 =	sadd.s32 s20, s2;
	s12 =	smov.u32 s18  }
0x16: {  	s18 =	sor.u32 $0x60, s26;
	s19 =	sor.u32 $0x70, s26;
	[dreg:$0x3] =	wrdreg s11  }
0x17: {  	s11 =	simm.s32 $0x138;
	s17 =	smul.u32 $0x7, s17;
	[smem:$0x7EB] =	sst s8  }
0x18: {  	s10 =	smul.u32 $0x7, s21;
	s21 =	simm.s32 $0x888;
	[dreg:$0x5] =	wrdreg s11  }
0x19: {  	s8 =	sadd.s32 s23, s2;
	s20 =	smul.u32 $0x50, s18;
	[dreg:$0x15] =	wrdreg s21  }
0x1a: {  	s23 =	sadd.s32 s6, s14;
	s18 =	smul.u32 $0x4600, s18;
	[smem:$0x7F9] =	sst s7  }
0x1b: {  	s14 =	sadd.s32 s6, s24;
	[smem:$0x7EC] =	sst s8;
	s8 =	smul.u32 $0x50, s19  }
0x1c: {  	s24 =	simm.s32 $0xD0;
	[smem:$0x7FD] =	sst s12;
	s19 =	smul.u32 $0x4600, s19  }
0x1d: {  	s16 =	sadd.s32 s6, s16;
	[dreg:$0x4] =	wrdreg s24;
	s14 =	smul.u32 $0x7, s14  }
0x1e: {  	s13 =	sadd.s32 s6, s20;
	s20 =	sshrl.u32 s15, $0x2;
	s15 =	simm.s32 $0x548  }
0x1f: {  	s11 =	sshrl.u32 s18, $0x2;
	s18 =	sadd.s32 s5, s17;
	[dreg:$0xa] =	wrdreg s15  }
0x20: {  	s17 =	simm.s32 $0x750;
	s6 =	sadd.s32 s6, s8;
	[smem:$0x7ED] =	sst s18  }
0x21: {  	s9 =	sadd.s32 s20, s2;
	s20 =	simm.s32 $0x478;
	[dreg:$0x13] =	wrdreg s17  }
0x22: {  	s8 =	smul.u32 $0x4600, s25;
	s25 =	simm.s32 $0x1A0;
	[dreg:$0x6] =	wrdreg s20  }
0x23: {  	s15 =	sshrl.u32 s19, $0x2;
	s19 =	simm.s32 $0x618;
	[dreg:$0x7] =	wrdreg s25  }
0x24: {  	s17 =	simm.s32 $0x958;
	[dreg:$0xe] =	wrdreg s19  }
0x25: {  	s21 =	sadd.s32 s5, s14;
	[dreg:$0x17] =	wrdreg s17  }
0x26: {  	[smem:$0x7F2] =	sst s21  }
0x27: {  	s20 =	simm.s32 $0x270;
	[smem:$0x7F8] =	sst s9  }
0x28: {  	s25 =	simm.s32 $0x2D8;
	[dreg:$0xb] =	wrdreg s20  }
0x29: {  	s19 =	simm.s32 $0x680;
	[dreg:$0xc] =	wrdreg s25  }
0x2a: {  	s28 =	simm.s32 $0x410;
	s17 =	simm.s32 $0xAF8;
	[dreg:$0x11] =	wrdreg s19  }
0x2b: {  	s24 =	sshrl.u32 s8, $0x2;
	s8 =	simm.s32 $0x208;
	[dreg:$0x1e] =	wrdreg s17  }
0x2c: {  	s29 =	simm.s32 $0x3;
	s20 =	simm.s32 $0x340;
	[dreg:$0x8] =	wrdreg s8  }
0x2d: {  	s18 =	smul.u32 $0x7, s22;
	s25 =	simm.s32 $0x3A8;
	[dreg:$0xf] =	wrdreg s20  }
0x2e: {  	s30 =	simm.s32 $0x820;
	s19 =	simm.s32 $0x7B8;
	[dreg:$0x10] =	wrdreg s25  }
0x2f: {  	s16 =	smul.u32 $0x7, s16;
	s22 =	sadd.s32 s5, s18;
	[dreg:$0x14] =	wrdreg s19  }
0x30: {  	s31 =	simm.s32 $0xC30;
	s18 =	simm.s32 $0xC98;
	[smem:$0x7F0] =	sst s22  }
0x31: {  	p0 =	sgt.u32 s26, $0xC;
	s20 =	sadd.s32 s5, s16;
	[dreg:$0x18] =	wrdreg s18  }
0x32: {  	s13 =	smul.u32 $0x7, s13;
	s25 =	simm.s32 $0x6E8;
	[smem:$0x7EE] =	sst s20  }
0x33: {  	s8 =	sadd.s32 s11, s2;
	s22 =	simm.s32 $0xA28;
	[dreg:$0x12] =	wrdreg s25  }
0x34: {  	s11 =	sadd.s32 s15, s2;
	s15 =	sadd.s32 s5, s13;
	[dreg:$0x1a] =	wrdreg s22  }
0x35: {  	s26 =	simm.s32 $0x4;
	s16 =	simm.s32 $0xA90;
	[smem:$0x7F3] =	sst s15  }
0x36: {  	s14 =	simm.s32 $0x1;
	s18 =	simm.s32 $0xDD0;
	[dreg:$0x1d] =	wrdreg s16  }
0x37: {  	s6 =	smul.u32 $0x7, s6;
	s24 =	sadd.s32 s24, s2;
	[dreg:$0x1f] =	wrdreg s18  }
0x38: {  	s21 =	sadd.s32 $0xE000, s1;
	s17 =	simm.s32 $0xEA0;
	[smem:$0x7FA] =	sst s24  }
0x39: {  	s13 =	simm.s32 $0x51E0;
	s20 =	sadd.s32 s5, s10;
	[smem:$0x7FB] =	sst s8  }
0x3a: {  	s25 =	simm.s32 $0x8F0;
	s10 =	smul.u32 $0x7, s23;
	[smem:$0x7FC] =	sst s11  }
0x3b: {  	s23 =	simm.s32 $0xD00;
	s22 =	sadd.s32 $0x3C00, s1;
	[smem:$0x7EF] =	sst s20  }
0x3c: {  	s1 =	simm.s32 $0x2620;
	s15 =	simm.s32 $0x2;
	[dreg:$0x16] =	wrdreg s25  }
0x3d: {  	s16 =	simm.s32 $0xBC8;
	s20 =	simm.s32 $0x9C0;
	[dreg:$0x1b] =	wrdreg s23  }
0x3e: {  	s18 =	simm.s32 $0xF08;
	s25 =	simm.s32 $0xD68;
	[dreg:$0x19] =	wrdreg s20  }
0x3f: {  	s23 =	sadd.s32 $0x18400, s0;
	s19 =	sadd.s32 s5, s10;
	[dreg:$0x1c] =	wrdreg s25  }
0x40: {  	s0 =	simm.s32 $0x64;
	s5 =	sadd.s32 s5, s6;
	[smem:$0x7F1] =	sst s19  }
0x41: {  	s20 =	simm.s32 $0xB60;
	s25 =	smax.u32 s4, $0x1;
	[smem:$0x7F4] =	sst s5  }
0x42: {  	s4 =	simm.s32 $0x3C00;
	s10 =	simm.s32 $0x0;
	[smem:$0x7F6] =	sst s25  }
0x43: {  	s19 =	simm.s32 $0xE38;
	[smem:$0x7F7] =	sst s20;
	s25 =	simm.s32 $0x1040  }
0x44: {  	s20 =	simm.s32 $0xFD8;
	[smem:$0x7F5] =	sst s19;
	s19 =	simm.s32 $0xF70  }
.LBB2_1:
0x45: {  	s5 =	sld [smem:$0x7EA];
	_ =	sdelay $0x1  }
0x46: {  	[smem:$0x7E9] =	sst s10  }
0x47: {  	[tilespmem:s25], [sflag:$0x4] =	stream.linear.gather [hbm4b:s5+s3], $0x1180, $0x38;
	[tilespmem:$0xF078] =	vst v63  }
0x48: {  	_ =	swait.ge [sflag:s26], $0x1180  }
0x49: {  	[sflag:s26] =	ssyncset.done $0x0  }
0x4a: {  	[sflag:s26] =	ssyncadd.s32 $0xFFFFEE80  }
0x4b: {  	[spmem:s12] =	stream.linear.scatter [tilespmem:s25], [sflag:$0x4], $0x1180, $0x38;
	[tilespmem:$0xF078] =	vst v63  }
0x4c: {  	_ =	swait.ge [sflag:s26], $0x1180  }
0x4d: {  	[sflag:s26] =	ssyncset.done $0x0  }
0x4e: {  	[sflag:s26] =	ssyncadd.s32 $0xFFFFEE80  }
0x4f: {  	[spmem:s7] =	stream.linear.scatter [tilespmem:s25], [sflag:$0x4], $0x1180, $0x38;
	[tilespmem:$0xF078] =	vst v63  }
0x50: {  	_ =	swait.ge [sflag:s26], $0x1180  }
0x51: {  	s7 =	sld [smem:$0x7EB]  }
0x52: {  	[sflag:s26] =	ssyncset.done $0x0  }
0x53: {  	[sflag:s26] =	ssyncadd.s32 $0xFFFFEE80  }
0x54: {  	[spmem:s7] =	stream.linear.scatter [tilespmem:s25], [sflag:$0x4], $0x1180, $0x38;
	[tilespmem:$0xF078] =	vst v63  }
0x55: {  	_ =	swait.ge [sflag:s26], $0x1180  }
0x56: {  	s10 =	smov.u32 s12;
	s12 =	sld [smem:$0x7EC]  }
0x57: {  	[sflag:s26] =	ssyncset.done $0x0  }
0x58: {  	[sflag:s26] =	ssyncadd.s32 $0xFFFFEE80  }
0x59: {  	[spmem:s12] =	stream.linear.scatter [tilespmem:s25], [sflag:$0x4], $0x1180, $0x38;
	[tilespmem:$0xF078] =	vst v63  }
0x5a: {  	_ =	swait.ge [sflag:s26], $0x1180  }
0x5b: {  	[sflag:s26] =	ssyncset.done $0x0  }
0x5c: {  	[sflag:s26] =	ssyncadd.s32 $0xFFFFEE80  }
0x5d: {  	[spmem:s9] =	stream.linear.scatter [tilespmem:s25], [sflag:$0x4], $0x1180, $0x38;
	[tilespmem:$0xF078] =	vst v63  }
0x5e: {  	_ =	swait.ge [sflag:s26], $0x1180  }
0x5f: {  	[sflag:s26] =	ssyncset.done $0x0  }
0x60: {  	[sflag:s26] =	ssyncadd.s32 $0xFFFFEE80  }
0x61: {  	[spmem:s24] =	stream.linear.scatter [tilespmem:s25], [sflag:$0x4], $0x1180, $0x38;
	[tilespmem:$0xF078] =	vst v63  }
0x62: {  	_ =	swait.ge [sflag:s26], $0x1180  }
0x63: {  	[sflag:s26] =	ssyncset.done $0x0  }
0x64: {  	[sflag:s26] =	ssyncadd.s32 $0xFFFFEE80  }
0x65: {  	[spmem:s8] =	stream.linear.scatter [tilespmem:s25], [sflag:$0x4], $0x1180, $0x38;
	[tilespmem:$0xF078] =	vst v63  }
0x66: {  	_ =	swait.ge [sflag:s26], $0x1180  }
0x67: {  	[sflag:s26] =	ssyncset.done $0x0  }
0x68: {  	s5 =	simm.s32 @!p0 $0x1040;
	[sflag:s26] =	ssyncadd.s32 $0xFFFFEE80  }
0x69: {  	[spmem:s11] =	stream.linear.scatter @!p0 [tilespmem:s5], [sflag:$0x4], $0x1180, $0x38;
	[tilespmem:$0xF078] =	vst v63  }
0x6a: {  	s5 =	simm.s32 @!p0 $0x4  }
0x6b: {  	_ =	swait.ge @!p0 [sflag:s5], $0x1180  }
0x6c: {  	[sflag:s5] =	ssyncset.done @!p0 $0x0  }
0x6d: {  	[sflag:s5] =	ssyncadd.s32 @!p0 $0xFFFFEE80  }
0x6e: {  	[bflag:$0x0] =	sbarrier.arrive $0xFFFF  }
0x6f: {  	[tilespmem:s3], [sflag:$0x3] =	stream.linear.gather [hbm4b:s21+s3], $0x410, $0x38;
	[tilespmem:$0xF078] =	vst v63  }
0x70: {  	_ = 	snop  }
0x71: {  	[tilespmem:s28], [sflag:$0x3] =	stream.linear.gather [hbm4b:s22+s3], $0x410, $0x38;
	[tilespmem:$0xF078] =	vst v63  }
0x72: {  	_ =	swait.ge [sflag:s29], $0x410  }
0x73: {  	[sflag:s29] =	ssyncset.done $0x0  }
0x74: {  	[sflag:s29] =	ssyncadd.s32 $0xFFFFFBF0  }
0x75: {  	_ =	swait.ge [sflag:s29], $0x410  }
0x76: {  	s24 =	sadd.s32 $0x0, s21;
	[sflag:s29] =	ssyncset.done $0x0  }
0x77: {  	s6 =	sadd.s32 $0x0, s22;
	s5 =	sadd.s32 $0x82, s24;
	[sflag:s29] =	ssyncadd.s32 $0xFFFFFBF0  }
0x78: {  	[tilespmem:s30], [sflag:$0x3] =	stream.linear.gather [hbm4b:s5+s3], $0x410, $0x38;
	[tilespmem:$0xF078] =	vst v63  }
0x79: {  	s6 =	sadd.s32 $0x82, s6  }
0x7a: {  	[tilespmem:s31], [sflag:$0x3] =	stream.linear.gather [hbm4b:s6+s3], $0x410, $0x38;
	[tilespmem:$0xF078] =	vst v63  }
0x7b: {  	_ = 	snop  }
0x7c: {  	[tilespmem:s25], [sflag:$0x1] =	stream.indirect.gather [hbm4b:s23+s0], $0x38, s3, s0, $0xb8;
	[tilespmem:$0xF078] =	vst v63  }
0x7d: {  	s7 =	rddreg [dreg:$0x3]  }
0x7e: {  	[tilespmem:s1], [sflag:$0x1] =	stream.indirect.gather [hbm4b:s23+s0], $0x38, s7, s0, $0xb8;
	[tilespmem:$0xF078] =	vst v63  }
0x7f: {  	s8 =	rddreg [dreg:$0x4]  }
0x80: {  	[tilespmem:s4], [sflag:$0x1] =	stream.indirect.gather [hbm4b:s23+s0], $0x38, s8, s0, $0xb8;
	[tilespmem:$0xF078] =	vst v63  }
0x81: {  	s9 =	rddreg [dreg:$0x5]  }
0x82: {  	[tilespmem:s13], [sflag:$0x1] =	stream.indirect.gather [hbm4b:s23+s0], $0x38, s9, s0, $0xb8;
	[tilespmem:$0xF078] =	vst v63  }
0x83: {  	_ =	swait.ge [sflag:s14], $0x15E0  }
0x84: {  	[sflag:s14] =	ssyncset.done $0x0  }
0x85: {  	[sflag:s14] =	ssyncadd.s32 $0xFFFFEA20  }
0x86: {  	_ =	swait.ge [sflag:s14], $0x15E0  }
0x87: {  	[sflag:s14] =	ssyncset.done $0x0  }
0x88: {  	[sflag:s14] =	ssyncadd.s32 $0xFFFFEA20  }
0x89: {  	[spmem:s2] =	stream.indirect.scatter.add.f32 [tilespmem:s25], [sflag:$0x2], $0x38, s28, s0, $0xb8;
	[tilespmem:$0xF078] =	vst v63  }
0x8a: {  	s11 =	rddreg [dreg:$0x6]  }
0x8b: {  	[spmem:s2] =	stream.indirect.scatter.add.f32 [tilespmem:s1], [sflag:$0x2], $0x38, s11, s0, $0xb8;
	[tilespmem:$0xF078] =	vst v63  }
0x8c: {  	s12 =	rddreg [dreg:$0x7]  }
0x8d: {  	[tilespmem:s25], [sflag:$0x1] =	stream.indirect.gather [hbm4b:s23+s0], $0x38, s12, s0, $0xb8;
	[tilespmem:$0xF078] =	vst v63  }
0x8e: {  	s24 =	rddreg [dreg:$0x8]  }
0x8f: {  	[tilespmem:s1], [sflag:$0x1] =	stream.indirect.gather [hbm4b:s23+s0], $0x38, s24, s0, $0xb8;
	[tilespmem:$0xF078] =	vst v63  }
0x90: {  	_ =	swait.ge [sflag:s14], $0x15E0  }
0x91: {  	[sflag:s14] =	ssyncset.done $0x0  }
0x92: {  	[sflag:s14] =	ssyncadd.s32 $0xFFFFEA20  }
0x93: {  	_ =	swait.ge [sflag:s14], $0x15E0  }
0x94: {  	[sflag:s14] =	ssyncset.done $0x0  }
0x95: {  	s7 =	rddreg [dreg:$0x9];
	[sflag:s14] =	ssyncadd.s32 $0xFFFFEA20  }
0x96: {  	[spmem:s2] =	stream.indirect.scatter.add.f32 [tilespmem:s4], [sflag:$0x2], $0x38, s7, s0, $0xb8;
	[tilespmem:$0xF078] =	vst v63  }
0x97: {  	s8 =	rddreg [dreg:$0xa]  }
0x98: {  	[spmem:s2] =	stream.indirect.scatter.add.f32 [tilespmem:s13], [sflag:$0x2], $0x38, s8, s0, $0xb8;
	[tilespmem:$0xF078] =	vst v63  }
0x99: {  	_ =	swait.ge [sflag:s15], $0x15E0  }
0x9a: {  	[sflag:s15] =	ssyncset.done $0x0  }
0x9b: {  	[sflag:s15] =	ssyncadd.s32 $0xFFFFEA20  }
0x9c: {  	_ =	swait.ge [sflag:s15], $0x15E0  }
0x9d: {  	[sflag:s15] =	ssyncset.done $0x0  }
0x9e: {  	s9 =	rddreg [dreg:$0xb];
	[sflag:s15] =	ssyncadd.s32 $0xFFFFEA20  }
0x9f: {  	[tilespmem:s4], [sflag:$0x1] =	stream.indirect.gather [hbm4b:s23+s0], $0x38, s9, s0, $0xb8;
	[tilespmem:$0xF078] =	vst v63  }
0xa0: {  	s11 =	rddreg [dreg:$0xc]  }
0xa1: {  	[tilespmem:s13], [sflag:$0x1] =	stream.indirect.gather [hbm4b:s23+s0], $0x38, s11, s0, $0xb8;
	[tilespmem:$0xF078] =	vst v63  }
0xa2: {  	_ =	swait.ge [sflag:s14], $0x15E0  }
0xa3: {  	[sflag:s14] =	ssyncset.done $0x0  }
0xa4: {  	[sflag:s14] =	ssyncadd.s32 $0xFFFFEA20  }
0xa5: {  	_ =	swait.ge [sflag:s14], $0x15E0  }
0xa6: {  	[sflag:s14] =	ssyncset.done $0x0  }
0xa7: {  	s12 =	rddreg [dreg:$0xd];
	[sflag:s14] =	ssyncadd.s32 $0xFFFFEA20  }
0xa8: {  	[spmem:s2] =	stream.indirect.scatter.add.f32 [tilespmem:s25], [sflag:$0x2], $0x38, s12, s0, $0xb8;
	[tilespmem:$0xF078] =	vst v63  }
0xa9: {  	s24 =	rddreg [dreg:$0xe]  }
0xaa: {  	[spmem:s2] =	stream.indirect.scatter.add.f32 [tilespmem:s1], [sflag:$0x2], $0x38, s24, s0, $0xb8;
	[tilespmem:$0xF078] =	vst v63  }
0xab: {  	_ =	swait.ge [sflag:s15], $0x15E0  }
0xac: {  	[sflag:s15] =	ssyncset.done $0x0  }
0xad: {  	[sflag:s15] =	ssyncadd.s32 $0xFFFFEA20  }
0xae: {  	_ =	swait.ge [sflag:s15], $0x15E0  }
0xaf: {  	[sflag:s15] =	ssyncset.done $0x0  }
0xb0: {  	s7 =	rddreg [dreg:$0xf];
	[sflag:s15] =	ssyncadd.s32 $0xFFFFEA20  }
0xb1: {  	[tilespmem:s25], [sflag:$0x1] =	stream.indirect.gather [hbm4b:s23+s0], $0x38, s7, s0, $0xb8;
	[tilespmem:$0xF078] =	vst v63  }
0xb2: {  	s8 =	rddreg [dreg:$0x10]  }
0xb3: {  	[tilespmem:s1], [sflag:$0x1] =	stream.indirect.gather [hbm4b:s23+s0], $0x38, s8, s0, $0xb8;
	[tilespmem:$0xF078] =	vst v63  }
0xb4: {  	_ =	swait.ge [sflag:s14], $0x15E0  }
0xb5: {  	[sflag:s14] =	ssyncset.done $0x0  }
0xb6: {  	[sflag:s14] =	ssyncadd.s32 $0xFFFFEA20  }
0xb7: {  	_ =	swait.ge [sflag:s14], $0x15E0  }
0xb8: {  	[sflag:s14] =	ssyncset.done $0x0  }
0xb9: {  	s9 =	rddreg [dreg:$0x11];
	[sflag:s14] =	ssyncadd.s32 $0xFFFFEA20  }
0xba: {  	[spmem:s2] =	stream.indirect.scatter.add.f32 [tilespmem:s4], [sflag:$0x2], $0x38, s9, s0, $0xb8;
	[tilespmem:$0xF078] =	vst v63  }
0xbb: {  	s11 =	rddreg [dreg:$0x12]  }
0xbc: {  	[spmem:s2] =	stream.indirect.scatter.add.f32 [tilespmem:s13], [sflag:$0x2], $0x38, s11, s0, $0xb8;
	[tilespmem:$0xF078] =	vst v63  }
0xbd: {  	_ =	swait.ge [sflag:s15], $0x15E0  }
0xbe: {  	[sflag:s15] =	ssyncset.done $0x0  }
0xbf: {  	[sflag:s15] =	ssyncadd.s32 $0xFFFFEA20  }
0xc0: {  	_ =	swait.ge [sflag:s15], $0x15E0  }
0xc1: {  	[sflag:s15] =	ssyncset.done $0x0  }
0xc2: {  	[sflag:s15] =	ssyncadd.s32 $0xFFFFEA20  }
0xc3: {  	_ =	swait.ge [sflag:s14], $0x15E0  }
0xc4: {  	[sflag:s14] =	ssyncset.done $0x0  }
0xc5: {  	[sflag:s14] =	ssyncadd.s32 $0xFFFFEA20  }
0xc6: {  	_ =	swait.ge [sflag:s14], $0x15E0  }
0xc7: {  	[sflag:s14] =	ssyncset.done $0x0  }
0xc8: {  	s12 =	rddreg [dreg:$0x13];
	[sflag:s14] =	ssyncadd.s32 $0xFFFFEA20  }
0xc9: {  	[spmem:s2] =	stream.indirect.scatter.add.f32 [tilespmem:s25], [sflag:$0x2], $0x38, s12, s0, $0xb8;
	[tilespmem:$0xF078] =	vst v63  }
0xca: {  	s24 =	rddreg [dreg:$0x14]  }
0xcb: {  	[spmem:s2] =	stream.indirect.scatter.add.f32 [tilespmem:s1], [sflag:$0x2], $0x38, s24, s0, $0xb8;
	[tilespmem:$0xF078] =	vst v63  }
0xcc: {  	_ =	swait.ge [sflag:s15], $0x15E0  }
0xcd: {  	[sflag:s15] =	ssyncset.done $0x0  }
0xce: {  	[sflag:s15] =	ssyncadd.s32 $0xFFFFEA20  }
0xcf: {  	_ =	swait.ge [sflag:s15], $0x15E0  }
0xd0: {  	[sflag:s15] =	ssyncset.done $0x0  }
0xd1: {  	[sflag:s15] =	ssyncadd.s32 $0xFFFFEA20  }
0xd2: {  	_ =	swait.ge [sflag:s15], $0x15E0  }
0xd3: {  	[sflag:s15] =	ssyncset.done $0x0  }
0xd4: {  	[sflag:s15] =	ssyncadd.s32 $0xFFFFEA20  }
0xd5: {  	_ =	swait.ge [sflag:s15], $0x15E0  }
0xd6: {  	[sflag:s15] =	ssyncset.done $0x0  }
0xd7: {  	[sflag:s15] =	ssyncadd.s32 $0xFFFFEA20  }
0xd8: {  	_ =	swait.ge [sflag:s29], $0x410  }
0xd9: {  	[sflag:s29] =	ssyncset.done $0x0  }
0xda: {  	p1 =	por $0x0, $0x0;
	[sflag:s29] =	ssyncadd.s32 $0xFFFFFBF0  }
0xdb: {  	s5 =	sadd.s32 @!p1 $0x0, s21;
	_ =	swait.ge [sflag:s29], $0x410  }
0xdc: {  	s5 =	sadd.s32 @!p1 $0x104, s5;
	[sflag:s29] =	ssyncset.done $0x0  }
0xdd: {  	s6 =	sadd.s32 @!p1 $0x0, s22;
	s7 =	simm.s32 @!p1 $0x0;
	[sflag:s29] =	ssyncadd.s32 $0xFFFFFBF0  }
0xde: {  	[tilespmem:s7], [sflag:$0x3] =	stream.linear.gather @!p1 [hbm4b:s5+s7], $0x410, $0x38;
	[tilespmem:$0xF078] =	vst v63  }
0xdf: {  	s5 =	sadd.s32 @!p1 $0x104, s6;
	s6 =	simm.s32 @!p1 $0x410  }
0xe0: {  	[tilespmem:s6], [sflag:$0x3] =	stream.linear.gather @!p1 [hbm4b:s5+s7], $0x410, $0x38;
	[tilespmem:$0xF078] =	vst v63  }
0xe1: {  	_ = 	snop  }
0xe2: {  	[tilespmem:s25], [sflag:$0x1] =	stream.indirect.gather [hbm4b:s23+s0], $0x38, s30, s0, $0xb8;
	[tilespmem:$0xF078] =	vst v63  }
0xe3: {  	s7 =	rddreg [dreg:$0x15]  }
0xe4: {  	[tilespmem:s1], [sflag:$0x1] =	stream.indirect.gather [hbm4b:s23+s0], $0x38, s7, s0, $0xb8;
	[tilespmem:$0xF078] =	vst v63  }
0xe5: {  	s8 =	rddreg [dreg:$0x16]  }
0xe6: {  	[tilespmem:s4], [sflag:$0x1] =	stream.indirect.gather [hbm4b:s23+s0], $0x38, s8, s0, $0xb8;
	[tilespmem:$0xF078] =	vst v63  }
0xe7: {  	s9 =	rddreg [dreg:$0x17]  }
0xe8: {  	[tilespmem:s13], [sflag:$0x1] =	stream.indirect.gather [hbm4b:s23+s0], $0x38, s9, s0, $0xb8;
	[tilespmem:$0xF078] =	vst v63  }
0xe9: {  	_ =	swait.ge [sflag:s14], $0x15E0  }
0xea: {  	[sflag:s14] =	ssyncset.done $0x0  }
0xeb: {  	[sflag:s14] =	ssyncadd.s32 $0xFFFFEA20  }
0xec: {  	_ =	swait.ge [sflag:s14], $0x15E0  }
0xed: {  	[sflag:s14] =	ssyncset.done $0x0  }
0xee: {  	[sflag:s14] =	ssyncadd.s32 $0xFFFFEA20  }
0xef: {  	[spmem:s2] =	stream.indirect.scatter.add.f32 [tilespmem:s25], [sflag:$0x2], $0x38, s31, s0, $0xb8;
	[tilespmem:$0xF078] =	vst v63  }
0xf0: {  	s11 =	rddreg [dreg:$0x18]  }
0xf1: {  	[spmem:s2] =	stream.indirect.scatter.add.f32 [tilespmem:s1], [sflag:$0x2], $0x38, s11, s0, $0xb8;
	[tilespmem:$0xF078] =	vst v63  }
0xf2: {  	s12 =	rddreg [dreg:$0x19]  }
0xf3: {  	[tilespmem:s25], [sflag:$0x1] =	stream.indirect.gather [hbm4b:s23+s0], $0x38, s12, s0, $0xb8;
	[tilespmem:$0xF078] =	vst v63  }
0xf4: {  	s24 =	rddreg [dreg:$0x1a]  }
0xf5: {  	[tilespmem:s1], [sflag:$0x1] =	stream.indirect.gather [hbm4b:s23+s0], $0x38, s24, s0, $0xb8;
	[tilespmem:$0xF078] =	vst v63  }
0xf6: {  	_ =	swait.ge [sflag:s14], $0x15E0  }
0xf7: {  	[sflag:s14] =	ssyncset.done $0x0  }
0xf8: {  	[sflag:s14] =	ssyncadd.s32 $0xFFFFEA20  }
0xf9: {  	_ =	swait.ge [sflag:s14], $0x15E0  }
0xfa: {  	[sflag:s14] =	ssyncset.done $0x0  }
0xfb: {  	s6 =	rddreg [dreg:$0x1b];
	[sflag:s14] =	ssyncadd.s32 $0xFFFFEA20  }
0xfc: {  	[spmem:s2] =	stream.indirect.scatter.add.f32 [tilespmem:s4], [sflag:$0x2], $0x38, s6, s0, $0xb8;
	[tilespmem:$0xF078] =	vst v63  }
0xfd: {  	s7 =	rddreg [dreg:$0x1c]  }
0xfe: {  	[spmem:s2] =	stream.indirect.scatter.add.f32 [tilespmem:s13], [sflag:$0x2], $0x38, s7, s0, $0xb8;
	[tilespmem:$0xF078] =	vst v63  }
0xff: {  	_ =	swait.ge [sflag:s15], $0x15E0  }
0x100: {  	[sflag:s15] =	ssyncset.done $0x0  }
0x101: {  	[sflag:s15] =	ssyncadd.s32 $0xFFFFEA20  }
0x102: {  	_ =	swait.ge [sflag:s15], $0x15E0  }
0x103: {  	[sflag:s15] =	ssyncset.done $0x0  }
0x104: {  	s8 =	rddreg [dreg:$0x1d];
	[sflag:s15] =	ssyncadd.s32 $0xFFFFEA20  }
0x105: {  	[tilespmem:s4], [sflag:$0x1] =	stream.indirect.gather [hbm4b:s23+s0], $0x38, s8, s0, $0xb8;
	[tilespmem:$0xF078] =	vst v63  }
0x106: {  	s9 =	rddreg [dreg:$0x1e]  }
0x107: {  	[tilespmem:s13], [sflag:$0x1] =	stream.indirect.gather [hbm4b:s23+s0], $0x38, s9, s0, $0xb8;
	[tilespmem:$0xF078] =	vst v63  }
0x108: {  	_ =	swait.ge [sflag:s14], $0x15E0  }
0x109: {  	[sflag:s14] =	ssyncset.done $0x0  }
0x10a: {  	[sflag:s14] =	ssyncadd.s32 $0xFFFFEA20  }
0x10b: {  	_ =	swait.ge [sflag:s14], $0x15E0  }
0x10c: {  	s11 =	rddreg [dreg:$0x1f];
	[sflag:s14] =	ssyncset.done $0x0  }
0x10d: {  	s12 =	sld [smem:$0x7F5];
	[sflag:s14] =	ssyncadd.s32 $0xFFFFEA20  }
0x10e: {  	[spmem:s2] =	stream.indirect.scatter.add.f32 [tilespmem:s25], [sflag:$0x2], $0x38, s11, s0, $0xb8;
	[tilespmem:$0xF078] =	vst v63  }
0x10f: {  	_ = 	snop  }
0x110: {  	[spmem:s2] =	stream.indirect.scatter.add.f32 [tilespmem:s1], [sflag:$0x2], $0x38, s12, s0, $0xb8;
	[tilespmem:$0xF078] =	vst v63  }
0x111: {  	_ =	swait.ge [sflag:s15], $0x15E0  }
0x112: {  	[sflag:s15] =	ssyncset.done $0x0  }
0x113: {  	[sflag:s15] =	ssyncadd.s32 $0xFFFFEA20  }
0x114: {  	_ =	swait.ge [sflag:s15], $0x15E0  }
0x115: {  	s24 =	sld [smem:$0x7F7]  }
0x116: {  	[sflag:s15] =	ssyncset.done $0x0  }
0x117: {  	[sflag:s15] =	ssyncadd.s32 $0xFFFFEA20  }
0x118: {  	[tilespmem:s25], [sflag:$0x1] =	stream.indirect.gather [hbm4b:s23+s0], $0x38, s24, s0, $0xb8;
	[tilespmem:$0xF078] =	vst v63  }
0x119: {  	_ = 	snop  }
0x11a: {  	[tilespmem:s1], [sflag:$0x1] =	stream.indirect.gather [hbm4b:s23+s0], $0x38, s16, s0, $0xb8;
	[tilespmem:$0xF078] =	vst v63  }
0x11b: {  	_ =	swait.ge [sflag:s14], $0x15E0  }
0x11c: {  	[sflag:s14] =	ssyncset.done $0x0  }
0x11d: {  	[sflag:s14] =	ssyncadd.s32 $0xFFFFEA20  }
0x11e: {  	_ =	swait.ge [sflag:s14], $0x15E0  }
0x11f: {  	[sflag:s14] =	ssyncset.done $0x0  }
0x120: {  	[sflag:s14] =	ssyncadd.s32 $0xFFFFEA20  }
0x121: {  	[spmem:s2] =	stream.indirect.scatter.add.f32 [tilespmem:s4], [sflag:$0x2], $0x38, s17, s0, $0xb8;
	[tilespmem:$0xF078] =	vst v63  }
0x122: {  	_ = 	snop  }
0x123: {  	[spmem:s2] =	stream.indirect.scatter.add.f32 [tilespmem:s13], [sflag:$0x2], $0x38, s18, s0, $0xb8;
	[tilespmem:$0xF078] =	vst v63  }
0x124: {  	_ =	swait.ge [sflag:s15], $0x15E0  }
0x125: {  	[sflag:s15] =	ssyncset.done $0x0  }
0x126: {  	[sflag:s15] =	ssyncadd.s32 $0xFFFFEA20  }
0x127: {  	_ =	swait.ge [sflag:s15], $0x15E0  }
0x128: {  	[sflag:s15] =	ssyncset.done $0x0  }
0x129: {  	[sflag:s15] =	ssyncadd.s32 $0xFFFFEA20  }
0x12a: {  	_ =	swait.ge [sflag:s14], $0x15E0  }
0x12b: {  	[sflag:s14] =	ssyncset.done $0x0  }
0x12c: {  	[sflag:s14] =	ssyncadd.s32 $0xFFFFEA20  }
0x12d: {  	_ =	swait.ge [sflag:s14], $0x15E0  }
0x12e: {  	[sflag:s14] =	ssyncset.done $0x0  }
0x12f: {  	[sflag:s14] =	ssyncadd.s32 $0xFFFFEA20  }
0x130: {  	[spmem:s2] =	stream.indirect.scatter.add.f32 [tilespmem:s25], [sflag:$0x2], $0x38, s19, s0, $0xb8;
	[tilespmem:$0xF078] =	vst v63  }
0x131: {  	_ = 	snop  }
0x132: {  	[spmem:s2] =	stream.indirect.scatter.add.f32 [tilespmem:s1], [sflag:$0x2], $0x38, s20, s0, $0xb8;
	[tilespmem:$0xF078] =	vst v63  }
0x133: {  	_ =	swait.ge [sflag:s15], $0x15E0  }
0x134: {  	[sflag:s15] =	ssyncset.done $0x0  }
0x135: {  	[sflag:s15] =	ssyncadd.s32 $0xFFFFEA20  }
0x136: {  	_ =	swait.ge [sflag:s15], $0x15E0  }
0x137: {  	[sflag:s15] =	ssyncset.done $0x0  }
0x138: {  	[sflag:s15] =	ssyncadd.s32 $0xFFFFEA20  }
0x139: {  	_ =	swait.ge [sflag:s15], $0x15E0  }
0x13a: {  	[sflag:s15] =	ssyncset.done $0x0  }
0x13b: {  	[sflag:s15] =	ssyncadd.s32 $0xFFFFEA20  }
0x13c: {  	_ =	swait.ge [sflag:s15], $0x15E0  }
0x13d: {  	s5 =	simm.s32 $0x104;
	[sflag:s15] =	ssyncset.done $0x0  }
.LBB2_2:
0x13e: {  	[sflag:s15] =	ssyncadd.s32 $0xFFFFEA20  }
0x13f: {  	_ =	swait.ge [sflag:s29], $0x410  }
0x140: {  	[sflag:s29] =	ssyncset.done $0x0  }
0x141: {  	[sflag:s29] =	ssyncadd.s32 $0xFFFFFBF0  }
0x142: {  	s6 =	smov.u32 s5;
	_ =	swait.ge [sflag:s29], $0x410  }
0x143: {  	s7 =	sadd.s32 s6, s21;
	[sflag:s29] =	ssyncset.done $0x0  }
0x144: {  	s8 =	sadd.s32 s6, s22;
	s7 =	sadd.s32 $0x82, s7;
	[sflag:s29] =	ssyncadd.s32 $0xFFFFFBF0  }
0x145: {  	[tilespmem:s30], [sflag:$0x3] =	stream.linear.gather [hbm4b:s7+s3], $0x410, $0x38;
	[tilespmem:$0xF078] =	vst v63  }
0x146: {  	s9 =	sadd.s32 $0x82, s8  }
0x147: {  	[tilespmem:s31], [sflag:$0x3] =	stream.linear.gather [hbm4b:s9+s3], $0x410, $0x38;
	[tilespmem:$0xF078] =	vst v63  }
0x148: {  	_ = 	snop  }
0x149: {  	[tilespmem:s25], [sflag:$0x1] =	stream.indirect.gather [hbm4b:s23+s0], $0x38, s3, s0, $0xb8;
	[tilespmem:$0xF078] =	vst v63  }
0x14a: {  	s11 =	rddreg [dreg:$0x3]  }
0x14b: {  	[tilespmem:s1], [sflag:$0x1] =	stream.indirect.gather [hbm4b:s23+s0], $0x38, s11, s0, $0xb8;
	[tilespmem:$0xF078] =	vst v63  }
0x14c: {  	s12 =	rddreg [dreg:$0x4]  }
0x14d: {  	[tilespmem:s4], [sflag:$0x1] =	stream.indirect.gather [hbm4b:s23+s0], $0x38, s12, s0, $0xb8;
	[tilespmem:$0xF078] =	vst v63  }
0x14e: {  	s24 =	rddreg [dreg:$0x5]  }
0x14f: {  	[tilespmem:s13], [sflag:$0x1] =	stream.indirect.gather [hbm4b:s23+s0], $0x38, s24, s0, $0xb8;
	[tilespmem:$0xF078] =	vst v63  }
0x150: {  	_ =	swait.ge [sflag:s14], $0x15E0  }
0x151: {  	[sflag:s14] =	ssyncset.done $0x0  }
0x152: {  	[sflag:s14] =	ssyncadd.s32 $0xFFFFEA20  }
0x153: {  	_ =	swait.ge [sflag:s14], $0x15E0  }
0x154: {  	[sflag:s14] =	ssyncset.done $0x0  }
0x155: {  	[sflag:s14] =	ssyncadd.s32 $0xFFFFEA20  }
0x156: {  	[spmem:s2] =	stream.indirect.scatter.add.f32 [tilespmem:s25], [sflag:$0x2], $0x38, s28, s0, $0xb8;
	[tilespmem:$0xF078] =	vst v63  }
0x157: {  	s8 =	rddreg [dreg:$0x6]  }
0x158: {  	[spmem:s2] =	stream.indirect.scatter.add.f32 [tilespmem:s1], [sflag:$0x2], $0x38, s8, s0, $0xb8;
	[tilespmem:$0xF078] =	vst v63  }
0x159: {  	s9 =	rddreg [dreg:$0x7]  }
0x15a: {  	[tilespmem:s25], [sflag:$0x1] =	stream.indirect.gather [hbm4b:s23+s0], $0x38, s9, s0, $0xb8;
	[tilespmem:$0xF078] =	vst v63  }
0x15b: {  	s11 =	rddreg [dreg:$0x8]  }
0x15c: {  	[tilespmem:s1], [sflag:$0x1] =	stream.indirect.gather [hbm4b:s23+s0], $0x38, s11, s0, $0xb8;
	[tilespmem:$0xF078] =	vst v63  }
0x15d: {  	_ =	swait.ge [sflag:s14], $0x15E0  }
0x15e: {  	[sflag:s14] =	ssyncset.done $0x0  }
0x15f: {  	[sflag:s14] =	ssyncadd.s32 $0xFFFFEA20  }
0x160: {  	_ =	swait.ge [sflag:s14], $0x15E0  }
0x161: {  	[sflag:s14] =	ssyncset.done $0x0  }
0x162: {  	s12 =	rddreg [dreg:$0x9];
	[sflag:s14] =	ssyncadd.s32 $0xFFFFEA20  }
0x163: {  	[spmem:s2] =	stream.indirect.scatter.add.f32 [tilespmem:s4], [sflag:$0x2], $0x38, s12, s0, $0xb8;
	[tilespmem:$0xF078] =	vst v63  }
0x164: {  	s24 =	rddreg [dreg:$0xa]  }
0x165: {  	[spmem:s2] =	stream.indirect.scatter.add.f32 [tilespmem:s13], [sflag:$0x2], $0x38, s24, s0, $0xb8;
	[tilespmem:$0xF078] =	vst v63  }
0x166: {  	_ =	swait.ge [sflag:s15], $0x15E0  }
0x167: {  	[sflag:s15] =	ssyncset.done $0x0  }
0x168: {  	[sflag:s15] =	ssyncadd.s32 $0xFFFFEA20  }
0x169: {  	_ =	swait.ge [sflag:s15], $0x15E0  }
0x16a: {  	[sflag:s15] =	ssyncset.done $0x0  }
0x16b: {  	s9 =	rddreg [dreg:$0xb];
	[sflag:s15] =	ssyncadd.s32 $0xFFFFEA20  }
0x16c: {  	[tilespmem:s4], [sflag:$0x1] =	stream.indirect.gather [hbm4b:s23+s0], $0x38, s9, s0, $0xb8;
	[tilespmem:$0xF078] =	vst v63  }
0x16d: {  	s11 =	rddreg [dreg:$0xc]  }
0x16e: {  	[tilespmem:s13], [sflag:$0x1] =	stream.indirect.gather [hbm4b:s23+s0], $0x38, s11, s0, $0xb8;
	[tilespmem:$0xF078] =	vst v63  }
0x16f: {  	_ =	swait.ge [sflag:s14], $0x15E0  }
0x170: {  	[sflag:s14] =	ssyncset.done $0x0  }
0x171: {  	[sflag:s14] =	ssyncadd.s32 $0xFFFFEA20  }
0x172: {  	_ =	swait.ge [sflag:s14], $0x15E0  }
0x173: {  	[sflag:s14] =	ssyncset.done $0x0  }
0x174: {  	s12 =	rddreg [dreg:$0xd];
	[sflag:s14] =	ssyncadd.s32 $0xFFFFEA20  }
0x175: {  	[spmem:s2] =	stream.indirect.scatter.add.f32 [tilespmem:s25], [sflag:$0x2], $0x38, s12, s0, $0xb8;
	[tilespmem:$0xF078] =	vst v63  }
0x176: {  	s24 =	rddreg [dreg:$0xe]  }
0x177: {  	[spmem:s2] =	stream.indirect.scatter.add.f32 [tilespmem:s1], [sflag:$0x2], $0x38, s24, s0, $0xb8;
	[tilespmem:$0xF078] =	vst v63  }
0x178: {  	_ =	swait.ge [sflag:s15], $0x15E0  }
0x179: {  	[sflag:s15] =	ssyncset.done $0x0  }
0x17a: {  	[sflag:s15] =	ssyncadd.s32 $0xFFFFEA20  }
0x17b: {  	_ =	swait.ge [sflag:s15], $0x15E0  }
0x17c: {  	[sflag:s15] =	ssyncset.done $0x0  }
0x17d: {  	s9 =	rddreg [dreg:$0xf];
	[sflag:s15] =	ssyncadd.s32 $0xFFFFEA20  }
0x17e: {  	[tilespmem:s25], [sflag:$0x1] =	stream.indirect.gather [hbm4b:s23+s0], $0x38, s9, s0, $0xb8;
	[tilespmem:$0xF078] =	vst v63  }
0x17f: {  	s11 =	rddreg [dreg:$0x10]  }
0x180: {  	[tilespmem:s1], [sflag:$0x1] =	stream.indirect.gather [hbm4b:s23+s0], $0x38, s11, s0, $0xb8;
	[tilespmem:$0xF078] =	vst v63  }
0x181: {  	_ =	swait.ge [sflag:s14], $0x15E0  }
0x182: {  	[sflag:s14] =	ssyncset.done $0x0  }
0x183: {  	[sflag:s14] =	ssyncadd.s32 $0xFFFFEA20  }
0x184: {  	_ =	swait.ge [sflag:s14], $0x15E0  }
0x185: {  	[sflag:s14] =	ssyncset.done $0x0  }
0x186: {  	s12 =	rddreg [dreg:$0x11];
	[sflag:s14] =	ssyncadd.s32 $0xFFFFEA20  }
0x187: {  	[spmem:s2] =	stream.indirect.scatter.add.f32 [tilespmem:s4], [sflag:$0x2], $0x38, s12, s0, $0xb8;
	[tilespmem:$0xF078] =	vst v63  }
0x188: {  	s24 =	rddreg [dreg:$0x12]  }
0x189: {  	[spmem:s2] =	stream.indirect.scatter.add.f32 [tilespmem:s13], [sflag:$0x2], $0x38, s24, s0, $0xb8;
	[tilespmem:$0xF078] =	vst v63  }
0x18a: {  	_ =	swait.ge [sflag:s15], $0x15E0  }
0x18b: {  	[sflag:s15] =	ssyncset.done $0x0  }
0x18c: {  	[sflag:s15] =	ssyncadd.s32 $0xFFFFEA20  }
0x18d: {  	_ =	swait.ge [sflag:s15], $0x15E0  }
0x18e: {  	[sflag:s15] =	ssyncset.done $0x0  }
0x18f: {  	[sflag:s15] =	ssyncadd.s32 $0xFFFFEA20  }
0x190: {  	_ =	swait.ge [sflag:s14], $0x15E0  }
0x191: {  	[sflag:s14] =	ssyncset.done $0x0  }
0x192: {  	[sflag:s14] =	ssyncadd.s32 $0xFFFFEA20  }
0x193: {  	_ =	swait.ge [sflag:s14], $0x15E0  }
0x194: {  	[sflag:s14] =	ssyncset.done $0x0  }
0x195: {  	s8 =	rddreg [dreg:$0x13];
	[sflag:s14] =	ssyncadd.s32 $0xFFFFEA20  }
0x196: {  	[spmem:s2] =	stream.indirect.scatter.add.f32 [tilespmem:s25], [sflag:$0x2], $0x38, s8, s0, $0xb8;
	[tilespmem:$0xF078] =	vst v63  }
0x197: {  	s9 =	rddreg [dreg:$0x14]  }
0x198: {  	[spmem:s2] =	stream.indirect.scatter.add.f32 [tilespmem:s1], [sflag:$0x2], $0x38, s9, s0, $0xb8;
	[tilespmem:$0xF078] =	vst v63  }
0x199: {  	_ =	swait.ge [sflag:s15], $0x15E0  }
0x19a: {  	[sflag:s15] =	ssyncset.done $0x0  }
0x19b: {  	[sflag:s15] =	ssyncadd.s32 $0xFFFFEA20  }
0x19c: {  	_ =	swait.ge [sflag:s15], $0x15E0  }
0x19d: {  	[sflag:s15] =	ssyncset.done $0x0  }
0x19e: {  	[sflag:s15] =	ssyncadd.s32 $0xFFFFEA20  }
0x19f: {  	_ =	swait.ge [sflag:s15], $0x15E0  }
0x1a0: {  	[sflag:s15] =	ssyncset.done $0x0  }
0x1a1: {  	[sflag:s15] =	ssyncadd.s32 $0xFFFFEA20  }
0x1a2: {  	_ =	swait.ge [sflag:s15], $0x15E0  }
0x1a3: {  	[sflag:s15] =	ssyncset.done $0x0  }
0x1a4: {  	[sflag:s15] =	ssyncadd.s32 $0xFFFFEA20  }
0x1a5: {  	_ =	swait.ge [sflag:s29], $0x410  }
0x1a6: {  	[sflag:s29] =	ssyncset.done $0x0  }
0x1a7: {  	[sflag:s29] =	ssyncadd.s32 $0xFFFFFBF0  }
0x1a8: {  	p2 =	seq.s32 s6, $0x924;
	_ =	swait.ge [sflag:s29], $0x410  }
0x1a9: {  	s7 =	sadd.s32 @!p2 s6, s21;
	s6 =	sadd.s32 @!p2 s6, s22;
	[sflag:s29] =	ssyncset.done $0x0  }
0x1aa: {  	s7 =	sadd.s32 @!p2 $0x104, s7;
	s8 =	simm.s32 @!p2 $0x0;
	[sflag:s29] =	ssyncadd.s32 $0xFFFFFBF0  }
0x1ab: {  	[tilespmem:s8], [sflag:$0x3] =	stream.linear.gather @!p2 [hbm4b:s7+s8], $0x410, $0x38;
	[tilespmem:$0xF078] =	vst v63  }
0x1ac: {  	s6 =	sadd.s32 @!p2 $0x104, s6;
	s7 =	simm.s32 @!p2 $0x410  }
0x1ad: {  	[tilespmem:s7], [sflag:$0x3] =	stream.linear.gather @!p2 [hbm4b:s6+s8], $0x410, $0x38;
	[tilespmem:$0xF078] =	vst v63  }
0x1ae: {  	_ = 	snop  }
0x1af: {  	[tilespmem:s25], [sflag:$0x1] =	stream.indirect.gather [hbm4b:s23+s0], $0x38, s30, s0, $0xb8;
	[tilespmem:$0xF078] =	vst v63  }
0x1b0: {  	s11 =	rddreg [dreg:$0x15]  }
0x1b1: {  	[tilespmem:s1], [sflag:$0x1] =	stream.indirect.gather [hbm4b:s23+s0], $0x38, s11, s0, $0xb8;
	[tilespmem:$0xF078] =	vst v63  }
0x1b2: {  	s12 =	rddreg [dreg:$0x16]  }
0x1b3: {  	[tilespmem:s4], [sflag:$0x1] =	stream.indirect.gather [hbm4b:s23+s0], $0x38, s12, s0, $0xb8;
	[tilespmem:$0xF078] =	vst v63  }
0x1b4: {  	s24 =	rddreg [dreg:$0x17]  }
0x1b5: {  	[tilespmem:s13], [sflag:$0x1] =	stream.indirect.gather [hbm4b:s23+s0], $0x38, s24, s0, $0xb8;
	[tilespmem:$0xF078] =	vst v63  }
0x1b6: {  	_ =	swait.ge [sflag:s14], $0x15E0  }
0x1b7: {  	[sflag:s14] =	ssyncset.done $0x0  }
0x1b8: {  	[sflag:s14] =	ssyncadd.s32 $0xFFFFEA20  }
0x1b9: {  	_ =	swait.ge [sflag:s14], $0x15E0  }
0x1ba: {  	[sflag:s14] =	ssyncset.done $0x0  }
0x1bb: {  	[sflag:s14] =	ssyncadd.s32 $0xFFFFEA20  }
0x1bc: {  	[spmem:s2] =	stream.indirect.scatter.add.f32 [tilespmem:s25], [sflag:$0x2], $0x38, s31, s0, $0xb8;
	[tilespmem:$0xF078] =	vst v63  }
0x1bd: {  	s8 =	rddreg [dreg:$0x18]  }
0x1be: {  	[spmem:s2] =	stream.indirect.scatter.add.f32 [tilespmem:s1], [sflag:$0x2], $0x38, s8, s0, $0xb8;
	[tilespmem:$0xF078] =	vst v63  }
0x1bf: {  	s9 =	rddreg [dreg:$0x19]  }
0x1c0: {  	[tilespmem:s25], [sflag:$0x1] =	stream.indirect.gather [hbm4b:s23+s0], $0x38, s9, s0, $0xb8;
	[tilespmem:$0xF078] =	vst v63  }
0x1c1: {  	s11 =	rddreg [dreg:$0x1a]  }
0x1c2: {  	[tilespmem:s1], [sflag:$0x1] =	stream.indirect.gather [hbm4b:s23+s0], $0x38, s11, s0, $0xb8;
	[tilespmem:$0xF078] =	vst v63  }
0x1c3: {  	_ =	swait.ge [sflag:s14], $0x15E0  }
0x1c4: {  	[sflag:s14] =	ssyncset.done $0x0  }
0x1c5: {  	[sflag:s14] =	ssyncadd.s32 $0xFFFFEA20  }
0x1c6: {  	_ =	swait.ge [sflag:s14], $0x15E0  }
0x1c7: {  	[sflag:s14] =	ssyncset.done $0x0  }
0x1c8: {  	s12 =	rddreg [dreg:$0x1b];
	[sflag:s14] =	ssyncadd.s32 $0xFFFFEA20  }
0x1c9: {  	[spmem:s2] =	stream.indirect.scatter.add.f32 [tilespmem:s4], [sflag:$0x2], $0x38, s12, s0, $0xb8;
	[tilespmem:$0xF078] =	vst v63  }
0x1ca: {  	s24 =	rddreg [dreg:$0x1c]  }
0x1cb: {  	[spmem:s2] =	stream.indirect.scatter.add.f32 [tilespmem:s13], [sflag:$0x2], $0x38, s24, s0, $0xb8;
	[tilespmem:$0xF078] =	vst v63  }
0x1cc: {  	_ =	swait.ge [sflag:s15], $0x15E0  }
0x1cd: {  	[sflag:s15] =	ssyncset.done $0x0  }
0x1ce: {  	[sflag:s15] =	ssyncadd.s32 $0xFFFFEA20  }
0x1cf: {  	_ =	swait.ge [sflag:s15], $0x15E0  }
0x1d0: {  	[sflag:s15] =	ssyncset.done $0x0  }
0x1d1: {  	s8 =	rddreg [dreg:$0x1d];
	[sflag:s15] =	ssyncadd.s32 $0xFFFFEA20  }
0x1d2: {  	[tilespmem:s4], [sflag:$0x1] =	stream.indirect.gather [hbm4b:s23+s0], $0x38, s8, s0, $0xb8;
	[tilespmem:$0xF078] =	vst v63  }
0x1d3: {  	s9 =	rddreg [dreg:$0x1e]  }
0x1d4: {  	[tilespmem:s13], [sflag:$0x1] =	stream.indirect.gather [hbm4b:s23+s0], $0x38, s9, s0, $0xb8;
	[tilespmem:$0xF078] =	vst v63  }
0x1d5: {  	_ =	swait.ge [sflag:s14], $0x15E0  }
0x1d6: {  	[sflag:s14] =	ssyncset.done $0x0  }
0x1d7: {  	[sflag:s14] =	ssyncadd.s32 $0xFFFFEA20  }
0x1d8: {  	_ =	swait.ge [sflag:s14], $0x15E0  }
0x1d9: {  	s11 =	rddreg [dreg:$0x1f];
	[sflag:s14] =	ssyncset.done $0x0  }
0x1da: {  	s12 =	sld [smem:$0x7F5];
	[sflag:s14] =	ssyncadd.s32 $0xFFFFEA20  }
0x1db: {  	[spmem:s2] =	stream.indirect.scatter.add.f32 [tilespmem:s25], [sflag:$0x2], $0x38, s11, s0, $0xb8;
	[tilespmem:$0xF078] =	vst v63  }
0x1dc: {  	_ = 	snop  }
0x1dd: {  	[spmem:s2] =	stream.indirect.scatter.add.f32 [tilespmem:s1], [sflag:$0x2], $0x38, s12, s0, $0xb8;
	[tilespmem:$0xF078] =	vst v63  }
0x1de: {  	_ =	swait.ge [sflag:s15], $0x15E0  }
0x1df: {  	[sflag:s15] =	ssyncset.done $0x0  }
0x1e0: {  	[sflag:s15] =	ssyncadd.s32 $0xFFFFEA20  }
0x1e1: {  	_ =	swait.ge [sflag:s15], $0x15E0  }
0x1e2: {  	s24 =	sld [smem:$0x7F7]  }
0x1e3: {  	[sflag:s15] =	ssyncset.done $0x0  }
0x1e4: {  	[sflag:s15] =	ssyncadd.s32 $0xFFFFEA20  }
0x1e5: {  	[tilespmem:s25], [sflag:$0x1] =	stream.indirect.gather [hbm4b:s23+s0], $0x38, s24, s0, $0xb8;
	[tilespmem:$0xF078] =	vst v63  }
0x1e6: {  	_ = 	snop  }
0x1e7: {  	[tilespmem:s1], [sflag:$0x1] =	stream.indirect.gather [hbm4b:s23+s0], $0x38, s16, s0, $0xb8;
	[tilespmem:$0xF078] =	vst v63  }
0x1e8: {  	_ =	swait.ge [sflag:s14], $0x15E0  }
0x1e9: {  	[sflag:s14] =	ssyncset.done $0x0  }
0x1ea: {  	[sflag:s14] =	ssyncadd.s32 $0xFFFFEA20  }
0x1eb: {  	_ =	swait.ge [sflag:s14], $0x15E0  }
0x1ec: {  	[sflag:s14] =	ssyncset.done $0x0  }
0x1ed: {  	[sflag:s14] =	ssyncadd.s32 $0xFFFFEA20  }
0x1ee: {  	[spmem:s2] =	stream.indirect.scatter.add.f32 [tilespmem:s4], [sflag:$0x2], $0x38, s17, s0, $0xb8;
	[tilespmem:$0xF078] =	vst v63  }
0x1ef: {  	_ = 	snop  }
0x1f0: {  	[spmem:s2] =	stream.indirect.scatter.add.f32 [tilespmem:s13], [sflag:$0x2], $0x38, s18, s0, $0xb8;
	[tilespmem:$0xF078] =	vst v63  }
0x1f1: {  	_ =	swait.ge [sflag:s15], $0x15E0  }
0x1f2: {  	[sflag:s15] =	ssyncset.done $0x0  }
0x1f3: {  	[sflag:s15] =	ssyncadd.s32 $0xFFFFEA20  }
0x1f4: {  	_ =	swait.ge [sflag:s15], $0x15E0  }
0x1f5: {  	[sflag:s15] =	ssyncset.done $0x0  }
0x1f6: {  	[sflag:s15] =	ssyncadd.s32 $0xFFFFEA20  }
0x1f7: {  	_ =	swait.ge [sflag:s14], $0x15E0  }
0x1f8: {  	[sflag:s14] =	ssyncset.done $0x0  }
0x1f9: {  	[sflag:s14] =	ssyncadd.s32 $0xFFFFEA20  }
0x1fa: {  	_ =	swait.ge [sflag:s14], $0x15E0  }
0x1fb: {  	[sflag:s14] =	ssyncset.done $0x0  }
0x1fc: {  	[sflag:s14] =	ssyncadd.s32 $0xFFFFEA20  }
0x1fd: {  	[spmem:s2] =	stream.indirect.scatter.add.f32 [tilespmem:s25], [sflag:$0x2], $0x38, s19, s0, $0xb8;
	[tilespmem:$0xF078] =	vst v63  }
0x1fe: {  	_ = 	snop  }
0x1ff: {  	[spmem:s2] =	stream.indirect.scatter.add.f32 [tilespmem:s1], [sflag:$0x2], $0x38, s20, s0, $0xb8;
	[tilespmem:$0xF078] =	vst v63  }
0x200: {  	_ =	swait.ge [sflag:s15], $0x15E0  }
0x201: {  	[sflag:s15] =	ssyncset.done $0x0  }
0x202: {  	[sflag:s15] =	ssyncadd.s32 $0xFFFFEA20  }
0x203: {  	_ =	swait.ge [sflag:s15], $0x15E0  }
0x204: {  	s5 =	sadd.s32 $0x104, s5;
	[sflag:s15] =	ssyncset.done $0x0  }
0x205: {  	p1 =	sne.s32 s5, $0xA28;
	[sflag:s15] =	ssyncadd.s32 $0xFFFFEA20  }
.Ltmp0:
0x206: {  	_ =	swait.ge [sflag:s15], $0x15E0;
	(pc) =	sbr.rel @p1 .LBB2_2-.Ltmp0, $4  }
0x207: {  	[sflag:s15] =	ssyncset.done $0x0  }
0x208: {  	[sflag:s15] =	ssyncadd.s32 $0xFFFFEA20  }
0x209: {  	_ =	swait.ge [sflag:s15], $0x15E0  }
0x20a: {  	[sflag:s15] =	ssyncset.done $0x0  }
0x20b: {  	[sflag:s15] =	ssyncadd.s32 $0xFFFFEA20  }
0x20c: {  	[bflag:$0x0] =	sbarrier.arrive $0xFFFF  }
0x20d: {  	[tilespmem:s25], [sflag:$0x4] =	stream.linear.gather [spmem:s10], $0x1180, $0x38;
	[tilespmem:$0xF078] =	vst v63  }
0x20e: {  	_ =	swait.ge [sflag:s26], $0x1180  }
0x20f: {  	s5 =	sld [smem:$0x7ED]  }
0x210: {  	[sflag:s26] =	ssyncset.done $0x0  }
0x211: {  	[sflag:s26] =	ssyncadd.s32 $0xFFFFEE80  }
0x212: {  	[hbm4b:s5+s3] =	stream.linear.scatter [tilespmem:s25], [sflag:$0x4], $0x1180, $0x38;
	[tilespmem:$0xF078] =	vst v63  }
0x213: {  	_ =	swait.ge [sflag:s26], $0x1180  }
0x214: {  	s10 =	sld [smem:$0x7F9]  }
0x215: {  	[sflag:s26] =	ssyncset.done $0x0  }
0x216: {  	[sflag:s26] =	ssyncadd.s32 $0xFFFFEE80  }
0x217: {  	[tilespmem:s25], [sflag:$0x4] =	stream.linear.gather [spmem:s10], $0x1180, $0x38;
	[tilespmem:$0xF078] =	vst v63  }
0x218: {  	_ =	swait.ge [sflag:s26], $0x1180  }
0x219: {  	s11 =	sld [smem:$0x7EE]  }
0x21a: {  	[sflag:s26] =	ssyncset.done $0x0  }
0x21b: {  	[sflag:s26] =	ssyncadd.s32 $0xFFFFEE80  }
0x21c: {  	[hbm4b:s11+s3] =	stream.linear.scatter [tilespmem:s25], [sflag:$0x4], $0x1180, $0x38;
	[tilespmem:$0xF078] =	vst v63  }
0x21d: {  	_ =	swait.ge [sflag:s26], $0x1180  }
0x21e: {  	s12 =	sld [smem:$0x7EB]  }
0x21f: {  	[sflag:s26] =	ssyncset.done $0x0  }
0x220: {  	[sflag:s26] =	ssyncadd.s32 $0xFFFFEE80  }
0x221: {  	[tilespmem:s25], [sflag:$0x4] =	stream.linear.gather [spmem:s12], $0x1180, $0x38;
	[tilespmem:$0xF078] =	vst v63  }
0x222: {  	_ =	swait.ge [sflag:s26], $0x1180  }
0x223: {  	s24 =	sld [smem:$0x7EF]  }
0x224: {  	[sflag:s26] =	ssyncset.done $0x0  }
0x225: {  	[sflag:s26] =	ssyncadd.s32 $0xFFFFEE80  }
0x226: {  	[hbm4b:s24+s3] =	stream.linear.scatter [tilespmem:s25], [sflag:$0x4], $0x1180, $0x38;
	[tilespmem:$0xF078] =	vst v63  }
0x227: {  	_ =	swait.ge [sflag:s26], $0x1180  }
0x228: {  	s6 =	sld [smem:$0x7EC]  }
0x229: {  	[sflag:s26] =	ssyncset.done $0x0  }
0x22a: {  	[sflag:s26] =	ssyncadd.s32 $0xFFFFEE80  }
0x22b: {  	[tilespmem:s25], [sflag:$0x4] =	stream.linear.gather [spmem:s6], $0x1180, $0x38;
	[tilespmem:$0xF078] =	vst v63  }
0x22c: {  	_ =	swait.ge [sflag:s26], $0x1180  }
0x22d: {  	s7 =	sld [smem:$0x7F0]  }
0x22e: {  	[sflag:s26] =	ssyncset.done $0x0  }
0x22f: {  	[sflag:s26] =	ssyncadd.s32 $0xFFFFEE80  }
0x230: {  	[hbm4b:s7+s3] =	stream.linear.scatter [tilespmem:s25], [sflag:$0x4], $0x1180, $0x38;
	[tilespmem:$0xF078] =	vst v63  }
0x231: {  	_ =	swait.ge [sflag:s26], $0x1180  }
0x232: {  	s9 =	sld [smem:$0x7F8]  }
0x233: {  	[sflag:s26] =	ssyncset.done $0x0  }
0x234: {  	[sflag:s26] =	ssyncadd.s32 $0xFFFFEE80  }
0x235: {  	[tilespmem:s25], [sflag:$0x4] =	stream.linear.gather [spmem:s9], $0x1180, $0x38;
	[tilespmem:$0xF078] =	vst v63  }
0x236: {  	_ =	swait.ge [sflag:s26], $0x1180  }
0x237: {  	s8 =	sld [smem:$0x7F1]  }
0x238: {  	[sflag:s26] =	ssyncset.done $0x0  }
0x239: {  	[sflag:s26] =	ssyncadd.s32 $0xFFFFEE80  }
0x23a: {  	[hbm4b:s8+s3] =	stream.linear.scatter [tilespmem:s25], [sflag:$0x4], $0x1180, $0x38;
	[tilespmem:$0xF078] =	vst v63  }
0x23b: {  	_ =	swait.ge [sflag:s26], $0x1180  }
0x23c: {  	s24 =	sld [smem:$0x7FA]  }
0x23d: {  	[sflag:s26] =	ssyncset.done $0x0  }
0x23e: {  	[sflag:s26] =	ssyncadd.s32 $0xFFFFEE80  }
0x23f: {  	[tilespmem:s25], [sflag:$0x4] =	stream.linear.gather [spmem:s24], $0x1180, $0x38;
	[tilespmem:$0xF078] =	vst v63  }
0x240: {  	_ =	swait.ge [sflag:s26], $0x1180  }
0x241: {  	s11 =	sld [smem:$0x7F2]  }
0x242: {  	[sflag:s26] =	ssyncset.done $0x0  }
0x243: {  	[sflag:s26] =	ssyncadd.s32 $0xFFFFEE80  }
0x244: {  	[hbm4b:s11+s3] =	stream.linear.scatter [tilespmem:s25], [sflag:$0x4], $0x1180, $0x38;
	[tilespmem:$0xF078] =	vst v63  }
0x245: {  	_ =	swait.ge [sflag:s26], $0x1180  }
0x246: {  	s8 =	sld [smem:$0x7FB]  }
0x247: {  	[sflag:s26] =	ssyncset.done $0x0  }
0x248: {  	[sflag:s26] =	ssyncadd.s32 $0xFFFFEE80  }
0x249: {  	[tilespmem:s25], [sflag:$0x4] =	stream.linear.gather [spmem:s8], $0x1180, $0x38;
	[tilespmem:$0xF078] =	vst v63  }
0x24a: {  	_ =	swait.ge [sflag:s26], $0x1180  }
0x24b: {  	s12 =	sld [smem:$0x7F3]  }
0x24c: {  	[sflag:s26] =	ssyncset.done $0x0  }
0x24d: {  	[sflag:s26] =	ssyncadd.s32 $0xFFFFEE80  }
0x24e: {  	[hbm4b:s12+s3] =	stream.linear.scatter [tilespmem:s25], [sflag:$0x4], $0x1180, $0x38;
	[tilespmem:$0xF078] =	vst v63  }
0x24f: {  	_ =	swait.ge [sflag:s26], $0x1180  }
0x250: {  	s11 =	sld [smem:$0x7FC]  }
0x251: {  	[sflag:s26] =	ssyncset.done $0x0  }
0x252: {  	s5 =	simm.s32 @!p0 $0x1040;
	s6 =	simm.s32 @!p0 $0x4;
	[sflag:s26] =	ssyncadd.s32 $0xFFFFEE80  }
0x253: {  	[tilespmem:s5], [sflag:$0x4] =	stream.linear.gather @!p0 [spmem:s11], $0x1180, $0x38;
	[tilespmem:$0xF078] =	vst v63  }
0x254: {  	_ =	swait.ge @!p0 [sflag:s6], $0x1180  }
0x255: {  	s12 =	sld [smem:$0x7F4]  }
0x256: {  	[sflag:s6] =	ssyncset.done @!p0 $0x0  }
0x257: {  	s7 =	simm.s32 @!p0 $0x0;
	[sflag:s6] =	ssyncadd.s32 @!p0 $0xFFFFEE80  }
0x258: {  	[hbm4b:s12+s7] =	stream.linear.scatter @!p0 [tilespmem:s5], [sflag:$0x4], $0x1180, $0x38;
	[tilespmem:$0xF078] =	vst v63  }
0x259: {  	s12 =	sld [smem:$0x7FD];
	_ =	swait.ge @!p0 [sflag:s6], $0x1180  }
0x25a: {  	s5 =	sld [smem:$0x7E9];
	_ =	sdelay $0x2  }
0x25b: {  	s7 =	smov.u32 s10;
	s10 =	sadd.s32 $0x1, s5;
	s5 =	sld [smem:$0x7F6]  }
0x25c: {  	_ =	sdelay $0x1  }
0x25d: {  	p1 =	sne.s32 s10, s5  }
.Ltmp1:
0x25e: {  	_ = 	snop;
	(pc) =	sbr.rel @p1 .LBB2_1-.Ltmp1, $3  }
0x25f: {  	_ =	sdelay $0x1  }
0x260: {  	[sflag:s6] =	ssyncset.done @!p0 $0x0  }
0x261: {  	[sflag:s6] =	ssyncadd.s32 @!p0 $0xFFFFEE80  }
0x262: {  	_ =	sfence.sel $0x180000  }
0x263: {  	[bflag:$0x0] =	sbarrier.arrive $0xFFFF  }
0x264: {  	_ =	strace $0x90000047  }
0x265: {  	s0 =	stileid.u32;
	[bflag:$0x2] =	sbarrier.arrive $0xFFFF  }
0x266: {  	p0 =	sne.s32 s0, $0x0;
	s0 =	rddreg [dreg:$0x2]  }
0x267: {  	s0 =	sadd.s32 @!p0 $0x100000, s0  }
0x268: {  	[sflag:s0] =	ssyncadd.tile.s32 @!p0 $0x1;
	_ =	shalt  }
.Lfunc_end2:
_tile_overlayer_lowered:
.L_overlay_start_2:
0x269: {  	(tag) =	ssettag $0x2  }
0x26a: {  	s0 =	rddreg [dreg:$0x0];
	s2 =	stileid.u32  }
0x26b: {  	s1 =	rddreg [dreg:$0x1];
	p0 =	sne.s32 s2, $0x0  }
0x26c: {  	s3 =	rddreg [dreg:$0x2];
	[bflag:$0x3] =	sbarrier.arrive $0xFFFF;
	s2 =	simm.s32 @!p0 $0x1C04  }
0x26d: {  	[timem:s3], [sflag:s2] =	dma.local @!p0 [hbm:s0], s1  }
0x26e: {  	s0 =	simm.s32 @!p0 $0x4  }
0x26f: {  	_ =	swait.ge @!p0 [sflag:s0], s1  }
0x270: {  	s1 =	ssub.s32 @!p0 $0x0, s1;
	[sflag:s0] =	ssyncset.done @!p0 $0x0  }
0x271: {  	[sflag:s0] =	ssyncadd.s32 @!p0 s1  }
0x272: {  	[bflag:$0x3] =	sbarrier.arrive $0xFFFF  }
0x273: {  	_ =	shalt  }

</sc_bundles>
